<compile_context>
chip_gen: v7x
topology: tpu7x:2x2x1
jax: 0.10.2.dev20260603
libtpu: 0.0.44.dev20260713+nightly
codegen_flags: <defaults>
</compile_context>

<pallas_src>
import functools

import jax
import jax.numpy as jnp
import numpy as np
from jax import lax
from jax.experimental import pallas as pl
from jax.experimental.pallas import tpu as pltpu
from jax.experimental.pallas import tpu_sc as plsc

N = 10000
NEIGH = 16
NREL = 3
H = 64
HH = 2 * H
NP = 10240
ZROWS = NREL * NP
E = N * NEIGH
EPAD = 163840
EPT = EPAD // 16
NCH = EPT // 128
HALF = 5000
PLANE = 5120
HROWS = NREL * PLANE
TRASH = PLANE - 1
RPT = HROWS // 16
BLK = 1000
GRID = N // BLK



def _mm(x, w):
    return jnp.dot(x, w, preferred_element_type=jnp.float32)


def _tc_a_body(bond_ref, ang_ref, w1b_ref, w1a_ref, b1_ref,
               zb_ref, za_ref, root_ref):
    fb = np.linspace(0.0, 8.0, 16)
    inv_gb2 = 1.0 / (0.5 ** 2)
    bond = bond_ref[...]
    ef = jnp.concatenate(
        [jnp.exp(-(bond - fb[s]) ** 2 * inv_gb2) for s in range(16)], axis=1)
    fa = np.linspace(-1.0, 1.0, 2)
    ang = ang_ref[...]
    af = jnp.concatenate(
        [jnp.exp(-(ang - fa[s]) ** 2) for s in range(2)], axis=1)
    zb_all = _mm(ef, w1b_ref[...])
    za_all = _mm(af, w1a_ref[...])
    for r in range(NREL):
        zb_ref[r] = zb_all[:, r * H:(r + 1) * H]
        za_ref[r] = za_all[:, r * H:(r + 1) * H]
    root_ref[...] = jnp.concatenate(
        [zb_all[:, NREL * H:], za_all[:, NREL * H:]], axis=1) + b1_ref[...]


def _combine(acc_ref, cnt_ref, root_half):
    acc = acc_ref[0]
    cnt = cnt_ref[0][:, :, 0:1]
    inv = 1.0 / jnp.maximum(cnt, 1.0)
    m = acc * inv
    return jax.nn.relu(root_half + m[0] + m[1] + m[2])


def _tc_b_body(accb_ref, acca_ref, cnt_ref, root_ref, w2b_ref,
               w2a_ref, b2_ref, zb_ref, za_ref, root2_ref):
    xb = _combine(accb_ref, cnt_ref, root_ref[:, :H])
    xa = _combine(acca_ref, cnt_ref, root_ref[:, H:])
    zb_all = _mm(xb, w2b_ref[...])
    za_all = _mm(xa, w2a_ref[...])
    for r in range(NREL):
        zb_ref[r] = zb_all[:, r * H:(r + 1) * H]
        za_ref[r] = za_all[:, r * H:(r + 1) * H]
    root2_ref[...] = jnp.concatenate(
        [zb_all[:, NREL * H:], za_all[:, NREL * H:]], axis=1) + b2_ref[...]


def _tc_c_body(accb_ref, acca_ref, cnt_ref, root_ref, fcw_ref, fcb_ref,
               out_ref):
    xb = _combine(accb_ref, cnt_ref, root_ref[:, :H])
    xa = _combine(acca_ref, cnt_ref, root_ref[:, H:])
    x = jnp.concatenate([xb, xa], axis=1)
    out_ref[...] = _mm(x, fcw_ref[...]) + fcb_ref[...]



def _sc_index_body(spec_hbm, nbr_hbm, trash_hbm, zidx_hbm,
                   seg_hbm, gidx_hbm, ecnt_hbm,
                   spec_v, dst_v, segc_v, gidxc_v, ecnt_v, sem):
    cid = lax.axis_index("c")
    sid = lax.axis_index("s")
    pltpu.sync_copy(spec_hbm, spec_v)
    pltpu.sync_copy(nbr_hbm.at[sid], dst_v)
    pltpu.sync_copy(trash_hbm, segc_v.at[pl.ds(0, EPT)])
    pltpu.sync_copy(zidx_hbm, gidxc_v.at[pl.ds(0, EPT)])
    ebase = sid * EPT
    lower = cid * HALF

    def chunk(c, cur):
        for k in range(8):
            lid = c * 128 + k * 16 + lax.iota(jnp.int32, 16)
            ev = ebase + lid
            dst16 = dst_v[c, pl.ds(k * 16, 16)]
            src16 = lax.shift_right_logical(ev, 4)
            sd16 = plsc.load_gather(spec_v, [dst16])
            st16 = plsc.load_gather(spec_v, [src16])
            et16 = jnp.where((st16 == 0) & (sd16 == 0), 0,
                             jnp.where((st16 == 1) & (sd16 == 1), 2, 1))
            own = (ev < E) & (dst16 >= lower) & (dst16 < lower + HALF)
            seg16 = et16 * PLANE + dst16 - lower
            plsc.store_compressed(segc_v.at[pl.ds(cur, 16)], seg16, mask=own)
            plsc.store_compressed(gidxc_v.at[pl.ds(cur, 16)],
                                  et16 * NP + src16, mask=own)
            cur = cur + plsc.all_reduce_population_count(own)[0]
        return cur

    total = lax.fori_loop(0, NCH, chunk, jnp.int32(0))
    for j in range(2):
        segc_v[pl.ds(total + j * 16, 16)] = lax.broadcast(
            jnp.int32(TRASH), (16,))
        gidxc_v[pl.ds(total + j * 16, 16)] = lax.broadcast(jnp.int32(0), (16,))
    pltpu.sync_copy(segc_v.at[pl.ds(0, EPT)], seg_hbm.at[cid, sid])
    pltpu.sync_copy(gidxc_v.at[pl.ds(0, EPT)], gidx_hbm.at[cid, sid])
    ecnt_v[...] = lax.broadcast(total, (16,))
    pltpu.sync_copy(ecnt_v, ecnt_hbm.at[cid, sid])


def _scatter_common(zb_hbm, za_hbm, accb_hbm, acca_hbm, zer_hbm,
                    seg_v, gidx_v, rows0, rows1, acc_sh, sem0, sem1,
                    sid, npairs):
    for z_hbm, out_hbm in ((zb_hbm, accb_hbm), (za_hbm, acca_hbm)):
        pltpu.sync_copy(zer_hbm, acc_sh.at[pl.ds(sid * RPT, RPT)])
        plsc.subcore_barrier()

        @pl.when(npairs > 0)
        def _prime():
            pltpu.async_copy(z_hbm.at[gidx_v.at[0]], rows0, sem0)

        def pair(p, _):
            c0 = 2 * p
            pltpu.async_copy(z_hbm.at[gidx_v.at[c0 + 1]], rows1, sem1)
            pltpu.make_async_copy(z_hbm.at[gidx_v.at[c0]], rows0, sem0).wait()
            pltpu.sync_copy(rows0, acc_sh.at[seg_v.at[c0]], add=True)

            @pl.when(p < npairs - 1)
            def _prefetch():
                pltpu.async_copy(z_hbm.at[gidx_v.at[c0 + 2]], rows0, sem0)

            pltpu.make_async_copy(z_hbm.at[gidx_v.at[c0 + 1]], rows1, sem1).wait()
            pltpu.sync_copy(rows1, acc_sh.at[seg_v.at[c0 + 1]], add=True)
            return _

        lax.fori_loop(0, npairs, pair, None)
        plsc.subcore_barrier()
        cid = lax.axis_index("c")
        pltpu.sync_copy(acc_sh.at[pl.ds(sid * RPT, RPT)],
                        out_hbm.at[cid, pl.ds(sid * RPT, RPT)])
        plsc.subcore_barrier()


def _sc_scatter_body(zb_hbm, za_hbm, seg_hbm, gidx_hbm, zer_hbm, ecnt_hbm,
                     accb_hbm, acca_hbm,
                     seg_v, gidx_v, rows0, rows1, ecnt_v, acc_sh, sem0, sem1):
    cid = lax.axis_index("c")
    sid = lax.axis_index("s")
    pltpu.sync_copy(seg_hbm.at[cid, sid], seg_v)
    pltpu.sync_copy(gidx_hbm.at[cid, sid], gidx_v)
    pltpu.sync_copy(ecnt_hbm.at[cid, sid], ecnt_v)
    total = lax.reduce_max(ecnt_v[...], axes=(0,))
    npairs = (total + 255) >> 8
    _scatter_common(zb_hbm, za_hbm, accb_hbm, acca_hbm, zer_hbm,
                    seg_v, gidx_v, rows0, rows1, acc_sh, sem0, sem1,
                    sid, npairs)


def _sc_scatter_cnt_body(zb_hbm, za_hbm, seg_hbm, gidx_hbm, zer_hbm, ecnt_hbm,
                         ones_hbm, zer16_hbm,
                         accb_hbm, acca_hbm, cnt_hbm,
                         seg_v, gidx_v, rows0, rows1, ecnt_v, ones_v,
                         acc_sh, cnt_sh, sem0, sem1):
    cid = lax.axis_index("c")
    sid = lax.axis_index("s")
    pltpu.sync_copy(seg_hbm.at[cid, sid], seg_v)
    pltpu.sync_copy(gidx_hbm.at[cid, sid], gidx_v)
    pltpu.sync_copy(ecnt_hbm.at[cid, sid], ecnt_v)
    pltpu.sync_copy(ones_hbm, ones_v)
    total = lax.reduce_max(ecnt_v[...], axes=(0,))
    npairs = (total + 255) >> 8
    pltpu.sync_copy(zer16_hbm, cnt_sh.at[pl.ds(sid * RPT, RPT)])
    plsc.subcore_barrier()

    def cscat(c, _):
        pltpu.sync_copy(ones_v, cnt_sh.at[seg_v.at[c]], add=True)
        return _

    lax.fori_loop(0, 2 * npairs, cscat, None)
    plsc.subcore_barrier()
    pltpu.sync_copy(cnt_sh.at[pl.ds(sid * RPT, RPT)],
                    cnt_hbm.at[cid, pl.ds(sid * RPT, RPT)])
    _scatter_common(zb_hbm, za_hbm, accb_hbm, acca_hbm, zer_hbm,
                    seg_v, gidx_v, rows0, rows1, acc_sh, sem0, sem1,
                    sid, npairs)


@functools.lru_cache(maxsize=1)
def _sc_kernels():
    mesh = plsc.VectorSubcoreMesh(core_axis_name="c", subcore_axis_name="s")
    params = pltpu.CompilerParams(needs_layout_passes=False,
                                  use_tc_tiling_on_sc=False)
    sc_index = pl.kernel(
        _sc_index_body,
        out_type=[jax.ShapeDtypeStruct((2, 16, EPT), jnp.int32),
                  jax.ShapeDtypeStruct((2, 16, EPT), jnp.int32),
                  jax.ShapeDtypeStruct((2, 16, 16), jnp.int32)],
        mesh=mesh,
        scratch_types=[pltpu.VMEM((NP,), jnp.int32),
                       pltpu.VMEM((NCH, 128), jnp.int32),
                       pltpu.VMEM((EPT + 128,), jnp.int32),
                       pltpu.VMEM((EPT + 128,), jnp.int32),
                       pltpu.VMEM((16,), jnp.int32),
                       pltpu.SemaphoreType.DMA],
        compiler_params=params)
    sc_scatter = pl.kernel(
        _sc_scatter_body,
        out_type=[jax.ShapeDtypeStruct((2, HROWS, H), jnp.float32),
                  jax.ShapeDtypeStruct((2, HROWS, H), jnp.float32)],
        mesh=mesh,
        scratch_types=[pltpu.VMEM((NCH, 128), jnp.int32),
                       pltpu.VMEM((NCH, 128), jnp.int32),
                       pltpu.VMEM((128, H), jnp.float32),
                       pltpu.VMEM((128, H), jnp.float32),
                       pltpu.VMEM((16,), jnp.int32),
                       pltpu.VMEM_SHARED((HROWS, H), jnp.float32),
                       pltpu.SemaphoreType.DMA,
                       pltpu.SemaphoreType.DMA],
        compiler_params=params)
    sc_scatter_cnt = pl.kernel(
        _sc_scatter_cnt_body,
        out_type=[jax.ShapeDtypeStruct((2, HROWS, H), jnp.float32),
                  jax.ShapeDtypeStruct((2, HROWS, H), jnp.float32),
                  jax.ShapeDtypeStruct((2, HROWS, 16), jnp.float32)],
        mesh=mesh,
        scratch_types=[pltpu.VMEM((NCH, 128), jnp.int32),
                       pltpu.VMEM((NCH, 128), jnp.int32),
                       pltpu.VMEM((128, H), jnp.float32),
                       pltpu.VMEM((128, H), jnp.float32),
                       pltpu.VMEM((16,), jnp.int32),
                       pltpu.VMEM((128, 16), jnp.float32),
                       pltpu.VMEM_SHARED((HROWS, H), jnp.float32),
                       pltpu.VMEM_SHARED((HROWS, 16), jnp.float32),
                       pltpu.SemaphoreType.DMA,
                       pltpu.SemaphoreType.DMA],
        compiler_params=params)
    return sc_index, sc_scatter, sc_scatter_cnt



def _tc_a(bond, ang2d, w1b, w1a, b1):
    return pl.pallas_call(
        _tc_a_body,
        grid=(GRID,),
        in_specs=[
            pl.BlockSpec((BLK, NEIGH), lambda i: (i, 0)),
            pl.BlockSpec((BLK, 256), lambda i: (i, 0)),
            pl.BlockSpec((256, 4 * H), lambda i: (0, 0)),
            pl.BlockSpec((512, 4 * H), lambda i: (0, 0)),
            pl.BlockSpec((1, HH), lambda i: (0, 0)),
        ],
        out_specs=[
            pl.BlockSpec((NREL, BLK, H), lambda i: (0, i, 0)),
            pl.BlockSpec((NREL, BLK, H), lambda i: (0, i, 0)),
            pl.BlockSpec((BLK, HH), lambda i: (i, 0)),
        ],
        out_shape=[
            jax.ShapeDtypeStruct((NREL, NP, H), jnp.float32),
            jax.ShapeDtypeStruct((NREL, NP, H), jnp.float32),
            jax.ShapeDtypeStruct((N, HH), jnp.float32),
        ],
    )(bond, ang2d, w1b, w1a, b1)


_ACC_SPEC = pl.BlockSpec((1, NREL, BLK, H), lambda i: (i // 5, 0, i % 5, 0))
_CNT_SPEC = pl.BlockSpec((1, NREL, BLK, 16), lambda i: (i // 5, 0, i % 5, 0))


def _tc_b(accb, acca, cnt, root, w2b, w2a, b2):
    return pl.pallas_call(
        _tc_b_body,
        grid=(GRID,),
        in_specs=[
            _ACC_SPEC,
            _ACC_SPEC,
            _CNT_SPEC,
            pl.BlockSpec((BLK, HH), lambda i: (i, 0)),
            pl.BlockSpec((H, 4 * H), lambda i: (0, 0)),
            pl.BlockSpec((H, 4 * H), lambda i: (0, 0)),
            pl.BlockSpec((1, HH), lambda i: (0, 0)),
        ],
        out_specs=[
            pl.BlockSpec((NREL, BLK, H), lambda i: (0, i, 0)),
            pl.BlockSpec((NREL, BLK, H), lambda i: (0, i, 0)),
            pl.BlockSpec((BLK, HH), lambda i: (i, 0)),
        ],
        out_shape=[
            jax.ShapeDtypeStruct((NREL, NP, H), jnp.float32),
            jax.ShapeDtypeStruct((NREL, NP, H), jnp.float32),
            jax.ShapeDtypeStruct((N, HH), jnp.float32),
        ],
    )(accb, acca, cnt, root, w2b, w2a, b2)


def _tc_c(accb, acca, cnt, root, fcw, fcb2):
    return pl.pallas_call(
        _tc_c_body,
        grid=(GRID,),
        in_specs=[
            _ACC_SPEC,
            _ACC_SPEC,
            _CNT_SPEC,
            pl.BlockSpec((BLK, HH), lambda i: (i, 0)),
            pl.BlockSpec((HH, 2), lambda i: (0, 0)),
            pl.BlockSpec((1, 2), lambda i: (0, 0)),
        ],
        out_specs=pl.BlockSpec((BLK, 2), lambda i: (i, 0)),
        out_shape=jax.ShapeDtypeStruct((N, 2), jnp.float32),
    )(accb, acca, cnt, root, fcw, fcb2)


@jax.jit
def _run(bond_fea, angle_fea, species, nbr_idx,
         W1b, R1b, b1b, W1a, R1a, b1a,
         W2b, R2b, b2b, W2a, R2a, b2a, fcW, fcb):
    f32 = jnp.float32
    w1b = W1b.reshape(NREL, 16, 16, H).transpose(0, 2, 1, 3).reshape(NREL, 256, H)
    r1b = R1b.reshape(16, 16, H).transpose(1, 0, 2).reshape(256, H)
    w1a = W1a.reshape(NREL, 256, 2, H).transpose(0, 2, 1, 3).reshape(NREL, 512, H)
    r1a = R1a.reshape(256, 2, H).transpose(1, 0, 2).reshape(512, H)
    w1bcat = jnp.concatenate([w1b[0], w1b[1], w1b[2], r1b], axis=1)
    w1acat = jnp.concatenate([w1a[0], w1a[1], w1a[2], r1a], axis=1)
    w2bcat = jnp.concatenate([W2b[0], W2b[1], W2b[2], R2b], axis=1)
    w2acat = jnp.concatenate([W2a[0], W2a[1], W2a[2], R2a], axis=1)
    b1 = jnp.concatenate([b1b, b1a]).reshape(1, HH)
    b2 = jnp.concatenate([b2b, b2a]).reshape(1, HH)
    ang2d = angle_fea.reshape(N, 256)
    spec = jnp.pad(species.astype(jnp.int32), (0, NP - N))
    nbr3 = jnp.pad(nbr_idx.reshape(-1).astype(jnp.int32),
                   (0, EPAD - E)).reshape(16, NCH, 128)
    ones_h = jnp.ones((128, 16), f32)
    zer16 = jnp.zeros((RPT, 16), f32)
    zer64 = jnp.zeros((RPT, H), f32)
    trash_h = jnp.full((EPT,), TRASH, jnp.int32)
    zidx_h = jnp.zeros((EPT,), jnp.int32)

    sc_index, sc_scatter, sc_scatter_cnt = _sc_kernels()
    seg3, gidx3, ecnt = sc_index(spec, nbr3, trash_h, zidx_h)
    seg4 = seg3.reshape(2, 16, NCH, 128)
    gidx4 = gidx3.reshape(2, 16, NCH, 128)
    z1b, z1a, root1 = _tc_a(bond_fea, ang2d, w1bcat, w1acat, b1)
    acc1b, acc1a, cnt = sc_scatter_cnt(
        z1b.reshape(ZROWS, H), z1a.reshape(ZROWS, H),
        seg4, gidx4, zer64, ecnt, ones_h, zer16)
    z2b, z2a, root2 = _tc_b(acc1b.reshape(2, NREL, PLANE, H),
                            acc1a.reshape(2, NREL, PLANE, H),
                            cnt.reshape(2, NREL, PLANE, 16),
                            root1, w2bcat, w2acat, b2)
    acc2b, acc2a = sc_scatter(z2b.reshape(ZROWS, H), z2a.reshape(ZROWS, H),
                              seg4, gidx4, zer64, ecnt)
    return _tc_c(acc2b.reshape(2, NREL, PLANE, H),
                 acc2a.reshape(2, NREL, PLANE, H),
                 cnt.reshape(2, NREL, PLANE, 16),
                 root2, fcW, fcb.reshape(1, 2))


def kernel(bond_fea, angle_fea, species, nbr_idx, crys_idx,
           W1b, R1b, b1b, W1a, R1a, b1a,
           W2b, R2b, b2b, W2a, R2a, b2a, fcW, fcb):
    del crys_idx
    return _run(bond_fea, angle_fea, species, nbr_idx,
                W1b, R1b, b1b, W1a, R1a, b1a,
                W2b, R2b, b2b, W2a, R2a, b2a, fcW, fcb)

# --- scband reference (transcript-rebuilt; emitter-appended) ---
"""Pipeline reference for scband-my-rgcn-87703232184764 (READ-ONLY COPY).

The authoritative reference and input builder live on the scoring server;
editing this copy changes nothing except your own understanding.
"""

import jax, jax.numpy as jnp
import numpy as np

N = 10000
NEIGH = 16
NREL = 3
H = 64
STEPS_B = 16
STEPS_A = 2
NCLS = 2


def _p(key, shape):
    return jax.random.normal(key, shape, dtype=jnp.float32) * 0.05


def setup_inputs(seed: int = 0) -> dict:
    key = jax.random.key(seed)
    ks = jax.random.split(key, 20)
    inp = {}
    inp["bond_fea"] = jax.random.uniform(ks[0], (N, NEIGH), dtype=jnp.float32)
    inp["angle_fea"] = jax.random.uniform(ks[1], (N, NEIGH, NEIGH), dtype=jnp.float32)
    inp["species"] = jax.random.randint(ks[2], (N,), 0, 2)
    inp["nbr_idx"] = jax.random.randint(ks[3], (N, NEIGH), 0, N)
    inp["crys_idx"] = jax.random.randint(ks[4], (8, 2), 0, N)
    inp["W1b"] = _p(ks[5], (NREL, STEPS_B * NEIGH, H))
    inp["R1b"] = _p(ks[6], (STEPS_B * NEIGH, H))
    inp["b1b"] = _p(ks[7], (H,))
    inp["W1a"] = _p(ks[8], (NREL, STEPS_A * NEIGH * NEIGH, H))
    inp["R1a"] = _p(ks[9], (STEPS_A * NEIGH * NEIGH, H))
    inp["b1a"] = _p(ks[10], (H,))
    inp["W2b"] = _p(ks[11], (NREL, H, H))
    inp["R2b"] = _p(ks[12], (H, H))
    inp["b2b"] = _p(ks[13], (H,))
    inp["W2a"] = _p(ks[14], (NREL, H, H))
    inp["R2a"] = _p(ks[15], (H, H))
    inp["b2a"] = _p(ks[16], (H,))
    inp["fcW"] = _p(ks[17], (2 * H, NCLS))
    inp["fcb"] = _p(ks[18], (NCLS,))
    return inp


def _gbf(data, dmin, dmax, steps):
    filters = jnp.linspace(dmin, dmax, steps)
    gamma = (dmax - dmin) / steps
    return jnp.exp(-(data[..., None] - filters) ** 2 / gamma ** 2)


def _rgcn(x, src, dst, etype, W, R, b):
    # PyG RGCNConv with aggr='mean': out = x@root + bias + sum_r mean_{j in N_r(i)} x_j @ W_r
    msgs = x[src]
    seg = dst * NREL + etype
    summed = jax.ops.segment_sum(msgs, seg, num_segments=N * NREL)
    cnt = jax.ops.segment_sum(jnp.ones((seg.shape[0],), dtype=x.dtype), seg, num_segments=N * NREL)
    mean = summed / jnp.maximum(cnt, 1.0)[:, None]
    mean = mean.reshape(N, NREL, x.shape[1])
    return x @ R + b + jnp.einsum('nri,rio->no', mean, W)


def _forward(bond_fea, angle_fea, species, nbr_idx, W1b, R1b, b1b, W1a, R1a, b1a, W2b, R2b, b2b, W2a, R2a, b2a, fcW, fcb):
    # get_edge_index: row i is source, neighbor value is dest
    src = jnp.repeat(jnp.arange(N, dtype=nbr_idx.dtype), NEIGH)
    dst = nbr_idx.reshape(-1)
    # get_edge_type
    st = species[src]
    sd = species[dst]
    etype = jnp.where((st == 0) & (sd == 0), 0, jnp.where((st == 1) & (sd == 1), 2, 1))
    edge_fea = _gbf(bond_fea, 0.0, 8.0, STEPS_B).reshape(N, -1)
    ang_fea = _gbf(angle_fea, -1.0, 1.0, STEPS_A).reshape(N, -1)
    bout = jax.nn.relu(_rgcn(edge_fea, src, dst, etype, W1b, R1b, b1b))
    aout = jax.nn.relu(_rgcn(ang_fea, src, dst, etype, W1a, R1a, b1a))
    # dropout treated as identity (eval mode)
    bout = jax.nn.relu(_rgcn(bout, src, dst, etype, W2b, R2b, b2b))
    aout = jax.nn.relu(_rgcn(aout, src, dst, etype, W2a, R2a, b2a))
    crys = jnp.concatenate([bout, aout], axis=1)
    return crys @ fcW + fcb


def reference(bond_fea, angle_fea, species, nbr_idx, crys_idx, W1b, R1b, b1b, W1a, R1a, b1a, W2b, R2b, b2b, W2a, R2a, b2a, fcW, fcb):
    # pool=False, embedding=False -> returns per-node logits [N, NCLS]; crys_idx unused
    return _forward(bond_fea, angle_fea, species, nbr_idx, W1b, R1b, b1b, W1a, R1a, b1a, W2b, R2b, b2b, W2a, R2a, b2a, fcW, fcb)

if __name__ == "__main__":
    import jax
    _d = setup_inputs()
    print(jax.jit(kernel)(*tuple(_d.values())))

</pallas_src>

<mosaic_0001>
#map = affine_map<(d0, d1) -> (0, 0)>
#map1 = affine_map<(d0, d1) -> (0, 0, 0, 0)>
#map2 = affine_map<(d0, d1) -> (0, 0, 0)>
module attributes {stable_mosaic.version = 14 : i64} {
  func.func @_sc_scatter_body(%arg0: i32, %arg1: i32, %arg2: memref<30720x64xf32, #tpu.memory_space<hbm>>, %arg3: memref<30720x64xf32, #tpu.memory_space<hbm>>, %arg4: memref<2x16x80x128xi32, #tpu.memory_space<hbm>>, %arg5: memref<2x16x80x128xi32, #tpu.memory_space<hbm>>, %arg6: memref<960x64xf32, #tpu.memory_space<hbm>>, %arg7: memref<2x16x16xi32, #tpu.memory_space<hbm>>, %arg8: memref<2x15360x64xf32, #tpu.memory_space<hbm>>, %arg9: memref<2x15360x64xf32, #tpu.memory_space<hbm>>, %arg10: memref<80x128xi32, #tpu.memory_space<vmem>>, %arg11: memref<80x128xi32, #tpu.memory_space<vmem>>, %arg12: memref<128x64xf32, #tpu.memory_space<vmem>>, %arg13: memref<128x64xf32, #tpu.memory_space<vmem>>, %arg14: memref<16xi32, #tpu.memory_space<vmem>>, %arg15: memref<15360x64xf32, #tpu.memory_space<vmem_shared>>, %arg16: memref<!tpu.dma_semaphore, #tpu.memory_space<semaphore_mem>>, %arg17: memref<!tpu.dma_semaphore, #tpu.memory_space<semaphore_mem>>) attributes {dimension_semantics = [#tpu.dimension_semantics<core_parallel>, #tpu.dimension_semantics<subcore_parallel>], iteration_bounds = array<i64: 2, 16>, scalar_prefetch = 0 : i64, scratch_operands = 8 : i64, tpu.core_type = #tpu.core_type<sc_vector_subcore>, window_params = [{transform_indices = #map}, {transform_indices = #map}, {transform_indices = #map1}, {transform_indices = #map1}, {transform_indices = #map}, {transform_indices = #map2}, {transform_indices = #map2}, {transform_indices = #map2}]} {
    "tpu.region"() ({
      %run_scoped3A = tpu.sem_alloc : memref<!tpu.dma_semaphore, #tpu.memory_space<semaphore_mem>>
      %dma_start3A = arith.constant 0 : i32
      %dma_start3A_50 = arith.constant 0 : i32
      %dma_start3A_51 = tpu.memref_slice %arg4[%arg0, %arg1, %dma_start3A, %dma_start3A_50] : memref<2x16x80x128xi32, #tpu.memory_space<hbm>> -> memref<1x1x80x128xi32, #tpu.memory_space<hbm>>
      %dma_start3A_52 = tpu.memref_squeeze %dma_start3A_51 : memref<1x1x80x128xi32, #tpu.memory_space<hbm>> -> memref<80x128xi32, #tpu.memory_space<hbm>>
      %dma_start3A_53 = arith.constant 0 : i32
      %dma_start3A_54 = arith.constant 0 : i32
      %dma_start3A_55 = tpu.memref_slice %arg4[%arg0, %arg1, %dma_start3A_53, %dma_start3A_54] : memref<2x16x80x128xi32, #tpu.memory_space<hbm>> -> memref<1x1x80x128xi32, #tpu.memory_space<hbm>>
      %dma_start3A_56 = tpu.memref_squeeze %dma_start3A_55 : memref<1x1x80x128xi32, #tpu.memory_space<hbm>> -> memref<80x128xi32, #tpu.memory_space<hbm>>
      tpu.enqueue_dma source(%dma_start3A_56 : memref<80x128xi32, #tpu.memory_space<hbm>>) target(%arg10 : memref<80x128xi32, #tpu.memory_space<vmem>>) target_semaphore(%run_scoped3A : memref<!tpu.dma_semaphore, #tpu.memory_space<semaphore_mem>>)
      %dma_wait3A = arith.constant 0 : i32
      %dma_wait3A_57 = arith.constant 0 : i32
      %dma_wait3A_58 = tpu.memref_slice %arg4[%arg0, %arg1, %dma_wait3A, %dma_wait3A_57] : memref<2x16x80x128xi32, #tpu.memory_space<hbm>> -> memref<1x1x80x128xi32, #tpu.memory_space<hbm>>
      %dma_wait3A_59 = tpu.memref_squeeze %dma_wait3A_58 : memref<1x1x80x128xi32, #tpu.memory_space<hbm>> -> memref<80x128xi32, #tpu.memory_space<hbm>>
      %dma_wait3A_60 = arith.constant 0 : i32
      %dma_wait3A_61 = arith.constant 0 : i32
      %dma_wait3A_62 = tpu.memref_slice %arg4[%arg0, %arg1, %dma_wait3A_60, %dma_wait3A_61] : memref<2x16x80x128xi32, #tpu.memory_space<hbm>> -> memref<1x1x80x128xi32, #tpu.memory_space<hbm>>
      %dma_wait3A_63 = tpu.memref_squeeze %dma_wait3A_62 : memref<1x1x80x128xi32, #tpu.memory_space<hbm>> -> memref<80x128xi32, #tpu.memory_space<hbm>>
      tpu.wait_dma2 semaphore(%run_scoped3A : memref<!tpu.dma_semaphore, #tpu.memory_space<semaphore_mem>>) src(%dma_wait3A_63 : memref<80x128xi32, #tpu.memory_space<hbm>>) dst(%arg10 : memref<80x128xi32, #tpu.memory_space<vmem>>)
      tpu.yield
    }) : () -> ()
    "tpu.region"() ({
      %run_scoped3A = tpu.sem_alloc : memref<!tpu.dma_semaphore, #tpu.memory_space<semaphore_mem>>
      %dma_start3A = arith.constant 0 : i32
      %dma_start3A_50 = arith.constant 0 : i32
      %dma_start3A_51 = tpu.memref_slice %arg5[%arg0, %arg1, %dma_start3A, %dma_start3A_50] : memref<2x16x80x128xi32, #tpu.memory_space<hbm>> -> memref<1x1x80x128xi32, #tpu.memory_space<hbm>>
      %dma_start3A_52 = tpu.memref_squeeze %dma_start3A_51 : memref<1x1x80x128xi32, #tpu.memory_space<hbm>> -> memref<80x128xi32, #tpu.memory_space<hbm>>
      %dma_start3A_53 = arith.constant 0 : i32
      %dma_start3A_54 = arith.constant 0 : i32
      %dma_start3A_55 = tpu.memref_slice %arg5[%arg0, %arg1, %dma_start3A_53, %dma_start3A_54] : memref<2x16x80x128xi32, #tpu.memory_space<hbm>> -> memref<1x1x80x128xi32, #tpu.memory_space<hbm>>
      %dma_start3A_56 = tpu.memref_squeeze %dma_start3A_55 : memref<1x1x80x128xi32, #tpu.memory_space<hbm>> -> memref<80x128xi32, #tpu.memory_space<hbm>>
      tpu.enqueue_dma source(%dma_start3A_56 : memref<80x128xi32, #tpu.memory_space<hbm>>) target(%arg11 : memref<80x128xi32, #tpu.memory_space<vmem>>) target_semaphore(%run_scoped3A : memref<!tpu.dma_semaphore, #tpu.memory_space<semaphore_mem>>)
      %dma_wait3A = arith.constant 0 : i32
      %dma_wait3A_57 = arith.constant 0 : i32
      %dma_wait3A_58 = tpu.memref_slice %arg5[%arg0, %arg1, %dma_wait3A, %dma_wait3A_57] : memref<2x16x80x128xi32, #tpu.memory_space<hbm>> -> memref<1x1x80x128xi32, #tpu.memory_space<hbm>>
      %dma_wait3A_59 = tpu.memref_squeeze %dma_wait3A_58 : memref<1x1x80x128xi32, #tpu.memory_space<hbm>> -> memref<80x128xi32, #tpu.memory_space<hbm>>
      %dma_wait3A_60 = arith.constant 0 : i32
      %dma_wait3A_61 = arith.constant 0 : i32
      %dma_wait3A_62 = tpu.memref_slice %arg5[%arg0, %arg1, %dma_wait3A_60, %dma_wait3A_61] : memref<2x16x80x128xi32, #tpu.memory_space<hbm>> -> memref<1x1x80x128xi32, #tpu.memory_space<hbm>>
      %dma_wait3A_63 = tpu.memref_squeeze %dma_wait3A_62 : memref<1x1x80x128xi32, #tpu.memory_space<hbm>> -> memref<80x128xi32, #tpu.memory_space<hbm>>
      tpu.wait_dma2 semaphore(%run_scoped3A : memref<!tpu.dma_semaphore, #tpu.memory_space<semaphore_mem>>) src(%dma_wait3A_63 : memref<80x128xi32, #tpu.memory_space<hbm>>) dst(%arg11 : memref<80x128xi32, #tpu.memory_space<vmem>>)
      tpu.yield
    }) : () -> ()
    "tpu.region"() ({
      %run_scoped3A = tpu.sem_alloc : memref<!tpu.dma_semaphore, #tpu.memory_space<semaphore_mem>>
      %dma_start3A = arith.constant 0 : i32
      %dma_start3A_50 = tpu.memref_slice %arg7[%arg0, %arg1, %dma_start3A] : memref<2x16x16xi32, #tpu.memory_space<hbm>> -> memref<1x1x16xi32, #tpu.memory_space<hbm>>
      %dma_start3A_51 = tpu.memref_squeeze %dma_start3A_50 : memref<1x1x16xi32, #tpu.memory_space<hbm>> -> memref<16xi32, #tpu.memory_space<hbm>>
      %dma_start3A_52 = arith.constant 0 : i32
      %dma_start3A_53 = tpu.memref_slice %arg7[%arg0, %arg1, %dma_start3A_52] : memref<2x16x16xi32, #tpu.memory_space<hbm>> -> memref<1x1x16xi32, #tpu.memory_space<hbm>>
      %dma_start3A_54 = tpu.memref_squeeze %dma_start3A_53 : memref<1x1x16xi32, #tpu.memory_space<hbm>> -> memref<16xi32, #tpu.memory_space<hbm>>
      tpu.enqueue_dma source(%dma_start3A_54 : memref<16xi32, #tpu.memory_space<hbm>>) target(%arg14 : memref<16xi32, #tpu.memory_space<vmem>>) target_semaphore(%run_scoped3A : memref<!tpu.dma_semaphore, #tpu.memory_space<semaphore_mem>>)
      %dma_wait3A = arith.constant 0 : i32
      %dma_wait3A_55 = tpu.memref_slice %arg7[%arg0, %arg1, %dma_wait3A] : memref<2x16x16xi32, #tpu.memory_space<hbm>> -> memref<1x1x16xi32, #tpu.memory_space<hbm>>
      %dma_wait3A_56 = tpu.memref_squeeze %dma_wait3A_55 : memref<1x1x16xi32, #tpu.memory_space<hbm>> -> memref<16xi32, #tpu.memory_space<hbm>>
      %dma_wait3A_57 = arith.constant 0 : i32
      %dma_wait3A_58 = tpu.memref_slice %arg7[%arg0, %arg1, %dma_wait3A_57] : memref<2x16x16xi32, #tpu.memory_space<hbm>> -> memref<1x1x16xi32, #tpu.memory_space<hbm>>
      %dma_wait3A_59 = tpu.memref_squeeze %dma_wait3A_58 : memref<1x1x16xi32, #tpu.memory_space<hbm>> -> memref<16xi32, #tpu.memory_space<hbm>>
      tpu.wait_dma2 semaphore(%run_scoped3A : memref<!tpu.dma_semaphore, #tpu.memory_space<semaphore_mem>>) src(%dma_wait3A_59 : memref<16xi32, #tpu.memory_space<hbm>>) dst(%arg14 : memref<16xi32, #tpu.memory_space<vmem>>)
      tpu.yield
    }) : () -> ()
    %get3A = arith.constant 0 : index
    %get3A_0 = tpu.vector_load %arg14[%get3A] {strides = array<i32>} : memref<16xi32, #tpu.memory_space<vmem>>, vector<16xi32>,
    %reduce_max3A = arith.constant true
    %reduce_max3A_1 = vector.broadcast %reduce_max3A : i1 to vector<16xi1>
    %reduce_max3A_2 = arith.constant -2147483648 : i32
    %reduce_max3A_3 = vector.broadcast %reduce_max3A_2 : i32 to vector<16xi32>
    %reduce_max3A_4 = arith.xori %get3A_0, %reduce_max3A_3 : vector<16xi32>
    %reduce_max3A_5 = tpu.scan <max>, %reduce_max3A_4 masked %reduce_max3A_1 : vector<16xi32>, vector<16xi1> -> vector<16xi32>
    %reduce_max3A_6 = arith.xori %reduce_max3A_5, %reduce_max3A_3 : vector<16xi32>
    %reduce_max3A_7 = vector.extract %reduce_max3A_6[15] : i32 from vector<16xi32>
    %add3A = arith.constant 255 : i32
    %add3A_8 = arith.addi %reduce_max3A_7, %add3A : i32
    %shift_right_arithmetic3A = arith.constant 8 : i32
    %shift_right_arithmetic3A_9 = arith.shrsi %add3A_8, %shift_right_arithmetic3A : i32
    %mul3A = arith.constant 960 : i32
    %mul3A_10 = arith.muli %arg1, %mul3A : i32
    "tpu.region"() ({
      %run_scoped3A = tpu.sem_alloc : memref<!tpu.dma_semaphore, #tpu.memory_space<semaphore_mem>>
      %dma_start3A = arith.constant 0 : i32
      %dma_start3A_50 = tpu.memref_slice %arg15[%mul3A_10, %dma_start3A] : memref<15360x64xf32, #tpu.memory_space<vmem_shared>> -> memref<960x64xf32, #tpu.memory_space<vmem_shared>>
      tpu.enqueue_dma source(%arg6 : memref<960x64xf32, #tpu.memory_space<hbm>>) target(%dma_start3A_50 : memref<960x64xf32, #tpu.memory_space<vmem_shared>>) target_semaphore(%run_scoped3A : memref<!tpu.dma_semaphore, #tpu.memory_space<semaphore_mem>>)
      %dma_wait3A = arith.constant 0 : i32
      %dma_wait3A_51 = tpu.memref_slice %arg15[%mul3A_10, %dma_wait3A] : memref<15360x64xf32, #tpu.memory_space<vmem_shared>> -> memref<960x64xf32, #tpu.memory_space<vmem_shared>>
      tpu.wait_dma2 semaphore(%run_scoped3A : memref<!tpu.dma_semaphore, #tpu.memory_space<semaphore_mem>>) src(%arg6 : memref<960x64xf32, #tpu.memory_space<hbm>>) dst(%dma_wait3A_51 : memref<960x64xf32, #tpu.memory_space<vmem_shared>>)
      tpu.yield
    }) : () -> ()
    %barrier3A = arith.constant 0 : index
    tpu.barrier barrier_id(%barrier3A)
    %gt3A = arith.constant 0 : i32
    %gt3A_11 = arith.cmpi sgt, %shift_right_arithmetic3A_9, %gt3A : i32
    %convert_element_type3A = arith.extui %gt3A_11 : i1 to i32
    %cond3A = arith.constant 0 : i32
    %cond3A_12 = arith.cmpi ne, %convert_element_type3A, %cond3A : i32
    scf.if %cond3A_12 {
      %dma_start3A = arith.constant 0 : i32
      %dma_start3A_50 = arith.constant 0 : i32
      %dma_start3A_51 = tpu.memref_slice %arg11[%dma_start3A, %dma_start3A_50] : memref<80x128xi32, #tpu.memory_space<vmem>> -> memref<1x128xi32, #tpu.memory_space<vmem>>
      %dma_start3A_52 = tpu.memref_squeeze %dma_start3A_51 : memref<1x128xi32, #tpu.memory_space<vmem>> -> memref<128xi32, #tpu.memory_space<vmem>>
      %dma_start3A_53 = arith.constant 0 : i32
      %dma_start3A_54 = arith.constant 0 : i32
      %dma_start3A_55 = tpu.memref_slice %arg2[%dma_start3A_53, %dma_start3A_54] : memref<30720x64xf32, #tpu.memory_space<hbm>> -> memref<30720x64xf32, #tpu.memory_space<hbm>>
      tpu.enqueue_indirect_dma source(%dma_start3A_55 : memref<30720x64xf32, #tpu.memory_space<hbm>>) target(%arg12 : memref<128x64xf32, #tpu.memory_space<vmem>>) offsets(%dma_start3A_52 : memref<128xi32, #tpu.memory_space<vmem>>) semaphore(%arg16 : memref<!tpu.dma_semaphore, #tpu.memory_space<semaphore_mem>>)
    } else {
    }
    %while3A = arith.constant 0 : i32
    %while3A_13 = arith.subi %shift_right_arithmetic3A_9, %while3A : i32
    %while3A_14 = arith.addi %while3A, %while3A_13 : i32
    %while3A_15 = arith.constant 1 : i32
    %while3A_16 = arith.divsi %while3A_13, %while3A_15 : i32
    %while3A_17 = arith.muli %while3A_16, %while3A_15 : i32
    %while3A_18 = arith.addi %while3A, %while3A_17 : i32
    %while3A_19 = arith.constant 1 : i32
    scf.for %while3A_50 = %while3A to %while3A_18 step %while3A_19  : i32 {
      %mul3A_51 = arith.constant 2 : i32
      %mul3A_52 = arith.muli %mul3A_51, %while3A_50 : i32
      %add3A_53 = arith.constant 1 : i32
      %add3A_54 = arith.addi %mul3A_52, %add3A_53 : i32
      %dma_start3A = arith.constant 0 : i32
      %dma_start3A_55 = tpu.memref_slice %arg11[%add3A_54, %dma_start3A] : memref<80x128xi32, #tpu.memory_space<vmem>> -> memref<1x128xi32, #tpu.memory_space<vmem>>
      %dma_start3A_56 = tpu.memref_squeeze %dma_start3A_55 : memref<1x128xi32, #tpu.memory_space<vmem>> -> memref<128xi32, #tpu.memory_space<vmem>>
      %dma_start3A_57 = arith.constant 0 : i32
      %dma_start3A_58 = arith.constant 0 : i32
      %dma_start3A_59 = tpu.memref_slice %arg2[%dma_start3A_57, %dma_start3A_58] : memref<30720x64xf32, #tpu.memory_space<hbm>> -> memref<30720x64xf32, #tpu.memory_space<hbm>>
      tpu.enqueue_indirect_dma source(%dma_start3A_59 : memref<30720x64xf32, #tpu.memory_space<hbm>>) target(%arg13 : memref<128x64xf32, #tpu.memory_space<vmem>>) offsets(%dma_start3A_56 : memref<128xi32, #tpu.memory_space<vmem>>) semaphore(%arg17 : memref<!tpu.dma_semaphore, #tpu.memory_space<semaphore_mem>>)
      %dma_wait3A = arith.constant 0 : i32
      %dma_wait3A_60 = tpu.memref_slice %arg11[%mul3A_52, %dma_wait3A] : memref<80x128xi32, #tpu.memory_space<vmem>> -> memref<1x128xi32, #tpu.memory_space<vmem>>
      %dma_wait3A_61 = tpu.memref_squeeze %dma_wait3A_60 : memref<1x128xi32, #tpu.memory_space<vmem>> -> memref<128xi32, #tpu.memory_space<vmem>>
      %dma_wait3A_62 = arith.constant 0 : i32
      %dma_wait3A_63 = arith.constant 0 : i32
      %dma_wait3A_64 = tpu.memref_slice %arg2[%dma_wait3A_62, %dma_wait3A_63] : memref<30720x64xf32, #tpu.memory_space<hbm>> -> memref<30720x64xf32, #tpu.memory_space<hbm>>
      tpu.wait_indirect_dma semaphore(%arg16 : memref<!tpu.dma_semaphore, #tpu.memory_space<semaphore_mem>>) src(%dma_wait3A_64 : memref<30720x64xf32, #tpu.memory_space<hbm>>) dst(%arg12 : memref<128x64xf32, #tpu.memory_space<vmem>>)
      "tpu.region"() ({
        %run_scoped3A = tpu.sem_alloc : memref<!tpu.dma_semaphore, #tpu.memory_space<semaphore_mem>>
        %dma_start3A_79 = arith.constant 0 : i32
        %dma_start3A_80 = tpu.memref_slice %arg10[%mul3A_52, %dma_start3A_79] : memref<80x128xi32, #tpu.memory_space<vmem>> -> memref<1x128xi32, #tpu.memory_space<vmem>>
        %dma_start3A_81 = tpu.memref_squeeze %dma_start3A_80 : memref<1x128xi32, #tpu.memory_space<vmem>> -> memref<128xi32, #tpu.memory_space<vmem>>
        %dma_start3A_82 = arith.constant 0 : i32
        %dma_start3A_83 = arith.constant 0 : i32
        %dma_start3A_84 = tpu.memref_slice %arg15[%dma_start3A_82, %dma_start3A_83] : memref<15360x64xf32, #tpu.memory_space<vmem_shared>> -> memref<15360x64xf32, #tpu.memory_space<vmem_shared>>
        tpu.enqueue_indirect_dma source(%arg12 : memref<128x64xf32, #tpu.memory_space<vmem>>) target(%dma_start3A_84 : memref<15360x64xf32, #tpu.memory_space<vmem_shared>>) offsets(%dma_start3A_81 : memref<128xi32, #tpu.memory_space<vmem>>) semaphore(%run_scoped3A : memref<!tpu.dma_semaphore, #tpu.memory_space<semaphore_mem>>) {add = true}
        %dma_wait3A_85 = arith.constant 0 : i32
        %dma_wait3A_86 = tpu.memref_slice %arg10[%mul3A_52, %dma_wait3A_85] : memref<80x128xi32, #tpu.memory_space<vmem>> -> memref<1x128xi32, #tpu.memory_space<vmem>>
        %dma_wait3A_87 = tpu.memref_squeeze %dma_wait3A_86 : memref<1x128xi32, #tpu.memory_space<vmem>> -> memref<128xi32, #tpu.memory_space<vmem>>
        %dma_wait3A_88 = arith.constant 0 : i32
        %dma_wait3A_89 = arith.constant 0 : i32
        %dma_wait3A_90 = tpu.memref_slice %arg15[%dma_wait3A_88, %dma_wait3A_89] : memref<15360x64xf32, #tpu.memory_space<vmem_shared>> -> memref<15360x64xf32, #tpu.memory_space<vmem_shared>>
        tpu.wait_indirect_dma semaphore(%run_scoped3A : memref<!tpu.dma_semaphore, #tpu.memory_space<semaphore_mem>>) src(%arg12 : memref<128x64xf32, #tpu.memory_space<vmem>>) dst(%dma_wait3A_90 : memref<15360x64xf32, #tpu.memory_space<vmem_shared>>)
        tpu.yield
      }) : () -> ()
      %sub3A = arith.constant 1 : i32
      %sub3A_65 = arith.subi %shift_right_arithmetic3A_9, %sub3A : i32
      %lt3A = arith.cmpi slt, %while3A_50, %sub3A_65 : i32
      %convert_element_type3A_66 = arith.extui %lt3A : i1 to i32
      %cond3A_67 = arith.constant 0 : i32
      %cond3A_68 = arith.cmpi ne, %convert_element_type3A_66, %cond3A_67 : i32
      scf.if %cond3A_68 {
        %add3A_79 = arith.constant 2 : i32
        %add3A_80 = arith.addi %mul3A_52, %add3A_79 : i32
        %dma_start3A_81 = arith.constant 0 : i32
        %dma_start3A_82 = tpu.memref_slice %arg11[%add3A_80, %dma_start3A_81] : memref<80x128xi32, #tpu.memory_space<vmem>> -> memref<1x128xi32, #tpu.memory_space<vmem>>
        %dma_start3A_83 = tpu.memref_squeeze %dma_start3A_82 : memref<1x128xi32, #tpu.memory_space<vmem>> -> memref<128xi32, #tpu.memory_space<vmem>>
        %dma_start3A_84 = arith.constant 0 : i32
        %dma_start3A_85 = arith.constant 0 : i32
        %dma_start3A_86 = tpu.memref_slice %arg2[%dma_start3A_84, %dma_start3A_85] : memref<30720x64xf32, #tpu.memory_space<hbm>> -> memref<30720x64xf32, #tpu.memory_space<hbm>>
        tpu.enqueue_indirect_dma source(%dma_start3A_86 : memref<30720x64xf32, #tpu.memory_space<hbm>>) target(%arg12 : memref<128x64xf32, #tpu.memory_space<vmem>>) offsets(%dma_start3A_83 : memref<128xi32, #tpu.memory_space<vmem>>) semaphore(%arg16 : memref<!tpu.dma_semaphore, #tpu.memory_space<semaphore_mem>>)
      } else {
      }
      %add3A_69 = arith.constant 1 : i32
      %add3A_70 = arith.addi %mul3A_52, %add3A_69 : i32
      %dma_wait3A_71 = arith.constant 0 : i32
      %dma_wait3A_72 = tpu.memref_slice %arg11[%add3A_70, %dma_wait3A_71] : memref<80x128xi32, #tpu.memory_space<vmem>> -> memref<1x128xi32, #tpu.memory_space<vmem>>
      %dma_wait3A_73 = tpu.memref_squeeze %dma_wait3A_72 : memref<1x128xi32, #tpu.memory_space<vmem>> -> memref<128xi32, #tpu.memory_space<vmem>>
      %dma_wait3A_74 = arith.constant 0 : i32
      %dma_wait3A_75 = arith.constant 0 : i32
      %dma_wait3A_76 = tpu.memref_slice %arg2[%dma_wait3A_74, %dma_wait3A_75] : memref<30720x64xf32, #tpu.memory_space<hbm>> -> memref<30720x64xf32, #tpu.memory_space<hbm>>
      tpu.wait_indirect_dma semaphore(%arg17 : memref<!tpu.dma_semaphore, #tpu.memory_space<semaphore_mem>>) src(%dma_wait3A_76 : memref<30720x64xf32, #tpu.memory_space<hbm>>) dst(%arg13 : memref<128x64xf32, #tpu.memory_space<vmem>>)
      %add3A_77 = arith.constant 1 : i32
      %add3A_78 = arith.addi %mul3A_52, %add3A_77 : i32
      "tpu.region"() ({
        %run_scoped3A = tpu.sem_alloc : memref<!tpu.dma_semaphore, #tpu.memory_space<semaphore_mem>>
        %dma_start3A_79 = arith.constant 0 : i32
        %dma_start3A_80 = tpu.memref_slice %arg10[%add3A_78, %dma_start3A_79] : memref<80x128xi32, #tpu.memory_space<vmem>> -> memref<1x128xi32, #tpu.memory_space<vmem>>
        %dma_start3A_81 = tpu.memref_squeeze %dma_start3A_80 : memref<1x128xi32, #tpu.memory_space<vmem>> -> memref<128xi32, #tpu.memory_space<vmem>>
        %dma_start3A_82 = arith.constant 0 : i32
        %dma_start3A_83 = arith.constant 0 : i32
        %dma_start3A_84 = tpu.memref_slice %arg15[%dma_start3A_82, %dma_start3A_83] : memref<15360x64xf32, #tpu.memory_space<vmem_shared>> -> memref<15360x64xf32, #tpu.memory_space<vmem_shared>>
        tpu.enqueue_indirect_dma source(%arg13 : memref<128x64xf32, #tpu.memory_space<vmem>>) target(%dma_start3A_84 : memref<15360x64xf32, #tpu.memory_space<vmem_shared>>) offsets(%dma_start3A_81 : memref<128xi32, #tpu.memory_space<vmem>>) semaphore(%run_scoped3A : memref<!tpu.dma_semaphore, #tpu.memory_space<semaphore_mem>>) {add = true}
        %dma_wait3A_85 = arith.constant 0 : i32
        %dma_wait3A_86 = tpu.memref_slice %arg10[%add3A_78, %dma_wait3A_85] : memref<80x128xi32, #tpu.memory_space<vmem>> -> memref<1x128xi32, #tpu.memory_space<vmem>>
        %dma_wait3A_87 = tpu.memref_squeeze %dma_wait3A_86 : memref<1x128xi32, #tpu.memory_space<vmem>> -> memref<128xi32, #tpu.memory_space<vmem>>
        %dma_wait3A_88 = arith.constant 0 : i32
        %dma_wait3A_89 = arith.constant 0 : i32
        %dma_wait3A_90 = tpu.memref_slice %arg15[%dma_wait3A_88, %dma_wait3A_89] : memref<15360x64xf32, #tpu.memory_space<vmem_shared>> -> memref<15360x64xf32, #tpu.memory_space<vmem_shared>>
        tpu.wait_indirect_dma semaphore(%run_scoped3A : memref<!tpu.dma_semaphore, #tpu.memory_space<semaphore_mem>>) src(%arg13 : memref<128x64xf32, #tpu.memory_space<vmem>>) dst(%dma_wait3A_90 : memref<15360x64xf32, #tpu.memory_space<vmem_shared>>)
        tpu.yield
      }) : () -> ()
    }
    %while3A_20 = arith.constant 1 : i32
    scf.for %while3A_50 = %while3A_18 to %while3A_14 step %while3A_20  : i32 {
      %mul3A_51 = arith.constant 2 : i32
      %mul3A_52 = arith.muli %mul3A_51, %while3A_50 : i32
      %add3A_53 = arith.constant 1 : i32
      %add3A_54 = arith.addi %mul3A_52, %add3A_53 : i32
      %dma_start3A = arith.constant 0 : i32
      %dma_start3A_55 = tpu.memref_slice %arg11[%add3A_54, %dma_start3A] : memref<80x128xi32, #tpu.memory_space<vmem>> -> memref<1x128xi32, #tpu.memory_space<vmem>>
      %dma_start3A_56 = tpu.memref_squeeze %dma_start3A_55 : memref<1x128xi32, #tpu.memory_space<vmem>> -> memref<128xi32, #tpu.memory_space<vmem>>
      %dma_start3A_57 = arith.constant 0 : i32
      %dma_start3A_58 = arith.constant 0 : i32
      %dma_start3A_59 = tpu.memref_slice %arg2[%dma_start3A_57, %dma_start3A_58] : memref<30720x64xf32, #tpu.memory_space<hbm>> -> memref<30720x64xf32, #tpu.memory_space<hbm>>
      tpu.enqueue_indirect_dma source(%dma_start3A_59 : memref<30720x64xf32, #tpu.memory_space<hbm>>) target(%arg13 : memref<128x64xf32, #tpu.memory_space<vmem>>) offsets(%dma_start3A_56 : memref<128xi32, #tpu.memory_space<vmem>>) semaphore(%arg17 : memref<!tpu.dma_semaphore, #tpu.memory_space<semaphore_mem>>)
      %dma_wait3A = arith.constant 0 : i32
      %dma_wait3A_60 = tpu.memref_slice %arg11[%mul3A_52, %dma_wait3A] : memref<80x128xi32, #tpu.memory_space<vmem>> -> memref<1x128xi32, #tpu.memory_space<vmem>>
      %dma_wait3A_61 = tpu.memref_squeeze %dma_wait3A_60 : memref<1x128xi32, #tpu.memory_space<vmem>> -> memref<128xi32, #tpu.memory_space<vmem>>
      %dma_wait3A_62 = arith.constant 0 : i32
      %dma_wait3A_63 = arith.constant 0 : i32
      %dma_wait3A_64 = tpu.memref_slice %arg2[%dma_wait3A_62, %dma_wait3A_63] : memref<30720x64xf32, #tpu.memory_space<hbm>> -> memref<30720x64xf32, #tpu.memory_space<hbm>>
      tpu.wait_indirect_dma semaphore(%arg16 : memref<!tpu.dma_semaphore, #tpu.memory_space<semaphore_mem>>) src(%dma_wait3A_64 : memref<30720x64xf32, #tpu.memory_space<hbm>>) dst(%arg12 : memref<128x64xf32, #tpu.memory_space<vmem>>)
      "tpu.region"() ({
        %run_scoped3A = tpu.sem_alloc : memref<!tpu.dma_semaphore, #tpu.memory_space<semaphore_mem>>
        %dma_start3A_79 = arith.constant 0 : i32
        %dma_start3A_80 = tpu.memref_slice %arg10[%mul3A_52, %dma_start3A_79] : memref<80x128xi32, #tpu.memory_space<vmem>> -> memref<1x128xi32, #tpu.memory_space<vmem>>
        %dma_start3A_81 = tpu.memref_squeeze %dma_start3A_80 : memref<1x128xi32, #tpu.memory_space<vmem>> -> memref<128xi32, #tpu.memory_space<vmem>>
        %dma_start3A_82 = arith.constant 0 : i32
        %dma_start3A_83 = arith.constant 0 : i32
        %dma_start3A_84 = tpu.memref_slice %arg15[%dma_start3A_82, %dma_start3A_83] : memref<15360x64xf32, #tpu.memory_space<vmem_shared>> -> memref<15360x64xf32, #tpu.memory_space<vmem_shared>>
        tpu.enqueue_indirect_dma source(%arg12 : memref<128x64xf32, #tpu.memory_space<vmem>>) target(%dma_start3A_84 : memref<15360x64xf32, #tpu.memory_space<vmem_shared>>) offsets(%dma_start3A_81 : memref<128xi32, #tpu.memory_space<vmem>>) semaphore(%run_scoped3A : memref<!tpu.dma_semaphore, #tpu.memory_space<semaphore_mem>>) {add = true}
        %dma_wait3A_85 = arith.constant 0 : i32
        %dma_wait3A_86 = tpu.memref_slice %arg10[%mul3A_52, %dma_wait3A_85] : memref<80x128xi32, #tpu.memory_space<vmem>> -> memref<1x128xi32, #tpu.memory_space<vmem>>
        %dma_wait3A_87 = tpu.memref_squeeze %dma_wait3A_86 : memref<1x128xi32, #tpu.memory_space<vmem>> -> memref<128xi32, #tpu.memory_space<vmem>>
        %dma_wait3A_88 = arith.constant 0 : i32
        %dma_wait3A_89 = arith.constant 0 : i32
        %dma_wait3A_90 = tpu.memref_slice %arg15[%dma_wait3A_88, %dma_wait3A_89] : memref<15360x64xf32, #tpu.memory_space<vmem_shared>> -> memref<15360x64xf32, #tpu.memory_space<vmem_shared>>
        tpu.wait_indirect_dma semaphore(%run_scoped3A : memref<!tpu.dma_semaphore, #tpu.memory_space<semaphore_mem>>) src(%arg12 : memref<128x64xf32, #tpu.memory_space<vmem>>) dst(%dma_wait3A_90 : memref<15360x64xf32, #tpu.memory_space<vmem_shared>>)
        tpu.yield
      }) : () -> ()
      %sub3A = arith.constant 1 : i32
      %sub3A_65 = arith.subi %shift_right_arithmetic3A_9, %sub3A : i32
      %lt3A = arith.cmpi slt, %while3A_50, %sub3A_65 : i32
      %convert_element_type3A_66 = arith.extui %lt3A : i1 to i32
      %cond3A_67 = arith.constant 0 : i32
      %cond3A_68 = arith.cmpi ne, %convert_element_type3A_66, %cond3A_67 : i32
      scf.if %cond3A_68 {
        %add3A_79 = arith.constant 2 : i32
        %add3A_80 = arith.addi %mul3A_52, %add3A_79 : i32
        %dma_start3A_81 = arith.constant 0 : i32
        %dma_start3A_82 = tpu.memref_slice %arg11[%add3A_80, %dma_start3A_81] : memref<80x128xi32, #tpu.memory_space<vmem>> -> memref<1x128xi32, #tpu.memory_space<vmem>>
        %dma_start3A_83 = tpu.memref_squeeze %dma_start3A_82 : memref<1x128xi32, #tpu.memory_space<vmem>> -> memref<128xi32, #tpu.memory_space<vmem>>
        %dma_start3A_84 = arith.constant 0 : i32
        %dma_start3A_85 = arith.constant 0 : i32
        %dma_start3A_86 = tpu.memref_slice %arg2[%dma_start3A_84, %dma_start3A_85] : memref<30720x64xf32, #tpu.memory_space<hbm>> -> memref<30720x64xf32, #tpu.memory_space<hbm>>
        tpu.enqueue_indirect_dma source(%dma_start3A_86 : memref<30720x64xf32, #tpu.memory_space<hbm>>) target(%arg12 : memref<128x64xf32, #tpu.memory_space<vmem>>) offsets(%dma_start3A_83 : memref<128xi32, #tpu.memory_space<vmem>>) semaphore(%arg16 : memref<!tpu.dma_semaphore, #tpu.memory_space<semaphore_mem>>)
      } else {
      }
      %add3A_69 = arith.constant 1 : i32
      %add3A_70 = arith.addi %mul3A_52, %add3A_69 : i32
      %dma_wait3A_71 = arith.constant 0 : i32
      %dma_wait3A_72 = tpu.memref_slice %arg11[%add3A_70, %dma_wait3A_71] : memref<80x128xi32, #tpu.memory_space<vmem>> -> memref<1x128xi32, #tpu.memory_space<vmem>>
      %dma_wait3A_73 = tpu.memref_squeeze %dma_wait3A_72 : memref<1x128xi32, #tpu.memory_space<vmem>> -> memref<128xi32, #tpu.memory_space<vmem>>
      %dma_wait3A_74 = arith.constant 0 : i32
      %dma_wait3A_75 = arith.constant 0 : i32
      %dma_wait3A_76 = tpu.memref_slice %arg2[%dma_wait3A_74, %dma_wait3A_75] : memref<30720x64xf32, #tpu.memory_space<hbm>> -> memref<30720x64xf32, #tpu.memory_space<hbm>>
      tpu.wait_indirect_dma semaphore(%arg17 : memref<!tpu.dma_semaphore, #tpu.memory_space<semaphore_mem>>) src(%dma_wait3A_76 : memref<30720x64xf32, #tpu.memory_space<hbm>>) dst(%arg13 : memref<128x64xf32, #tpu.memory_space<vmem>>)
      %add3A_77 = arith.constant 1 : i32
      %add3A_78 = arith.addi %mul3A_52, %add3A_77 : i32
      "tpu.region"() ({
        %run_scoped3A = tpu.sem_alloc : memref<!tpu.dma_semaphore, #tpu.memory_space<semaphore_mem>>
        %dma_start3A_79 = arith.constant 0 : i32
        %dma_start3A_80 = tpu.memref_slice %arg10[%add3A_78, %dma_start3A_79] : memref<80x128xi32, #tpu.memory_space<vmem>> -> memref<1x128xi32, #tpu.memory_space<vmem>>
        %dma_start3A_81 = tpu.memref_squeeze %dma_start3A_80 : memref<1x128xi32, #tpu.memory_space<vmem>> -> memref<128xi32, #tpu.memory_space<vmem>>
        %dma_start3A_82 = arith.constant 0 : i32
        %dma_start3A_83 = arith.constant 0 : i32
        %dma_start3A_84 = tpu.memref_slice %arg15[%dma_start3A_82, %dma_start3A_83] : memref<15360x64xf32, #tpu.memory_space<vmem_shared>> -> memref<15360x64xf32, #tpu.memory_space<vmem_shared>>
        tpu.enqueue_indirect_dma source(%arg13 : memref<128x64xf32, #tpu.memory_space<vmem>>) target(%dma_start3A_84 : memref<15360x64xf32, #tpu.memory_space<vmem_shared>>) offsets(%dma_start3A_81 : memref<128xi32, #tpu.memory_space<vmem>>) semaphore(%run_scoped3A : memref<!tpu.dma_semaphore, #tpu.memory_space<semaphore_mem>>) {add = true}
        %dma_wait3A_85 = arith.constant 0 : i32
        %dma_wait3A_86 = tpu.memref_slice %arg10[%add3A_78, %dma_wait3A_85] : memref<80x128xi32, #tpu.memory_space<vmem>> -> memref<1x128xi32, #tpu.memory_space<vmem>>
        %dma_wait3A_87 = tpu.memref_squeeze %dma_wait3A_86 : memref<1x128xi32, #tpu.memory_space<vmem>> -> memref<128xi32, #tpu.memory_space<vmem>>
        %dma_wait3A_88 = arith.constant 0 : i32
        %dma_wait3A_89 = arith.constant 0 : i32
        %dma_wait3A_90 = tpu.memref_slice %arg15[%dma_wait3A_88, %dma_wait3A_89] : memref<15360x64xf32, #tpu.memory_space<vmem_shared>> -> memref<15360x64xf32, #tpu.memory_space<vmem_shared>>
        tpu.wait_indirect_dma semaphore(%run_scoped3A : memref<!tpu.dma_semaphore, #tpu.memory_space<semaphore_mem>>) src(%arg13 : memref<128x64xf32, #tpu.memory_space<vmem>>) dst(%dma_wait3A_90 : memref<15360x64xf32, #tpu.memory_space<vmem_shared>>)
        tpu.yield
      }) : () -> ()
    }
    %barrier3A_21 = arith.constant 0 : index
    tpu.barrier barrier_id(%barrier3A_21)
    %mul3A_22 = arith.constant 960 : i32
    %mul3A_23 = arith.muli %arg1, %mul3A_22 : i32
    %mul3A_24 = arith.constant 960 : i32
    %mul3A_25 = arith.muli %arg1, %mul3A_24 : i32
    "tpu.region"() ({
      %run_scoped3A = tpu.sem_alloc : memref<!tpu.dma_semaphore, #tpu.memory_space<semaphore_mem>>
      %dma_start3A = arith.constant 0 : i32
      %dma_start3A_50 = tpu.memref_slice %arg8[%arg0, %mul3A_25, %dma_start3A] : memref<2x15360x64xf32, #tpu.memory_space<hbm>> -> memref<1x960x64xf32, #tpu.memory_space<hbm>>
      %dma_start3A_51 = tpu.memref_squeeze %dma_start3A_50 : memref<1x960x64xf32, #tpu.memory_space<hbm>> -> memref<960x64xf32, #tpu.memory_space<hbm>>
      %dma_start3A_52 = arith.constant 0 : i32
      %dma_start3A_53 = tpu.memref_slice %arg15[%mul3A_23, %dma_start3A_52] : memref<15360x64xf32, #tpu.memory_space<vmem_shared>> -> memref<960x64xf32, #tpu.memory_space<vmem_shared>>
      tpu.enqueue_dma source(%dma_start3A_53 : memref<960x64xf32, #tpu.memory_space<vmem_shared>>) target(%dma_start3A_51 : memref<960x64xf32, #tpu.memory_space<hbm>>) target_semaphore(%run_scoped3A : memref<!tpu.dma_semaphore, #tpu.memory_space<semaphore_mem>>)
      %dma_wait3A = arith.constant 0 : i32
      %dma_wait3A_54 = tpu.memref_slice %arg8[%arg0, %mul3A_25, %dma_wait3A] : memref<2x15360x64xf32, #tpu.memory_space<hbm>> -> memref<1x960x64xf32, #tpu.memory_space<hbm>>
      %dma_wait3A_55 = tpu.memref_squeeze %dma_wait3A_54 : memref<1x960x64xf32, #tpu.memory_space<hbm>> -> memref<960x64xf32, #tpu.memory_space<hbm>>
      %dma_wait3A_56 = arith.constant 0 : i32
      %dma_wait3A_57 = tpu.memref_slice %arg15[%mul3A_23, %dma_wait3A_56] : memref<15360x64xf32, #tpu.memory_space<vmem_shared>> -> memref<960x64xf32, #tpu.memory_space<vmem_shared>>
      tpu.wait_dma2 semaphore(%run_scoped3A : memref<!tpu.dma_semaphore, #tpu.memory_space<semaphore_mem>>) src(%dma_wait3A_57 : memref<960x64xf32, #tpu.memory_space<vmem_shared>>) dst(%dma_wait3A_55 : memref<960x64xf32, #tpu.memory_space<hbm>>)
      tpu.yield
    }) : () -> ()
    %barrier3A_26 = arith.constant 0 : index
    tpu.barrier barrier_id(%barrier3A_26)
    %mul3A_27 = arith.constant 960 : i32
    %mul3A_28 = arith.muli %arg1, %mul3A_27 : i32
    "tpu.region"() ({
      %run_scoped3A = tpu.sem_alloc : memref<!tpu.dma_semaphore, #tpu.memory_space<semaphore_mem>>
      %dma_start3A = arith.constant 0 : i32
      %dma_start3A_50 = tpu.memref_slice %arg15[%mul3A_28, %dma_start3A] : memref<15360x64xf32, #tpu.memory_space<vmem_shared>> -> memref<960x64xf32, #tpu.memory_space<vmem_shared>>
      tpu.enqueue_dma source(%arg6 : memref<960x64xf32, #tpu.memory_space<hbm>>) target(%dma_start3A_50 : memref<960x64xf32, #tpu.memory_space<vmem_shared>>) target_semaphore(%run_scoped3A : memref<!tpu.dma_semaphore, #tpu.memory_space<semaphore_mem>>)
      %dma_wait3A = arith.constant 0 : i32
      %dma_wait3A_51 = tpu.memref_slice %arg15[%mul3A_28, %dma_wait3A] : memref<15360x64xf32, #tpu.memory_space<vmem_shared>> -> memref<960x64xf32, #tpu.memory_space<vmem_shared>>
      tpu.wait_dma2 semaphore(%run_scoped3A : memref<!tpu.dma_semaphore, #tpu.memory_space<semaphore_mem>>) src(%arg6 : memref<960x64xf32, #tpu.memory_space<hbm>>) dst(%dma_wait3A_51 : memref<960x64xf32, #tpu.memory_space<vmem_shared>>)
      tpu.yield
    }) : () -> ()
    %barrier3A_29 = arith.constant 0 : index
    tpu.barrier barrier_id(%barrier3A_29)
    %gt3A_30 = arith.constant 0 : i32
    %gt3A_31 = arith.cmpi sgt, %shift_right_arithmetic3A_9, %gt3A_30 : i32
    %convert_element_type3A_32 = arith.extui %gt3A_31 : i1 to i32
    %cond3A_33 = arith.constant 0 : i32
    %cond3A_34 = arith.cmpi ne, %convert_element_type3A_32, %cond3A_33 : i32
    scf.if %cond3A_34 {
      %dma_start3A = arith.constant 0 : i32
      %dma_start3A_50 = arith.constant 0 : i32
      %dma_start3A_51 = tpu.memref_slice %arg11[%dma_start3A, %dma_start3A_50] : memref<80x128xi32, #tpu.memory_space<vmem>> -> memref<1x128xi32, #tpu.memory_space<vmem>>
      %dma_start3A_52 = tpu.memref_squeeze %dma_start3A_51 : memref<1x128xi32, #tpu.memory_space<vmem>> -> memref<128xi32, #tpu.memory_space<vmem>>
      %dma_start3A_53 = arith.constant 0 : i32
      %dma_start3A_54 = arith.constant 0 : i32
      %dma_start3A_55 = tpu.memref_slice %arg3[%dma_start3A_53, %dma_start3A_54] : memref<30720x64xf32, #tpu.memory_space<hbm>> -> memref<30720x64xf32, #tpu.memory_space<hbm>>
      tpu.enqueue_indirect_dma source(%dma_start3A_55 : memref<30720x64xf32, #tpu.memory_space<hbm>>) target(%arg12 : memref<128x64xf32, #tpu.memory_space<vmem>>) offsets(%dma_start3A_52 : memref<128xi32, #tpu.memory_space<vmem>>) semaphore(%arg16 : memref<!tpu.dma_semaphore, #tpu.memory_space<semaphore_mem>>)
    } else {
    }
    %while3A_35 = arith.constant 0 : i32
    %while3A_36 = arith.subi %shift_right_arithmetic3A_9, %while3A_35 : i32
    %while3A_37 = arith.addi %while3A_35, %while3A_36 : i32
    %while3A_38 = arith.constant 1 : i32
    %while3A_39 = arith.divsi %while3A_36, %while3A_38 : i32
    %while3A_40 = arith.muli %while3A_39, %while3A_38 : i32
    %while3A_41 = arith.addi %while3A_35, %while3A_40 : i32
    %while3A_42 = arith.constant 1 : i32
    scf.for %while3A_50 = %while3A_35 to %while3A_41 step %while3A_42  : i32 {
      %mul3A_51 = arith.constant 2 : i32
      %mul3A_52 = arith.muli %mul3A_51, %while3A_50 : i32
      %add3A_53 = arith.constant 1 : i32
      %add3A_54 = arith.addi %mul3A_52, %add3A_53 : i32
      %dma_start3A = arith.constant 0 : i32
      %dma_start3A_55 = tpu.memref_slice %arg11[%add3A_54, %dma_start3A] : memref<80x128xi32, #tpu.memory_space<vmem>> -> memref<1x128xi32, #tpu.memory_space<vmem>>
      %dma_start3A_56 = tpu.memref_squeeze %dma_start3A_55 : memref<1x128xi32, #tpu.memory_space<vmem>> -> memref<128xi32, #tpu.memory_space<vmem>>
      %dma_start3A_57 = arith.constant 0 : i32
      %dma_start3A_58 = arith.constant 0 : i32
      %dma_start3A_59 = tpu.memref_slice %arg3[%dma_start3A_57, %dma_start3A_58] : memref<30720x64xf32, #tpu.memory_space<hbm>> -> memref<30720x64xf32, #tpu.memory_space<hbm>>
      tpu.enqueue_indirect_dma source(%dma_start3A_59 : memref<30720x64xf32, #tpu.memory_space<hbm>>) target(%arg13 : memref<128x64xf32, #tpu.memory_space<vmem>>) offsets(%dma_start3A_56 : memref<128xi32, #tpu.memory_space<vmem>>) semaphore(%arg17 : memref<!tpu.dma_semaphore, #tpu.memory_space<semaphore_mem>>)
      %dma_wait3A = arith.constant 0 : i32
      %dma_wait3A_60 = tpu.memref_slice %arg11[%mul3A_52, %dma_wait3A] : memref<80x128xi32, #tpu.memory_space<vmem>> -> memref<1x128xi32, #tpu.memory_space<vmem>>
      %dma_wait3A_61 = tpu.memref_squeeze %dma_wait3A_60 : memref<1x128xi32, #tpu.memory_space<vmem>> -> memref<128xi32, #tpu.memory_space<vmem>>
      %dma_wait3A_62 = arith.constant 0 : i32
      %dma_wait3A_63 = arith.constant 0 : i32
      %dma_wait3A_64 = tpu.memref_slice %arg3[%dma_wait3A_62, %dma_wait3A_63] : memref<30720x64xf32, #tpu.memory_space<hbm>> -> memref<30720x64xf32, #tpu.memory_space<hbm>>
      tpu.wait_indirect_dma semaphore(%arg16 : memref<!tpu.dma_semaphore, #tpu.memory_space<semaphore_mem>>) src(%dma_wait3A_64 : memref<30720x64xf32, #tpu.memory_space<hbm>>) dst(%arg12 : memref<128x64xf32, #tpu.memory_space<vmem>>)
      "tpu.region"() ({
        %run_scoped3A = tpu.sem_alloc : memref<!tpu.dma_semaphore, #tpu.memory_space<semaphore_mem>>
        %dma_start3A_79 = arith.constant 0 : i32
        %dma_start3A_80 = tpu.memref_slice %arg10[%mul3A_52, %dma_start3A_79] : memref<80x128xi32, #tpu.memory_space<vmem>> -> memref<1x128xi32, #tpu.memory_space<vmem>>
        %dma_start3A_81 = tpu.memref_squeeze %dma_start3A_80 : memref<1x128xi32, #tpu.memory_space<vmem>> -> memref<128xi32, #tpu.memory_space<vmem>>
        %dma_start3A_82 = arith.constant 0 : i32
        %dma_start3A_83 = arith.constant 0 : i32
        %dma_start3A_84 = tpu.memref_slice %arg15[%dma_start3A_82, %dma_start3A_83] : memref<15360x64xf32, #tpu.memory_space<vmem_shared>> -> memref<15360x64xf32, #tpu.memory_space<vmem_shared>>
        tpu.enqueue_indirect_dma source(%arg12 : memref<128x64xf32, #tpu.memory_space<vmem>>) target(%dma_start3A_84 : memref<15360x64xf32, #tpu.memory_space<vmem_shared>>) offsets(%dma_start3A_81 : memref<128xi32, #tpu.memory_space<vmem>>) semaphore(%run_scoped3A : memref<!tpu.dma_semaphore, #tpu.memory_space<semaphore_mem>>) {add = true}
        %dma_wait3A_85 = arith.constant 0 : i32
        %dma_wait3A_86 = tpu.memref_slice %arg10[%mul3A_52, %dma_wait3A_85] : memref<80x128xi32, #tpu.memory_space<vmem>> -> memref<1x128xi32, #tpu.memory_space<vmem>>
        %dma_wait3A_87 = tpu.memref_squeeze %dma_wait3A_86 : memref<1x128xi32, #tpu.memory_space<vmem>> -> memref<128xi32, #tpu.memory_space<vmem>>
        %dma_wait3A_88 = arith.constant 0 : i32
        %dma_wait3A_89 = arith.constant 0 : i32
        %dma_wait3A_90 = tpu.memref_slice %arg15[%dma_wait3A_88, %dma_wait3A_89] : memref<15360x64xf32, #tpu.memory_space<vmem_shared>> -> memref<15360x64xf32, #tpu.memory_space<vmem_shared>>
        tpu.wait_indirect_dma semaphore(%run_scoped3A : memref<!tpu.dma_semaphore, #tpu.memory_space<semaphore_mem>>) src(%arg12 : memref<128x64xf32, #tpu.memory_space<vmem>>) dst(%dma_wait3A_90 : memref<15360x64xf32, #tpu.memory_space<vmem_shared>>)
        tpu.yield
      }) : () -> ()
      %sub3A = arith.constant 1 : i32
      %sub3A_65 = arith.subi %shift_right_arithmetic3A_9, %sub3A : i32
      %lt3A = arith.cmpi slt, %while3A_50, %sub3A_65 : i32
      %convert_element_type3A_66 = arith.extui %lt3A : i1 to i32
      %cond3A_67 = arith.constant 0 : i32
      %cond3A_68 = arith.cmpi ne, %convert_element_type3A_66, %cond3A_67 : i32
      scf.if %cond3A_68 {
        %add3A_79 = arith.constant 2 : i32
        %add3A_80 = arith.addi %mul3A_52, %add3A_79 : i32
        %dma_start3A_81 = arith.constant 0 : i32
        %dma_start3A_82 = tpu.memref_slice %arg11[%add3A_80, %dma_start3A_81] : memref<80x128xi32, #tpu.memory_space<vmem>> -> memref<1x128xi32, #tpu.memory_space<vmem>>
        %dma_start3A_83 = tpu.memref_squeeze %dma_start3A_82 : memref<1x128xi32, #tpu.memory_space<vmem>> -> memref<128xi32, #tpu.memory_space<vmem>>
        %dma_start3A_84 = arith.constant 0 : i32
        %dma_start3A_85 = arith.constant 0 : i32
        %dma_start3A_86 = tpu.memref_slice %arg3[%dma_start3A_84, %dma_start3A_85] : memref<30720x64xf32, #tpu.memory_space<hbm>> -> memref<30720x64xf32, #tpu.memory_space<hbm>>
        tpu.enqueue_indirect_dma source(%dma_start3A_86 : memref<30720x64xf32, #tpu.memory_space<hbm>>) target(%arg12 : memref<128x64xf32, #tpu.memory_space<vmem>>) offsets(%dma_start3A_83 : memref<128xi32, #tpu.memory_space<vmem>>) semaphore(%arg16 : memref<!tpu.dma_semaphore, #tpu.memory_space<semaphore_mem>>)
      } else {
      }
      %add3A_69 = arith.constant 1 : i32
      %add3A_70 = arith.addi %mul3A_52, %add3A_69 : i32
      %dma_wait3A_71 = arith.constant 0 : i32
      %dma_wait3A_72 = tpu.memref_slice %arg11[%add3A_70, %dma_wait3A_71] : memref<80x128xi32, #tpu.memory_space<vmem>> -> memref<1x128xi32, #tpu.memory_space<vmem>>
      %dma_wait3A_73 = tpu.memref_squeeze %dma_wait3A_72 : memref<1x128xi32, #tpu.memory_space<vmem>> -> memref<128xi32, #tpu.memory_space<vmem>>
      %dma_wait3A_74 = arith.constant 0 : i32
      %dma_wait3A_75 = arith.constant 0 : i32
      %dma_wait3A_76 = tpu.memref_slice %arg3[%dma_wait3A_74, %dma_wait3A_75] : memref<30720x64xf32, #tpu.memory_space<hbm>> -> memref<30720x64xf32, #tpu.memory_space<hbm>>
      tpu.wait_indirect_dma semaphore(%arg17 : memref<!tpu.dma_semaphore, #tpu.memory_space<semaphore_mem>>) src(%dma_wait3A_76 : memref<30720x64xf32, #tpu.memory_space<hbm>>) dst(%arg13 : memref<128x64xf32, #tpu.memory_space<vmem>>)
      %add3A_77 = arith.constant 1 : i32
      %add3A_78 = arith.addi %mul3A_52, %add3A_77 : i32
      "tpu.region"() ({
        %run_scoped3A = tpu.sem_alloc : memref<!tpu.dma_semaphore, #tpu.memory_space<semaphore_mem>>
        %dma_start3A_79 = arith.constant 0 : i32
        %dma_start3A_80 = tpu.memref_slice %arg10[%add3A_78, %dma_start3A_79] : memref<80x128xi32, #tpu.memory_space<vmem>> -> memref<1x128xi32, #tpu.memory_space<vmem>>
        %dma_start3A_81 = tpu.memref_squeeze %dma_start3A_80 : memref<1x128xi32, #tpu.memory_space<vmem>> -> memref<128xi32, #tpu.memory_space<vmem>>
        %dma_start3A_82 = arith.constant 0 : i32
        %dma_start3A_83 = arith.constant 0 : i32
        %dma_start3A_84 = tpu.memref_slice %arg15[%dma_start3A_82, %dma_start3A_83] : memref<15360x64xf32, #tpu.memory_space<vmem_shared>> -> memref<15360x64xf32, #tpu.memory_space<vmem_shared>>
        tpu.enqueue_indirect_dma source(%arg13 : memref<128x64xf32, #tpu.memory_space<vmem>>) target(%dma_start3A_84 : memref<15360x64xf32, #tpu.memory_space<vmem_shared>>) offsets(%dma_start3A_81 : memref<128xi32, #tpu.memory_space<vmem>>) semaphore(%run_scoped3A : memref<!tpu.dma_semaphore, #tpu.memory_space<semaphore_mem>>) {add = true}
        %dma_wait3A_85 = arith.constant 0 : i32
        %dma_wait3A_86 = tpu.memref_slice %arg10[%add3A_78, %dma_wait3A_85] : memref<80x128xi32, #tpu.memory_space<vmem>> -> memref<1x128xi32, #tpu.memory_space<vmem>>
        %dma_wait3A_87 = tpu.memref_squeeze %dma_wait3A_86 : memref<1x128xi32, #tpu.memory_space<vmem>> -> memref<128xi32, #tpu.memory_space<vmem>>
        %dma_wait3A_88 = arith.constant 0 : i32
        %dma_wait3A_89 = arith.constant 0 : i32
        %dma_wait3A_90 = tpu.memref_slice %arg15[%dma_wait3A_88, %dma_wait3A_89] : memref<15360x64xf32, #tpu.memory_space<vmem_shared>> -> memref<15360x64xf32, #tpu.memory_space<vmem_shared>>
        tpu.wait_indirect_dma semaphore(%run_scoped3A : memref<!tpu.dma_semaphore, #tpu.memory_space<semaphore_mem>>) src(%arg13 : memref<128x64xf32, #tpu.memory_space<vmem>>) dst(%dma_wait3A_90 : memref<15360x64xf32, #tpu.memory_space<vmem_shared>>)
        tpu.yield
      }) : () -> ()
    }
    %while3A_43 = arith.constant 1 : i32
    scf.for %while3A_50 = %while3A_41 to %while3A_37 step %while3A_43  : i32 {
      %mul3A_51 = arith.constant 2 : i32
      %mul3A_52 = arith.muli %mul3A_51, %while3A_50 : i32
      %add3A_53 = arith.constant 1 : i32
      %add3A_54 = arith.addi %mul3A_52, %add3A_53 : i32
      %dma_start3A = arith.constant 0 : i32
      %dma_start3A_55 = tpu.memref_slice %arg11[%add3A_54, %dma_start3A] : memref<80x128xi32, #tpu.memory_space<vmem>> -> memref<1x128xi32, #tpu.memory_space<vmem>>
      %dma_start3A_56 = tpu.memref_squeeze %dma_start3A_55 : memref<1x128xi32, #tpu.memory_space<vmem>> -> memref<128xi32, #tpu.memory_space<vmem>>
      %dma_start3A_57 = arith.constant 0 : i32
      %dma_start3A_58 = arith.constant 0 : i32
      %dma_start3A_59 = tpu.memref_slice %arg3[%dma_start3A_57, %dma_start3A_58] : memref<30720x64xf32, #tpu.memory_space<hbm>> -> memref<30720x64xf32, #tpu.memory_space<hbm>>
      tpu.enqueue_indirect_dma source(%dma_start3A_59 : memref<30720x64xf32, #tpu.memory_space<hbm>>) target(%arg13 : memref<128x64xf32, #tpu.memory_space<vmem>>) offsets(%dma_start3A_56 : memref<128xi32, #tpu.memory_space<vmem>>) semaphore(%arg17 : memref<!tpu.dma_semaphore, #tpu.memory_space<semaphore_mem>>)
      %dma_wait3A = arith.constant 0 : i32
      %dma_wait3A_60 = tpu.memref_slice %arg11[%mul3A_52, %dma_wait3A] : memref<80x128xi32, #tpu.memory_space<vmem>> -> memref<1x128xi32, #tpu.memory_space<vmem>>
      %dma_wait3A_61 = tpu.memref_squeeze %dma_wait3A_60 : memref<1x128xi32, #tpu.memory_space<vmem>> -> memref<128xi32, #tpu.memory_space<vmem>>
      %dma_wait3A_62 = arith.constant 0 : i32
      %dma_wait3A_63 = arith.constant 0 : i32
      %dma_wait3A_64 = tpu.memref_slice %arg3[%dma_wait3A_62, %dma_wait3A_63] : memref<30720x64xf32, #tpu.memory_space<hbm>> -> memref<30720x64xf32, #tpu.memory_space<hbm>>
      tpu.wait_indirect_dma semaphore(%arg16 : memref<!tpu.dma_semaphore, #tpu.memory_space<semaphore_mem>>) src(%dma_wait3A_64 : memref<30720x64xf32, #tpu.memory_space<hbm>>) dst(%arg12 : memref<128x64xf32, #tpu.memory_space<vmem>>)
      "tpu.region"() ({
        %run_scoped3A = tpu.sem_alloc : memref<!tpu.dma_semaphore, #tpu.memory_space<semaphore_mem>>
        %dma_start3A_79 = arith.constant 0 : i32
        %dma_start3A_80 = tpu.memref_slice %arg10[%mul3A_52, %dma_start3A_79] : memref<80x128xi32, #tpu.memory_space<vmem>> -> memref<1x128xi32, #tpu.memory_space<vmem>>
        %dma_start3A_81 = tpu.memref_squeeze %dma_start3A_80 : memref<1x128xi32, #tpu.memory_space<vmem>> -> memref<128xi32, #tpu.memory_space<vmem>>
        %dma_start3A_82 = arith.constant 0 : i32
        %dma_start3A_83 = arith.constant 0 : i32
        %dma_start3A_84 = tpu.memref_slice %arg15[%dma_start3A_82, %dma_start3A_83] : memref<15360x64xf32, #tpu.memory_space<vmem_shared>> -> memref<15360x64xf32, #tpu.memory_space<vmem_shared>>
        tpu.enqueue_indirect_dma source(%arg12 : memref<128x64xf32, #tpu.memory_space<vmem>>) target(%dma_start3A_84 : memref<15360x64xf32, #tpu.memory_space<vmem_shared>>) offsets(%dma_start3A_81 : memref<128xi32, #tpu.memory_space<vmem>>) semaphore(%run_scoped3A : memref<!tpu.dma_semaphore, #tpu.memory_space<semaphore_mem>>) {add = true}
        %dma_wait3A_85 = arith.constant 0 : i32
        %dma_wait3A_86 = tpu.memref_slice %arg10[%mul3A_52, %dma_wait3A_85] : memref<80x128xi32, #tpu.memory_space<vmem>> -> memref<1x128xi32, #tpu.memory_space<vmem>>
        %dma_wait3A_87 = tpu.memref_squeeze %dma_wait3A_86 : memref<1x128xi32, #tpu.memory_space<vmem>> -> memref<128xi32, #tpu.memory_space<vmem>>
        %dma_wait3A_88 = arith.constant 0 : i32
        %dma_wait3A_89 = arith.constant 0 : i32
        %dma_wait3A_90 = tpu.memref_slice %arg15[%dma_wait3A_88, %dma_wait3A_89] : memref<15360x64xf32, #tpu.memory_space<vmem_shared>> -> memref<15360x64xf32, #tpu.memory_space<vmem_shared>>
        tpu.wait_indirect_dma semaphore(%run_scoped3A : memref<!tpu.dma_semaphore, #tpu.memory_space<semaphore_mem>>) src(%arg12 : memref<128x64xf32, #tpu.memory_space<vmem>>) dst(%dma_wait3A_90 : memref<15360x64xf32, #tpu.memory_space<vmem_shared>>)
        tpu.yield
      }) : () -> ()
      %sub3A = arith.constant 1 : i32
      %sub3A_65 = arith.subi %shift_right_arithmetic3A_9, %sub3A : i32
      %lt3A = arith.cmpi slt, %while3A_50, %sub3A_65 : i32
      %convert_element_type3A_66 = arith.extui %lt3A : i1 to i32
      %cond3A_67 = arith.constant 0 : i32
      %cond3A_68 = arith.cmpi ne, %convert_element_type3A_66, %cond3A_67 : i32
      scf.if %cond3A_68 {
        %add3A_79 = arith.constant 2 : i32
        %add3A_80 = arith.addi %mul3A_52, %add3A_79 : i32
        %dma_start3A_81 = arith.constant 0 : i32
        %dma_start3A_82 = tpu.memref_slice %arg11[%add3A_80, %dma_start3A_81] : memref<80x128xi32, #tpu.memory_space<vmem>> -> memref<1x128xi32, #tpu.memory_space<vmem>>
        %dma_start3A_83 = tpu.memref_squeeze %dma_start3A_82 : memref<1x128xi32, #tpu.memory_space<vmem>> -> memref<128xi32, #tpu.memory_space<vmem>>
        %dma_start3A_84 = arith.constant 0 : i32
        %dma_start3A_85 = arith.constant 0 : i32
        %dma_start3A_86 = tpu.memref_slice %arg3[%dma_start3A_84, %dma_start3A_85] : memref<30720x64xf32, #tpu.memory_space<hbm>> -> memref<30720x64xf32, #tpu.memory_space<hbm>>
        tpu.enqueue_indirect_dma source(%dma_start3A_86 : memref<30720x64xf32, #tpu.memory_space<hbm>>) target(%arg12 : memref<128x64xf32, #tpu.memory_space<vmem>>) offsets(%dma_start3A_83 : memref<128xi32, #tpu.memory_space<vmem>>) semaphore(%arg16 : memref<!tpu.dma_semaphore, #tpu.memory_space<semaphore_mem>>)
      } else {
      }
      %add3A_69 = arith.constant 1 : i32
      %add3A_70 = arith.addi %mul3A_52, %add3A_69 : i32
      %dma_wait3A_71 = arith.constant 0 : i32
      %dma_wait3A_72 = tpu.memref_slice %arg11[%add3A_70, %dma_wait3A_71] : memref<80x128xi32, #tpu.memory_space<vmem>> -> memref<1x128xi32, #tpu.memory_space<vmem>>
      %dma_wait3A_73 = tpu.memref_squeeze %dma_wait3A_72 : memref<1x128xi32, #tpu.memory_space<vmem>> -> memref<128xi32, #tpu.memory_space<vmem>>
      %dma_wait3A_74 = arith.constant 0 : i32
      %dma_wait3A_75 = arith.constant 0 : i32
      %dma_wait3A_76 = tpu.memref_slice %arg3[%dma_wait3A_74, %dma_wait3A_75] : memref<30720x64xf32, #tpu.memory_space<hbm>> -> memref<30720x64xf32, #tpu.memory_space<hbm>>
      tpu.wait_indirect_dma semaphore(%arg17 : memref<!tpu.dma_semaphore, #tpu.memory_space<semaphore_mem>>) src(%dma_wait3A_76 : memref<30720x64xf32, #tpu.memory_space<hbm>>) dst(%arg13 : memref<128x64xf32, #tpu.memory_space<vmem>>)
      %add3A_77 = arith.constant 1 : i32
      %add3A_78 = arith.addi %mul3A_52, %add3A_77 : i32
      "tpu.region"() ({
        %run_scoped3A = tpu.sem_alloc : memref<!tpu.dma_semaphore, #tpu.memory_space<semaphore_mem>>
        %dma_start3A_79 = arith.constant 0 : i32
        %dma_start3A_80 = tpu.memref_slice %arg10[%add3A_78, %dma_start3A_79] : memref<80x128xi32, #tpu.memory_space<vmem>> -> memref<1x128xi32, #tpu.memory_space<vmem>>
        %dma_start3A_81 = tpu.memref_squeeze %dma_start3A_80 : memref<1x128xi32, #tpu.memory_space<vmem>> -> memref<128xi32, #tpu.memory_space<vmem>>
        %dma_start3A_82 = arith.constant 0 : i32
        %dma_start3A_83 = arith.constant 0 : i32
        %dma_start3A_84 = tpu.memref_slice %arg15[%dma_start3A_82, %dma_start3A_83] : memref<15360x64xf32, #tpu.memory_space<vmem_shared>> -> memref<15360x64xf32, #tpu.memory_space<vmem_shared>>
        tpu.enqueue_indirect_dma source(%arg13 : memref<128x64xf32, #tpu.memory_space<vmem>>) target(%dma_start3A_84 : memref<15360x64xf32, #tpu.memory_space<vmem_shared>>) offsets(%dma_start3A_81 : memref<128xi32, #tpu.memory_space<vmem>>) semaphore(%run_scoped3A : memref<!tpu.dma_semaphore, #tpu.memory_space<semaphore_mem>>) {add = true}
        %dma_wait3A_85 = arith.constant 0 : i32
        %dma_wait3A_86 = tpu.memref_slice %arg10[%add3A_78, %dma_wait3A_85] : memref<80x128xi32, #tpu.memory_space<vmem>> -> memref<1x128xi32, #tpu.memory_space<vmem>>
        %dma_wait3A_87 = tpu.memref_squeeze %dma_wait3A_86 : memref<1x128xi32, #tpu.memory_space<vmem>> -> memref<128xi32, #tpu.memory_space<vmem>>
        %dma_wait3A_88 = arith.constant 0 : i32
        %dma_wait3A_89 = arith.constant 0 : i32
        %dma_wait3A_90 = tpu.memref_slice %arg15[%dma_wait3A_88, %dma_wait3A_89] : memref<15360x64xf32, #tpu.memory_space<vmem_shared>> -> memref<15360x64xf32, #tpu.memory_space<vmem_shared>>
        tpu.wait_indirect_dma semaphore(%run_scoped3A : memref<!tpu.dma_semaphore, #tpu.memory_space<semaphore_mem>>) src(%arg13 : memref<128x64xf32, #tpu.memory_space<vmem>>) dst(%dma_wait3A_90 : memref<15360x64xf32, #tpu.memory_space<vmem_shared>>)
        tpu.yield
      }) : () -> ()
    }
    %barrier3A_44 = arith.constant 0 : index
    tpu.barrier barrier_id(%barrier3A_44)
    %mul3A_45 = arith.constant 960 : i32
    %mul3A_46 = arith.muli %arg1, %mul3A_45 : i32
    %mul3A_47 = arith.constant 960 : i32
    %mul3A_48 = arith.muli %arg1, %mul3A_47 : i32
    "tpu.region"() ({
      %run_scoped3A = tpu.sem_alloc : memref<!tpu.dma_semaphore, #tpu.memory_space<semaphore_mem>>
      %dma_start3A = arith.constant 0 : i32
      %dma_start3A_50 = tpu.memref_slice %arg9[%arg0, %mul3A_48, %dma_start3A] : memref<2x15360x64xf32, #tpu.memory_space<hbm>> -> memref<1x960x64xf32, #tpu.memory_space<hbm>>
      %dma_start3A_51 = tpu.memref_squeeze %dma_start3A_50 : memref<1x960x64xf32, #tpu.memory_space<hbm>> -> memref<960x64xf32, #tpu.memory_space<hbm>>
      %dma_start3A_52 = arith.constant 0 : i32
      %dma_start3A_53 = tpu.memref_slice %arg15[%mul3A_46, %dma_start3A_52] : memref<15360x64xf32, #tpu.memory_space<vmem_shared>> -> memref<960x64xf32, #tpu.memory_space<vmem_shared>>
      tpu.enqueue_dma source(%dma_start3A_53 : memref<960x64xf32, #tpu.memory_space<vmem_shared>>) target(%dma_start3A_51 : memref<960x64xf32, #tpu.memory_space<hbm>>) target_semaphore(%run_scoped3A : memref<!tpu.dma_semaphore, #tpu.memory_space<semaphore_mem>>)
      %dma_wait3A = arith.constant 0 : i32
      %dma_wait3A_54 = tpu.memref_slice %arg9[%arg0, %mul3A_48, %dma_wait3A] : memref<2x15360x64xf32, #tpu.memory_space<hbm>> -> memref<1x960x64xf32, #tpu.memory_space<hbm>>
      %dma_wait3A_55 = tpu.memref_squeeze %dma_wait3A_54 : memref<1x960x64xf32, #tpu.memory_space<hbm>> -> memref<960x64xf32, #tpu.memory_space<hbm>>
      %dma_wait3A_56 = arith.constant 0 : i32
      %dma_wait3A_57 = tpu.memref_slice %arg15[%mul3A_46, %dma_wait3A_56] : memref<15360x64xf32, #tpu.memory_space<vmem_shared>> -> memref<960x64xf32, #tpu.memory_space<vmem_shared>>
      tpu.wait_dma2 semaphore(%run_scoped3A : memref<!tpu.dma_semaphore, #tpu.memory_space<semaphore_mem>>) src(%dma_wait3A_57 : memref<960x64xf32, #tpu.memory_space<vmem_shared>>) dst(%dma_wait3A_55 : memref<960x64xf32, #tpu.memory_space<hbm>>)
      tpu.yield
    }) : () -> ()
    %barrier3A_49 = arith.constant 0 : index
    tpu.barrier barrier_id(%barrier3A_49)
    return
  }
}

#map = affine_map<(d0, d1) -> (0)>
#map1 = affine_map<(d0, d1) -> (0, 0, 0)>
module attributes {stable_mosaic.version = 14 : i64} {
  func.func @_sc_index_body(%arg0: i32, %arg1: i32, %arg2: memref<10240xi32, #tpu.memory_space<hbm>>, %arg3: memref<16x80x128xi32, #tpu.memory_space<hbm>>, %arg4: memref<10240xi32, #tpu.memory_space<hbm>>, %arg5: memref<10240xi32, #tpu.memory_space<hbm>>, %arg6: memref<2x16x10240xi32, #tpu.memory_space<hbm>>, %arg7: memref<2x16x10240xi32, #tpu.memory_space<hbm>>, %arg8: memref<2x16x16xi32, #tpu.memory_space<hbm>>, %arg9: memref<10240xi32, #tpu.memory_space<vmem>>, %arg10: memref<80x128xi32, #tpu.memory_space<vmem>>, %arg11: memref<10368xi32, #tpu.memory_space<vmem>>, %arg12: memref<10368xi32, #tpu.memory_space<vmem>>, %arg13: memref<16xi32, #tpu.memory_space<vmem>>, %arg14: memref<!tpu.dma_semaphore, #tpu.memory_space<semaphore_mem>>) attributes {dimension_semantics = [#tpu.dimension_semantics<core_parallel>, #tpu.dimension_semantics<subcore_parallel>], iteration_bounds = array<i64: 2, 16>, scalar_prefetch = 0 : i64, scratch_operands = 6 : i64, tpu.core_type = #tpu.core_type<sc_vector_subcore>, window_params = [{transform_indices = #map}, {transform_indices = #map1}, {transform_indices = #map}, {transform_indices = #map}, {transform_indices = #map1}, {transform_indices = #map1}, {transform_indices = #map1}]} {
    "tpu.region"() ({
      %run_scoped3A = tpu.sem_alloc : memref<!tpu.dma_semaphore, #tpu.memory_space<semaphore_mem>>
      tpu.enqueue_dma source(%arg2 : memref<10240xi32, #tpu.memory_space<hbm>>) target(%arg9 : memref<10240xi32, #tpu.memory_space<vmem>>) target_semaphore(%run_scoped3A : memref<!tpu.dma_semaphore, #tpu.memory_space<semaphore_mem>>)
      tpu.wait_dma2 semaphore(%run_scoped3A : memref<!tpu.dma_semaphore, #tpu.memory_space<semaphore_mem>>) src(%arg2 : memref<10240xi32, #tpu.memory_space<hbm>>) dst(%arg9 : memref<10240xi32, #tpu.memory_space<vmem>>)
      tpu.yield
    }) : () -> ()
    "tpu.region"() ({
      %run_scoped3A = tpu.sem_alloc : memref<!tpu.dma_semaphore, #tpu.memory_space<semaphore_mem>>
      %dma_start3A = arith.constant 0 : i32
      %dma_start3A_33 = arith.constant 0 : i32
      %dma_start3A_34 = tpu.memref_slice %arg3[%arg1, %dma_start3A, %dma_start3A_33] : memref<16x80x128xi32, #tpu.memory_space<hbm>> -> memref<1x80x128xi32, #tpu.memory_space<hbm>>
      %dma_start3A_35 = tpu.memref_squeeze %dma_start3A_34 : memref<1x80x128xi32, #tpu.memory_space<hbm>> -> memref<80x128xi32, #tpu.memory_space<hbm>>
      %dma_start3A_36 = arith.constant 0 : i32
      %dma_start3A_37 = arith.constant 0 : i32
      %dma_start3A_38 = tpu.memref_slice %arg3[%arg1, %dma_start3A_36, %dma_start3A_37] : memref<16x80x128xi32, #tpu.memory_space<hbm>> -> memref<1x80x128xi32, #tpu.memory_space<hbm>>
      %dma_start3A_39 = tpu.memref_squeeze %dma_start3A_38 : memref<1x80x128xi32, #tpu.memory_space<hbm>> -> memref<80x128xi32, #tpu.memory_space<hbm>>
      tpu.enqueue_dma source(%dma_start3A_39 : memref<80x128xi32, #tpu.memory_space<hbm>>) target(%arg10 : memref<80x128xi32, #tpu.memory_space<vmem>>) target_semaphore(%run_scoped3A : memref<!tpu.dma_semaphore, #tpu.memory_space<semaphore_mem>>)
      %dma_wait3A = arith.constant 0 : i32
      %dma_wait3A_40 = arith.constant 0 : i32
      %dma_wait3A_41 = tpu.memref_slice %arg3[%arg1, %dma_wait3A, %dma_wait3A_40] : memref<16x80x128xi32, #tpu.memory_space<hbm>> -> memref<1x80x128xi32, #tpu.memory_space<hbm>>
      %dma_wait3A_42 = tpu.memref_squeeze %dma_wait3A_41 : memref<1x80x128xi32, #tpu.memory_space<hbm>> -> memref<80x128xi32, #tpu.memory_space<hbm>>
      %dma_wait3A_43 = arith.constant 0 : i32
      %dma_wait3A_44 = arith.constant 0 : i32
      %dma_wait3A_45 = tpu.memref_slice %arg3[%arg1, %dma_wait3A_43, %dma_wait3A_44] : memref<16x80x128xi32, #tpu.memory_space<hbm>> -> memref<1x80x128xi32, #tpu.memory_space<hbm>>
      %dma_wait3A_46 = tpu.memref_squeeze %dma_wait3A_45 : memref<1x80x128xi32, #tpu.memory_space<hbm>> -> memref<80x128xi32, #tpu.memory_space<hbm>>
      tpu.wait_dma2 semaphore(%run_scoped3A : memref<!tpu.dma_semaphore, #tpu.memory_space<semaphore_mem>>) src(%dma_wait3A_46 : memref<80x128xi32, #tpu.memory_space<hbm>>) dst(%arg10 : memref<80x128xi32, #tpu.memory_space<vmem>>)
      tpu.yield
    }) : () -> ()
    "tpu.region"() ({
      %run_scoped3A = tpu.sem_alloc : memref<!tpu.dma_semaphore, #tpu.memory_space<semaphore_mem>>
      %dma_start3A = arith.constant 0 : i32
      %dma_start3A_33 = tpu.memref_slice %arg11[%dma_start3A] : memref<10368xi32, #tpu.memory_space<vmem>> -> memref<10240xi32, #tpu.memory_space<vmem>>
      %dma_start3A_34 = arith.constant 0 : i32
      %dma_start3A_35 = tpu.memref_slice %arg11[%dma_start3A_34] : memref<10368xi32, #tpu.memory_space<vmem>> -> memref<10240xi32, #tpu.memory_space<vmem>>
      tpu.enqueue_dma source(%arg4 : memref<10240xi32, #tpu.memory_space<hbm>>) target(%dma_start3A_35 : memref<10240xi32, #tpu.memory_space<vmem>>) target_semaphore(%run_scoped3A : memref<!tpu.dma_semaphore, #tpu.memory_space<semaphore_mem>>)
      %dma_wait3A = arith.constant 0 : i32
      %dma_wait3A_36 = tpu.memref_slice %arg11[%dma_wait3A] : memref<10368xi32, #tpu.memory_space<vmem>> -> memref<10240xi32, #tpu.memory_space<vmem>>
      %dma_wait3A_37 = arith.constant 0 : i32
      %dma_wait3A_38 = tpu.memref_slice %arg11[%dma_wait3A_37] : memref<10368xi32, #tpu.memory_space<vmem>> -> memref<10240xi32, #tpu.memory_space<vmem>>
      tpu.wait_dma2 semaphore(%run_scoped3A : memref<!tpu.dma_semaphore, #tpu.memory_space<semaphore_mem>>) src(%arg4 : memref<10240xi32, #tpu.memory_space<hbm>>) dst(%dma_wait3A_38 : memref<10240xi32, #tpu.memory_space<vmem>>)
      tpu.yield
    }) : () -> ()
    "tpu.region"() ({
      %run_scoped3A = tpu.sem_alloc : memref<!tpu.dma_semaphore, #tpu.memory_space<semaphore_mem>>
      %dma_start3A = arith.constant 0 : i32
      %dma_start3A_33 = tpu.memref_slice %arg12[%dma_start3A] : memref<10368xi32, #tpu.memory_space<vmem>> -> memref<10240xi32, #tpu.memory_space<vmem>>
      %dma_start3A_34 = arith.constant 0 : i32
      %dma_start3A_35 = tpu.memref_slice %arg12[%dma_start3A_34] : memref<10368xi32, #tpu.memory_space<vmem>> -> memref<10240xi32, #tpu.memory_space<vmem>>
      tpu.enqueue_dma source(%arg5 : memref<10240xi32, #tpu.memory_space<hbm>>) target(%dma_start3A_35 : memref<10240xi32, #tpu.memory_space<vmem>>) target_semaphore(%run_scoped3A : memref<!tpu.dma_semaphore, #tpu.memory_space<semaphore_mem>>)
      %dma_wait3A = arith.constant 0 : i32
      %dma_wait3A_36 = tpu.memref_slice %arg12[%dma_wait3A] : memref<10368xi32, #tpu.memory_space<vmem>> -> memref<10240xi32, #tpu.memory_space<vmem>>
      %dma_wait3A_37 = arith.constant 0 : i32
      %dma_wait3A_38 = tpu.memref_slice %arg12[%dma_wait3A_37] : memref<10368xi32, #tpu.memory_space<vmem>> -> memref<10240xi32, #tpu.memory_space<vmem>>
      tpu.wait_dma2 semaphore(%run_scoped3A : memref<!tpu.dma_semaphore, #tpu.memory_space<semaphore_mem>>) src(%arg5 : memref<10240xi32, #tpu.memory_space<hbm>>) dst(%dma_wait3A_38 : memref<10240xi32, #tpu.memory_space<vmem>>)
      tpu.yield
    }) : () -> ()
    %mul3A = arith.constant 10240 : i32
    %mul3A_0 = arith.muli %arg1, %mul3A : i32
    %mul3A_1 = arith.constant 5000 : i32
    %mul3A_2 = arith.muli %arg0, %mul3A_1 : i32
    %scan3A = arith.constant 0 : i32
    %scan3A_3 = arith.constant 0 : i32
    %scan3A_4 = arith.constant 80 : i32
    %scan3A_5 = arith.addi %scan3A_3, %scan3A_4 : i32
    %scan3A_6 = arith.constant 1 : i32
    %scan3A_7 = scf.for %scan3A_33 = %scan3A_3 to %scan3A_5 step %scan3A_6 iter_args(%scan3A_34 = %scan3A) -> (i32)  : i32 {
      %mul3A_35 = arith.constant 128 : i32
      %mul3A_36 = arith.muli %scan3A_33, %mul3A_35 : i32
      %add3A_37 = arith.constant 0 : i32
      %add3A_38 = arith.addi %mul3A_36, %add3A_37 : i32
      %iota3A = tpu.iota {dimensions = array<i32: 0>} : vector<16xi32>
      %add3A_39 = vector.broadcast %add3A_38 : i32 to vector<16xi32>
      %add3A_40 = arith.addi %add3A_39, %iota3A : vector<16xi32>
      %add3A_41 = vector.broadcast %mul3A_0 : i32 to vector<16xi32>
      %add3A_42 = arith.addi %add3A_41, %add3A_40 : vector<16xi32>
      %get3A = arith.index_cast %scan3A_33 : i32 to index
      %get3A_43 = arith.constant 0 : index
      %get3A_44 = tpu.vector_load %arg10[%get3A, %get3A_43] {strides = array<i32>} : memref<80x128xi32, #tpu.memory_space<vmem>>, vector<16xi32>,
      %shift_right_logical3A = arith.constant 4 : i32
      %shift_right_logical3A_45 = vector.broadcast %shift_right_logical3A : i32 to vector<16xi32>
      %shift_right_logical3A_46 = arith.shrui %add3A_42, %shift_right_logical3A_45 : vector<16xi32>
      %gather3A = tpu.vector_load_idx %arg9[%get3A_44] : memref<10240xi32, #tpu.memory_space<vmem>>[vector<16xi32>], vector<16xi32>,
      %gather3A_47 = tpu.vector_load_idx %arg9[%shift_right_logical3A_46] : memref<10240xi32, #tpu.memory_space<vmem>>[vector<16xi32>], vector<16xi32>,
      %eq3A = arith.constant 0 : i32
      %eq3A_48 = vector.broadcast %eq3A : i32 to vector<16xi32>
      %eq3A_49 = arith.cmpi eq, %gather3A_47, %eq3A_48 : vector<16xi32>
      %eq3A_50 = arith.constant 0 : i32
      %eq3A_51 = vector.broadcast %eq3A_50 : i32 to vector<16xi32>
      %eq3A_52 = arith.cmpi eq, %gather3A, %eq3A_51 : vector<16xi32>
      %and3A = arith.andi %eq3A_49, %eq3A_52 : vector<16xi1>
      %eq3A_53 = arith.constant 1 : i32
      %eq3A_54 = vector.broadcast %eq3A_53 : i32 to vector<16xi32>
      %eq3A_55 = arith.cmpi eq, %gather3A_47, %eq3A_54 : vector<16xi32>
      %eq3A_56 = arith.constant 1 : i32
      %eq3A_57 = vector.broadcast %eq3A_56 : i32 to vector<16xi32>
      %eq3A_58 = arith.cmpi eq, %gather3A, %eq3A_57 : vector<16xi32>
      %and3A_59 = arith.andi %eq3A_55, %eq3A_58 : vector<16xi1>
      %jit3A = arith.constant 2 : i32
      %jit3A_60 = arith.constant 1 : i32
      %broadcast_in_dim3A_61 = vector.broadcast %jit3A : i32 to vector<16xi32>
      %broadcast_in_dim3A_62 = vector.broadcast %jit3A_60 : i32 to vector<16xi32>
      %select_n3A = arith.select %and3A_59, %broadcast_in_dim3A_61, %broadcast_in_dim3A_62 : vector<16xi1>, vector<16xi32>
      %jit3A_63 = arith.constant 0 : i32
      %broadcast_in_dim3A_64 = vector.broadcast %jit3A_63 : i32 to vector<16xi32>
      %select_n3A_65 = arith.select %and3A, %broadcast_in_dim3A_64, %select_n3A : vector<16xi1>, vector<16xi32>
      %lt3A = arith.constant 160000 : i32
      %lt3A_66 = vector.broadcast %lt3A : i32 to vector<16xi32>
      %lt3A_67 = arith.cmpi slt, %add3A_42, %lt3A_66 : vector<16xi32>
      %ge3A = vector.broadcast %mul3A_2 : i32 to vector<16xi32>
      %ge3A_68 = arith.cmpi sge, %get3A_44, %ge3A : vector<16xi32>
      %and3A_69 = arith.andi %lt3A_67, %ge3A_68 : vector<16xi1>
      %add3A_70 = arith.constant 5000 : i32
      %add3A_71 = arith.addi %mul3A_2, %add3A_70 : i32
      %lt3A_72 = vector.broadcast %add3A_71 : i32 to vector<16xi32>
      %lt3A_73 = arith.cmpi slt, %get3A_44, %lt3A_72 : vector<16xi32>
      %and3A_74 = arith.andi %and3A_69, %lt3A_73 : vector<16xi1>
      %mul3A_75 = arith.constant 5120 : i32
      %mul3A_76 = vector.broadcast %mul3A_75 : i32 to vector<16xi32>
      %mul3A_77 = arith.muli %select_n3A_65, %mul3A_76 : vector<16xi32>
      %add3A_78 = arith.addi %mul3A_77, %get3A_44 : vector<16xi32>
      %sub3A = vector.broadcast %mul3A_2 : i32 to vector<16xi32>
      %sub3A_79 = arith.subi %add3A_78, %sub3A : vector<16xi32>
      %swap3A_80 = arith.index_cast %scan3A_34 : i32 to index
      %swap3A_81 = tpu.vector_load %arg11[%swap3A_80] masked %and3A_74 {strides = array<i32>} : memref<10368xi32, #tpu.memory_space<vmem>>, vector<16xi32>, vector<16xi1>
      tpu.vector_store %arg11[%swap3A_80], %sub3A_79 masked %and3A_74 {strides = array<i32>} : memref<10368xi32, #tpu.memory_space<vmem>>, vector<16xi32>, vector<16xi1>
      %mul3A_82 = arith.constant 10240 : i32
      %mul3A_83 = vector.broadcast %mul3A_82 : i32 to vector<16xi32>
      %mul3A_84 = arith.muli %select_n3A_65, %mul3A_83 : vector<16xi32>
      %add3A_85 = arith.addi %mul3A_84, %shift_right_logical3A_46 : vector<16xi32>
      %swap3A_86 = arith.index_cast %scan3A_34 : i32 to index
      %swap3A_87 = tpu.vector_load %arg12[%swap3A_86] masked %and3A_74 {strides = array<i32>} : memref<10368xi32, #tpu.memory_space<vmem>>, vector<16xi32>, vector<16xi1>
      tpu.vector_store %arg12[%swap3A_86], %add3A_85 masked %and3A_74 {strides = array<i32>} : memref<10368xi32, #tpu.memory_space<vmem>>, vector<16xi32>, vector<16xi1>
      %all_reduce_population_count3A = tpu.all_reduce %and3A_74 {dim = 0 : i64, kind = #tpu.reduction_kind<sum>} : vector<16xi1> -> vector<16xi32>
      %slice3A = vector.extract_strided_slice %all_reduce_population_count3A {offsets = [0], sizes = [1], strides = [1]} : vector<16xi32> to vector<1xi32>
      %squeeze3A = vector.extract %slice3A[0] : i32 from vector<1xi32>
      %add3A_88 = arith.addi %scan3A_34, %squeeze3A : i32
      %mul3A_89 = arith.constant 128 : i32
      %mul3A_90 = arith.muli %scan3A_33, %mul3A_89 : i32
      %add3A_91 = arith.constant 16 : i32
      %add3A_92 = arith.addi %mul3A_90, %add3A_91 : i32
      %iota3A_93 = tpu.iota {dimensions = array<i32: 0>} : vector<16xi32>
      %add3A_94 = vector.broadcast %add3A_92 : i32 to vector<16xi32>
      %add3A_95 = arith.addi %add3A_94, %iota3A_93 : vector<16xi32>
      %add3A_96 = vector.broadcast %mul3A_0 : i32 to vector<16xi32>
      %add3A_97 = arith.addi %add3A_96, %add3A_95 : vector<16xi32>
      %get3A_98 = arith.index_cast %scan3A_33 : i32 to index
      %get3A_99 = arith.constant 16 : index
      %get3A_100 = tpu.vector_load %arg10[%get3A_98, %get3A_99] {strides = array<i32>} : memref<80x128xi32, #tpu.memory_space<vmem>>, vector<16xi32>,
      %shift_right_logical3A_101 = arith.constant 4 : i32
      %shift_right_logical3A_102 = vector.broadcast %shift_right_logical3A_101 : i32 to vector<16xi32>
      %shift_right_logical3A_103 = arith.shrui %add3A_97, %shift_right_logical3A_102 : vector<16xi32>
      %gather3A_104 = tpu.vector_load_idx %arg9[%get3A_100] : memref<10240xi32, #tpu.memory_space<vmem>>[vector<16xi32>], vector<16xi32>,
      %gather3A_105 = tpu.vector_load_idx %arg9[%shift_right_logical3A_103] : memref<10240xi32, #tpu.memory_space<vmem>>[vector<16xi32>], vector<16xi32>,
      %eq3A_106 = arith.constant 0 : i32
      %eq3A_107 = vector.broadcast %eq3A_106 : i32 to vector<16xi32>
      %eq3A_108 = arith.cmpi eq, %gather3A_105, %eq3A_107 : vector<16xi32>
      %eq3A_109 = arith.constant 0 : i32
      %eq3A_110 = vector.broadcast %eq3A_109 : i32 to vector<16xi32>
      %eq3A_111 = arith.cmpi eq, %gather3A_104, %eq3A_110 : vector<16xi32>
      %and3A_112 = arith.andi %eq3A_108, %eq3A_111 : vector<16xi1>
      %eq3A_113 = arith.constant 1 : i32
      %eq3A_114 = vector.broadcast %eq3A_113 : i32 to vector<16xi32>
      %eq3A_115 = arith.cmpi eq, %gather3A_105, %eq3A_114 : vector<16xi32>
      %eq3A_116 = arith.constant 1 : i32
      %eq3A_117 = vector.broadcast %eq3A_116 : i32 to vector<16xi32>
      %eq3A_118 = arith.cmpi eq, %gather3A_104, %eq3A_117 : vector<16xi32>
      %and3A_119 = arith.andi %eq3A_115, %eq3A_118 : vector<16xi1>
      %jit3A_120 = arith.constant 2 : i32
      %jit3A_121 = arith.constant 1 : i32
      %broadcast_in_dim3A_122 = vector.broadcast %jit3A_120 : i32 to vector<16xi32>
      %broadcast_in_dim3A_123 = vector.broadcast %jit3A_121 : i32 to vector<16xi32>
      %select_n3A_124 = arith.select %and3A_119, %broadcast_in_dim3A_122, %broadcast_in_dim3A_123 : vector<16xi1>, vector<16xi32>
      %jit3A_125 = arith.constant 0 : i32
      %broadcast_in_dim3A_126 = vector.broadcast %jit3A_125 : i32 to vector<16xi32>
      %select_n3A_127 = arith.select %and3A_112, %broadcast_in_dim3A_126, %select_n3A_124 : vector<16xi1>, vector<16xi32>
      %lt3A_128 = arith.constant 160000 : i32
      %lt3A_129 = vector.broadcast %lt3A_128 : i32 to vector<16xi32>
      %lt3A_130 = arith.cmpi slt, %add3A_97, %lt3A_129 : vector<16xi32>
      %ge3A_131 = vector.broadcast %mul3A_2 : i32 to vector<16xi32>
      %ge3A_132 = arith.cmpi sge, %get3A_100, %ge3A_131 : vector<16xi32>
      %and3A_133 = arith.andi %lt3A_130, %ge3A_132 : vector<16xi1>
      %add3A_134 = arith.constant 5000 : i32
      %add3A_135 = arith.addi %mul3A_2, %add3A_134 : i32
      %lt3A_136 = vector.broadcast %add3A_135 : i32 to vector<16xi32>
      %lt3A_137 = arith.cmpi slt, %get3A_100, %lt3A_136 : vector<16xi32>
      %and3A_138 = arith.andi %and3A_133, %lt3A_137 : vector<16xi1>
      %mul3A_139 = arith.constant 5120 : i32
      %mul3A_140 = vector.broadcast %mul3A_139 : i32 to vector<16xi32>
      %mul3A_141 = arith.muli %select_n3A_127, %mul3A_140 : vector<16xi32>
      %add3A_142 = arith.addi %mul3A_141, %get3A_100 : vector<16xi32>
      %sub3A_143 = vector.broadcast %mul3A_2 : i32 to vector<16xi32>
      %sub3A_144 = arith.subi %add3A_142, %sub3A_143 : vector<16xi32>
      %swap3A_145 = arith.index_cast %add3A_88 : i32 to index
      %swap3A_146 = tpu.vector_load %arg11[%swap3A_145] masked %and3A_138 {strides = array<i32>} : memref<10368xi32, #tpu.memory_space<vmem>>, vector<16xi32>, vector<16xi1>
      tpu.vector_store %arg11[%swap3A_145], %sub3A_144 masked %and3A_138 {strides = array<i32>} : memref<10368xi32, #tpu.memory_space<vmem>>, vector<16xi32>, vector<16xi1>
      %mul3A_147 = arith.constant 10240 : i32
      %mul3A_148 = vector.broadcast %mul3A_147 : i32 to vector<16xi32>
      %mul3A_149 = arith.muli %select_n3A_127, %mul3A_148 : vector<16xi32>
      %add3A_150 = arith.addi %mul3A_149, %shift_right_logical3A_103 : vector<16xi32>
      %swap3A_151 = arith.index_cast %add3A_88 : i32 to index
      %swap3A_152 = tpu.vector_load %arg12[%swap3A_151] masked %and3A_138 {strides = array<i32>} : memref<10368xi32, #tpu.memory_space<vmem>>, vector<16xi32>, vector<16xi1>
      tpu.vector_store %arg12[%swap3A_151], %add3A_150 masked %and3A_138 {strides = array<i32>} : memref<10368xi32, #tpu.memory_space<vmem>>, vector<16xi32>, vector<16xi1>
      %all_reduce_population_count3A_153 = tpu.all_reduce %and3A_138 {dim = 0 : i64, kind = #tpu.reduction_kind<sum>} : vector<16xi1> -> vector<16xi32>
      %slice3A_154 = vector.extract_strided_slice %all_reduce_population_count3A_153 {offsets = [0], sizes = [1], strides = [1]} : vector<16xi32> to vector<1xi32>
      %squeeze3A_155 = vector.extract %slice3A_154[0] : i32 from vector<1xi32>
      %add3A_156 = arith.addi %add3A_88, %squeeze3A_155 : i32
      %mul3A_157 = arith.constant 128 : i32
      %mul3A_158 = arith.muli %scan3A_33, %mul3A_157 : i32
      %add3A_159 = arith.constant 32 : i32
      %add3A_160 = arith.addi %mul3A_158, %add3A_159 : i32
      %iota3A_161 = tpu.iota {dimensions = array<i32: 0>} : vector<16xi32>
      %add3A_162 = vector.broadcast %add3A_160 : i32 to vector<16xi32>
      %add3A_163 = arith.addi %add3A_162, %iota3A_161 : vector<16xi32>
      %add3A_164 = vector.broadcast %mul3A_0 : i32 to vector<16xi32>
      %add3A_165 = arith.addi %add3A_164, %add3A_163 : vector<16xi32>
      %get3A_166 = arith.index_cast %scan3A_33 : i32 to index
      %get3A_167 = arith.constant 32 : index
      %get3A_168 = tpu.vector_load %arg10[%get3A_166, %get3A_167] {strides = array<i32>} : memref<80x128xi32, #tpu.memory_space<vmem>>, vector<16xi32>,
      %shift_right_logical3A_169 = arith.constant 4 : i32
      %shift_right_logical3A_170 = vector.broadcast %shift_right_logical3A_169 : i32 to vector<16xi32>
      %shift_right_logical3A_171 = arith.shrui %add3A_165, %shift_right_logical3A_170 : vector<16xi32>
      %gather3A_172 = tpu.vector_load_idx %arg9[%get3A_168] : memref<10240xi32, #tpu.memory_space<vmem>>[vector<16xi32>], vector<16xi32>,
      %gather3A_173 = tpu.vector_load_idx %arg9[%shift_right_logical3A_171] : memref<10240xi32, #tpu.memory_space<vmem>>[vector<16xi32>], vector<16xi32>,
      %eq3A_174 = arith.constant 0 : i32
      %eq3A_175 = vector.broadcast %eq3A_174 : i32 to vector<16xi32>
      %eq3A_176 = arith.cmpi eq, %gather3A_173, %eq3A_175 : vector<16xi32>
      %eq3A_177 = arith.constant 0 : i32
      %eq3A_178 = vector.broadcast %eq3A_177 : i32 to vector<16xi32>
      %eq3A_179 = arith.cmpi eq, %gather3A_172, %eq3A_178 : vector<16xi32>
      %and3A_180 = arith.andi %eq3A_176, %eq3A_179 : vector<16xi1>
      %eq3A_181 = arith.constant 1 : i32
      %eq3A_182 = vector.broadcast %eq3A_181 : i32 to vector<16xi32>
      %eq3A_183 = arith.cmpi eq, %gather3A_173, %eq3A_182 : vector<16xi32>
      %eq3A_184 = arith.constant 1 : i32
      %eq3A_185 = vector.broadcast %eq3A_184 : i32 to vector<16xi32>
      %eq3A_186 = arith.cmpi eq, %gather3A_172, %eq3A_185 : vector<16xi32>
      %and3A_187 = arith.andi %eq3A_183, %eq3A_186 : vector<16xi1>
      %jit3A_188 = arith.constant 2 : i32
      %jit3A_189 = arith.constant 1 : i32
      %broadcast_in_dim3A_190 = vector.broadcast %jit3A_188 : i32 to vector<16xi32>
      %broadcast_in_dim3A_191 = vector.broadcast %jit3A_189 : i32 to vector<16xi32>
      %select_n3A_192 = arith.select %and3A_187, %broadcast_in_dim3A_190, %broadcast_in_dim3A_191 : vector<16xi1>, vector<16xi32>
      %jit3A_193 = arith.constant 0 : i32
      %broadcast_in_dim3A_194 = vector.broadcast %jit3A_193 : i32 to vector<16xi32>
      %select_n3A_195 = arith.select %and3A_180, %broadcast_in_dim3A_194, %select_n3A_192 : vector<16xi1>, vector<16xi32>
      %lt3A_196 = arith.constant 160000 : i32
      %lt3A_197 = vector.broadcast %lt3A_196 : i32 to vector<16xi32>
      %lt3A_198 = arith.cmpi slt, %add3A_165, %lt3A_197 : vector<16xi32>
      %ge3A_199 = vector.broadcast %mul3A_2 : i32 to vector<16xi32>
      %ge3A_200 = arith.cmpi sge, %get3A_168, %ge3A_199 : vector<16xi32>
      %and3A_201 = arith.andi %lt3A_198, %ge3A_200 : vector<16xi1>
      %add3A_202 = arith.constant 5000 : i32
      %add3A_203 = arith.addi %mul3A_2, %add3A_202 : i32
      %lt3A_204 = vector.broadcast %add3A_203 : i32 to vector<16xi32>
      %lt3A_205 = arith.cmpi slt, %get3A_168, %lt3A_204 : vector<16xi32>
      %and3A_206 = arith.andi %and3A_201, %lt3A_205 : vector<16xi1>
      %mul3A_207 = arith.constant 5120 : i32
      %mul3A_208 = vector.broadcast %mul3A_207 : i32 to vector<16xi32>
      %mul3A_209 = arith.muli %select_n3A_195, %mul3A_208 : vector<16xi32>
      %add3A_210 = arith.addi %mul3A_209, %get3A_168 : vector<16xi32>
      %sub3A_211 = vector.broadcast %mul3A_2 : i32 to vector<16xi32>
      %sub3A_212 = arith.subi %add3A_210, %sub3A_211 : vector<16xi32>
      %swap3A_213 = arith.index_cast %add3A_156 : i32 to index
      %swap3A_214 = tpu.vector_load %arg11[%swap3A_213] masked %and3A_206 {strides = array<i32>} : memref<10368xi32, #tpu.memory_space<vmem>>, vector<16xi32>, vector<16xi1>
      tpu.vector_store %arg11[%swap3A_213], %sub3A_212 masked %and3A_206 {strides = array<i32>} : memref<10368xi32, #tpu.memory_space<vmem>>, vector<16xi32>, vector<16xi1>
      %mul3A_215 = arith.constant 10240 : i32
      %mul3A_216 = vector.broadcast %mul3A_215 : i32 to vector<16xi32>
      %mul3A_217 = arith.muli %select_n3A_195, %mul3A_216 : vector<16xi32>
      %add3A_218 = arith.addi %mul3A_217, %shift_right_logical3A_171 : vector<16xi32>
      %swap3A_219 = arith.index_cast %add3A_156 : i32 to index
      %swap3A_220 = tpu.vector_load %arg12[%swap3A_219] masked %and3A_206 {strides = array<i32>} : memref<10368xi32, #tpu.memory_space<vmem>>, vector<16xi32>, vector<16xi1>
      tpu.vector_store %arg12[%swap3A_219], %add3A_218 masked %and3A_206 {strides = array<i32>} : memref<10368xi32, #tpu.memory_space<vmem>>, vector<16xi32>, vector<16xi1>
      %all_reduce_population_count3A_221 = tpu.all_reduce %and3A_206 {dim = 0 : i64, kind = #tpu.reduction_kind<sum>} : vector<16xi1> -> vector<16xi32>
      %slice3A_222 = vector.extract_strided_slice %all_reduce_population_count3A_221 {offsets = [0], sizes = [1], strides = [1]} : vector<16xi32> to vector<1xi32>
      %squeeze3A_223 = vector.extract %slice3A_222[0] : i32 from vector<1xi32>
      %add3A_224 = arith.addi %add3A_156, %squeeze3A_223 : i32
      %mul3A_225 = arith.constant 128 : i32
      %mul3A_226 = arith.muli %scan3A_33, %mul3A_225 : i32
      %add3A_227 = arith.constant 48 : i32
      %add3A_228 = arith.addi %mul3A_226, %add3A_227 : i32
      %iota3A_229 = tpu.iota {dimensions = array<i32: 0>} : vector<16xi32>
      %add3A_230 = vector.broadcast %add3A_228 : i32 to vector<16xi32>
      %add3A_231 = arith.addi %add3A_230, %iota3A_229 : vector<16xi32>
      %add3A_232 = vector.broadcast %mul3A_0 : i32 to vector<16xi32>
      %add3A_233 = arith.addi %add3A_232, %add3A_231 : vector<16xi32>
      %get3A_234 = arith.index_cast %scan3A_33 : i32 to index
      %get3A_235 = arith.constant 48 : index
      %get3A_236 = tpu.vector_load %arg10[%get3A_234, %get3A_235] {strides = array<i32>} : memref<80x128xi32, #tpu.memory_space<vmem>>, vector<16xi32>,
      %shift_right_logical3A_237 = arith.constant 4 : i32
      %shift_right_logical3A_238 = vector.broadcast %shift_right_logical3A_237 : i32 to vector<16xi32>
      %shift_right_logical3A_239 = arith.shrui %add3A_233, %shift_right_logical3A_238 : vector<16xi32>
      %gather3A_240 = tpu.vector_load_idx %arg9[%get3A_236] : memref<10240xi32, #tpu.memory_space<vmem>>[vector<16xi32>], vector<16xi32>,
      %gather3A_241 = tpu.vector_load_idx %arg9[%shift_right_logical3A_239] : memref<10240xi32, #tpu.memory_space<vmem>>[vector<16xi32>], vector<16xi32>,
      %eq3A_242 = arith.constant 0 : i32
      %eq3A_243 = vector.broadcast %eq3A_242 : i32 to vector<16xi32>
      %eq3A_244 = arith.cmpi eq, %gather3A_241, %eq3A_243 : vector<16xi32>
      %eq3A_245 = arith.constant 0 : i32
      %eq3A_246 = vector.broadcast %eq3A_245 : i32 to vector<16xi32>
      %eq3A_247 = arith.cmpi eq, %gather3A_240, %eq3A_246 : vector<16xi32>
      %and3A_248 = arith.andi %eq3A_244, %eq3A_247 : vector<16xi1>
      %eq3A_249 = arith.constant 1 : i32
      %eq3A_250 = vector.broadcast %eq3A_249 : i32 to vector<16xi32>
      %eq3A_251 = arith.cmpi eq, %gather3A_241, %eq3A_250 : vector<16xi32>
      %eq3A_252 = arith.constant 1 : i32
      %eq3A_253 = vector.broadcast %eq3A_252 : i32 to vector<16xi32>
      %eq3A_254 = arith.cmpi eq, %gather3A_240, %eq3A_253 : vector<16xi32>
      %and3A_255 = arith.andi %eq3A_251, %eq3A_254 : vector<16xi1>
      %jit3A_256 = arith.constant 2 : i32
      %jit3A_257 = arith.constant 1 : i32
      %broadcast_in_dim3A_258 = vector.broadcast %jit3A_256 : i32 to vector<16xi32>
      %broadcast_in_dim3A_259 = vector.broadcast %jit3A_257 : i32 to vector<16xi32>
      %select_n3A_260 = arith.select %and3A_255, %broadcast_in_dim3A_258, %broadcast_in_dim3A_259 : vector<16xi1>, vector<16xi32>
      %jit3A_261 = arith.constant 0 : i32
      %broadcast_in_dim3A_262 = vector.broadcast %jit3A_261 : i32 to vector<16xi32>
      %select_n3A_263 = arith.select %and3A_248, %broadcast_in_dim3A_262, %select_n3A_260 : vector<16xi1>, vector<16xi32>
      %lt3A_264 = arith.constant 160000 : i32
      %lt3A_265 = vector.broadcast %lt3A_264 : i32 to vector<16xi32>
      %lt3A_266 = arith.cmpi slt, %add3A_233, %lt3A_265 : vector<16xi32>
      %ge3A_267 = vector.broadcast %mul3A_2 : i32 to vector<16xi32>
      %ge3A_268 = arith.cmpi sge, %get3A_236, %ge3A_267 : vector<16xi32>
      %and3A_269 = arith.andi %lt3A_266, %ge3A_268 : vector<16xi1>
      %add3A_270 = arith.constant 5000 : i32
      %add3A_271 = arith.addi %mul3A_2, %add3A_270 : i32
      %lt3A_272 = vector.broadcast %add3A_271 : i32 to vector<16xi32>
      %lt3A_273 = arith.cmpi slt, %get3A_236, %lt3A_272 : vector<16xi32>
      %and3A_274 = arith.andi %and3A_269, %lt3A_273 : vector<16xi1>
      %mul3A_275 = arith.constant 5120 : i32
      %mul3A_276 = vector.broadcast %mul3A_275 : i32 to vector<16xi32>
      %mul3A_277 = arith.muli %select_n3A_263, %mul3A_276 : vector<16xi32>
      %add3A_278 = arith.addi %mul3A_277, %get3A_236 : vector<16xi32>
      %sub3A_279 = vector.broadcast %mul3A_2 : i32 to vector<16xi32>
      %sub3A_280 = arith.subi %add3A_278, %sub3A_279 : vector<16xi32>
      %swap3A_281 = arith.index_cast %add3A_224 : i32 to index
      %swap3A_282 = tpu.vector_load %arg11[%swap3A_281] masked %and3A_274 {strides = array<i32>} : memref<10368xi32, #tpu.memory_space<vmem>>, vector<16xi32>, vector<16xi1>
      tpu.vector_store %arg11[%swap3A_281], %sub3A_280 masked %and3A_274 {strides = array<i32>} : memref<10368xi32, #tpu.memory_space<vmem>>, vector<16xi32>, vector<16xi1>
      %mul3A_283 = arith.constant 10240 : i32
      %mul3A_284 = vector.broadcast %mul3A_283 : i32 to vector<16xi32>
      %mul3A_285 = arith.muli %select_n3A_263, %mul3A_284 : vector<16xi32>
      %add3A_286 = arith.addi %mul3A_285, %shift_right_logical3A_239 : vector<16xi32>
      %swap3A_287 = arith.index_cast %add3A_224 : i32 to index
      %swap3A_288 = tpu.vector_load %arg12[%swap3A_287] masked %and3A_274 {strides = array<i32>} : memref<10368xi32, #tpu.memory_space<vmem>>, vector<16xi32>, vector<16xi1>
      tpu.vector_store %arg12[%swap3A_287], %add3A_286 masked %and3A_274 {strides = array<i32>} : memref<10368xi32, #tpu.memory_space<vmem>>, vector<16xi32>, vector<16xi1>
      %all_reduce_population_count3A_289 = tpu.all_reduce %and3A_274 {dim = 0 : i64, kind = #tpu.reduction_kind<sum>} : vector<16xi1> -> vector<16xi32>
      %slice3A_290 = vector.extract_strided_slice %all_reduce_population_count3A_289 {offsets = [0], sizes = [1], strides = [1]} : vector<16xi32> to vector<1xi32>
      %squeeze3A_291 = vector.extract %slice3A_290[0] : i32 from vector<1xi32>
      %add3A_292 = arith.addi %add3A_224, %squeeze3A_291 : i32
      %mul3A_293 = arith.constant 128 : i32
      %mul3A_294 = arith.muli %scan3A_33, %mul3A_293 : i32
      %add3A_295 = arith.constant 64 : i32
      %add3A_296 = arith.addi %mul3A_294, %add3A_295 : i32
      %iota3A_297 = tpu.iota {dimensions = array<i32: 0>} : vector<16xi32>
      %add3A_298 = vector.broadcast %add3A_296 : i32 to vector<16xi32>
      %add3A_299 = arith.addi %add3A_298, %iota3A_297 : vector<16xi32>
      %add3A_300 = vector.broadcast %mul3A_0 : i32 to vector<16xi32>
      %add3A_301 = arith.addi %add3A_300, %add3A_299 : vector<16xi32>
      %get3A_302 = arith.index_cast %scan3A_33 : i32 to index
      %get3A_303 = arith.constant 64 : index
      %get3A_304 = tpu.vector_load %arg10[%get3A_302, %get3A_303] {strides = array<i32>} : memref<80x128xi32, #tpu.memory_space<vmem>>, vector<16xi32>,
      %shift_right_logical3A_305 = arith.constant 4 : i32
      %shift_right_logical3A_306 = vector.broadcast %shift_right_logical3A_305 : i32 to vector<16xi32>
      %shift_right_logical3A_307 = arith.shrui %add3A_301, %shift_right_logical3A_306 : vector<16xi32>
      %gather3A_308 = tpu.vector_load_idx %arg9[%get3A_304] : memref<10240xi32, #tpu.memory_space<vmem>>[vector<16xi32>], vector<16xi32>,
      %gather3A_309 = tpu.vector_load_idx %arg9[%shift_right_logical3A_307] : memref<10240xi32, #tpu.memory_space<vmem>>[vector<16xi32>], vector<16xi32>,
      %eq3A_310 = arith.constant 0 : i32
      %eq3A_311 = vector.broadcast %eq3A_310 : i32 to vector<16xi32>
      %eq3A_312 = arith.cmpi eq, %gather3A_309, %eq3A_311 : vector<16xi32>
      %eq3A_313 = arith.constant 0 : i32
      %eq3A_314 = vector.broadcast %eq3A_313 : i32 to vector<16xi32>
      %eq3A_315 = arith.cmpi eq, %gather3A_308, %eq3A_314 : vector<16xi32>
      %and3A_316 = arith.andi %eq3A_312, %eq3A_315 : vector<16xi1>
      %eq3A_317 = arith.constant 1 : i32
      %eq3A_318 = vector.broadcast %eq3A_317 : i32 to vector<16xi32>
      %eq3A_319 = arith.cmpi eq, %gather3A_309, %eq3A_318 : vector<16xi32>
      %eq3A_320 = arith.constant 1 : i32
      %eq3A_321 = vector.broadcast %eq3A_320 : i32 to vector<16xi32>
      %eq3A_322 = arith.cmpi eq, %gather3A_308, %eq3A_321 : vector<16xi32>
      %and3A_323 = arith.andi %eq3A_319, %eq3A_322 : vector<16xi1>
      %jit3A_324 = arith.constant 2 : i32
      %jit3A_325 = arith.constant 1 : i32
      %broadcast_in_dim3A_326 = vector.broadcast %jit3A_324 : i32 to vector<16xi32>
      %broadcast_in_dim3A_327 = vector.broadcast %jit3A_325 : i32 to vector<16xi32>
      %select_n3A_328 = arith.select %and3A_323, %broadcast_in_dim3A_326, %broadcast_in_dim3A_327 : vector<16xi1>, vector<16xi32>
      %jit3A_329 = arith.constant 0 : i32
      %broadcast_in_dim3A_330 = vector.broadcast %jit3A_329 : i32 to vector<16xi32>
      %select_n3A_331 = arith.select %and3A_316, %broadcast_in_dim3A_330, %select_n3A_328 : vector<16xi1>, vector<16xi32>
      %lt3A_332 = arith.constant 160000 : i32
      %lt3A_333 = vector.broadcast %lt3A_332 : i32 to vector<16xi32>
      %lt3A_334 = arith.cmpi slt, %add3A_301, %lt3A_333 : vector<16xi32>
      %ge3A_335 = vector.broadcast %mul3A_2 : i32 to vector<16xi32>
      %ge3A_336 = arith.cmpi sge, %get3A_304, %ge3A_335 : vector<16xi32>
      %and3A_337 = arith.andi %lt3A_334, %ge3A_336 : vector<16xi1>
      %add3A_338 = arith.constant 5000 : i32
      %add3A_339 = arith.addi %mul3A_2, %add3A_338 : i32
      %lt3A_340 = vector.broadcast %add3A_339 : i32 to vector<16xi32>
      %lt3A_341 = arith.cmpi slt, %get3A_304, %lt3A_340 : vector<16xi32>
      %and3A_342 = arith.andi %and3A_337, %lt3A_341 : vector<16xi1>
      %mul3A_343 = arith.constant 5120 : i32
      %mul3A_344 = vector.broadcast %mul3A_343 : i32 to vector<16xi32>
      %mul3A_345 = arith.muli %select_n3A_331, %mul3A_344 : vector<16xi32>
      %add3A_346 = arith.addi %mul3A_345, %get3A_304 : vector<16xi32>
      %sub3A_347 = vector.broadcast %mul3A_2 : i32 to vector<16xi32>
      %sub3A_348 = arith.subi %add3A_346, %sub3A_347 : vector<16xi32>
      %swap3A_349 = arith.index_cast %add3A_292 : i32 to index
      %swap3A_350 = tpu.vector_load %arg11[%swap3A_349] masked %and3A_342 {strides = array<i32>} : memref<10368xi32, #tpu.memory_space<vmem>>, vector<16xi32>, vector<16xi1>
      tpu.vector_store %arg11[%swap3A_349], %sub3A_348 masked %and3A_342 {strides = array<i32>} : memref<10368xi32, #tpu.memory_space<vmem>>, vector<16xi32>, vector<16xi1>
      %mul3A_351 = arith.constant 10240 : i32
      %mul3A_352 = vector.broadcast %mul3A_351 : i32 to vector<16xi32>
      %mul3A_353 = arith.muli %select_n3A_331, %mul3A_352 : vector<16xi32>
      %add3A_354 = arith.addi %mul3A_353, %shift_right_logical3A_307 : vector<16xi32>
      %swap3A_355 = arith.index_cast %add3A_292 : i32 to index
      %swap3A_356 = tpu.vector_load %arg12[%swap3A_355] masked %and3A_342 {strides = array<i32>} : memref<10368xi32, #tpu.memory_space<vmem>>, vector<16xi32>, vector<16xi1>
      tpu.vector_store %arg12[%swap3A_355], %add3A_354 masked %and3A_342 {strides = array<i32>} : memref<10368xi32, #tpu.memory_space<vmem>>, vector<16xi32>, vector<16xi1>
      %all_reduce_population_count3A_357 = tpu.all_reduce %and3A_342 {dim = 0 : i64, kind = #tpu.reduction_kind<sum>} : vector<16xi1> -> vector<16xi32>
      %slice3A_358 = vector.extract_strided_slice %all_reduce_population_count3A_357 {offsets = [0], sizes = [1], strides = [1]} : vector<16xi32> to vector<1xi32>
      %squeeze3A_359 = vector.extract %slice3A_358[0] : i32 from vector<1xi32>
      %add3A_360 = arith.addi %add3A_292, %squeeze3A_359 : i32
      %mul3A_361 = arith.constant 128 : i32
      %mul3A_362 = arith.muli %scan3A_33, %mul3A_361 : i32
      %add3A_363 = arith.constant 80 : i32
      %add3A_364 = arith.addi %mul3A_362, %add3A_363 : i32
      %iota3A_365 = tpu.iota {dimensions = array<i32: 0>} : vector<16xi32>
      %add3A_366 = vector.broadcast %add3A_364 : i32 to vector<16xi32>
      %add3A_367 = arith.addi %add3A_366, %iota3A_365 : vector<16xi32>
      %add3A_368 = vector.broadcast %mul3A_0 : i32 to vector<16xi32>
      %add3A_369 = arith.addi %add3A_368, %add3A_367 : vector<16xi32>
      %get3A_370 = arith.index_cast %scan3A_33 : i32 to index
      %get3A_371 = arith.constant 80 : index
      %get3A_372 = tpu.vector_load %arg10[%get3A_370, %get3A_371] {strides = array<i32>} : memref<80x128xi32, #tpu.memory_space<vmem>>, vector<16xi32>,
      %shift_right_logical3A_373 = arith.constant 4 : i32
      %shift_right_logical3A_374 = vector.broadcast %shift_right_logical3A_373 : i32 to vector<16xi32>
      %shift_right_logical3A_375 = arith.shrui %add3A_369, %shift_right_logical3A_374 : vector<16xi32>
      %gather3A_376 = tpu.vector_load_idx %arg9[%get3A_372] : memref<10240xi32, #tpu.memory_space<vmem>>[vector<16xi32>], vector<16xi32>,
      %gather3A_377 = tpu.vector_load_idx %arg9[%shift_right_logical3A_375] : memref<10240xi32, #tpu.memory_space<vmem>>[vector<16xi32>], vector<16xi32>,
      %eq3A_378 = arith.constant 0 : i32
      %eq3A_379 = vector.broadcast %eq3A_378 : i32 to vector<16xi32>
      %eq3A_380 = arith.cmpi eq, %gather3A_377, %eq3A_379 : vector<16xi32>
      %eq3A_381 = arith.constant 0 : i32
      %eq3A_382 = vector.broadcast %eq3A_381 : i32 to vector<16xi32>
      %eq3A_383 = arith.cmpi eq, %gather3A_376, %eq3A_382 : vector<16xi32>
      %and3A_384 = arith.andi %eq3A_380, %eq3A_383 : vector<16xi1>
      %eq3A_385 = arith.constant 1 : i32
      %eq3A_386 = vector.broadcast %eq3A_385 : i32 to vector<16xi32>
      %eq3A_387 = arith.cmpi eq, %gather3A_377, %eq3A_386 : vector<16xi32>
      %eq3A_388 = arith.constant 1 : i32
      %eq3A_389 = vector.broadcast %eq3A_388 : i32 to vector<16xi32>
      %eq3A_390 = arith.cmpi eq, %gather3A_376, %eq3A_389 : vector<16xi32>
      %and3A_391 = arith.andi %eq3A_387, %eq3A_390 : vector<16xi1>
      %jit3A_392 = arith.constant 2 : i32
      %jit3A_393 = arith.constant 1 : i32
      %broadcast_in_dim3A_394 = vector.broadcast %jit3A_392 : i32 to vector<16xi32>
      %broadcast_in_dim3A_395 = vector.broadcast %jit3A_393 : i32 to vector<16xi32>
      %select_n3A_396 = arith.select %and3A_391, %broadcast_in_dim3A_394, %broadcast_in_dim3A_395 : vector<16xi1>, vector<16xi32>
      %jit3A_397 = arith.constant 0 : i32
      %broadcast_in_dim3A_398 = vector.broadcast %jit3A_397 : i32 to vector<16xi32>
      %select_n3A_399 = arith.select %and3A_384, %broadcast_in_dim3A_398, %select_n3A_396 : vector<16xi1>, vector<16xi32>
      %lt3A_400 = arith.constant 160000 : i32
      %lt3A_401 = vector.broadcast %lt3A_400 : i32 to vector<16xi32>
      %lt3A_402 = arith.cmpi slt, %add3A_369, %lt3A_401 : vector<16xi32>
      %ge3A_403 = vector.broadcast %mul3A_2 : i32 to vector<16xi32>
      %ge3A_404 = arith.cmpi sge, %get3A_372, %ge3A_403 : vector<16xi32>
      %and3A_405 = arith.andi %lt3A_402, %ge3A_404 : vector<16xi1>
      %add3A_406 = arith.constant 5000 : i32
      %add3A_407 = arith.addi %mul3A_2, %add3A_406 : i32
      %lt3A_408 = vector.broadcast %add3A_407 : i32 to vector<16xi32>
      %lt3A_409 = arith.cmpi slt, %get3A_372, %lt3A_408 : vector<16xi32>
      %and3A_410 = arith.andi %and3A_405, %lt3A_409 : vector<16xi1>
      %mul3A_411 = arith.constant 5120 : i32
      %mul3A_412 = vector.broadcast %mul3A_411 : i32 to vector<16xi32>
      %mul3A_413 = arith.muli %select_n3A_399, %mul3A_412 : vector<16xi32>
      %add3A_414 = arith.addi %mul3A_413, %get3A_372 : vector<16xi32>
      %sub3A_415 = vector.broadcast %mul3A_2 : i32 to vector<16xi32>
      %sub3A_416 = arith.subi %add3A_414, %sub3A_415 : vector<16xi32>
      %swap3A_417 = arith.index_cast %add3A_360 : i32 to index
      %swap3A_418 = tpu.vector_load %arg11[%swap3A_417] masked %and3A_410 {strides = array<i32>} : memref<10368xi32, #tpu.memory_space<vmem>>, vector<16xi32>, vector<16xi1>
      tpu.vector_store %arg11[%swap3A_417], %sub3A_416 masked %and3A_410 {strides = array<i32>} : memref<10368xi32, #tpu.memory_space<vmem>>, vector<16xi32>, vector<16xi1>
      %mul3A_419 = arith.constant 10240 : i32
      %mul3A_420 = vector.broadcast %mul3A_419 : i32 to vector<16xi32>
      %mul3A_421 = arith.muli %select_n3A_399, %mul3A_420 : vector<16xi32>
      %add3A_422 = arith.addi %mul3A_421, %shift_right_logical3A_375 : vector<16xi32>
      %swap3A_423 = arith.index_cast %add3A_360 : i32 to index
      %swap3A_424 = tpu.vector_load %arg12[%swap3A_423] masked %and3A_410 {strides = array<i32>} : memref<10368xi32, #tpu.memory_space<vmem>>, vector<16xi32>, vector<16xi1>
      tpu.vector_store %arg12[%swap3A_423], %add3A_422 masked %and3A_410 {strides = array<i32>} : memref<10368xi32, #tpu.memory_space<vmem>>, vector<16xi32>, vector<16xi1>
      %all_reduce_population_count3A_425 = tpu.all_reduce %and3A_410 {dim = 0 : i64, kind = #tpu.reduction_kind<sum>} : vector<16xi1> -> vector<16xi32>
      %slice3A_426 = vector.extract_strided_slice %all_reduce_population_count3A_425 {offsets = [0], sizes = [1], strides = [1]} : vector<16xi32> to vector<1xi32>
      %squeeze3A_427 = vector.extract %slice3A_426[0] : i32 from vector<1xi32>
      %add3A_428 = arith.addi %add3A_360, %squeeze3A_427 : i32
      %mul3A_429 = arith.constant 128 : i32
      %mul3A_430 = arith.muli %scan3A_33, %mul3A_429 : i32
      %add3A_431 = arith.constant 96 : i32
      %add3A_432 = arith.addi %mul3A_430, %add3A_431 : i32
      %iota3A_433 = tpu.iota {dimensions = array<i32: 0>} : vector<16xi32>
      %add3A_434 = vector.broadcast %add3A_432 : i32 to vector<16xi32>
      %add3A_435 = arith.addi %add3A_434, %iota3A_433 : vector<16xi32>
      %add3A_436 = vector.broadcast %mul3A_0 : i32 to vector<16xi32>
      %add3A_437 = arith.addi %add3A_436, %add3A_435 : vector<16xi32>
      %get3A_438 = arith.index_cast %scan3A_33 : i32 to index
      %get3A_439 = arith.constant 96 : index
      %get3A_440 = tpu.vector_load %arg10[%get3A_438, %get3A_439] {strides = array<i32>} : memref<80x128xi32, #tpu.memory_space<vmem>>, vector<16xi32>,
      %shift_right_logical3A_441 = arith.constant 4 : i32
      %shift_right_logical3A_442 = vector.broadcast %shift_right_logical3A_441 : i32 to vector<16xi32>
      %shift_right_logical3A_443 = arith.shrui %add3A_437, %shift_right_logical3A_442 : vector<16xi32>
      %gather3A_444 = tpu.vector_load_idx %arg9[%get3A_440] : memref<10240xi32, #tpu.memory_space<vmem>>[vector<16xi32>], vector<16xi32>,
      %gather3A_445 = tpu.vector_load_idx %arg9[%shift_right_logical3A_443] : memref<10240xi32, #tpu.memory_space<vmem>>[vector<16xi32>], vector<16xi32>,
      %eq3A_446 = arith.constant 0 : i32
      %eq3A_447 = vector.broadcast %eq3A_446 : i32 to vector<16xi32>
      %eq3A_448 = arith.cmpi eq, %gather3A_445, %eq3A_447 : vector<16xi32>
      %eq3A_449 = arith.constant 0 : i32
      %eq3A_450 = vector.broadcast %eq3A_449 : i32 to vector<16xi32>
      %eq3A_451 = arith.cmpi eq, %gather3A_444, %eq3A_450 : vector<16xi32>
      %and3A_452 = arith.andi %eq3A_448, %eq3A_451 : vector<16xi1>
      %eq3A_453 = arith.constant 1 : i32
      %eq3A_454 = vector.broadcast %eq3A_453 : i32 to vector<16xi32>
      %eq3A_455 = arith.cmpi eq, %gather3A_445, %eq3A_454 : vector<16xi32>
      %eq3A_456 = arith.constant 1 : i32
      %eq3A_457 = vector.broadcast %eq3A_456 : i32 to vector<16xi32>
      %eq3A_458 = arith.cmpi eq, %gather3A_444, %eq3A_457 : vector<16xi32>
      %and3A_459 = arith.andi %eq3A_455, %eq3A_458 : vector<16xi1>
      %jit3A_460 = arith.constant 2 : i32
      %jit3A_461 = arith.constant 1 : i32
      %broadcast_in_dim3A_462 = vector.broadcast %jit3A_460 : i32 to vector<16xi32>
      %broadcast_in_dim3A_463 = vector.broadcast %jit3A_461 : i32 to vector<16xi32>
      %select_n3A_464 = arith.select %and3A_459, %broadcast_in_dim3A_462, %broadcast_in_dim3A_463 : vector<16xi1>, vector<16xi32>
      %jit3A_465 = arith.constant 0 : i32
      %broadcast_in_dim3A_466 = vector.broadcast %jit3A_465 : i32 to vector<16xi32>
      %select_n3A_467 = arith.select %and3A_452, %broadcast_in_dim3A_466, %select_n3A_464 : vector<16xi1>, vector<16xi32>
      %lt3A_468 = arith.constant 160000 : i32
      %lt3A_469 = vector.broadcast %lt3A_468 : i32 to vector<16xi32>
      %lt3A_470 = arith.cmpi slt, %add3A_437, %lt3A_469 : vector<16xi32>
      %ge3A_471 = vector.broadcast %mul3A_2 : i32 to vector<16xi32>
      %ge3A_472 = arith.cmpi sge, %get3A_440, %ge3A_471 : vector<16xi32>
      %and3A_473 = arith.andi %lt3A_470, %ge3A_472 : vector<16xi1>
      %add3A_474 = arith.constant 5000 : i32
      %add3A_475 = arith.addi %mul3A_2, %add3A_474 : i32
      %lt3A_476 = vector.broadcast %add3A_475 : i32 to vector<16xi32>
      %lt3A_477 = arith.cmpi slt, %get3A_440, %lt3A_476 : vector<16xi32>
      %and3A_478 = arith.andi %and3A_473, %lt3A_477 : vector<16xi1>
      %mul3A_479 = arith.constant 5120 : i32
      %mul3A_480 = vector.broadcast %mul3A_479 : i32 to vector<16xi32>
      %mul3A_481 = arith.muli %select_n3A_467, %mul3A_480 : vector<16xi32>
      %add3A_482 = arith.addi %mul3A_481, %get3A_440 : vector<16xi32>
      %sub3A_483 = vector.broadcast %mul3A_2 : i32 to vector<16xi32>
      %sub3A_484 = arith.subi %add3A_482, %sub3A_483 : vector<16xi32>
      %swap3A_485 = arith.index_cast %add3A_428 : i32 to index
      %swap3A_486 = tpu.vector_load %arg11[%swap3A_485] masked %and3A_478 {strides = array<i32>} : memref<10368xi32, #tpu.memory_space<vmem>>, vector<16xi32>, vector<16xi1>
      tpu.vector_store %arg11[%swap3A_485], %sub3A_484 masked %and3A_478 {strides = array<i32>} : memref<10368xi32, #tpu.memory_space<vmem>>, vector<16xi32>, vector<16xi1>
      %mul3A_487 = arith.constant 10240 : i32
      %mul3A_488 = vector.broadcast %mul3A_487 : i32 to vector<16xi32>
      %mul3A_489 = arith.muli %select_n3A_467, %mul3A_488 : vector<16xi32>
      %add3A_490 = arith.addi %mul3A_489, %shift_right_logical3A_443 : vector<16xi32>
      %swap3A_491 = arith.index_cast %add3A_428 : i32 to index
      %swap3A_492 = tpu.vector_load %arg12[%swap3A_491] masked %and3A_478 {strides = array<i32>} : memref<10368xi32, #tpu.memory_space<vmem>>, vector<16xi32>, vector<16xi1>
      tpu.vector_store %arg12[%swap3A_491], %add3A_490 masked %and3A_478 {strides = array<i32>} : memref<10368xi32, #tpu.memory_space<vmem>>, vector<16xi32>, vector<16xi1>
      %all_reduce_population_count3A_493 = tpu.all_reduce %and3A_478 {dim = 0 : i64, kind = #tpu.reduction_kind<sum>} : vector<16xi1> -> vector<16xi32>
      %slice3A_494 = vector.extract_strided_slice %all_reduce_population_count3A_493 {offsets = [0], sizes = [1], strides = [1]} : vector<16xi32> to vector<1xi32>
      %squeeze3A_495 = vector.extract %slice3A_494[0] : i32 from vector<1xi32>
      %add3A_496 = arith.addi %add3A_428, %squeeze3A_495 : i32
      %mul3A_497 = arith.constant 128 : i32
      %mul3A_498 = arith.muli %scan3A_33, %mul3A_497 : i32
      %add3A_499 = arith.constant 112 : i32
      %add3A_500 = arith.addi %mul3A_498, %add3A_499 : i32
      %iota3A_501 = tpu.iota {dimensions = array<i32: 0>} : vector<16xi32>
      %add3A_502 = vector.broadcast %add3A_500 : i32 to vector<16xi32>
      %add3A_503 = arith.addi %add3A_502, %iota3A_501 : vector<16xi32>
      %add3A_504 = vector.broadcast %mul3A_0 : i32 to vector<16xi32>
      %add3A_505 = arith.addi %add3A_504, %add3A_503 : vector<16xi32>
      %get3A_506 = arith.index_cast %scan3A_33 : i32 to index
      %get3A_507 = arith.constant 112 : index
      %get3A_508 = tpu.vector_load %arg10[%get3A_506, %get3A_507] {strides = array<i32>} : memref<80x128xi32, #tpu.memory_space<vmem>>, vector<16xi32>,
      %shift_right_logical3A_509 = arith.constant 4 : i32
      %shift_right_logical3A_510 = vector.broadcast %shift_right_logical3A_509 : i32 to vector<16xi32>
      %shift_right_logical3A_511 = arith.shrui %add3A_505, %shift_right_logical3A_510 : vector<16xi32>
      %gather3A_512 = tpu.vector_load_idx %arg9[%get3A_508] : memref<10240xi32, #tpu.memory_space<vmem>>[vector<16xi32>], vector<16xi32>,
      %gather3A_513 = tpu.vector_load_idx %arg9[%shift_right_logical3A_511] : memref<10240xi32, #tpu.memory_space<vmem>>[vector<16xi32>], vector<16xi32>,
      %eq3A_514 = arith.constant 0 : i32
      %eq3A_515 = vector.broadcast %eq3A_514 : i32 to vector<16xi32>
      %eq3A_516 = arith.cmpi eq, %gather3A_513, %eq3A_515 : vector<16xi32>
      %eq3A_517 = arith.constant 0 : i32
      %eq3A_518 = vector.broadcast %eq3A_517 : i32 to vector<16xi32>
      %eq3A_519 = arith.cmpi eq, %gather3A_512, %eq3A_518 : vector<16xi32>
      %and3A_520 = arith.andi %eq3A_516, %eq3A_519 : vector<16xi1>
      %eq3A_521 = arith.constant 1 : i32
      %eq3A_522 = vector.broadcast %eq3A_521 : i32 to vector<16xi32>
      %eq3A_523 = arith.cmpi eq, %gather3A_513, %eq3A_522 : vector<16xi32>
      %eq3A_524 = arith.constant 1 : i32
      %eq3A_525 = vector.broadcast %eq3A_524 : i32 to vector<16xi32>
      %eq3A_526 = arith.cmpi eq, %gather3A_512, %eq3A_525 : vector<16xi32>
      %and3A_527 = arith.andi %eq3A_523, %eq3A_526 : vector<16xi1>
      %jit3A_528 = arith.constant 2 : i32
      %jit3A_529 = arith.constant 1 : i32
      %broadcast_in_dim3A_530 = vector.broadcast %jit3A_528 : i32 to vector<16xi32>
      %broadcast_in_dim3A_531 = vector.broadcast %jit3A_529 : i32 to vector<16xi32>
      %select_n3A_532 = arith.select %and3A_527, %broadcast_in_dim3A_530, %broadcast_in_dim3A_531 : vector<16xi1>, vector<16xi32>
      %jit3A_533 = arith.constant 0 : i32
      %broadcast_in_dim3A_534 = vector.broadcast %jit3A_533 : i32 to vector<16xi32>
      %select_n3A_535 = arith.select %and3A_520, %broadcast_in_dim3A_534, %select_n3A_532 : vector<16xi1>, vector<16xi32>
      %lt3A_536 = arith.constant 160000 : i32
      %lt3A_537 = vector.broadcast %lt3A_536 : i32 to vector<16xi32>
      %lt3A_538 = arith.cmpi slt, %add3A_505, %lt3A_537 : vector<16xi32>
      %ge3A_539 = vector.broadcast %mul3A_2 : i32 to vector<16xi32>
      %ge3A_540 = arith.cmpi sge, %get3A_508, %ge3A_539 : vector<16xi32>
      %and3A_541 = arith.andi %lt3A_538, %ge3A_540 : vector<16xi1>
      %add3A_542 = arith.constant 5000 : i32
      %add3A_543 = arith.addi %mul3A_2, %add3A_542 : i32
      %lt3A_544 = vector.broadcast %add3A_543 : i32 to vector<16xi32>
      %lt3A_545 = arith.cmpi slt, %get3A_508, %lt3A_544 : vector<16xi32>
      %and3A_546 = arith.andi %and3A_541, %lt3A_545 : vector<16xi1>
      %mul3A_547 = arith.constant 5120 : i32
      %mul3A_548 = vector.broadcast %mul3A_547 : i32 to vector<16xi32>
      %mul3A_549 = arith.muli %select_n3A_535, %mul3A_548 : vector<16xi32>
      %add3A_550 = arith.addi %mul3A_549, %get3A_508 : vector<16xi32>
      %sub3A_551 = vector.broadcast %mul3A_2 : i32 to vector<16xi32>
      %sub3A_552 = arith.subi %add3A_550, %sub3A_551 : vector<16xi32>
      %swap3A_553 = arith.index_cast %add3A_496 : i32 to index
      %swap3A_554 = tpu.vector_load %arg11[%swap3A_553] masked %and3A_546 {strides = array<i32>} : memref<10368xi32, #tpu.memory_space<vmem>>, vector<16xi32>, vector<16xi1>
      tpu.vector_store %arg11[%swap3A_553], %sub3A_552 masked %and3A_546 {strides = array<i32>} : memref<10368xi32, #tpu.memory_space<vmem>>, vector<16xi32>, vector<16xi1>
      %mul3A_555 = arith.constant 10240 : i32
      %mul3A_556 = vector.broadcast %mul3A_555 : i32 to vector<16xi32>
      %mul3A_557 = arith.muli %select_n3A_535, %mul3A_556 : vector<16xi32>
      %add3A_558 = arith.addi %mul3A_557, %shift_right_logical3A_511 : vector<16xi32>
      %swap3A_559 = arith.index_cast %add3A_496 : i32 to index
      %swap3A_560 = tpu.vector_load %arg12[%swap3A_559] masked %and3A_546 {strides = array<i32>} : memref<10368xi32, #tpu.memory_space<vmem>>, vector<16xi32>, vector<16xi1>
      tpu.vector_store %arg12[%swap3A_559], %add3A_558 masked %and3A_546 {strides = array<i32>} : memref<10368xi32, #tpu.memory_space<vmem>>, vector<16xi32>, vector<16xi1>
      %all_reduce_population_count3A_561 = tpu.all_reduce %and3A_546 {dim = 0 : i64, kind = #tpu.reduction_kind<sum>} : vector<16xi1> -> vector<16xi32>
      %slice3A_562 = vector.extract_strided_slice %all_reduce_population_count3A_561 {offsets = [0], sizes = [1], strides = [1]} : vector<16xi32> to vector<1xi32>
      %squeeze3A_563 = vector.extract %slice3A_562[0] : i32 from vector<1xi32>
      %add3A_564 = arith.addi %add3A_496, %squeeze3A_563 : i32
      scf.yield %add3A_564 : i32
    }
    %scan3A_8 = arith.constant 80 : i32
    %broadcast_in_dim3A = arith.constant 5119 : i32
    %broadcast_in_dim3A_9 = vector.broadcast %broadcast_in_dim3A : i32 to vector<16xi32>
    %add3A = arith.constant 0 : i32
    %add3A_10 = arith.addi %scan3A_7, %add3A : i32
    %swap3A = arith.index_cast %add3A_10 : i32 to index
    %swap3A_11 = tpu.vector_load %arg11[%swap3A] {strides = array<i32>} : memref<10368xi32, #tpu.memory_space<vmem>>, vector<16xi32>,
    tpu.vector_store %arg11[%swap3A], %broadcast_in_dim3A_9 {strides = array<i32>} : memref<10368xi32, #tpu.memory_space<vmem>>, vector<16xi32>,
    %broadcast_in_dim3A_12 = arith.constant 0 : i32
    %broadcast_in_dim3A_13 = vector.broadcast %broadcast_in_dim3A_12 : i32 to vector<16xi32>
    %add3A_14 = arith.constant 0 : i32
    %add3A_15 = arith.addi %scan3A_7, %add3A_14 : i32
    %swap3A_16 = arith.index_cast %add3A_15 : i32 to index
    %swap3A_17 = tpu.vector_load %arg12[%swap3A_16] {strides = array<i32>} : memref<10368xi32, #tpu.memory_space<vmem>>, vector<16xi32>,
    tpu.vector_store %arg12[%swap3A_16], %broadcast_in_dim3A_13 {strides = array<i32>} : memref<10368xi32, #tpu.memory_space<vmem>>, vector<16xi32>,
    %broadcast_in_dim3A_18 = arith.constant 5119 : i32
    %broadcast_in_dim3A_19 = vector.broadcast %broadcast_in_dim3A_18 : i32 to vector<16xi32>
    %add3A_20 = arith.constant 16 : i32
    %add3A_21 = arith.addi %scan3A_7, %add3A_20 : i32
    %swap3A_22 = arith.index_cast %add3A_21 : i32 to index
    %swap3A_23 = tpu.vector_load %arg11[%swap3A_22] {strides = array<i32>} : memref<10368xi32, #tpu.memory_space<vmem>>, vector<16xi32>,
    tpu.vector_store %arg11[%swap3A_22], %broadcast_in_dim3A_19 {strides = array<i32>} : memref<10368xi32, #tpu.memory_space<vmem>>, vector<16xi32>,
    %broadcast_in_dim3A_24 = arith.constant 0 : i32
    %broadcast_in_dim3A_25 = vector.broadcast %broadcast_in_dim3A_24 : i32 to vector<16xi32>
    %add3A_26 = arith.constant 16 : i32
    %add3A_27 = arith.addi %scan3A_7, %add3A_26 : i32
    %swap3A_28 = arith.index_cast %add3A_27 : i32 to index
    %swap3A_29 = tpu.vector_load %arg12[%swap3A_28] {strides = array<i32>} : memref<10368xi32, #tpu.memory_space<vmem>>, vector<16xi32>,
    tpu.vector_store %arg12[%swap3A_28], %broadcast_in_dim3A_25 {strides = array<i32>} : memref<10368xi32, #tpu.memory_space<vmem>>, vector<16xi32>,
    "tpu.region"() ({
      %run_scoped3A = tpu.sem_alloc : memref<!tpu.dma_semaphore, #tpu.memory_space<semaphore_mem>>
      %dma_start3A = arith.constant 0 : i32
      %dma_start3A_33 = tpu.memref_slice %arg11[%dma_start3A] : memref<10368xi32, #tpu.memory_space<vmem>> -> memref<10240xi32, #tpu.memory_space<vmem>>
      %dma_start3A_34 = arith.constant 0 : i32
      %dma_start3A_35 = tpu.memref_slice %arg6[%arg0, %arg1, %dma_start3A_34] : memref<2x16x10240xi32, #tpu.memory_space<hbm>> -> memref<1x1x10240xi32, #tpu.memory_space<hbm>>
      %dma_start3A_36 = tpu.memref_squeeze %dma_start3A_35 : memref<1x1x10240xi32, #tpu.memory_space<hbm>> -> memref<10240xi32, #tpu.memory_space<hbm>>
      %dma_start3A_37 = arith.constant 0 : i32
      %dma_start3A_38 = tpu.memref_slice %arg6[%arg0, %arg1, %dma_start3A_37] : memref<2x16x10240xi32, #tpu.memory_space<hbm>> -> memref<1x1x10240xi32, #tpu.memory_space<hbm>>
      %dma_start3A_39 = tpu.memref_squeeze %dma_start3A_38 : memref<1x1x10240xi32, #tpu.memory_space<hbm>> -> memref<10240xi32, #tpu.memory_space<hbm>>
      %dma_start3A_40 = arith.constant 0 : i32
      %dma_start3A_41 = tpu.memref_slice %arg11[%dma_start3A_40] : memref<10368xi32, #tpu.memory_space<vmem>> -> memref<10240xi32, #tpu.memory_space<vmem>>
      tpu.enqueue_dma source(%dma_start3A_41 : memref<10240xi32, #tpu.memory_space<vmem>>) target(%dma_start3A_39 : memref<10240xi32, #tpu.memory_space<hbm>>) target_semaphore(%run_scoped3A : memref<!tpu.dma_semaphore, #tpu.memory_space<semaphore_mem>>)
      %dma_wait3A = arith.constant 0 : i32
      %dma_wait3A_42 = tpu.memref_slice %arg11[%dma_wait3A] : memref<10368xi32, #tpu.memory_space<vmem>> -> memref<10240xi32, #tpu.memory_space<vmem>>
      %dma_wait3A_43 = arith.constant 0 : i32
      %dma_wait3A_44 = tpu.memref_slice %arg6[%arg0, %arg1, %dma_wait3A_43] : memref<2x16x10240xi32, #tpu.memory_space<hbm>> -> memref<1x1x10240xi32, #tpu.memory_space<hbm>>
      %dma_wait3A_45 = tpu.memref_squeeze %dma_wait3A_44 : memref<1x1x10240xi32, #tpu.memory_space<hbm>> -> memref<10240xi32, #tpu.memory_space<hbm>>
      %dma_wait3A_46 = arith.constant 0 : i32
      %dma_wait3A_47 = tpu.memref_slice %arg6[%arg0, %arg1, %dma_wait3A_46] : memref<2x16x10240xi32, #tpu.memory_space<hbm>> -> memref<1x1x10240xi32, #tpu.memory_space<hbm>>
      %dma_wait3A_48 = tpu.memref_squeeze %dma_wait3A_47 : memref<1x1x10240xi32, #tpu.memory_space<hbm>> -> memref<10240xi32, #tpu.memory_space<hbm>>
      %dma_wait3A_49 = arith.constant 0 : i32
      %dma_wait3A_50 = tpu.memref_slice %arg11[%dma_wait3A_49] : memref<10368xi32, #tpu.memory_space<vmem>> -> memref<10240xi32, #tpu.memory_space<vmem>>
      tpu.wait_dma2 semaphore(%run_scoped3A : memref<!tpu.dma_semaphore, #tpu.memory_space<semaphore_mem>>) src(%dma_wait3A_50 : memref<10240xi32, #tpu.memory_space<vmem>>) dst(%dma_wait3A_48 : memref<10240xi32, #tpu.memory_space<hbm>>)
      tpu.yield
    }) : () -> ()
    "tpu.region"() ({
      %run_scoped3A = tpu.sem_alloc : memref<!tpu.dma_semaphore, #tpu.memory_space<semaphore_mem>>
      %dma_start3A = arith.constant 0 : i32
      %dma_start3A_33 = tpu.memref_slice %arg12[%dma_start3A] : memref<10368xi32, #tpu.memory_space<vmem>> -> memref<10240xi32, #tpu.memory_space<vmem>>
      %dma_start3A_34 = arith.constant 0 : i32
      %dma_start3A_35 = tpu.memref_slice %arg7[%arg0, %arg1, %dma_start3A_34] : memref<2x16x10240xi32, #tpu.memory_space<hbm>> -> memref<1x1x10240xi32, #tpu.memory_space<hbm>>
      %dma_start3A_36 = tpu.memref_squeeze %dma_start3A_35 : memref<1x1x10240xi32, #tpu.memory_space<hbm>> -> memref<10240xi32, #tpu.memory_space<hbm>>
      %dma_start3A_37 = arith.constant 0 : i32
      %dma_start3A_38 = tpu.memref_slice %arg7[%arg0, %arg1, %dma_start3A_37] : memref<2x16x10240xi32, #tpu.memory_space<hbm>> -> memref<1x1x10240xi32, #tpu.memory_space<hbm>>
      %dma_start3A_39 = tpu.memref_squeeze %dma_start3A_38 : memref<1x1x10240xi32, #tpu.memory_space<hbm>> -> memref<10240xi32, #tpu.memory_space<hbm>>
      %dma_start3A_40 = arith.constant 0 : i32
      %dma_start3A_41 = tpu.memref_slice %arg12[%dma_start3A_40] : memref<10368xi32, #tpu.memory_space<vmem>> -> memref<10240xi32, #tpu.memory_space<vmem>>
      tpu.enqueue_dma source(%dma_start3A_41 : memref<10240xi32, #tpu.memory_space<vmem>>) target(%dma_start3A_39 : memref<10240xi32, #tpu.memory_space<hbm>>) target_semaphore(%run_scoped3A : memref<!tpu.dma_semaphore, #tpu.memory_space<semaphore_mem>>)
      %dma_wait3A = arith.constant 0 : i32
      %dma_wait3A_42 = tpu.memref_slice %arg12[%dma_wait3A] : memref<10368xi32, #tpu.memory_space<vmem>> -> memref<10240xi32, #tpu.memory_space<vmem>>
      %dma_wait3A_43 = arith.constant 0 : i32
      %dma_wait3A_44 = tpu.memref_slice %arg7[%arg0, %arg1, %dma_wait3A_43] : memref<2x16x10240xi32, #tpu.memory_space<hbm>> -> memref<1x1x10240xi32, #tpu.memory_space<hbm>>
      %dma_wait3A_45 = tpu.memref_squeeze %dma_wait3A_44 : memref<1x1x10240xi32, #tpu.memory_space<hbm>> -> memref<10240xi32, #tpu.memory_space<hbm>>
      %dma_wait3A_46 = arith.constant 0 : i32
      %dma_wait3A_47 = tpu.memref_slice %arg7[%arg0, %arg1, %dma_wait3A_46] : memref<2x16x10240xi32, #tpu.memory_space<hbm>> -> memref<1x1x10240xi32, #tpu.memory_space<hbm>>
      %dma_wait3A_48 = tpu.memref_squeeze %dma_wait3A_47 : memref<1x1x10240xi32, #tpu.memory_space<hbm>> -> memref<10240xi32, #tpu.memory_space<hbm>>
      %dma_wait3A_49 = arith.constant 0 : i32
      %dma_wait3A_50 = tpu.memref_slice %arg12[%dma_wait3A_49] : memref<10368xi32, #tpu.memory_space<vmem>> -> memref<10240xi32, #tpu.memory_space<vmem>>
      tpu.wait_dma2 semaphore(%run_scoped3A : memref<!tpu.dma_semaphore, #tpu.memory_space<semaphore_mem>>) src(%dma_wait3A_50 : memref<10240xi32, #tpu.memory_space<vmem>>) dst(%dma_wait3A_48 : memref<10240xi32, #tpu.memory_space<hbm>>)
      tpu.yield
    }) : () -> ()
    %broadcast_in_dim3A_30 = vector.broadcast %scan3A_7 : i32 to vector<16xi32>
    %swap3A_31 = arith.constant 0 : index
    %swap3A_32 = tpu.vector_load %arg13[%swap3A_31] {strides = array<i32>} : memref<16xi32, #tpu.memory_space<vmem>>, vector<16xi32>,
    tpu.vector_store %arg13[%swap3A_31], %broadcast_in_dim3A_30 {strides = array<i32>} : memref<16xi32, #tpu.memory_space<vmem>>, vector<16xi32>,
    "tpu.region"() ({
      %run_scoped3A = tpu.sem_alloc : memref<!tpu.dma_semaphore, #tpu.memory_space<semaphore_mem>>
      %dma_start3A = arith.constant 0 : i32
      %dma_start3A_33 = tpu.memref_slice %arg8[%arg0, %arg1, %dma_start3A] : memref<2x16x16xi32, #tpu.memory_space<hbm>> -> memref<1x1x16xi32, #tpu.memory_space<hbm>>
      %dma_start3A_34 = tpu.memref_squeeze %dma_start3A_33 : memref<1x1x16xi32, #tpu.memory_space<hbm>> -> memref<16xi32, #tpu.memory_space<hbm>>
      %dma_start3A_35 = arith.constant 0 : i32
      %dma_start3A_36 = tpu.memref_slice %arg8[%arg0, %arg1, %dma_start3A_35] : memref<2x16x16xi32, #tpu.memory_space<hbm>> -> memref<1x1x16xi32, #tpu.memory_space<hbm>>
      %dma_start3A_37 = tpu.memref_squeeze %dma_start3A_36 : memref<1x1x16xi32, #tpu.memory_space<hbm>> -> memref<16xi32, #tpu.memory_space<hbm>>
      tpu.enqueue_dma source(%arg13 : memref<16xi32, #tpu.memory_space<vmem>>) target(%dma_start3A_37 : memref<16xi32, #tpu.memory_space<hbm>>) target_semaphore(%run_scoped3A : memref<!tpu.dma_semaphore, #tpu.memory_space<semaphore_mem>>)
      %dma_wait3A = arith.constant 0 : i32
      %dma_wait3A_38 = tpu.memref_slice %arg8[%arg0, %arg1, %dma_wait3A] : memref<2x16x16xi32, #tpu.memory_space<hbm>> -> memref<1x1x16xi32, #tpu.memory_space<hbm>>
      %dma_wait3A_39 = tpu.memref_squeeze %dma_wait3A_38 : memref<1x1x16xi32, #tpu.memory_space<hbm>> -> memref<16xi32, #tpu.memory_space<hbm>>
      %dma_wait3A_40 = arith.constant 0 : i32
      %dma_wait3A_41 = tpu.memref_slice %arg8[%arg0, %arg1, %dma_wait3A_40] : memref<2x16x16xi32, #tpu.memory_space<hbm>> -> memref<1x1x16xi32, #tpu.memory_space<hbm>>
      %dma_wait3A_42 = tpu.memref_squeeze %dma_wait3A_41 : memref<1x1x16xi32, #tpu.memory_space<hbm>> -> memref<16xi32, #tpu.memory_space<hbm>>
      tpu.wait_dma2 semaphore(%run_scoped3A : memref<!tpu.dma_semaphore, #tpu.memory_space<semaphore_mem>>) src(%arg13 : memref<16xi32, #tpu.memory_space<vmem>>) dst(%dma_wait3A_42 : memref<16xi32, #tpu.memory_space<hbm>>)
      tpu.yield
    }) : () -> ()
    return
  }
}

#map = affine_map<(d0, d1) -> (0, 0)>
#map1 = affine_map<(d0, d1) -> (0, 0, 0, 0)>
#map2 = affine_map<(d0, d1) -> (0, 0, 0)>
module attributes {stable_mosaic.version = 14 : i64} {
  func.func @_sc_scatter_cnt_body(%arg0: i32, %arg1: i32, %arg2: memref<30720x64xf32, #tpu.memory_space<hbm>>, %arg3: memref<30720x64xf32, #tpu.memory_space<hbm>>, %arg4: memref<2x16x80x128xi32, #tpu.memory_space<hbm>>, %arg5: memref<2x16x80x128xi32, #tpu.memory_space<hbm>>, %arg6: memref<960x64xf32, #tpu.memory_space<hbm>>, %arg7: memref<2x16x16xi32, #tpu.memory_space<hbm>>, %arg8: memref<128x16xf32, #tpu.memory_space<hbm>>, %arg9: memref<960x16xf32, #tpu.memory_space<hbm>>, %arg10: memref<2x15360x64xf32, #tpu.memory_space<hbm>>, %arg11: memref<2x15360x64xf32, #tpu.memory_space<hbm>>, %arg12: memref<2x15360x16xf32, #tpu.memory_space<hbm>>, %arg13: memref<80x128xi32, #tpu.memory_space<vmem>>, %arg14: memref<80x128xi32, #tpu.memory_space<vmem>>, %arg15: memref<128x64xf32, #tpu.memory_space<vmem>>, %arg16: memref<128x64xf32, #tpu.memory_space<vmem>>, %arg17: memref<16xi32, #tpu.memory_space<vmem>>, %arg18: memref<128x16xf32, #tpu.memory_space<vmem>>, %arg19: memref<15360x64xf32, #tpu.memory_space<vmem_shared>>, %arg20: memref<15360x16xf32, #tpu.memory_space<vmem_shared>>, %arg21: memref<!tpu.dma_semaphore, #tpu.memory_space<semaphore_mem>>, %arg22: memref<!tpu.dma_semaphore, #tpu.memory_space<semaphore_mem>>) attributes {dimension_semantics = [#tpu.dimension_semantics<core_parallel>, #tpu.dimension_semantics<subcore_parallel>], iteration_bounds = array<i64: 2, 16>, scalar_prefetch = 0 : i64, scratch_operands = 10 : i64, tpu.core_type = #tpu.core_type<sc_vector_subcore>, window_params = [{transform_indices = #map}, {transform_indices = #map}, {transform_indices = #map1}, {transform_indices = #map1}, {transform_indices = #map}, {transform_indices = #map2}, {transform_indices = #map}, {transform_indices = #map}, {transform_indices = #map2}, {transform_indices = #map2}, {transform_indices = #map2}]} {
    "tpu.region"() ({
      %run_scoped3A = tpu.sem_alloc : memref<!tpu.dma_semaphore, #tpu.memory_space<semaphore_mem>>
      %dma_start3A = arith.constant 0 : i32
      %dma_start3A_69 = arith.constant 0 : i32
      %dma_start3A_70 = tpu.memref_slice %arg4[%arg0, %arg1, %dma_start3A, %dma_start3A_69] : memref<2x16x80x128xi32, #tpu.memory_space<hbm>> -> memref<1x1x80x128xi32, #tpu.memory_space<hbm>>
      %dma_start3A_71 = tpu.memref_squeeze %dma_start3A_70 : memref<1x1x80x128xi32, #tpu.memory_space<hbm>> -> memref<80x128xi32, #tpu.memory_space<hbm>>
      %dma_start3A_72 = arith.constant 0 : i32
      %dma_start3A_73 = arith.constant 0 : i32
      %dma_start3A_74 = tpu.memref_slice %arg4[%arg0, %arg1, %dma_start3A_72, %dma_start3A_73] : memref<2x16x80x128xi32, #tpu.memory_space<hbm>> -> memref<1x1x80x128xi32, #tpu.memory_space<hbm>>
      %dma_start3A_75 = tpu.memref_squeeze %dma_start3A_74 : memref<1x1x80x128xi32, #tpu.memory_space<hbm>> -> memref<80x128xi32, #tpu.memory_space<hbm>>
      tpu.enqueue_dma source(%dma_start3A_75 : memref<80x128xi32, #tpu.memory_space<hbm>>) target(%arg13 : memref<80x128xi32, #tpu.memory_space<vmem>>) target_semaphore(%run_scoped3A : memref<!tpu.dma_semaphore, #tpu.memory_space<semaphore_mem>>)
      %dma_wait3A = arith.constant 0 : i32
      %dma_wait3A_76 = arith.constant 0 : i32
      %dma_wait3A_77 = tpu.memref_slice %arg4[%arg0, %arg1, %dma_wait3A, %dma_wait3A_76] : memref<2x16x80x128xi32, #tpu.memory_space<hbm>> -> memref<1x1x80x128xi32, #tpu.memory_space<hbm>>
      %dma_wait3A_78 = tpu.memref_squeeze %dma_wait3A_77 : memref<1x1x80x128xi32, #tpu.memory_space<hbm>> -> memref<80x128xi32, #tpu.memory_space<hbm>>
      %dma_wait3A_79 = arith.constant 0 : i32
      %dma_wait3A_80 = arith.constant 0 : i32
      %dma_wait3A_81 = tpu.memref_slice %arg4[%arg0, %arg1, %dma_wait3A_79, %dma_wait3A_80] : memref<2x16x80x128xi32, #tpu.memory_space<hbm>> -> memref<1x1x80x128xi32, #tpu.memory_space<hbm>>
      %dma_wait3A_82 = tpu.memref_squeeze %dma_wait3A_81 : memref<1x1x80x128xi32, #tpu.memory_space<hbm>> -> memref<80x128xi32, #tpu.memory_space<hbm>>
      tpu.wait_dma2 semaphore(%run_scoped3A : memref<!tpu.dma_semaphore, #tpu.memory_space<semaphore_mem>>) src(%dma_wait3A_82 : memref<80x128xi32, #tpu.memory_space<hbm>>) dst(%arg13 : memref<80x128xi32, #tpu.memory_space<vmem>>)
      tpu.yield
    }) : () -> ()
    "tpu.region"() ({
      %run_scoped3A = tpu.sem_alloc : memref<!tpu.dma_semaphore, #tpu.memory_space<semaphore_mem>>
      %dma_start3A = arith.constant 0 : i32
      %dma_start3A_69 = arith.constant 0 : i32
      %dma_start3A_70 = tpu.memref_slice %arg5[%arg0, %arg1, %dma_start3A, %dma_start3A_69] : memref<2x16x80x128xi32, #tpu.memory_space<hbm>> -> memref<1x1x80x128xi32, #tpu.memory_space<hbm>>
      %dma_start3A_71 = tpu.memref_squeeze %dma_start3A_70 : memref<1x1x80x128xi32, #tpu.memory_space<hbm>> -> memref<80x128xi32, #tpu.memory_space<hbm>>
      %dma_start3A_72 = arith.constant 0 : i32
      %dma_start3A_73 = arith.constant 0 : i32
      %dma_start3A_74 = tpu.memref_slice %arg5[%arg0, %arg1, %dma_start3A_72, %dma_start3A_73] : memref<2x16x80x128xi32, #tpu.memory_space<hbm>> -> memref<1x1x80x128xi32, #tpu.memory_space<hbm>>
      %dma_start3A_75 = tpu.memref_squeeze %dma_start3A_74 : memref<1x1x80x128xi32, #tpu.memory_space<hbm>> -> memref<80x128xi32, #tpu.memory_space<hbm>>
      tpu.enqueue_dma source(%dma_start3A_75 : memref<80x128xi32, #tpu.memory_space<hbm>>) target(%arg14 : memref<80x128xi32, #tpu.memory_space<vmem>>) target_semaphore(%run_scoped3A : memref<!tpu.dma_semaphore, #tpu.memory_space<semaphore_mem>>)
      %dma_wait3A = arith.constant 0 : i32
      %dma_wait3A_76 = arith.constant 0 : i32
      %dma_wait3A_77 = tpu.memref_slice %arg5[%arg0, %arg1, %dma_wait3A, %dma_wait3A_76] : memref<2x16x80x128xi32, #tpu.memory_space<hbm>> -> memref<1x1x80x128xi32, #tpu.memory_space<hbm>>
      %dma_wait3A_78 = tpu.memref_squeeze %dma_wait3A_77 : memref<1x1x80x128xi32, #tpu.memory_space<hbm>> -> memref<80x128xi32, #tpu.memory_space<hbm>>
      %dma_wait3A_79 = arith.constant 0 : i32
      %dma_wait3A_80 = arith.constant 0 : i32
      %dma_wait3A_81 = tpu.memref_slice %arg5[%arg0, %arg1, %dma_wait3A_79, %dma_wait3A_80] : memref<2x16x80x128xi32, #tpu.memory_space<hbm>> -> memref<1x1x80x128xi32, #tpu.memory_space<hbm>>
      %dma_wait3A_82 = tpu.memref_squeeze %dma_wait3A_81 : memref<1x1x80x128xi32, #tpu.memory_space<hbm>> -> memref<80x128xi32, #tpu.memory_space<hbm>>
      tpu.wait_dma2 semaphore(%run_scoped3A : memref<!tpu.dma_semaphore, #tpu.memory_space<semaphore_mem>>) src(%dma_wait3A_82 : memref<80x128xi32, #tpu.memory_space<hbm>>) dst(%arg14 : memref<80x128xi32, #tpu.memory_space<vmem>>)
      tpu.yield
    }) : () -> ()
    "tpu.region"() ({
      %run_scoped3A = tpu.sem_alloc : memref<!tpu.dma_semaphore, #tpu.memory_space<semaphore_mem>>
      %dma_start3A = arith.constant 0 : i32
      %dma_start3A_69 = tpu.memref_slice %arg7[%arg0, %arg1, %dma_start3A] : memref<2x16x16xi32, #tpu.memory_space<hbm>> -> memref<1x1x16xi32, #tpu.memory_space<hbm>>
      %dma_start3A_70 = tpu.memref_squeeze %dma_start3A_69 : memref<1x1x16xi32, #tpu.memory_space<hbm>> -> memref<16xi32, #tpu.memory_space<hbm>>
      %dma_start3A_71 = arith.constant 0 : i32
      %dma_start3A_72 = tpu.memref_slice %arg7[%arg0, %arg1, %dma_start3A_71] : memref<2x16x16xi32, #tpu.memory_space<hbm>> -> memref<1x1x16xi32, #tpu.memory_space<hbm>>
      %dma_start3A_73 = tpu.memref_squeeze %dma_start3A_72 : memref<1x1x16xi32, #tpu.memory_space<hbm>> -> memref<16xi32, #tpu.memory_space<hbm>>
      tpu.enqueue_dma source(%dma_start3A_73 : memref<16xi32, #tpu.memory_space<hbm>>) target(%arg17 : memref<16xi32, #tpu.memory_space<vmem>>) target_semaphore(%run_scoped3A : memref<!tpu.dma_semaphore, #tpu.memory_space<semaphore_mem>>)
      %dma_wait3A = arith.constant 0 : i32
      %dma_wait3A_74 = tpu.memref_slice %arg7[%arg0, %arg1, %dma_wait3A] : memref<2x16x16xi32, #tpu.memory_space<hbm>> -> memref<1x1x16xi32, #tpu.memory_space<hbm>>
      %dma_wait3A_75 = tpu.memref_squeeze %dma_wait3A_74 : memref<1x1x16xi32, #tpu.memory_space<hbm>> -> memref<16xi32, #tpu.memory_space<hbm>>
      %dma_wait3A_76 = arith.constant 0 : i32
      %dma_wait3A_77 = tpu.memref_slice %arg7[%arg0, %arg1, %dma_wait3A_76] : memref<2x16x16xi32, #tpu.memory_space<hbm>> -> memref<1x1x16xi32, #tpu.memory_space<hbm>>
      %dma_wait3A_78 = tpu.memref_squeeze %dma_wait3A_77 : memref<1x1x16xi32, #tpu.memory_space<hbm>> -> memref<16xi32, #tpu.memory_space<hbm>>
      tpu.wait_dma2 semaphore(%run_scoped3A : memref<!tpu.dma_semaphore, #tpu.memory_space<semaphore_mem>>) src(%dma_wait3A_78 : memref<16xi32, #tpu.memory_space<hbm>>) dst(%arg17 : memref<16xi32, #tpu.memory_space<vmem>>)
      tpu.yield
    }) : () -> ()
    "tpu.region"() ({
      %run_scoped3A = tpu.sem_alloc : memref<!tpu.dma_semaphore, #tpu.memory_space<semaphore_mem>>
      tpu.enqueue_dma source(%arg8 : memref<128x16xf32, #tpu.memory_space<hbm>>) target(%arg18 : memref<128x16xf32, #tpu.memory_space<vmem>>) target_semaphore(%run_scoped3A : memref<!tpu.dma_semaphore, #tpu.memory_space<semaphore_mem>>)
      tpu.wait_dma2 semaphore(%run_scoped3A : memref<!tpu.dma_semaphore, #tpu.memory_space<semaphore_mem>>) src(%arg8 : memref<128x16xf32, #tpu.memory_space<hbm>>) dst(%arg18 : memref<128x16xf32, #tpu.memory_space<vmem>>)
      tpu.yield
    }) : () -> ()
    %get3A = arith.constant 0 : index
    %get3A_0 = tpu.vector_load %arg17[%get3A] {strides = array<i32>} : memref<16xi32, #tpu.memory_space<vmem>>, vector<16xi32>,
    %reduce_max3A = arith.constant true
    %reduce_max3A_1 = vector.broadcast %reduce_max3A : i1 to vector<16xi1>
    %reduce_max3A_2 = arith.constant -2147483648 : i32
    %reduce_max3A_3 = vector.broadcast %reduce_max3A_2 : i32 to vector<16xi32>
    %reduce_max3A_4 = arith.xori %get3A_0, %reduce_max3A_3 : vector<16xi32>
    %reduce_max3A_5 = tpu.scan <max>, %reduce_max3A_4 masked %reduce_max3A_1 : vector<16xi32>, vector<16xi1> -> vector<16xi32>
    %reduce_max3A_6 = arith.xori %reduce_max3A_5, %reduce_max3A_3 : vector<16xi32>
    %reduce_max3A_7 = vector.extract %reduce_max3A_6[15] : i32 from vector<16xi32>
    %add3A = arith.constant 255 : i32
    %add3A_8 = arith.addi %reduce_max3A_7, %add3A : i32
    %shift_right_arithmetic3A = arith.constant 8 : i32
    %shift_right_arithmetic3A_9 = arith.shrsi %add3A_8, %shift_right_arithmetic3A : i32
    %mul3A = arith.constant 960 : i32
    %mul3A_10 = arith.muli %arg1, %mul3A : i32
    "tpu.region"() ({
      %run_scoped3A = tpu.sem_alloc : memref<!tpu.dma_semaphore, #tpu.memory_space<semaphore_mem>>
      %dma_start3A = arith.constant 0 : i32
      %dma_start3A_69 = tpu.memref_slice %arg20[%mul3A_10, %dma_start3A] : memref<15360x16xf32, #tpu.memory_space<vmem_shared>> -> memref<960x16xf32, #tpu.memory_space<vmem_shared>>
      tpu.enqueue_dma source(%arg9 : memref<960x16xf32, #tpu.memory_space<hbm>>) target(%dma_start3A_69 : memref<960x16xf32, #tpu.memory_space<vmem_shared>>) target_semaphore(%run_scoped3A : memref<!tpu.dma_semaphore, #tpu.memory_space<semaphore_mem>>)
      %dma_wait3A = arith.constant 0 : i32
      %dma_wait3A_70 = tpu.memref_slice %arg20[%mul3A_10, %dma_wait3A] : memref<15360x16xf32, #tpu.memory_space<vmem_shared>> -> memref<960x16xf32, #tpu.memory_space<vmem_shared>>
      tpu.wait_dma2 semaphore(%run_scoped3A : memref<!tpu.dma_semaphore, #tpu.memory_space<semaphore_mem>>) src(%arg9 : memref<960x16xf32, #tpu.memory_space<hbm>>) dst(%dma_wait3A_70 : memref<960x16xf32, #tpu.memory_space<vmem_shared>>)
      tpu.yield
    }) : () -> ()
    %barrier3A = arith.constant 0 : index
    tpu.barrier barrier_id(%barrier3A)
    %mul3A_11 = arith.constant 2 : i32
    %mul3A_12 = arith.muli %mul3A_11, %shift_right_arithmetic3A_9 : i32
    %while3A = arith.constant 0 : i32
    %while3A_13 = arith.subi %mul3A_12, %while3A : i32
    %while3A_14 = arith.addi %while3A, %while3A_13 : i32
    %while3A_15 = arith.constant 1 : i32
    %while3A_16 = arith.divsi %while3A_13, %while3A_15 : i32
    %while3A_17 = arith.muli %while3A_16, %while3A_15 : i32
    %while3A_18 = arith.addi %while3A, %while3A_17 : i32
    %while3A_19 = arith.constant 1 : i32
    scf.for %while3A_69 = %while3A to %while3A_18 step %while3A_19  : i32 {
      "tpu.region"() ({
        %run_scoped3A = tpu.sem_alloc : memref<!tpu.dma_semaphore, #tpu.memory_space<semaphore_mem>>
        %dma_start3A = arith.constant 0 : i32
        %dma_start3A_70 = tpu.memref_slice %arg13[%while3A_69, %dma_start3A] : memref<80x128xi32, #tpu.memory_space<vmem>> -> memref<1x128xi32, #tpu.memory_space<vmem>>
        %dma_start3A_71 = tpu.memref_squeeze %dma_start3A_70 : memref<1x128xi32, #tpu.memory_space<vmem>> -> memref<128xi32, #tpu.memory_space<vmem>>
        %dma_start3A_72 = arith.constant 0 : i32
        %dma_start3A_73 = arith.constant 0 : i32
        %dma_start3A_74 = tpu.memref_slice %arg20[%dma_start3A_72, %dma_start3A_73] : memref<15360x16xf32, #tpu.memory_space<vmem_shared>> -> memref<15360x16xf32, #tpu.memory_space<vmem_shared>>
        tpu.enqueue_indirect_dma source(%arg18 : memref<128x16xf32, #tpu.memory_space<vmem>>) target(%dma_start3A_74 : memref<15360x16xf32, #tpu.memory_space<vmem_shared>>) offsets(%dma_start3A_71 : memref<128xi32, #tpu.memory_space<vmem>>) semaphore(%run_scoped3A : memref<!tpu.dma_semaphore, #tpu.memory_space<semaphore_mem>>) {add = true}
        %dma_wait3A = arith.constant 0 : i32
        %dma_wait3A_75 = tpu.memref_slice %arg13[%while3A_69, %dma_wait3A] : memref<80x128xi32, #tpu.memory_space<vmem>> -> memref<1x128xi32, #tpu.memory_space<vmem>>
        %dma_wait3A_76 = tpu.memref_squeeze %dma_wait3A_75 : memref<1x128xi32, #tpu.memory_space<vmem>> -> memref<128xi32, #tpu.memory_space<vmem>>
        %dma_wait3A_77 = arith.constant 0 : i32
        %dma_wait3A_78 = arith.constant 0 : i32
        %dma_wait3A_79 = tpu.memref_slice %arg20[%dma_wait3A_77, %dma_wait3A_78] : memref<15360x16xf32, #tpu.memory_space<vmem_shared>> -> memref<15360x16xf32, #tpu.memory_space<vmem_shared>>
        tpu.wait_indirect_dma semaphore(%run_scoped3A : memref<!tpu.dma_semaphore, #tpu.memory_space<semaphore_mem>>) src(%arg18 : memref<128x16xf32, #tpu.memory_space<vmem>>) dst(%dma_wait3A_79 : memref<15360x16xf32, #tpu.memory_space<vmem_shared>>)
        tpu.yield
      }) : () -> ()
    }
    %while3A_20 = arith.constant 1 : i32
    scf.for %while3A_69 = %while3A_18 to %while3A_14 step %while3A_20  : i32 {
      "tpu.region"() ({
        %run_scoped3A = tpu.sem_alloc : memref<!tpu.dma_semaphore, #tpu.memory_space<semaphore_mem>>
        %dma_start3A = arith.constant 0 : i32
        %dma_start3A_70 = tpu.memref_slice %arg13[%while3A_69, %dma_start3A] : memref<80x128xi32, #tpu.memory_space<vmem>> -> memref<1x128xi32, #tpu.memory_space<vmem>>
        %dma_start3A_71 = tpu.memref_squeeze %dma_start3A_70 : memref<1x128xi32, #tpu.memory_space<vmem>> -> memref<128xi32, #tpu.memory_space<vmem>>
        %dma_start3A_72 = arith.constant 0 : i32
        %dma_start3A_73 = arith.constant 0 : i32
        %dma_start3A_74 = tpu.memref_slice %arg20[%dma_start3A_72, %dma_start3A_73] : memref<15360x16xf32, #tpu.memory_space<vmem_shared>> -> memref<15360x16xf32, #tpu.memory_space<vmem_shared>>
        tpu.enqueue_indirect_dma source(%arg18 : memref<128x16xf32, #tpu.memory_space<vmem>>) target(%dma_start3A_74 : memref<15360x16xf32, #tpu.memory_space<vmem_shared>>) offsets(%dma_start3A_71 : memref<128xi32, #tpu.memory_space<vmem>>) semaphore(%run_scoped3A : memref<!tpu.dma_semaphore, #tpu.memory_space<semaphore_mem>>) {add = true}
        %dma_wait3A = arith.constant 0 : i32
        %dma_wait3A_75 = tpu.memref_slice %arg13[%while3A_69, %dma_wait3A] : memref<80x128xi32, #tpu.memory_space<vmem>> -> memref<1x128xi32, #tpu.memory_space<vmem>>
        %dma_wait3A_76 = tpu.memref_squeeze %dma_wait3A_75 : memref<1x128xi32, #tpu.memory_space<vmem>> -> memref<128xi32, #tpu.memory_space<vmem>>
        %dma_wait3A_77 = arith.constant 0 : i32
        %dma_wait3A_78 = arith.constant 0 : i32
        %dma_wait3A_79 = tpu.memref_slice %arg20[%dma_wait3A_77, %dma_wait3A_78] : memref<15360x16xf32, #tpu.memory_space<vmem_shared>> -> memref<15360x16xf32, #tpu.memory_space<vmem_shared>>
        tpu.wait_indirect_dma semaphore(%run_scoped3A : memref<!tpu.dma_semaphore, #tpu.memory_space<semaphore_mem>>) src(%arg18 : memref<128x16xf32, #tpu.memory_space<vmem>>) dst(%dma_wait3A_79 : memref<15360x16xf32, #tpu.memory_space<vmem_shared>>)
        tpu.yield
      }) : () -> ()
    }
    %barrier3A_21 = arith.constant 0 : index
    tpu.barrier barrier_id(%barrier3A_21)
    %mul3A_22 = arith.constant 960 : i32
    %mul3A_23 = arith.muli %arg1, %mul3A_22 : i32
    %mul3A_24 = arith.constant 960 : i32
    %mul3A_25 = arith.muli %arg1, %mul3A_24 : i32
    "tpu.region"() ({
      %run_scoped3A = tpu.sem_alloc : memref<!tpu.dma_semaphore, #tpu.memory_space<semaphore_mem>>
      %dma_start3A = arith.constant 0 : i32
      %dma_start3A_69 = tpu.memref_slice %arg12[%arg0, %mul3A_25, %dma_start3A] : memref<2x15360x16xf32, #tpu.memory_space<hbm>> -> memref<1x960x16xf32, #tpu.memory_space<hbm>>
      %dma_start3A_70 = tpu.memref_squeeze %dma_start3A_69 : memref<1x960x16xf32, #tpu.memory_space<hbm>> -> memref<960x16xf32, #tpu.memory_space<hbm>>
      %dma_start3A_71 = arith.constant 0 : i32
      %dma_start3A_72 = tpu.memref_slice %arg20[%mul3A_23, %dma_start3A_71] : memref<15360x16xf32, #tpu.memory_space<vmem_shared>> -> memref<960x16xf32, #tpu.memory_space<vmem_shared>>
      tpu.enqueue_dma source(%dma_start3A_72 : memref<960x16xf32, #tpu.memory_space<vmem_shared>>) target(%dma_start3A_70 : memref<960x16xf32, #tpu.memory_space<hbm>>) target_semaphore(%run_scoped3A : memref<!tpu.dma_semaphore, #tpu.memory_space<semaphore_mem>>)
      %dma_wait3A = arith.constant 0 : i32
      %dma_wait3A_73 = tpu.memref_slice %arg12[%arg0, %mul3A_25, %dma_wait3A] : memref<2x15360x16xf32, #tpu.memory_space<hbm>> -> memref<1x960x16xf32, #tpu.memory_space<hbm>>
      %dma_wait3A_74 = tpu.memref_squeeze %dma_wait3A_73 : memref<1x960x16xf32, #tpu.memory_space<hbm>> -> memref<960x16xf32, #tpu.memory_space<hbm>>
      %dma_wait3A_75 = arith.constant 0 : i32
      %dma_wait3A_76 = tpu.memref_slice %arg20[%mul3A_23, %dma_wait3A_75] : memref<15360x16xf32, #tpu.memory_space<vmem_shared>> -> memref<960x16xf32, #tpu.memory_space<vmem_shared>>
      tpu.wait_dma2 semaphore(%run_scoped3A : memref<!tpu.dma_semaphore, #tpu.memory_space<semaphore_mem>>) src(%dma_wait3A_76 : memref<960x16xf32, #tpu.memory_space<vmem_shared>>) dst(%dma_wait3A_74 : memref<960x16xf32, #tpu.memory_space<hbm>>)
      tpu.yield
    }) : () -> ()
    %mul3A_26 = arith.constant 960 : i32
    %mul3A_27 = arith.muli %arg1, %mul3A_26 : i32
    "tpu.region"() ({
      %run_scoped3A = tpu.sem_alloc : memref<!tpu.dma_semaphore, #tpu.memory_space<semaphore_mem>>
      %dma_start3A = arith.constant 0 : i32
      %dma_start3A_69 = tpu.memref_slice %arg19[%mul3A_27, %dma_start3A] : memref<15360x64xf32, #tpu.memory_space<vmem_shared>> -> memref<960x64xf32, #tpu.memory_space<vmem_shared>>
      tpu.enqueue_dma source(%arg6 : memref<960x64xf32, #tpu.memory_space<hbm>>) target(%dma_start3A_69 : memref<960x64xf32, #tpu.memory_space<vmem_shared>>) target_semaphore(%run_scoped3A : memref<!tpu.dma_semaphore, #tpu.memory_space<semaphore_mem>>)
      %dma_wait3A = arith.constant 0 : i32
      %dma_wait3A_70 = tpu.memref_slice %arg19[%mul3A_27, %dma_wait3A] : memref<15360x64xf32, #tpu.memory_space<vmem_shared>> -> memref<960x64xf32, #tpu.memory_space<vmem_shared>>
      tpu.wait_dma2 semaphore(%run_scoped3A : memref<!tpu.dma_semaphore, #tpu.memory_space<semaphore_mem>>) src(%arg6 : memref<960x64xf32, #tpu.memory_space<hbm>>) dst(%dma_wait3A_70 : memref<960x64xf32, #tpu.memory_space<vmem_shared>>)
      tpu.yield
    }) : () -> ()
    %barrier3A_28 = arith.constant 0 : index
    tpu.barrier barrier_id(%barrier3A_28)
    %gt3A = arith.constant 0 : i32
    %gt3A_29 = arith.cmpi sgt, %shift_right_arithmetic3A_9, %gt3A : i32
    %convert_element_type3A = arith.extui %gt3A_29 : i1 to i32
    %cond3A = arith.constant 0 : i32
    %cond3A_30 = arith.cmpi ne, %convert_element_type3A, %cond3A : i32
    scf.if %cond3A_30 {
      %dma_start3A = arith.constant 0 : i32
      %dma_start3A_69 = arith.constant 0 : i32
      %dma_start3A_70 = tpu.memref_slice %arg14[%dma_start3A, %dma_start3A_69] : memref<80x128xi32, #tpu.memory_space<vmem>> -> memref<1x128xi32, #tpu.memory_space<vmem>>
      %dma_start3A_71 = tpu.memref_squeeze %dma_start3A_70 : memref<1x128xi32, #tpu.memory_space<vmem>> -> memref<128xi32, #tpu.memory_space<vmem>>
      %dma_start3A_72 = arith.constant 0 : i32
      %dma_start3A_73 = arith.constant 0 : i32
      %dma_start3A_74 = tpu.memref_slice %arg2[%dma_start3A_72, %dma_start3A_73] : memref<30720x64xf32, #tpu.memory_space<hbm>> -> memref<30720x64xf32, #tpu.memory_space<hbm>>
      tpu.enqueue_indirect_dma source(%dma_start3A_74 : memref<30720x64xf32, #tpu.memory_space<hbm>>) target(%arg15 : memref<128x64xf32, #tpu.memory_space<vmem>>) offsets(%dma_start3A_71 : memref<128xi32, #tpu.memory_space<vmem>>) semaphore(%arg21 : memref<!tpu.dma_semaphore, #tpu.memory_space<semaphore_mem>>)
    } else {
    }
    %while3A_31 = arith.constant 0 : i32
    %while3A_32 = arith.subi %shift_right_arithmetic3A_9, %while3A_31 : i32
    %while3A_33 = arith.addi %while3A_31, %while3A_32 : i32
    %while3A_34 = arith.constant 1 : i32
    %while3A_35 = arith.divsi %while3A_32, %while3A_34 : i32
    %while3A_36 = arith.muli %while3A_35, %while3A_34 : i32
    %while3A_37 = arith.addi %while3A_31, %while3A_36 : i32
    %while3A_38 = arith.constant 1 : i32
    scf.for %while3A_69 = %while3A_31 to %while3A_37 step %while3A_38  : i32 {
      %mul3A_70 = arith.constant 2 : i32
      %mul3A_71 = arith.muli %mul3A_70, %while3A_69 : i32
      %add3A_72 = arith.constant 1 : i32
      %add3A_73 = arith.addi %mul3A_71, %add3A_72 : i32
      %dma_start3A = arith.constant 0 : i32
      %dma_start3A_74 = tpu.memref_slice %arg14[%add3A_73, %dma_start3A] : memref<80x128xi32, #tpu.memory_space<vmem>> -> memref<1x128xi32, #tpu.memory_space<vmem>>
      %dma_start3A_75 = tpu.memref_squeeze %dma_start3A_74 : memref<1x128xi32, #tpu.memory_space<vmem>> -> memref<128xi32, #tpu.memory_space<vmem>>
      %dma_start3A_76 = arith.constant 0 : i32
      %dma_start3A_77 = arith.constant 0 : i32
      %dma_start3A_78 = tpu.memref_slice %arg2[%dma_start3A_76, %dma_start3A_77] : memref<30720x64xf32, #tpu.memory_space<hbm>> -> memref<30720x64xf32, #tpu.memory_space<hbm>>
      tpu.enqueue_indirect_dma source(%dma_start3A_78 : memref<30720x64xf32, #tpu.memory_space<hbm>>) target(%arg16 : memref<128x64xf32, #tpu.memory_space<vmem>>) offsets(%dma_start3A_75 : memref<128xi32, #tpu.memory_space<vmem>>) semaphore(%arg22 : memref<!tpu.dma_semaphore, #tpu.memory_space<semaphore_mem>>)
      %dma_wait3A = arith.constant 0 : i32
      %dma_wait3A_79 = tpu.memref_slice %arg14[%mul3A_71, %dma_wait3A] : memref<80x128xi32, #tpu.memory_space<vmem>> -> memref<1x128xi32, #tpu.memory_space<vmem>>
      %dma_wait3A_80 = tpu.memref_squeeze %dma_wait3A_79 : memref<1x128xi32, #tpu.memory_space<vmem>> -> memref<128xi32, #tpu.memory_space<vmem>>
      %dma_wait3A_81 = arith.constant 0 : i32
      %dma_wait3A_82 = arith.constant 0 : i32
      %dma_wait3A_83 = tpu.memref_slice %arg2[%dma_wait3A_81, %dma_wait3A_82] : memref<30720x64xf32, #tpu.memory_space<hbm>> -> memref<30720x64xf32, #tpu.memory_space<hbm>>
      tpu.wait_indirect_dma semaphore(%arg21 : memref<!tpu.dma_semaphore, #tpu.memory_space<semaphore_mem>>) src(%dma_wait3A_83 : memref<30720x64xf32, #tpu.memory_space<hbm>>) dst(%arg15 : memref<128x64xf32, #tpu.memory_space<vmem>>)
      "tpu.region"() ({
        %run_scoped3A = tpu.sem_alloc : memref<!tpu.dma_semaphore, #tpu.memory_space<semaphore_mem>>
        %dma_start3A_98 = arith.constant 0 : i32
        %dma_start3A_99 = tpu.memref_slice %arg13[%mul3A_71, %dma_start3A_98] : memref<80x128xi32, #tpu.memory_space<vmem>> -> memref<1x128xi32, #tpu.memory_space<vmem>>
        %dma_start3A_100 = tpu.memref_squeeze %dma_start3A_99 : memref<1x128xi32, #tpu.memory_space<vmem>> -> memref<128xi32, #tpu.memory_space<vmem>>
        %dma_start3A_101 = arith.constant 0 : i32
        %dma_start3A_102 = arith.constant 0 : i32
        %dma_start3A_103 = tpu.memref_slice %arg19[%dma_start3A_101, %dma_start3A_102] : memref<15360x64xf32, #tpu.memory_space<vmem_shared>> -> memref<15360x64xf32, #tpu.memory_space<vmem_shared>>
        tpu.enqueue_indirect_dma source(%arg15 : memref<128x64xf32, #tpu.memory_space<vmem>>) target(%dma_start3A_103 : memref<15360x64xf32, #tpu.memory_space<vmem_shared>>) offsets(%dma_start3A_100 : memref<128xi32, #tpu.memory_space<vmem>>) semaphore(%run_scoped3A : memref<!tpu.dma_semaphore, #tpu.memory_space<semaphore_mem>>) {add = true}
        %dma_wait3A_104 = arith.constant 0 : i32
        %dma_wait3A_105 = tpu.memref_slice %arg13[%mul3A_71, %dma_wait3A_104] : memref<80x128xi32, #tpu.memory_space<vmem>> -> memref<1x128xi32, #tpu.memory_space<vmem>>
        %dma_wait3A_106 = tpu.memref_squeeze %dma_wait3A_105 : memref<1x128xi32, #tpu.memory_space<vmem>> -> memref<128xi32, #tpu.memory_space<vmem>>
        %dma_wait3A_107 = arith.constant 0 : i32
        %dma_wait3A_108 = arith.constant 0 : i32
        %dma_wait3A_109 = tpu.memref_slice %arg19[%dma_wait3A_107, %dma_wait3A_108] : memref<15360x64xf32, #tpu.memory_space<vmem_shared>> -> memref<15360x64xf32, #tpu.memory_space<vmem_shared>>
        tpu.wait_indirect_dma semaphore(%run_scoped3A : memref<!tpu.dma_semaphore, #tpu.memory_space<semaphore_mem>>) src(%arg15 : memref<128x64xf32, #tpu.memory_space<vmem>>) dst(%dma_wait3A_109 : memref<15360x64xf32, #tpu.memory_space<vmem_shared>>)
        tpu.yield
      }) : () -> ()
      %sub3A = arith.constant 1 : i32
      %sub3A_84 = arith.subi %shift_right_arithmetic3A_9, %sub3A : i32
      %lt3A = arith.cmpi slt, %while3A_69, %sub3A_84 : i32
      %convert_element_type3A_85 = arith.extui %lt3A : i1 to i32
      %cond3A_86 = arith.constant 0 : i32
      %cond3A_87 = arith.cmpi ne, %convert_element_type3A_85, %cond3A_86 : i32
      scf.if %cond3A_87 {
        %add3A_98 = arith.constant 2 : i32
        %add3A_99 = arith.addi %mul3A_71, %add3A_98 : i32
        %dma_start3A_100 = arith.constant 0 : i32
        %dma_start3A_101 = tpu.memref_slice %arg14[%add3A_99, %dma_start3A_100] : memref<80x128xi32, #tpu.memory_space<vmem>> -> memref<1x128xi32, #tpu.memory_space<vmem>>
        %dma_start3A_102 = tpu.memref_squeeze %dma_start3A_101 : memref<1x128xi32, #tpu.memory_space<vmem>> -> memref<128xi32, #tpu.memory_space<vmem>>
        %dma_start3A_103 = arith.constant 0 : i32
        %dma_start3A_104 = arith.constant 0 : i32
        %dma_start3A_105 = tpu.memref_slice %arg2[%dma_start3A_103, %dma_start3A_104] : memref<30720x64xf32, #tpu.memory_space<hbm>> -> memref<30720x64xf32, #tpu.memory_space<hbm>>
        tpu.enqueue_indirect_dma source(%dma_start3A_105 : memref<30720x64xf32, #tpu.memory_space<hbm>>) target(%arg15 : memref<128x64xf32, #tpu.memory_space<vmem>>) offsets(%dma_start3A_102 : memref<128xi32, #tpu.memory_space<vmem>>) semaphore(%arg21 : memref<!tpu.dma_semaphore, #tpu.memory_space<semaphore_mem>>)
      } else {
      }
      %add3A_88 = arith.constant 1 : i32
      %add3A_89 = arith.addi %mul3A_71, %add3A_88 : i32
      %dma_wait3A_90 = arith.constant 0 : i32
      %dma_wait3A_91 = tpu.memref_slice %arg14[%add3A_89, %dma_wait3A_90] : memref<80x128xi32, #tpu.memory_space<vmem>> -> memref<1x128xi32, #tpu.memory_space<vmem>>
      %dma_wait3A_92 = tpu.memref_squeeze %dma_wait3A_91 : memref<1x128xi32, #tpu.memory_space<vmem>> -> memref<128xi32, #tpu.memory_space<vmem>>
      %dma_wait3A_93 = arith.constant 0 : i32
      %dma_wait3A_94 = arith.constant 0 : i32
      %dma_wait3A_95 = tpu.memref_slice %arg2[%dma_wait3A_93, %dma_wait3A_94] : memref<30720x64xf32, #tpu.memory_space<hbm>> -> memref<30720x64xf32, #tpu.memory_space<hbm>>
      tpu.wait_indirect_dma semaphore(%arg22 : memref<!tpu.dma_semaphore, #tpu.memory_space<semaphore_mem>>) src(%dma_wait3A_95 : memref<30720x64xf32, #tpu.memory_space<hbm>>) dst(%arg16 : memref<128x64xf32, #tpu.memory_space<vmem>>)
      %add3A_96 = arith.constant 1 : i32
      %add3A_97 = arith.addi %mul3A_71, %add3A_96 : i32
      "tpu.region"() ({
        %run_scoped3A = tpu.sem_alloc : memref<!tpu.dma_semaphore, #tpu.memory_space<semaphore_mem>>
        %dma_start3A_98 = arith.constant 0 : i32
        %dma_start3A_99 = tpu.memref_slice %arg13[%add3A_97, %dma_start3A_98] : memref<80x128xi32, #tpu.memory_space<vmem>> -> memref<1x128xi32, #tpu.memory_space<vmem>>
        %dma_start3A_100 = tpu.memref_squeeze %dma_start3A_99 : memref<1x128xi32, #tpu.memory_space<vmem>> -> memref<128xi32, #tpu.memory_space<vmem>>
        %dma_start3A_101 = arith.constant 0 : i32
        %dma_start3A_102 = arith.constant 0 : i32
        %dma_start3A_103 = tpu.memref_slice %arg19[%dma_start3A_101, %dma_start3A_102] : memref<15360x64xf32, #tpu.memory_space<vmem_shared>> -> memref<15360x64xf32, #tpu.memory_space<vmem_shared>>
        tpu.enqueue_indirect_dma source(%arg16 : memref<128x64xf32, #tpu.memory_space<vmem>>) target(%dma_start3A_103 : memref<15360x64xf32, #tpu.memory_space<vmem_shared>>) offsets(%dma_start3A_100 : memref<128xi32, #tpu.memory_space<vmem>>) semaphore(%run_scoped3A : memref<!tpu.dma_semaphore, #tpu.memory_space<semaphore_mem>>) {add = true}
        %dma_wait3A_104 = arith.constant 0 : i32
        %dma_wait3A_105 = tpu.memref_slice %arg13[%add3A_97, %dma_wait3A_104] : memref<80x128xi32, #tpu.memory_space<vmem>> -> memref<1x128xi32, #tpu.memory_space<vmem>>
        %dma_wait3A_106 = tpu.memref_squeeze %dma_wait3A_105 : memref<1x128xi32, #tpu.memory_space<vmem>> -> memref<128xi32, #tpu.memory_space<vmem>>
        %dma_wait3A_107 = arith.constant 0 : i32
        %dma_wait3A_108 = arith.constant 0 : i32
        %dma_wait3A_109 = tpu.memref_slice %arg19[%dma_wait3A_107, %dma_wait3A_108] : memref<15360x64xf32, #tpu.memory_space<vmem_shared>> -> memref<15360x64xf32, #tpu.memory_space<vmem_shared>>
        tpu.wait_indirect_dma semaphore(%run_scoped3A : memref<!tpu.dma_semaphore, #tpu.memory_space<semaphore_mem>>) src(%arg16 : memref<128x64xf32, #tpu.memory_space<vmem>>) dst(%dma_wait3A_109 : memref<15360x64xf32, #tpu.memory_space<vmem_shared>>)
        tpu.yield
      }) : () -> ()
    }
    %while3A_39 = arith.constant 1 : i32
    scf.for %while3A_69 = %while3A_37 to %while3A_33 step %while3A_39  : i32 {
      %mul3A_70 = arith.constant 2 : i32
      %mul3A_71 = arith.muli %mul3A_70, %while3A_69 : i32
      %add3A_72 = arith.constant 1 : i32
      %add3A_73 = arith.addi %mul3A_71, %add3A_72 : i32
      %dma_start3A = arith.constant 0 : i32
      %dma_start3A_74 = tpu.memref_slice %arg14[%add3A_73, %dma_start3A] : memref<80x128xi32, #tpu.memory_space<vmem>> -> memref<1x128xi32, #tpu.memory_space<vmem>>
      %dma_start3A_75 = tpu.memref_squeeze %dma_start3A_74 : memref<1x128xi32, #tpu.memory_space<vmem>> -> memref<128xi32, #tpu.memory_space<vmem>>
      %dma_start3A_76 = arith.constant 0 : i32
      %dma_start3A_77 = arith.constant 0 : i32
      %dma_start3A_78 = tpu.memref_slice %arg2[%dma_start3A_76, %dma_start3A_77] : memref<30720x64xf32, #tpu.memory_space<hbm>> -> memref<30720x64xf32, #tpu.memory_space<hbm>>
      tpu.enqueue_indirect_dma source(%dma_start3A_78 : memref<30720x64xf32, #tpu.memory_space<hbm>>) target(%arg16 : memref<128x64xf32, #tpu.memory_space<vmem>>) offsets(%dma_start3A_75 : memref<128xi32, #tpu.memory_space<vmem>>) semaphore(%arg22 : memref<!tpu.dma_semaphore, #tpu.memory_space<semaphore_mem>>)
      %dma_wait3A = arith.constant 0 : i32
      %dma_wait3A_79 = tpu.memref_slice %arg14[%mul3A_71, %dma_wait3A] : memref<80x128xi32, #tpu.memory_space<vmem>> -> memref<1x128xi32, #tpu.memory_space<vmem>>
      %dma_wait3A_80 = tpu.memref_squeeze %dma_wait3A_79 : memref<1x128xi32, #tpu.memory_space<vmem>> -> memref<128xi32, #tpu.memory_space<vmem>>
      %dma_wait3A_81 = arith.constant 0 : i32
      %dma_wait3A_82 = arith.constant 0 : i32
      %dma_wait3A_83 = tpu.memref_slice %arg2[%dma_wait3A_81, %dma_wait3A_82] : memref<30720x64xf32, #tpu.memory_space<hbm>> -> memref<30720x64xf32, #tpu.memory_space<hbm>>
      tpu.wait_indirect_dma semaphore(%arg21 : memref<!tpu.dma_semaphore, #tpu.memory_space<semaphore_mem>>) src(%dma_wait3A_83 : memref<30720x64xf32, #tpu.memory_space<hbm>>) dst(%arg15 : memref<128x64xf32, #tpu.memory_space<vmem>>)
      "tpu.region"() ({
        %run_scoped3A = tpu.sem_alloc : memref<!tpu.dma_semaphore, #tpu.memory_space<semaphore_mem>>
        %dma_start3A_98 = arith.constant 0 : i32
        %dma_start3A_99 = tpu.memref_slice %arg13[%mul3A_71, %dma_start3A_98] : memref<80x128xi32, #tpu.memory_space<vmem>> -> memref<1x128xi32, #tpu.memory_space<vmem>>
        %dma_start3A_100 = tpu.memref_squeeze %dma_start3A_99 : memref<1x128xi32, #tpu.memory_space<vmem>> -> memref<128xi32, #tpu.memory_space<vmem>>
        %dma_start3A_101 = arith.constant 0 : i32
        %dma_start3A_102 = arith.constant 0 : i32
        %dma_start3A_103 = tpu.memref_slice %arg19[%dma_start3A_101, %dma_start3A_102] : memref<15360x64xf32, #tpu.memory_space<vmem_shared>> -> memref<15360x64xf32, #tpu.memory_space<vmem_shared>>
        tpu.enqueue_indirect_dma source(%arg15 : memref<128x64xf32, #tpu.memory_space<vmem>>) target(%dma_start3A_103 : memref<15360x64xf32, #tpu.memory_space<vmem_shared>>) offsets(%dma_start3A_100 : memref<128xi32, #tpu.memory_space<vmem>>) semaphore(%run_scoped3A : memref<!tpu.dma_semaphore, #tpu.memory_space<semaphore_mem>>) {add = true}
        %dma_wait3A_104 = arith.constant 0 : i32
        %dma_wait3A_105 = tpu.memref_slice %arg13[%mul3A_71, %dma_wait3A_104] : memref<80x128xi32, #tpu.memory_space<vmem>> -> memref<1x128xi32, #tpu.memory_space<vmem>>
        %dma_wait3A_106 = tpu.memref_squeeze %dma_wait3A_105 : memref<1x128xi32, #tpu.memory_space<vmem>> -> memref<128xi32, #tpu.memory_space<vmem>>
        %dma_wait3A_107 = arith.constant 0 : i32
        %dma_wait3A_108 = arith.constant 0 : i32
        %dma_wait3A_109 = tpu.memref_slice %arg19[%dma_wait3A_107, %dma_wait3A_108] : memref<15360x64xf32, #tpu.memory_space<vmem_shared>> -> memref<15360x64xf32, #tpu.memory_space<vmem_shared>>
        tpu.wait_indirect_dma semaphore(%run_scoped3A : memref<!tpu.dma_semaphore, #tpu.memory_space<semaphore_mem>>) src(%arg15 : memref<128x64xf32, #tpu.memory_space<vmem>>) dst(%dma_wait3A_109 : memref<15360x64xf32, #tpu.memory_space<vmem_shared>>)
        tpu.yield
      }) : () -> ()
      %sub3A = arith.constant 1 : i32
      %sub3A_84 = arith.subi %shift_right_arithmetic3A_9, %sub3A : i32
      %lt3A = arith.cmpi slt, %while3A_69, %sub3A_84 : i32
      %convert_element_type3A_85 = arith.extui %lt3A : i1 to i32
      %cond3A_86 = arith.constant 0 : i32
      %cond3A_87 = arith.cmpi ne, %convert_element_type3A_85, %cond3A_86 : i32
      scf.if %cond3A_87 {
        %add3A_98 = arith.constant 2 : i32
        %add3A_99 = arith.addi %mul3A_71, %add3A_98 : i32
        %dma_start3A_100 = arith.constant 0 : i32
        %dma_start3A_101 = tpu.memref_slice %arg14[%add3A_99, %dma_start3A_100] : memref<80x128xi32, #tpu.memory_space<vmem>> -> memref<1x128xi32, #tpu.memory_space<vmem>>
        %dma_start3A_102 = tpu.memref_squeeze %dma_start3A_101 : memref<1x128xi32, #tpu.memory_space<vmem>> -> memref<128xi32, #tpu.memory_space<vmem>>
        %dma_start3A_103 = arith.constant 0 : i32
        %dma_start3A_104 = arith.constant 0 : i32
        %dma_start3A_105 = tpu.memref_slice %arg2[%dma_start3A_103, %dma_start3A_104] : memref<30720x64xf32, #tpu.memory_space<hbm>> -> memref<30720x64xf32, #tpu.memory_space<hbm>>
        tpu.enqueue_indirect_dma source(%dma_start3A_105 : memref<30720x64xf32, #tpu.memory_space<hbm>>) target(%arg15 : memref<128x64xf32, #tpu.memory_space<vmem>>) offsets(%dma_start3A_102 : memref<128xi32, #tpu.memory_space<vmem>>) semaphore(%arg21 : memref<!tpu.dma_semaphore, #tpu.memory_space<semaphore_mem>>)
      } else {
      }
      %add3A_88 = arith.constant 1 : i32
      %add3A_89 = arith.addi %mul3A_71, %add3A_88 : i32
      %dma_wait3A_90 = arith.constant 0 : i32
      %dma_wait3A_91 = tpu.memref_slice %arg14[%add3A_89, %dma_wait3A_90] : memref<80x128xi32, #tpu.memory_space<vmem>> -> memref<1x128xi32, #tpu.memory_space<vmem>>
      %dma_wait3A_92 = tpu.memref_squeeze %dma_wait3A_91 : memref<1x128xi32, #tpu.memory_space<vmem>> -> memref<128xi32, #tpu.memory_space<vmem>>
      %dma_wait3A_93 = arith.constant 0 : i32
      %dma_wait3A_94 = arith.constant 0 : i32
      %dma_wait3A_95 = tpu.memref_slice %arg2[%dma_wait3A_93, %dma_wait3A_94] : memref<30720x64xf32, #tpu.memory_space<hbm>> -> memref<30720x64xf32, #tpu.memory_space<hbm>>
      tpu.wait_indirect_dma semaphore(%arg22 : memref<!tpu.dma_semaphore, #tpu.memory_space<semaphore_mem>>) src(%dma_wait3A_95 : memref<30720x64xf32, #tpu.memory_space<hbm>>) dst(%arg16 : memref<128x64xf32, #tpu.memory_space<vmem>>)
      %add3A_96 = arith.constant 1 : i32
      %add3A_97 = arith.addi %mul3A_71, %add3A_96 : i32
      "tpu.region"() ({
        %run_scoped3A = tpu.sem_alloc : memref<!tpu.dma_semaphore, #tpu.memory_space<semaphore_mem>>
        %dma_start3A_98 = arith.constant 0 : i32
        %dma_start3A_99 = tpu.memref_slice %arg13[%add3A_97, %dma_start3A_98] : memref<80x128xi32, #tpu.memory_space<vmem>> -> memref<1x128xi32, #tpu.memory_space<vmem>>
        %dma_start3A_100 = tpu.memref_squeeze %dma_start3A_99 : memref<1x128xi32, #tpu.memory_space<vmem>> -> memref<128xi32, #tpu.memory_space<vmem>>
        %dma_start3A_101 = arith.constant 0 : i32
        %dma_start3A_102 = arith.constant 0 : i32
        %dma_start3A_103 = tpu.memref_slice %arg19[%dma_start3A_101, %dma_start3A_102] : memref<15360x64xf32, #tpu.memory_space<vmem_shared>> -> memref<15360x64xf32, #tpu.memory_space<vmem_shared>>
        tpu.enqueue_indirect_dma source(%arg16 : memref<128x64xf32, #tpu.memory_space<vmem>>) target(%dma_start3A_103 : memref<15360x64xf32, #tpu.memory_space<vmem_shared>>) offsets(%dma_start3A_100 : memref<128xi32, #tpu.memory_space<vmem>>) semaphore(%run_scoped3A : memref<!tpu.dma_semaphore, #tpu.memory_space<semaphore_mem>>) {add = true}
        %dma_wait3A_104 = arith.constant 0 : i32
        %dma_wait3A_105 = tpu.memref_slice %arg13[%add3A_97, %dma_wait3A_104] : memref<80x128xi32, #tpu.memory_space<vmem>> -> memref<1x128xi32, #tpu.memory_space<vmem>>
        %dma_wait3A_106 = tpu.memref_squeeze %dma_wait3A_105 : memref<1x128xi32, #tpu.memory_space<vmem>> -> memref<128xi32, #tpu.memory_space<vmem>>
        %dma_wait3A_107 = arith.constant 0 : i32
        %dma_wait3A_108 = arith.constant 0 : i32
        %dma_wait3A_109 = tpu.memref_slice %arg19[%dma_wait3A_107, %dma_wait3A_108] : memref<15360x64xf32, #tpu.memory_space<vmem_shared>> -> memref<15360x64xf32, #tpu.memory_space<vmem_shared>>
        tpu.wait_indirect_dma semaphore(%run_scoped3A : memref<!tpu.dma_semaphore, #tpu.memory_space<semaphore_mem>>) src(%arg16 : memref<128x64xf32, #tpu.memory_space<vmem>>) dst(%dma_wait3A_109 : memref<15360x64xf32, #tpu.memory_space<vmem_shared>>)
        tpu.yield
      }) : () -> ()
    }
    %barrier3A_40 = arith.constant 0 : index
    tpu.barrier barrier_id(%barrier3A_40)
    %mul3A_41 = arith.constant 960 : i32
    %mul3A_42 = arith.muli %arg1, %mul3A_41 : i32
    %mul3A_43 = arith.constant 960 : i32
    %mul3A_44 = arith.muli %arg1, %mul3A_43 : i32
    "tpu.region"() ({
      %run_scoped3A = tpu.sem_alloc : memref<!tpu.dma_semaphore, #tpu.memory_space<semaphore_mem>>
      %dma_start3A = arith.constant 0 : i32
      %dma_start3A_69 = tpu.memref_slice %arg10[%arg0, %mul3A_44, %dma_start3A] : memref<2x15360x64xf32, #tpu.memory_space<hbm>> -> memref<1x960x64xf32, #tpu.memory_space<hbm>>
      %dma_start3A_70 = tpu.memref_squeeze %dma_start3A_69 : memref<1x960x64xf32, #tpu.memory_space<hbm>> -> memref<960x64xf32, #tpu.memory_space<hbm>>
      %dma_start3A_71 = arith.constant 0 : i32
      %dma_start3A_72 = tpu.memref_slice %arg19[%mul3A_42, %dma_start3A_71] : memref<15360x64xf32, #tpu.memory_space<vmem_shared>> -> memref<960x64xf32, #tpu.memory_space<vmem_shared>>
      tpu.enqueue_dma source(%dma_start3A_72 : memref<960x64xf32, #tpu.memory_space<vmem_shared>>) target(%dma_start3A_70 : memref<960x64xf32, #tpu.memory_space<hbm>>) target_semaphore(%run_scoped3A : memref<!tpu.dma_semaphore, #tpu.memory_space<semaphore_mem>>)
      %dma_wait3A = arith.constant 0 : i32
      %dma_wait3A_73 = tpu.memref_slice %arg10[%arg0, %mul3A_44, %dma_wait3A] : memref<2x15360x64xf32, #tpu.memory_space<hbm>> -> memref<1x960x64xf32, #tpu.memory_space<hbm>>
      %dma_wait3A_74 = tpu.memref_squeeze %dma_wait3A_73 : memref<1x960x64xf32, #tpu.memory_space<hbm>> -> memref<960x64xf32, #tpu.memory_space<hbm>>
      %dma_wait3A_75 = arith.constant 0 : i32
      %dma_wait3A_76 = tpu.memref_slice %arg19[%mul3A_42, %dma_wait3A_75] : memref<15360x64xf32, #tpu.memory_space<vmem_shared>> -> memref<960x64xf32, #tpu.memory_space<vmem_shared>>
      tpu.wait_dma2 semaphore(%run_scoped3A : memref<!tpu.dma_semaphore, #tpu.memory_space<semaphore_mem>>) src(%dma_wait3A_76 : memref<960x64xf32, #tpu.memory_space<vmem_shared>>) dst(%dma_wait3A_74 : memref<960x64xf32, #tpu.memory_space<hbm>>)
      tpu.yield
    }) : () -> ()
    %barrier3A_45 = arith.constant 0 : index
    tpu.barrier barrier_id(%barrier3A_45)
    %mul3A_46 = arith.constant 960 : i32
    %mul3A_47 = arith.muli %arg1, %mul3A_46 : i32
    "tpu.region"() ({
      %run_scoped3A = tpu.sem_alloc : memref<!tpu.dma_semaphore, #tpu.memory_space<semaphore_mem>>
      %dma_start3A = arith.constant 0 : i32
      %dma_start3A_69 = tpu.memref_slice %arg19[%mul3A_47, %dma_start3A] : memref<15360x64xf32, #tpu.memory_space<vmem_shared>> -> memref<960x64xf32, #tpu.memory_space<vmem_shared>>
      tpu.enqueue_dma source(%arg6 : memref<960x64xf32, #tpu.memory_space<hbm>>) target(%dma_start3A_69 : memref<960x64xf32, #tpu.memory_space<vmem_shared>>) target_semaphore(%run_scoped3A : memref<!tpu.dma_semaphore, #tpu.memory_space<semaphore_mem>>)
      %dma_wait3A = arith.constant 0 : i32
      %dma_wait3A_70 = tpu.memref_slice %arg19[%mul3A_47, %dma_wait3A] : memref<15360x64xf32, #tpu.memory_space<vmem_shared>> -> memref<960x64xf32, #tpu.memory_space<vmem_shared>>
      tpu.wait_dma2 semaphore(%run_scoped3A : memref<!tpu.dma_semaphore, #tpu.memory_space<semaphore_mem>>) src(%arg6 : memref<960x64xf32, #tpu.memory_space<hbm>>) dst(%dma_wait3A_70 : memref<960x64xf32, #tpu.memory_space<vmem_shared>>)
      tpu.yield
    }) : () -> ()
    %barrier3A_48 = arith.constant 0 : index
    tpu.barrier barrier_id(%barrier3A_48)
    %gt3A_49 = arith.constant 0 : i32
    %gt3A_50 = arith.cmpi sgt, %shift_right_arithmetic3A_9, %gt3A_49 : i32
    %convert_element_type3A_51 = arith.extui %gt3A_50 : i1 to i32
    %cond3A_52 = arith.constant 0 : i32
    %cond3A_53 = arith.cmpi ne, %convert_element_type3A_51, %cond3A_52 : i32
    scf.if %cond3A_53 {
      %dma_start3A = arith.constant 0 : i32
      %dma_start3A_69 = arith.constant 0 : i32
      %dma_start3A_70 = tpu.memref_slice %arg14[%dma_start3A, %dma_start3A_69] : memref<80x128xi32, #tpu.memory_space<vmem>> -> memref<1x128xi32, #tpu.memory_space<vmem>>
      %dma_start3A_71 = tpu.memref_squeeze %dma_start3A_70 : memref<1x128xi32, #tpu.memory_space<vmem>> -> memref<128xi32, #tpu.memory_space<vmem>>
      %dma_start3A_72 = arith.constant 0 : i32
      %dma_start3A_73 = arith.constant 0 : i32
      %dma_start3A_74 = tpu.memref_slice %arg3[%dma_start3A_72, %dma_start3A_73] : memref<30720x64xf32, #tpu.memory_space<hbm>> -> memref<30720x64xf32, #tpu.memory_space<hbm>>
      tpu.enqueue_indirect_dma source(%dma_start3A_74 : memref<30720x64xf32, #tpu.memory_space<hbm>>) target(%arg15 : memref<128x64xf32, #tpu.memory_space<vmem>>) offsets(%dma_start3A_71 : memref<128xi32, #tpu.memory_space<vmem>>) semaphore(%arg21 : memref<!tpu.dma_semaphore, #tpu.memory_space<semaphore_mem>>)
    } else {
    }
    %while3A_54 = arith.constant 0 : i32
    %while3A_55 = arith.subi %shift_right_arithmetic3A_9, %while3A_54 : i32
    %while3A_56 = arith.addi %while3A_54, %while3A_55 : i32
    %while3A_57 = arith.constant 1 : i32
    %while3A_58 = arith.divsi %while3A_55, %while3A_57 : i32
    %while3A_59 = arith.muli %while3A_58, %while3A_57 : i32
    %while3A_60 = arith.addi %while3A_54, %while3A_59 : i32
    %while3A_61 = arith.constant 1 : i32
    scf.for %while3A_69 = %while3A_54 to %while3A_60 step %while3A_61  : i32 {
      %mul3A_70 = arith.constant 2 : i32
      %mul3A_71 = arith.muli %mul3A_70, %while3A_69 : i32
      %add3A_72 = arith.constant 1 : i32
      %add3A_73 = arith.addi %mul3A_71, %add3A_72 : i32
      %dma_start3A = arith.constant 0 : i32
      %dma_start3A_74 = tpu.memref_slice %arg14[%add3A_73, %dma_start3A] : memref<80x128xi32, #tpu.memory_space<vmem>> -> memref<1x128xi32, #tpu.memory_space<vmem>>
      %dma_start3A_75 = tpu.memref_squeeze %dma_start3A_74 : memref<1x128xi32, #tpu.memory_space<vmem>> -> memref<128xi32, #tpu.memory_space<vmem>>
      %dma_start3A_76 = arith.constant 0 : i32
      %dma_start3A_77 = arith.constant 0 : i32
      %dma_start3A_78 = tpu.memref_slice %arg3[%dma_start3A_76, %dma_start3A_77] : memref<30720x64xf32, #tpu.memory_space<hbm>> -> memref<30720x64xf32, #tpu.memory_space<hbm>>
      tpu.enqueue_indirect_dma source(%dma_start3A_78 : memref<30720x64xf32, #tpu.memory_space<hbm>>) target(%arg16 : memref<128x64xf32, #tpu.memory_space<vmem>>) offsets(%dma_start3A_75 : memref<128xi32, #tpu.memory_space<vmem>>) semaphore(%arg22 : memref<!tpu.dma_semaphore, #tpu.memory_space<semaphore_mem>>)
      %dma_wait3A = arith.constant 0 : i32
      %dma_wait3A_79 = tpu.memref_slice %arg14[%mul3A_71, %dma_wait3A] : memref<80x128xi32, #tpu.memory_space<vmem>> -> memref<1x128xi32, #tpu.memory_space<vmem>>
      %dma_wait3A_80 = tpu.memref_squeeze %dma_wait3A_79 : memref<1x128xi32, #tpu.memory_space<vmem>> -> memref<128xi32, #tpu.memory_space<vmem>>
      %dma_wait3A_81 = arith.constant 0 : i32
      %dma_wait3A_82 = arith.constant 0 : i32
      %dma_wait3A_83 = tpu.memref_slice %arg3[%dma_wait3A_81, %dma_wait3A_82] : memref<30720x64xf32, #tpu.memory_space<hbm>> -> memref<30720x64xf32, #tpu.memory_space<hbm>>
      tpu.wait_indirect_dma semaphore(%arg21 : memref<!tpu.dma_semaphore, #tpu.memory_space<semaphore_mem>>) src(%dma_wait3A_83 : memref<30720x64xf32, #tpu.memory_space<hbm>>) dst(%arg15 : memref<128x64xf32, #tpu.memory_space<vmem>>)
      "tpu.region"() ({
        %run_scoped3A = tpu.sem_alloc : memref<!tpu.dma_semaphore, #tpu.memory_space<semaphore_mem>>
        %dma_start3A_98 = arith.constant 0 : i32
        %dma_start3A_99 = tpu.memref_slice %arg13[%mul3A_71, %dma_start3A_98] : memref<80x128xi32, #tpu.memory_space<vmem>> -> memref<1x128xi32, #tpu.memory_space<vmem>>
        %dma_start3A_100 = tpu.memref_squeeze %dma_start3A_99 : memref<1x128xi32, #tpu.memory_space<vmem>> -> memref<128xi32, #tpu.memory_space<vmem>>
        %dma_start3A_101 = arith.constant 0 : i32
        %dma_start3A_102 = arith.constant 0 : i32
        %dma_start3A_103 = tpu.memref_slice %arg19[%dma_start3A_101, %dma_start3A_102] : memref<15360x64xf32, #tpu.memory_space<vmem_shared>> -> memref<15360x64xf32, #tpu.memory_space<vmem_shared>>
        tpu.enqueue_indirect_dma source(%arg15 : memref<128x64xf32, #tpu.memory_space<vmem>>) target(%dma_start3A_103 : memref<15360x64xf32, #tpu.memory_space<vmem_shared>>) offsets(%dma_start3A_100 : memref<128xi32, #tpu.memory_space<vmem>>) semaphore(%run_scoped3A : memref<!tpu.dma_semaphore, #tpu.memory_space<semaphore_mem>>) {add = true}
        %dma_wait3A_104 = arith.constant 0 : i32
        %dma_wait3A_105 = tpu.memref_slice %arg13[%mul3A_71, %dma_wait3A_104] : memref<80x128xi32, #tpu.memory_space<vmem>> -> memref<1x128xi32, #tpu.memory_space<vmem>>
        %dma_wait3A_106 = tpu.memref_squeeze %dma_wait3A_105 : memref<1x128xi32, #tpu.memory_space<vmem>> -> memref<128xi32, #tpu.memory_space<vmem>>
        %dma_wait3A_107 = arith.constant 0 : i32
        %dma_wait3A_108 = arith.constant 0 : i32
        %dma_wait3A_109 = tpu.memref_slice %arg19[%dma_wait3A_107, %dma_wait3A_108] : memref<15360x64xf32, #tpu.memory_space<vmem_shared>> -> memref<15360x64xf32, #tpu.memory_space<vmem_shared>>
        tpu.wait_indirect_dma semaphore(%run_scoped3A : memref<!tpu.dma_semaphore, #tpu.memory_space<semaphore_mem>>) src(%arg15 : memref<128x64xf32, #tpu.memory_space<vmem>>) dst(%dma_wait3A_109 : memref<15360x64xf32, #tpu.memory_space<vmem_shared>>)
        tpu.yield
      }) : () -> ()
      %sub3A = arith.constant 1 : i32
      %sub3A_84 = arith.subi %shift_right_arithmetic3A_9, %sub3A : i32
      %lt3A = arith.cmpi slt, %while3A_69, %sub3A_84 : i32
      %convert_element_type3A_85 = arith.extui %lt3A : i1 to i32
      %cond3A_86 = arith.constant 0 : i32
      %cond3A_87 = arith.cmpi ne, %convert_element_type3A_85, %cond3A_86 : i32
      scf.if %cond3A_87 {
        %add3A_98 = arith.constant 2 : i32
        %add3A_99 = arith.addi %mul3A_71, %add3A_98 : i32
        %dma_start3A_100 = arith.constant 0 : i32
        %dma_start3A_101 = tpu.memref_slice %arg14[%add3A_99, %dma_start3A_100] : memref<80x128xi32, #tpu.memory_space<vmem>> -> memref<1x128xi32, #tpu.memory_space<vmem>>
        %dma_start3A_102 = tpu.memref_squeeze %dma_start3A_101 : memref<1x128xi32, #tpu.memory_space<vmem>> -> memref<128xi32, #tpu.memory_space<vmem>>
        %dma_start3A_103 = arith.constant 0 : i32
        %dma_start3A_104 = arith.constant 0 : i32
        %dma_start3A_105 = tpu.memref_slice %arg3[%dma_start3A_103, %dma_start3A_104] : memref<30720x64xf32, #tpu.memory_space<hbm>> -> memref<30720x64xf32, #tpu.memory_space<hbm>>
        tpu.enqueue_indirect_dma source(%dma_start3A_105 : memref<30720x64xf32, #tpu.memory_space<hbm>>) target(%arg15 : memref<128x64xf32, #tpu.memory_space<vmem>>) offsets(%dma_start3A_102 : memref<128xi32, #tpu.memory_space<vmem>>) semaphore(%arg21 : memref<!tpu.dma_semaphore, #tpu.memory_space<semaphore_mem>>)
      } else {
      }
      %add3A_88 = arith.constant 1 : i32
      %add3A_89 = arith.addi %mul3A_71, %add3A_88 : i32
      %dma_wait3A_90 = arith.constant 0 : i32
      %dma_wait3A_91 = tpu.memref_slice %arg14[%add3A_89, %dma_wait3A_90] : memref<80x128xi32, #tpu.memory_space<vmem>> -> memref<1x128xi32, #tpu.memory_space<vmem>>
      %dma_wait3A_92 = tpu.memref_squeeze %dma_wait3A_91 : memref<1x128xi32, #tpu.memory_space<vmem>> -> memref<128xi32, #tpu.memory_space<vmem>>
      %dma_wait3A_93 = arith.constant 0 : i32
      %dma_wait3A_94 = arith.constant 0 : i32
      %dma_wait3A_95 = tpu.memref_slice %arg3[%dma_wait3A_93, %dma_wait3A_94] : memref<30720x64xf32, #tpu.memory_space<hbm>> -> memref<30720x64xf32, #tpu.memory_space<hbm>>
      tpu.wait_indirect_dma semaphore(%arg22 : memref<!tpu.dma_semaphore, #tpu.memory_space<semaphore_mem>>) src(%dma_wait3A_95 : memref<30720x64xf32, #tpu.memory_space<hbm>>) dst(%arg16 : memref<128x64xf32, #tpu.memory_space<vmem>>)
      %add3A_96 = arith.constant 1 : i32
      %add3A_97 = arith.addi %mul3A_71, %add3A_96 : i32
      "tpu.region"() ({
        %run_scoped3A = tpu.sem_alloc : memref<!tpu.dma_semaphore, #tpu.memory_space<semaphore_mem>>
        %dma_start3A_98 = arith.constant 0 : i32
        %dma_start3A_99 = tpu.memref_slice %arg13[%add3A_97, %dma_start3A_98] : memref<80x128xi32, #tpu.memory_space<vmem>> -> memref<1x128xi32, #tpu.memory_space<vmem>>
        %dma_start3A_100 = tpu.memref_squeeze %dma_start3A_99 : memref<1x128xi32, #tpu.memory_space<vmem>> -> memref<128xi32, #tpu.memory_space<vmem>>
        %dma_start3A_101 = arith.constant 0 : i32
        %dma_start3A_102 = arith.constant 0 : i32
        %dma_start3A_103 = tpu.memref_slice %arg19[%dma_start3A_101, %dma_start3A_102] : memref<15360x64xf32, #tpu.memory_space<vmem_shared>> -> memref<15360x64xf32, #tpu.memory_space<vmem_shared>>
        tpu.enqueue_indirect_dma source(%arg16 : memref<128x64xf32, #tpu.memory_space<vmem>>) target(%dma_start3A_103 : memref<15360x64xf32, #tpu.memory_space<vmem_shared>>) offsets(%dma_start3A_100 : memref<128xi32, #tpu.memory_space<vmem>>) semaphore(%run_scoped3A : memref<!tpu.dma_semaphore, #tpu.memory_space<semaphore_mem>>) {add = true}
        %dma_wait3A_104 = arith.constant 0 : i32
        %dma_wait3A_105 = tpu.memref_slice %arg13[%add3A_97, %dma_wait3A_104] : memref<80x128xi32, #tpu.memory_space<vmem>> -> memref<1x128xi32, #tpu.memory_space<vmem>>
        %dma_wait3A_106 = tpu.memref_squeeze %dma_wait3A_105 : memref<1x128xi32, #tpu.memory_space<vmem>> -> memref<128xi32, #tpu.memory_space<vmem>>
        %dma_wait3A_107 = arith.constant 0 : i32
        %dma_wait3A_108 = arith.constant 0 : i32
        %dma_wait3A_109 = tpu.memref_slice %arg19[%dma_wait3A_107, %dma_wait3A_108] : memref<15360x64xf32, #tpu.memory_space<vmem_shared>> -> memref<15360x64xf32, #tpu.memory_space<vmem_shared>>
        tpu.wait_indirect_dma semaphore(%run_scoped3A : memref<!tpu.dma_semaphore, #tpu.memory_space<semaphore_mem>>) src(%arg16 : memref<128x64xf32, #tpu.memory_space<vmem>>) dst(%dma_wait3A_109 : memref<15360x64xf32, #tpu.memory_space<vmem_shared>>)
        tpu.yield
      }) : () -> ()
    }
    %while3A_62 = arith.constant 1 : i32
    scf.for %while3A_69 = %while3A_60 to %while3A_56 step %while3A_62  : i32 {
      %mul3A_70 = arith.constant 2 : i32
      %mul3A_71 = arith.muli %mul3A_70, %while3A_69 : i32
      %add3A_72 = arith.constant 1 : i32
      %add3A_73 = arith.addi %mul3A_71, %add3A_72 : i32
      %dma_start3A = arith.constant 0 : i32
      %dma_start3A_74 = tpu.memref_slice %arg14[%add3A_73, %dma_start3A] : memref<80x128xi32, #tpu.memory_space<vmem>> -> memref<1x128xi32, #tpu.memory_space<vmem>>
      %dma_start3A_75 = tpu.memref_squeeze %dma_start3A_74 : memref<1x128xi32, #tpu.memory_space<vmem>> -> memref<128xi32, #tpu.memory_space<vmem>>
      %dma_start3A_76 = arith.constant 0 : i32
      %dma_start3A_77 = arith.constant 0 : i32
      %dma_start3A_78 = tpu.memref_slice %arg3[%dma_start3A_76, %dma_start3A_77] : memref<30720x64xf32, #tpu.memory_space<hbm>> -> memref<30720x64xf32, #tpu.memory_space<hbm>>
      tpu.enqueue_indirect_dma source(%dma_start3A_78 : memref<30720x64xf32, #tpu.memory_space<hbm>>) target(%arg16 : memref<128x64xf32, #tpu.memory_space<vmem>>) offsets(%dma_start3A_75 : memref<128xi32, #tpu.memory_space<vmem>>) semaphore(%arg22 : memref<!tpu.dma_semaphore, #tpu.memory_space<semaphore_mem>>)
      %dma_wait3A = arith.constant 0 : i32
      %dma_wait3A_79 = tpu.memref_slice %arg14[%mul3A_71, %dma_wait3A] : memref<80x128xi32, #tpu.memory_space<vmem>> -> memref<1x128xi32, #tpu.memory_space<vmem>>
      %dma_wait3A_80 = tpu.memref_squeeze %dma_wait3A_79 : memref<1x128xi32, #tpu.memory_space<vmem>> -> memref<128xi32, #tpu.memory_space<vmem>>
      %dma_wait3A_81 = arith.constant 0 : i32
      %dma_wait3A_82 = arith.constant 0 : i32
      %dma_wait3A_83 = tpu.memref_slice %arg3[%dma_wait3A_81, %dma_wait3A_82] : memref<30720x64xf32, #tpu.memory_space<hbm>> -> memref<30720x64xf32, #tpu.memory_space<hbm>>
      tpu.wait_indirect_dma semaphore(%arg21 : memref<!tpu.dma_semaphore, #tpu.memory_space<semaphore_mem>>) src(%dma_wait3A_83 : memref<30720x64xf32, #tpu.memory_space<hbm>>) dst(%arg15 : memref<128x64xf32, #tpu.memory_space<vmem>>)
      "tpu.region"() ({
        %run_scoped3A = tpu.sem_alloc : memref<!tpu.dma_semaphore, #tpu.memory_space<semaphore_mem>>
        %dma_start3A_98 = arith.constant 0 : i32
        %dma_start3A_99 = tpu.memref_slice %arg13[%mul3A_71, %dma_start3A_98] : memref<80x128xi32, #tpu.memory_space<vmem>> -> memref<1x128xi32, #tpu.memory_space<vmem>>
        %dma_start3A_100 = tpu.memref_squeeze %dma_start3A_99 : memref<1x128xi32, #tpu.memory_space<vmem>> -> memref<128xi32, #tpu.memory_space<vmem>>
        %dma_start3A_101 = arith.constant 0 : i32
        %dma_start3A_102 = arith.constant 0 : i32
        %dma_start3A_103 = tpu.memref_slice %arg19[%dma_start3A_101, %dma_start3A_102] : memref<15360x64xf32, #tpu.memory_space<vmem_shared>> -> memref<15360x64xf32, #tpu.memory_space<vmem_shared>>
        tpu.enqueue_indirect_dma source(%arg15 : memref<128x64xf32, #tpu.memory_space<vmem>>) target(%dma_start3A_103 : memref<15360x64xf32, #tpu.memory_space<vmem_shared>>) offsets(%dma_start3A_100 : memref<128xi32, #tpu.memory_space<vmem>>) semaphore(%run_scoped3A : memref<!tpu.dma_semaphore, #tpu.memory_space<semaphore_mem>>) {add = true}
        %dma_wait3A_104 = arith.constant 0 : i32
        %dma_wait3A_105 = tpu.memref_slice %arg13[%mul3A_71, %dma_wait3A_104] : memref<80x128xi32, #tpu.memory_space<vmem>> -> memref<1x128xi32, #tpu.memory_space<vmem>>
        %dma_wait3A_106 = tpu.memref_squeeze %dma_wait3A_105 : memref<1x128xi32, #tpu.memory_space<vmem>> -> memref<128xi32, #tpu.memory_space<vmem>>
        %dma_wait3A_107 = arith.constant 0 : i32
        %dma_wait3A_108 = arith.constant 0 : i32
        %dma_wait3A_109 = tpu.memref_slice %arg19[%dma_wait3A_107, %dma_wait3A_108] : memref<15360x64xf32, #tpu.memory_space<vmem_shared>> -> memref<15360x64xf32, #tpu.memory_space<vmem_shared>>
        tpu.wait_indirect_dma semaphore(%run_scoped3A : memref<!tpu.dma_semaphore, #tpu.memory_space<semaphore_mem>>) src(%arg15 : memref<128x64xf32, #tpu.memory_space<vmem>>) dst(%dma_wait3A_109 : memref<15360x64xf32, #tpu.memory_space<vmem_shared>>)
        tpu.yield
      }) : () -> ()
      %sub3A = arith.constant 1 : i32
      %sub3A_84 = arith.subi %shift_right_arithmetic3A_9, %sub3A : i32
      %lt3A = arith.cmpi slt, %while3A_69, %sub3A_84 : i32
      %convert_element_type3A_85 = arith.extui %lt3A : i1 to i32
      %cond3A_86 = arith.constant 0 : i32
      %cond3A_87 = arith.cmpi ne, %convert_element_type3A_85, %cond3A_86 : i32
      scf.if %cond3A_87 {
        %add3A_98 = arith.constant 2 : i32
        %add3A_99 = arith.addi %mul3A_71, %add3A_98 : i32
        %dma_start3A_100 = arith.constant 0 : i32
        %dma_start3A_101 = tpu.memref_slice %arg14[%add3A_99, %dma_start3A_100] : memref<80x128xi32, #tpu.memory_space<vmem>> -> memref<1x128xi32, #tpu.memory_space<vmem>>
        %dma_start3A_102 = tpu.memref_squeeze %dma_start3A_101 : memref<1x128xi32, #tpu.memory_space<vmem>> -> memref<128xi32, #tpu.memory_space<vmem>>
        %dma_start3A_103 = arith.constant 0 : i32
        %dma_start3A_104 = arith.constant 0 : i32
        %dma_start3A_105 = tpu.memref_slice %arg3[%dma_start3A_103, %dma_start3A_104] : memref<30720x64xf32, #tpu.memory_space<hbm>> -> memref<30720x64xf32, #tpu.memory_space<hbm>>
        tpu.enqueue_indirect_dma source(%dma_start3A_105 : memref<30720x64xf32, #tpu.memory_space<hbm>>) target(%arg15 : memref<128x64xf32, #tpu.memory_space<vmem>>) offsets(%dma_start3A_102 : memref<128xi32, #tpu.memory_space<vmem>>) semaphore(%arg21 : memref<!tpu.dma_semaphore, #tpu.memory_space<semaphore_mem>>)
      } else {
      }
      %add3A_88 = arith.constant 1 : i32
      %add3A_89 = arith.addi %mul3A_71, %add3A_88 : i32
      %dma_wait3A_90 = arith.constant 0 : i32
      %dma_wait3A_91 = tpu.memref_slice %arg14[%add3A_89, %dma_wait3A_90] : memref<80x128xi32, #tpu.memory_space<vmem>> -> memref<1x128xi32, #tpu.memory_space<vmem>>
      %dma_wait3A_92 = tpu.memref_squeeze %dma_wait3A_91 : memref<1x128xi32, #tpu.memory_space<vmem>> -> memref<128xi32, #tpu.memory_space<vmem>>
      %dma_wait3A_93 = arith.constant 0 : i32
      %dma_wait3A_94 = arith.constant 0 : i32
      %dma_wait3A_95 = tpu.memref_slice %arg3[%dma_wait3A_93, %dma_wait3A_94] : memref<30720x64xf32, #tpu.memory_space<hbm>> -> memref<30720x64xf32, #tpu.memory_space<hbm>>
      tpu.wait_indirect_dma semaphore(%arg22 : memref<!tpu.dma_semaphore, #tpu.memory_space<semaphore_mem>>) src(%dma_wait3A_95 : memref<30720x64xf32, #tpu.memory_space<hbm>>) dst(%arg16 : memref<128x64xf32, #tpu.memory_space<vmem>>)
      %add3A_96 = arith.constant 1 : i32
      %add3A_97 = arith.addi %mul3A_71, %add3A_96 : i32
      "tpu.region"() ({
        %run_scoped3A = tpu.sem_alloc : memref<!tpu.dma_semaphore, #tpu.memory_space<semaphore_mem>>
        %dma_start3A_98 = arith.constant 0 : i32
        %dma_start3A_99 = tpu.memref_slice %arg13[%add3A_97, %dma_start3A_98] : memref<80x128xi32, #tpu.memory_space<vmem>> -> memref<1x128xi32, #tpu.memory_space<vmem>>
        %dma_start3A_100 = tpu.memref_squeeze %dma_start3A_99 : memref<1x128xi32, #tpu.memory_space<vmem>> -> memref<128xi32, #tpu.memory_space<vmem>>
        %dma_start3A_101 = arith.constant 0 : i32
        %dma_start3A_102 = arith.constant 0 : i32
        %dma_start3A_103 = tpu.memref_slice %arg19[%dma_start3A_101, %dma_start3A_102] : memref<15360x64xf32, #tpu.memory_space<vmem_shared>> -> memref<15360x64xf32, #tpu.memory_space<vmem_shared>>
        tpu.enqueue_indirect_dma source(%arg16 : memref<128x64xf32, #tpu.memory_space<vmem>>) target(%dma_start3A_103 : memref<15360x64xf32, #tpu.memory_space<vmem_shared>>) offsets(%dma_start3A_100 : memref<128xi32, #tpu.memory_space<vmem>>) semaphore(%run_scoped3A : memref<!tpu.dma_semaphore, #tpu.memory_space<semaphore_mem>>) {add = true}
        %dma_wait3A_104 = arith.constant 0 : i32
        %dma_wait3A_105 = tpu.memref_slice %arg13[%add3A_97, %dma_wait3A_104] : memref<80x128xi32, #tpu.memory_space<vmem>> -> memref<1x128xi32, #tpu.memory_space<vmem>>
        %dma_wait3A_106 = tpu.memref_squeeze %dma_wait3A_105 : memref<1x128xi32, #tpu.memory_space<vmem>> -> memref<128xi32, #tpu.memory_space<vmem>>
        %dma_wait3A_107 = arith.constant 0 : i32
        %dma_wait3A_108 = arith.constant 0 : i32
        %dma_wait3A_109 = tpu.memref_slice %arg19[%dma_wait3A_107, %dma_wait3A_108] : memref<15360x64xf32, #tpu.memory_space<vmem_shared>> -> memref<15360x64xf32, #tpu.memory_space<vmem_shared>>
        tpu.wait_indirect_dma semaphore(%run_scoped3A : memref<!tpu.dma_semaphore, #tpu.memory_space<semaphore_mem>>) src(%arg16 : memref<128x64xf32, #tpu.memory_space<vmem>>) dst(%dma_wait3A_109 : memref<15360x64xf32, #tpu.memory_space<vmem_shared>>)
        tpu.yield
      }) : () -> ()
    }
    %barrier3A_63 = arith.constant 0 : index
    tpu.barrier barrier_id(%barrier3A_63)
    %mul3A_64 = arith.constant 960 : i32
    %mul3A_65 = arith.muli %arg1, %mul3A_64 : i32
    %mul3A_66 = arith.constant 960 : i32
    %mul3A_67 = arith.muli %arg1, %mul3A_66 : i32
    "tpu.region"() ({
      %run_scoped3A = tpu.sem_alloc : memref<!tpu.dma_semaphore, #tpu.memory_space<semaphore_mem>>
      %dma_start3A = arith.constant 0 : i32
      %dma_start3A_69 = tpu.memref_slice %arg11[%arg0, %mul3A_67, %dma_start3A] : memref<2x15360x64xf32, #tpu.memory_space<hbm>> -> memref<1x960x64xf32, #tpu.memory_space<hbm>>
      %dma_start3A_70 = tpu.memref_squeeze %dma_start3A_69 : memref<1x960x64xf32, #tpu.memory_space<hbm>> -> memref<960x64xf32, #tpu.memory_space<hbm>>
      %dma_start3A_71 = arith.constant 0 : i32
      %dma_start3A_72 = tpu.memref_slice %arg19[%mul3A_65, %dma_start3A_71] : memref<15360x64xf32, #tpu.memory_space<vmem_shared>> -> memref<960x64xf32, #tpu.memory_space<vmem_shared>>
      tpu.enqueue_dma source(%dma_start3A_72 : memref<960x64xf32, #tpu.memory_space<vmem_shared>>) target(%dma_start3A_70 : memref<960x64xf32, #tpu.memory_space<hbm>>) target_semaphore(%run_scoped3A : memref<!tpu.dma_semaphore, #tpu.memory_space<semaphore_mem>>)
      %dma_wait3A = arith.constant 0 : i32
      %dma_wait3A_73 = tpu.memref_slice %arg11[%arg0, %mul3A_67, %dma_wait3A] : memref<2x15360x64xf32, #tpu.memory_space<hbm>> -> memref<1x960x64xf32, #tpu.memory_space<hbm>>
      %dma_wait3A_74 = tpu.memref_squeeze %dma_wait3A_73 : memref<1x960x64xf32, #tpu.memory_space<hbm>> -> memref<960x64xf32, #tpu.memory_space<hbm>>
      %dma_wait3A_75 = arith.constant 0 : i32
      %dma_wait3A_76 = tpu.memref_slice %arg19[%mul3A_65, %dma_wait3A_75] : memref<15360x64xf32, #tpu.memory_space<vmem_shared>> -> memref<960x64xf32, #tpu.memory_space<vmem_shared>>
      tpu.wait_dma2 semaphore(%run_scoped3A : memref<!tpu.dma_semaphore, #tpu.memory_space<semaphore_mem>>) src(%dma_wait3A_76 : memref<960x64xf32, #tpu.memory_space<vmem_shared>>) dst(%dma_wait3A_74 : memref<960x64xf32, #tpu.memory_space<hbm>>)
      tpu.yield
    }) : () -> ()
    %barrier3A_68 = arith.constant 0 : index
    tpu.barrier barrier_id(%barrier3A_68)
    return
  }
}

module attributes {stable_mosaic.version = 14 : i64} {
  func.func @_tc_a_body(%arg0: i32, %arg1: memref<1000x16xf32, #tpu.memory_space<vmem>>, %arg2: memref<1000x256xf32, #tpu.memory_space<vmem>>, %arg3: memref<256x256xf32, #tpu.memory_space<vmem>>, %arg4: memref<512x256xf32, #tpu.memory_space<vmem>>, %arg5: memref<1x128xf32, #tpu.memory_space<vmem>>, %arg6: memref<3x1000x64xf32, #tpu.memory_space<vmem>>, %arg7: memref<3x1000x64xf32, #tpu.memory_space<vmem>>, %arg8: memref<1000x128xf32, #tpu.memory_space<vmem>>) attributes {dimension_semantics = [#tpu.dimension_semantics<arbitrary>], iteration_bounds = array<i64: 10>, scalar_prefetch = 0 : i64, scratch_operands = 0 : i64, tpu.core_type = #tpu.core_type<tc>, window_params = [{transform_indices = @transform_0, window_bounds = array<i64: 1000, 16>}, {transform_indices = @transform_1, window_bounds = array<i64: 1000, 256>}, {pipeline_mode = #tpu.pipeline_mode<synchronous>, transform_indices = @transform_2, window_bounds = array<i64: 256, 256>}, {pipeline_mode = #tpu.pipeline_mode<synchronous>, transform_indices = @transform_3, window_bounds = array<i64: 512, 256>}, {pipeline_mode = #tpu.pipeline_mode<synchronous>, transform_indices = @transform_4, window_bounds = array<i64: 1, 128>}, {transform_indices = @transform_5, window_bounds = array<i64: 3, 1000, 64>}, {transform_indices = @transform_6, window_bounds = array<i64: 3, 1000, 64>}, {transform_indices = @transform_7, window_bounds = array<i64: 1000, 128>}]} {
    %get3A = arith.constant 0 : index
    %get3A_0 = arith.constant 0 : index
    %get3A_1 = vector.load %arg1[%get3A, %get3A_0] : memref<1000x16xf32, #tpu.memory_space<vmem>>, vector<1000x16xf32>
    %sub3A = arith.constant 0.000000e+00 : f32
    %sub3A_2 = vector.broadcast %sub3A : f32 to vector<1000x16xf32>
    %sub3A_3 = arith.subf %get3A_1, %sub3A_2 : vector<1000x16xf32>
    %integer_pow3A = arith.mulf %sub3A_3, %sub3A_3 : vector<1000x16xf32>
    %neg3A = arith.constant 0.000000e+00 : f32
    %neg3A_4 = vector.broadcast %neg3A : f32 to vector<1000x16xf32>
    %neg3A_5 = arith.subf %neg3A_4, %integer_pow3A : vector<1000x16xf32>
    %mul3A = arith.constant 4.000000e+00 : f32
    %mul3A_6 = vector.broadcast %mul3A : f32 to vector<1000x16xf32>
    %mul3A_7 = arith.mulf %neg3A_5, %mul3A_6 : vector<1000x16xf32>
    %exp3A = math.exp %mul3A_7 : vector<1000x16xf32>
    %sub3A_8 = arith.constant 0.533333361 : f32
    %sub3A_9 = vector.broadcast %sub3A_8 : f32 to vector<1000x16xf32>
    %sub3A_10 = arith.subf %get3A_1, %sub3A_9 : vector<1000x16xf32>
    %integer_pow3A_11 = arith.mulf %sub3A_10, %sub3A_10 : vector<1000x16xf32>
    %neg3A_12 = arith.constant 0.000000e+00 : f32
    %neg3A_13 = vector.broadcast %neg3A_12 : f32 to vector<1000x16xf32>
    %neg3A_14 = arith.subf %neg3A_13, %integer_pow3A_11 : vector<1000x16xf32>
    %mul3A_15 = arith.constant 4.000000e+00 : f32
    %mul3A_16 = vector.broadcast %mul3A_15 : f32 to vector<1000x16xf32>
    %mul3A_17 = arith.mulf %neg3A_14, %mul3A_16 : vector<1000x16xf32>
    %exp3A_18 = math.exp %mul3A_17 : vector<1000x16xf32>
    %sub3A_19 = arith.constant 1.06666672 : f32
    %sub3A_20 = vector.broadcast %sub3A_19 : f32 to vector<1000x16xf32>
    %sub3A_21 = arith.subf %get3A_1, %sub3A_20 : vector<1000x16xf32>
    %integer_pow3A_22 = arith.mulf %sub3A_21, %sub3A_21 : vector<1000x16xf32>
    %neg3A_23 = arith.constant 0.000000e+00 : f32
    %neg3A_24 = vector.broadcast %neg3A_23 : f32 to vector<1000x16xf32>
    %neg3A_25 = arith.subf %neg3A_24, %integer_pow3A_22 : vector<1000x16xf32>
    %mul3A_26 = arith.constant 4.000000e+00 : f32
    %mul3A_27 = vector.broadcast %mul3A_26 : f32 to vector<1000x16xf32>
    %mul3A_28 = arith.mulf %neg3A_25, %mul3A_27 : vector<1000x16xf32>
    %exp3A_29 = math.exp %mul3A_28 : vector<1000x16xf32>
    %sub3A_30 = arith.constant 1.600000e+00 : f32
    %sub3A_31 = vector.broadcast %sub3A_30 : f32 to vector<1000x16xf32>
    %sub3A_32 = arith.subf %get3A_1, %sub3A_31 : vector<1000x16xf32>
    %integer_pow3A_33 = arith.mulf %sub3A_32, %sub3A_32 : vector<1000x16xf32>
    %neg3A_34 = arith.constant 0.000000e+00 : f32
    %neg3A_35 = vector.broadcast %neg3A_34 : f32 to vector<1000x16xf32>
    %neg3A_36 = arith.subf %neg3A_35, %integer_pow3A_33 : vector<1000x16xf32>
    %mul3A_37 = arith.constant 4.000000e+00 : f32
    %mul3A_38 = vector.broadcast %mul3A_37 : f32 to vector<1000x16xf32>
    %mul3A_39 = arith.mulf %neg3A_36, %mul3A_38 : vector<1000x16xf32>
    %exp3A_40 = math.exp %mul3A_39 : vector<1000x16xf32>
    %sub3A_41 = arith.constant 2.13333344 : f32
    %sub3A_42 = vector.broadcast %sub3A_41 : f32 to vector<1000x16xf32>
    %sub3A_43 = arith.subf %get3A_1, %sub3A_42 : vector<1000x16xf32>
    %integer_pow3A_44 = arith.mulf %sub3A_43, %sub3A_43 : vector<1000x16xf32>
    %neg3A_45 = arith.constant 0.000000e+00 : f32
    %neg3A_46 = vector.broadcast %neg3A_45 : f32 to vector<1000x16xf32>
    %neg3A_47 = arith.subf %neg3A_46, %integer_pow3A_44 : vector<1000x16xf32>
    %mul3A_48 = arith.constant 4.000000e+00 : f32
    %mul3A_49 = vector.broadcast %mul3A_48 : f32 to vector<1000x16xf32>
    %mul3A_50 = arith.mulf %neg3A_47, %mul3A_49 : vector<1000x16xf32>
    %exp3A_51 = math.exp %mul3A_50 : vector<1000x16xf32>
    %sub3A_52 = arith.constant 2.66666675 : f32
    %sub3A_53 = vector.broadcast %sub3A_52 : f32 to vector<1000x16xf32>
    %sub3A_54 = arith.subf %get3A_1, %sub3A_53 : vector<1000x16xf32>
    %integer_pow3A_55 = arith.mulf %sub3A_54, %sub3A_54 : vector<1000x16xf32>
    %neg3A_56 = arith.constant 0.000000e+00 : f32
    %neg3A_57 = vector.broadcast %neg3A_56 : f32 to vector<1000x16xf32>
    %neg3A_58 = arith.subf %neg3A_57, %integer_pow3A_55 : vector<1000x16xf32>
    %mul3A_59 = arith.constant 4.000000e+00 : f32
    %mul3A_60 = vector.broadcast %mul3A_59 : f32 to vector<1000x16xf32>
    %mul3A_61 = arith.mulf %neg3A_58, %mul3A_60 : vector<1000x16xf32>
    %exp3A_62 = math.exp %mul3A_61 : vector<1000x16xf32>
    %sub3A_63 = arith.constant 3.200000e+00 : f32
    %sub3A_64 = vector.broadcast %sub3A_63 : f32 to vector<1000x16xf32>
    %sub3A_65 = arith.subf %get3A_1, %sub3A_64 : vector<1000x16xf32>
    %integer_pow3A_66 = arith.mulf %sub3A_65, %sub3A_65 : vector<1000x16xf32>
    %neg3A_67 = arith.constant 0.000000e+00 : f32
    %neg3A_68 = vector.broadcast %neg3A_67 : f32 to vector<1000x16xf32>
    %neg3A_69 = arith.subf %neg3A_68, %integer_pow3A_66 : vector<1000x16xf32>
    %mul3A_70 = arith.constant 4.000000e+00 : f32
    %mul3A_71 = vector.broadcast %mul3A_70 : f32 to vector<1000x16xf32>
    %mul3A_72 = arith.mulf %neg3A_69, %mul3A_71 : vector<1000x16xf32>
    %exp3A_73 = math.exp %mul3A_72 : vector<1000x16xf32>
    %sub3A_74 = arith.constant 3.73333335 : f32
    %sub3A_75 = vector.broadcast %sub3A_74 : f32 to vector<1000x16xf32>
    %sub3A_76 = arith.subf %get3A_1, %sub3A_75 : vector<1000x16xf32>
    %integer_pow3A_77 = arith.mulf %sub3A_76, %sub3A_76 : vector<1000x16xf32>
    %neg3A_78 = arith.constant 0.000000e+00 : f32
    %neg3A_79 = vector.broadcast %neg3A_78 : f32 to vector<1000x16xf32>
    %neg3A_80 = arith.subf %neg3A_79, %integer_pow3A_77 : vector<1000x16xf32>
    %mul3A_81 = arith.constant 4.000000e+00 : f32
    %mul3A_82 = vector.broadcast %mul3A_81 : f32 to vector<1000x16xf32>
    %mul3A_83 = arith.mulf %neg3A_80, %mul3A_82 : vector<1000x16xf32>
    %exp3A_84 = math.exp %mul3A_83 : vector<1000x16xf32>
    %sub3A_85 = arith.constant 4.26666689 : f32
    %sub3A_86 = vector.broadcast %sub3A_85 : f32 to vector<1000x16xf32>
    %sub3A_87 = arith.subf %get3A_1, %sub3A_86 : vector<1000x16xf32>
    %integer_pow3A_88 = arith.mulf %sub3A_87, %sub3A_87 : vector<1000x16xf32>
    %neg3A_89 = arith.constant 0.000000e+00 : f32
    %neg3A_90 = vector.broadcast %neg3A_89 : f32 to vector<1000x16xf32>
    %neg3A_91 = arith.subf %neg3A_90, %integer_pow3A_88 : vector<1000x16xf32>
    %mul3A_92 = arith.constant 4.000000e+00 : f32
    %mul3A_93 = vector.broadcast %mul3A_92 : f32 to vector<1000x16xf32>
    %mul3A_94 = arith.mulf %neg3A_91, %mul3A_93 : vector<1000x16xf32>
    %exp3A_95 = math.exp %mul3A_94 : vector<1000x16xf32>
    %sub3A_96 = arith.constant 4.800000e+00 : f32
    %sub3A_97 = vector.broadcast %sub3A_96 : f32 to vector<1000x16xf32>
    %sub3A_98 = arith.subf %get3A_1, %sub3A_97 : vector<1000x16xf32>
    %integer_pow3A_99 = arith.mulf %sub3A_98, %sub3A_98 : vector<1000x16xf32>
    %neg3A_100 = arith.constant 0.000000e+00 : f32
    %neg3A_101 = vector.broadcast %neg3A_100 : f32 to vector<1000x16xf32>
    %neg3A_102 = arith.subf %neg3A_101, %integer_pow3A_99 : vector<1000x16xf32>
    %mul3A_103 = arith.constant 4.000000e+00 : f32
    %mul3A_104 = vector.broadcast %mul3A_103 : f32 to vector<1000x16xf32>
    %mul3A_105 = arith.mulf %neg3A_102, %mul3A_104 : vector<1000x16xf32>
    %exp3A_106 = math.exp %mul3A_105 : vector<1000x16xf32>
    %sub3A_107 = arith.constant 5.33333349 : f32
    %sub3A_108 = vector.broadcast %sub3A_107 : f32 to vector<1000x16xf32>
    %sub3A_109 = arith.subf %get3A_1, %sub3A_108 : vector<1000x16xf32>
    %integer_pow3A_110 = arith.mulf %sub3A_109, %sub3A_109 : vector<1000x16xf32>
    %neg3A_111 = arith.constant 0.000000e+00 : f32
    %neg3A_112 = vector.broadcast %neg3A_111 : f32 to vector<1000x16xf32>
    %neg3A_113 = arith.subf %neg3A_112, %integer_pow3A_110 : vector<1000x16xf32>
    %mul3A_114 = arith.constant 4.000000e+00 : f32
    %mul3A_115 = vector.broadcast %mul3A_114 : f32 to vector<1000x16xf32>
    %mul3A_116 = arith.mulf %neg3A_113, %mul3A_115 : vector<1000x16xf32>
    %exp3A_117 = math.exp %mul3A_116 : vector<1000x16xf32>
    %sub3A_118 = arith.constant 5.86666679 : f32
    %sub3A_119 = vector.broadcast %sub3A_118 : f32 to vector<1000x16xf32>
    %sub3A_120 = arith.subf %get3A_1, %sub3A_119 : vector<1000x16xf32>
    %integer_pow3A_121 = arith.mulf %sub3A_120, %sub3A_120 : vector<1000x16xf32>
    %neg3A_122 = arith.constant 0.000000e+00 : f32
    %neg3A_123 = vector.broadcast %neg3A_122 : f32 to vector<1000x16xf32>
    %neg3A_124 = arith.subf %neg3A_123, %integer_pow3A_121 : vector<1000x16xf32>
    %mul3A_125 = arith.constant 4.000000e+00 : f32
    %mul3A_126 = vector.broadcast %mul3A_125 : f32 to vector<1000x16xf32>
    %mul3A_127 = arith.mulf %neg3A_124, %mul3A_126 : vector<1000x16xf32>
    %exp3A_128 = math.exp %mul3A_127 : vector<1000x16xf32>
    %sub3A_129 = arith.constant 6.400000e+00 : f32
    %sub3A_130 = vector.broadcast %sub3A_129 : f32 to vector<1000x16xf32>
    %sub3A_131 = arith.subf %get3A_1, %sub3A_130 : vector<1000x16xf32>
    %integer_pow3A_132 = arith.mulf %sub3A_131, %sub3A_131 : vector<1000x16xf32>
    %neg3A_133 = arith.constant 0.000000e+00 : f32
    %neg3A_134 = vector.broadcast %neg3A_133 : f32 to vector<1000x16xf32>
    %neg3A_135 = arith.subf %neg3A_134, %integer_pow3A_132 : vector<1000x16xf32>
    %mul3A_136 = arith.constant 4.000000e+00 : f32
    %mul3A_137 = vector.broadcast %mul3A_136 : f32 to vector<1000x16xf32>
    %mul3A_138 = arith.mulf %neg3A_135, %mul3A_137 : vector<1000x16xf32>
    %exp3A_139 = math.exp %mul3A_138 : vector<1000x16xf32>
    %sub3A_140 = arith.constant 6.93333339 : f32
    %sub3A_141 = vector.broadcast %sub3A_140 : f32 to vector<1000x16xf32>
    %sub3A_142 = arith.subf %get3A_1, %sub3A_141 : vector<1000x16xf32>
    %integer_pow3A_143 = arith.mulf %sub3A_142, %sub3A_142 : vector<1000x16xf32>
    %neg3A_144 = arith.constant 0.000000e+00 : f32
    %neg3A_145 = vector.broadcast %neg3A_144 : f32 to vector<1000x16xf32>
    %neg3A_146 = arith.subf %neg3A_145, %integer_pow3A_143 : vector<1000x16xf32>
    %mul3A_147 = arith.constant 4.000000e+00 : f32
    %mul3A_148 = vector.broadcast %mul3A_147 : f32 to vector<1000x16xf32>
    %mul3A_149 = arith.mulf %neg3A_146, %mul3A_148 : vector<1000x16xf32>
    %exp3A_150 = math.exp %mul3A_149 : vector<1000x16xf32>
    %sub3A_151 = arith.constant 7.4666667 : f32
    %sub3A_152 = vector.broadcast %sub3A_151 : f32 to vector<1000x16xf32>
    %sub3A_153 = arith.subf %get3A_1, %sub3A_152 : vector<1000x16xf32>
    %integer_pow3A_154 = arith.mulf %sub3A_153, %sub3A_153 : vector<1000x16xf32>
    %neg3A_155 = arith.constant 0.000000e+00 : f32
    %neg3A_156 = vector.broadcast %neg3A_155 : f32 to vector<1000x16xf32>
    %neg3A_157 = arith.subf %neg3A_156, %integer_pow3A_154 : vector<1000x16xf32>
    %mul3A_158 = arith.constant 4.000000e+00 : f32
    %mul3A_159 = vector.broadcast %mul3A_158 : f32 to vector<1000x16xf32>
    %mul3A_160 = arith.mulf %neg3A_157, %mul3A_159 : vector<1000x16xf32>
    %exp3A_161 = math.exp %mul3A_160 : vector<1000x16xf32>
    %sub3A_162 = arith.constant 8.000000e+00 : f32
    %sub3A_163 = vector.broadcast %sub3A_162 : f32 to vector<1000x16xf32>
    %sub3A_164 = arith.subf %get3A_1, %sub3A_163 : vector<1000x16xf32>
    %integer_pow3A_165 = arith.mulf %sub3A_164, %sub3A_164 : vector<1000x16xf32>
    %neg3A_166 = arith.constant 0.000000e+00 : f32
    %neg3A_167 = vector.broadcast %neg3A_166 : f32 to vector<1000x16xf32>
    %neg3A_168 = arith.subf %neg3A_167, %integer_pow3A_165 : vector<1000x16xf32>
    %mul3A_169 = arith.constant 4.000000e+00 : f32
    %mul3A_170 = vector.broadcast %mul3A_169 : f32 to vector<1000x16xf32>
    %mul3A_171 = arith.mulf %neg3A_168, %mul3A_170 : vector<1000x16xf32>
    %exp3A_172 = math.exp %mul3A_171 : vector<1000x16xf32>
    %concatenate3A = tpu.concatenate %exp3A, %exp3A_18, %exp3A_29, %exp3A_40, %exp3A_51, %exp3A_62, %exp3A_73, %exp3A_84, %exp3A_95, %exp3A_106, %exp3A_117, %exp3A_128, %exp3A_139, %exp3A_150, %exp3A_161, %exp3A_172 in 1 : vector<1000x16xf32>, vector<1000x16xf32>, vector<1000x16xf32>, vector<1000x16xf32>, vector<1000x16xf32>, vector<1000x16xf32>, vector<1000x16xf32>, vector<1000x16xf32>, vector<1000x16xf32>, vector<1000x16xf32>, vector<1000x16xf32>, vector<1000x16xf32>, vector<1000x16xf32>, vector<1000x16xf32>, vector<1000x16xf32>, vector<1000x16xf32> -> vector<1000x256xf32>
    %get3A_173 = arith.constant 0 : index
    %get3A_174 = arith.constant 0 : index
    %get3A_175 = vector.load %arg2[%get3A_173, %get3A_174] : memref<1000x256xf32, #tpu.memory_space<vmem>>, vector<1000x256xf32>
    %sub3A_176 = arith.constant -1.000000e+00 : f32
    %sub3A_177 = vector.broadcast %sub3A_176 : f32 to vector<1000x256xf32>
    %sub3A_178 = arith.subf %get3A_175, %sub3A_177 : vector<1000x256xf32>
    %integer_pow3A_179 = arith.mulf %sub3A_178, %sub3A_178 : vector<1000x256xf32>
    %neg3A_180 = arith.constant 0.000000e+00 : f32
    %neg3A_181 = vector.broadcast %neg3A_180 : f32 to vector<1000x256xf32>
    %neg3A_182 = arith.subf %neg3A_181, %integer_pow3A_179 : vector<1000x256xf32>
    %exp3A_183 = math.exp %neg3A_182 : vector<1000x256xf32>
    %sub3A_184 = arith.constant 1.000000e+00 : f32
    %sub3A_185 = vector.broadcast %sub3A_184 : f32 to vector<1000x256xf32>
    %sub3A_186 = arith.subf %get3A_175, %sub3A_185 : vector<1000x256xf32>
    %integer_pow3A_187 = arith.mulf %sub3A_186, %sub3A_186 : vector<1000x256xf32>
    %neg3A_188 = arith.constant 0.000000e+00 : f32
    %neg3A_189 = vector.broadcast %neg3A_188 : f32 to vector<1000x256xf32>
    %neg3A_190 = arith.subf %neg3A_189, %integer_pow3A_187 : vector<1000x256xf32>
    %exp3A_191 = math.exp %neg3A_190 : vector<1000x256xf32>
    %concatenate3A_192 = tpu.concatenate %exp3A_183, %exp3A_191 in 1 : vector<1000x256xf32>, vector<1000x256xf32> -> vector<1000x512xf32>
    %get3A_193 = arith.constant 0 : index
    %get3A_194 = arith.constant 0 : index
    %get3A_195 = vector.load %arg3[%get3A_193, %get3A_194] : memref<256x256xf32, #tpu.memory_space<vmem>>, vector<256x256xf32>
    %dot_general3A = arith.constant dense<0.000000e+00> : vector<1000x256xf32>
    %dot_general3A_196 = tpu.matmul %concatenate3A, %get3A_195, %dot_general3A {dimension_numbers = #tpu.dot_dimension_numbers<[1], [0], [0], [1], [0, 0, 1, 1], [], []>, transpose_lhs_hint = false} : vector<1000x256xf32>, vector<256x256xf32>, vector<1000x256xf32> -> vector<1000x256xf32>
    %get3A_197 = arith.constant 0 : index
    %get3A_198 = arith.constant 0 : index
    %get3A_199 = vector.load %arg4[%get3A_197, %get3A_198] : memref<512x256xf32, #tpu.memory_space<vmem>>, vector<512x256xf32>
    %dot_general3A_200 = arith.constant dense<0.000000e+00> : vector<1000x256xf32>
    %dot_general3A_201 = tpu.matmul %concatenate3A_192, %get3A_199, %dot_general3A_200 {dimension_numbers = #tpu.dot_dimension_numbers<[1], [0], [0], [1], [0, 0, 1, 1], [], []>, transpose_lhs_hint = false} : vector<1000x512xf32>, vector<512x256xf32>, vector<1000x256xf32> -> vector<1000x256xf32>
    %slice3A = vector.extract_strided_slice %dot_general3A_196 {offsets = [0, 0], sizes = [1000, 64], strides = [1, 1]} : vector<1000x256xf32> to vector<1000x64xf32>
    %swap3A = arith.constant 0 : index
    %swap3A_202 = arith.constant 0 : index
    %swap3A_203 = arith.constant 0 : index
    %swap3A_204 = vector.load %arg6[%swap3A, %swap3A_202, %swap3A_203] : memref<3x1000x64xf32, #tpu.memory_space<vmem>>, vector<1x1000x64xf32>
    %swap3A_205 = vector.shape_cast %swap3A_204 : vector<1x1000x64xf32> to vector<1000x64xf32>
    %swap3A_206 = vector.shape_cast %slice3A : vector<1000x64xf32> to vector<1x1000x64xf32>
    tpu.vector_store %arg6[%swap3A, %swap3A_202, %swap3A_203], %swap3A_206 {strides = array<i32>} : memref<3x1000x64xf32, #tpu.memory_space<vmem>>, vector<1x1000x64xf32>,
    %slice3A_207 = vector.extract_strided_slice %dot_general3A_201 {offsets = [0, 0], sizes = [1000, 64], strides = [1, 1]} : vector<1000x256xf32> to vector<1000x64xf32>
    %swap3A_208 = arith.constant 0 : index
    %swap3A_209 = arith.constant 0 : index
    %swap3A_210 = arith.constant 0 : index
    %swap3A_211 = vector.load %arg7[%swap3A_208, %swap3A_209, %swap3A_210] : memref<3x1000x64xf32, #tpu.memory_space<vmem>>, vector<1x1000x64xf32>
    %swap3A_212 = vector.shape_cast %swap3A_211 : vector<1x1000x64xf32> to vector<1000x64xf32>
    %swap3A_213 = vector.shape_cast %slice3A_207 : vector<1000x64xf32> to vector<1x1000x64xf32>
    tpu.vector_store %arg7[%swap3A_208, %swap3A_209, %swap3A_210], %swap3A_213 {strides = array<i32>} : memref<3x1000x64xf32, #tpu.memory_space<vmem>>, vector<1x1000x64xf32>,
    %slice3A_214 = vector.extract_strided_slice %dot_general3A_196 {offsets = [0, 64], sizes = [1000, 64], strides = [1, 1]} : vector<1000x256xf32> to vector<1000x64xf32>
    %swap3A_215 = arith.constant 1 : index
    %swap3A_216 = arith.constant 0 : index
    %swap3A_217 = arith.constant 0 : index
    %swap3A_218 = vector.load %arg6[%swap3A_215, %swap3A_216, %swap3A_217] : memref<3x1000x64xf32, #tpu.memory_space<vmem>>, vector<1x1000x64xf32>
    %swap3A_219 = vector.shape_cast %swap3A_218 : vector<1x1000x64xf32> to vector<1000x64xf32>
    %swap3A_220 = vector.shape_cast %slice3A_214 : vector<1000x64xf32> to vector<1x1000x64xf32>
    tpu.vector_store %arg6[%swap3A_215, %swap3A_216, %swap3A_217], %swap3A_220 {strides = array<i32>} : memref<3x1000x64xf32, #tpu.memory_space<vmem>>, vector<1x1000x64xf32>,
    %slice3A_221 = vector.extract_strided_slice %dot_general3A_201 {offsets = [0, 64], sizes = [1000, 64], strides = [1, 1]} : vector<1000x256xf32> to vector<1000x64xf32>
    %swap3A_222 = arith.constant 1 : index
    %swap3A_223 = arith.constant 0 : index
    %swap3A_224 = arith.constant 0 : index
    %swap3A_225 = vector.load %arg7[%swap3A_222, %swap3A_223, %swap3A_224] : memref<3x1000x64xf32, #tpu.memory_space<vmem>>, vector<1x1000x64xf32>
    %swap3A_226 = vector.shape_cast %swap3A_225 : vector<1x1000x64xf32> to vector<1000x64xf32>
    %swap3A_227 = vector.shape_cast %slice3A_221 : vector<1000x64xf32> to vector<1x1000x64xf32>
    tpu.vector_store %arg7[%swap3A_222, %swap3A_223, %swap3A_224], %swap3A_227 {strides = array<i32>} : memref<3x1000x64xf32, #tpu.memory_space<vmem>>, vector<1x1000x64xf32>,
    %slice3A_228 = vector.extract_strided_slice %dot_general3A_196 {offsets = [0, 128], sizes = [1000, 64], strides = [1, 1]} : vector<1000x256xf32> to vector<1000x64xf32>
    %swap3A_229 = arith.constant 2 : index
    %swap3A_230 = arith.constant 0 : index
    %swap3A_231 = arith.constant 0 : index
    %swap3A_232 = vector.load %arg6[%swap3A_229, %swap3A_230, %swap3A_231] : memref<3x1000x64xf32, #tpu.memory_space<vmem>>, vector<1x1000x64xf32>
    %swap3A_233 = vector.shape_cast %swap3A_232 : vector<1x1000x64xf32> to vector<1000x64xf32>
    %swap3A_234 = vector.shape_cast %slice3A_228 : vector<1000x64xf32> to vector<1x1000x64xf32>
    tpu.vector_store %arg6[%swap3A_229, %swap3A_230, %swap3A_231], %swap3A_234 {strides = array<i32>} : memref<3x1000x64xf32, #tpu.memory_space<vmem>>, vector<1x1000x64xf32>,
    %slice3A_235 = vector.extract_strided_slice %dot_general3A_201 {offsets = [0, 128], sizes = [1000, 64], strides = [1, 1]} : vector<1000x256xf32> to vector<1000x64xf32>
    %swap3A_236 = arith.constant 2 : index
    %swap3A_237 = arith.constant 0 : index
    %swap3A_238 = arith.constant 0 : index
    %swap3A_239 = vector.load %arg7[%swap3A_236, %swap3A_237, %swap3A_238] : memref<3x1000x64xf32, #tpu.memory_space<vmem>>, vector<1x1000x64xf32>
    %swap3A_240 = vector.shape_cast %swap3A_239 : vector<1x1000x64xf32> to vector<1000x64xf32>
    %swap3A_241 = vector.shape_cast %slice3A_235 : vector<1000x64xf32> to vector<1x1000x64xf32>
    tpu.vector_store %arg7[%swap3A_236, %swap3A_237, %swap3A_238], %swap3A_241 {strides = array<i32>} : memref<3x1000x64xf32, #tpu.memory_space<vmem>>, vector<1x1000x64xf32>,
    %slice3A_242 = vector.extract_strided_slice %dot_general3A_196 {offsets = [0, 192], sizes = [1000, 64], strides = [1, 1]} : vector<1000x256xf32> to vector<1000x64xf32>
    %slice3A_243 = vector.extract_strided_slice %dot_general3A_201 {offsets = [0, 192], sizes = [1000, 64], strides = [1, 1]} : vector<1000x256xf32> to vector<1000x64xf32>
    %concatenate3A_244 = tpu.concatenate %slice3A_242, %slice3A_243 in 1 : vector<1000x64xf32>, vector<1000x64xf32> -> vector<1000x128xf32>
    %get3A_245 = arith.constant 0 : index
    %get3A_246 = arith.constant 0 : index
    %get3A_247 = vector.load %arg5[%get3A_245, %get3A_246] : memref<1x128xf32, #tpu.memory_space<vmem>>, vector<1x128xf32>
    %add3A = vector.broadcast %get3A_247 : vector<1x128xf32> to vector<1000x128xf32>
    %add3A_248 = arith.addf %concatenate3A_244, %add3A : vector<1000x128xf32>
    %swap3A_249 = arith.constant 0 : index
    %swap3A_250 = arith.constant 0 : index
    %swap3A_251 = vector.load %arg8[%swap3A_249, %swap3A_250] : memref<1000x128xf32, #tpu.memory_space<vmem>>, vector<1000x128xf32>
    tpu.vector_store %arg8[%swap3A_249, %swap3A_250], %add3A_248 {strides = array<i32>} : memref<1000x128xf32, #tpu.memory_space<vmem>>, vector<1000x128xf32>,
    return
  }
  func.func @transform_0(%arg0: i32) -> (i32, i32) {
    %c0_i32 = arith.constant 0 : i32
    %c0_i32_0 = arith.constant 0 : i32
    return %arg0, %c0_i32 : i32, i32
  }
  func.func @transform_1(%arg0: i32) -> (i32, i32) {
    %c0_i32 = arith.constant 0 : i32
    %c0_i32_0 = arith.constant 0 : i32
    return %arg0, %c0_i32 : i32, i32
  }
  func.func @transform_2(%arg0: i32) -> (i32, i32) {
    %c0_i32 = arith.constant 0 : i32
    %c0_i32_0 = arith.constant 0 : i32
    %c0_i32_1 = arith.constant 0 : i32
    return %c0_i32, %c0_i32_0 : i32, i32
  }
  func.func @transform_3(%arg0: i32) -> (i32, i32) {
    %c0_i32 = arith.constant 0 : i32
    %c0_i32_0 = arith.constant 0 : i32
    %c0_i32_1 = arith.constant 0 : i32
    return %c0_i32, %c0_i32_0 : i32, i32
  }
  func.func @transform_4(%arg0: i32) -> (i32, i32) {
    %c0_i32 = arith.constant 0 : i32
    %c0_i32_0 = arith.constant 0 : i32
    %c0_i32_1 = arith.constant 0 : i32
    return %c0_i32, %c0_i32_0 : i32, i32
  }
  func.func @transform_5(%arg0: i32) -> (i32, i32, i32) {
    %c0_i32 = arith.constant 0 : i32
    %c0_i32_0 = arith.constant 0 : i32
    %c0_i32_1 = arith.constant 0 : i32
    return %c0_i32, %arg0, %c0_i32_0 : i32, i32, i32
  }
  func.func @transform_6(%arg0: i32) -> (i32, i32, i32) {
    %c0_i32 = arith.constant 0 : i32
    %c0_i32_0 = arith.constant 0 : i32
    %c0_i32_1 = arith.constant 0 : i32
    return %c0_i32, %arg0, %c0_i32_0 : i32, i32, i32
  }
  func.func @transform_7(%arg0: i32) -> (i32, i32) {
    %c0_i32 = arith.constant 0 : i32
    %c0_i32_0 = arith.constant 0 : i32
    return %arg0, %c0_i32 : i32, i32
  }
}

module attributes {stable_mosaic.version = 14 : i64} {
  func.func @_tc_b_body(%arg0: i32, %arg1: memref<1x3x1000x64xf32, #tpu.memory_space<vmem>>, %arg2: memref<1x3x1000x64xf32, #tpu.memory_space<vmem>>, %arg3: memref<1x3x1000x16xf32, #tpu.memory_space<vmem>>, %arg4: memref<1000x128xf32, #tpu.memory_space<vmem>>, %arg5: memref<64x256xf32, #tpu.memory_space<vmem>>, %arg6: memref<64x256xf32, #tpu.memory_space<vmem>>, %arg7: memref<1x128xf32, #tpu.memory_space<vmem>>, %arg8: memref<3x1000x64xf32, #tpu.memory_space<vmem>>, %arg9: memref<3x1000x64xf32, #tpu.memory_space<vmem>>, %arg10: memref<1000x128xf32, #tpu.memory_space<vmem>>) attributes {dimension_semantics = [#tpu.dimension_semantics<arbitrary>], iteration_bounds = array<i64: 10>, scalar_prefetch = 0 : i64, scratch_operands = 0 : i64, tpu.core_type = #tpu.core_type<tc>, window_params = [{transform_indices = @transform_0, window_bounds = array<i64: 1, 3, 1000, 64>}, {transform_indices = @transform_1, window_bounds = array<i64: 1, 3, 1000, 64>}, {transform_indices = @transform_2, window_bounds = array<i64: 1, 3, 1000, 16>}, {transform_indices = @transform_3, window_bounds = array<i64: 1000, 128>}, {pipeline_mode = #tpu.pipeline_mode<synchronous>, transform_indices = @transform_4, window_bounds = array<i64: 64, 256>}, {pipeline_mode = #tpu.pipeline_mode<synchronous>, transform_indices = @transform_5, window_bounds = array<i64: 64, 256>}, {pipeline_mode = #tpu.pipeline_mode<synchronous>, transform_indices = @transform_6, window_bounds = array<i64: 1, 128>}, {transform_indices = @transform_7, window_bounds = array<i64: 3, 1000, 64>}, {transform_indices = @transform_8, window_bounds = array<i64: 3, 1000, 64>}, {transform_indices = @transform_9, window_bounds = array<i64: 1000, 128>}]} {
    %get3A = arith.constant 0 : index
    %get3A_0 = arith.constant 0 : index
    %get3A_1 = vector.load %arg4[%get3A, %get3A_0] : memref<1000x128xf32, #tpu.memory_space<vmem>>, vector<1000x64xf32>
    %get3A_2 = arith.constant 0 : index
    %get3A_3 = arith.constant 0 : index
    %get3A_4 = arith.constant 0 : index
    %get3A_5 = arith.constant 0 : index
    %get3A_6 = vector.load %arg1[%get3A_2, %get3A_3, %get3A_4, %get3A_5] : memref<1x3x1000x64xf32, #tpu.memory_space<vmem>>, vector<1x3x1000x64xf32>
    %get3A_7 = vector.shape_cast %get3A_6 : vector<1x3x1000x64xf32> to vector<3x1000x64xf32>
    %get3A_8 = arith.constant 0 : index
    %get3A_9 = arith.constant 0 : index
    %get3A_10 = arith.constant 0 : index
    %get3A_11 = arith.constant 0 : index
    %get3A_12 = vector.load %arg3[%get3A_8, %get3A_9, %get3A_10, %get3A_11] : memref<1x3x1000x16xf32, #tpu.memory_space<vmem>>, vector<1x3x1000x16xf32>
    %get3A_13 = vector.shape_cast %get3A_12 : vector<1x3x1000x16xf32> to vector<3x1000x16xf32>
    %slice3A = vector.extract_strided_slice %get3A_13 {offsets = [0, 0, 0], sizes = [3, 1000, 1], strides = [1, 1, 1]} : vector<3x1000x16xf32> to vector<3x1000x1xf32>
    %max3A = arith.constant 1.000000e+00 : f32
    %max3A_14 = vector.broadcast %max3A : f32 to vector<3x1000x1xf32>
    %max3A_15 = arith.maximumf %slice3A, %max3A_14 : vector<3x1000x1xf32>
    %div3A = arith.constant 1.000000e+00 : f32
    %div3A_16 = vector.broadcast %div3A : f32 to vector<3x1000x1xf32>
    %div3A_17 = arith.divf %div3A_16, %max3A_15 : vector<3x1000x1xf32>
    %mul3A = vector.broadcast %div3A_17 : vector<3x1000x1xf32> to vector<3x1000x64xf32>
    %mul3A_18 = arith.mulf %get3A_7, %mul3A : vector<3x1000x64xf32>
    %slice3A_19 = vector.extract_strided_slice %mul3A_18 {offsets = [0, 0, 0], sizes = [1, 1000, 64], strides = [1, 1, 1]} : vector<3x1000x64xf32> to vector<1x1000x64xf32>
    %squeeze3A = vector.shape_cast %slice3A_19 : vector<1x1000x64xf32> to vector<1000x64xf32>
    %add3A = arith.addf %get3A_1, %squeeze3A : vector<1000x64xf32>
    %slice3A_20 = vector.extract_strided_slice %mul3A_18 {offsets = [1, 0, 0], sizes = [1, 1000, 64], strides = [1, 1, 1]} : vector<3x1000x64xf32> to vector<1x1000x64xf32>
    %squeeze3A_21 = vector.shape_cast %slice3A_20 : vector<1x1000x64xf32> to vector<1000x64xf32>
    %add3A_22 = arith.addf %add3A, %squeeze3A_21 : vector<1000x64xf32>
    %slice3A_23 = vector.extract_strided_slice %mul3A_18 {offsets = [2, 0, 0], sizes = [1, 1000, 64], strides = [1, 1, 1]} : vector<3x1000x64xf32> to vector<1x1000x64xf32>
    %squeeze3A_24 = vector.shape_cast %slice3A_23 : vector<1x1000x64xf32> to vector<1000x64xf32>
    %add3A_25 = arith.addf %add3A_22, %squeeze3A_24 : vector<1000x64xf32>
    %max3A_26 = arith.constant 0.000000e+00 : f32
    %max3A_27 = vector.broadcast %max3A_26 : f32 to vector<1000x64xf32>
    %max3A_28 = arith.maximumf %add3A_25, %max3A_27 : vector<1000x64xf32>
    %get3A_29 = arith.constant 0 : index
    %get3A_30 = arith.constant 64 : index
    %get3A_31 = vector.load %arg4[%get3A_29, %get3A_30] : memref<1000x128xf32, #tpu.memory_space<vmem>>, vector<1000x64xf32>
    %get3A_32 = arith.constant 0 : index
    %get3A_33 = arith.constant 0 : index
    %get3A_34 = arith.constant 0 : index
    %get3A_35 = arith.constant 0 : index
    %get3A_36 = vector.load %arg2[%get3A_32, %get3A_33, %get3A_34, %get3A_35] : memref<1x3x1000x64xf32, #tpu.memory_space<vmem>>, vector<1x3x1000x64xf32>
    %get3A_37 = vector.shape_cast %get3A_36 : vector<1x3x1000x64xf32> to vector<3x1000x64xf32>
    %get3A_38 = arith.constant 0 : index
    %get3A_39 = arith.constant 0 : index
    %get3A_40 = arith.constant 0 : index
    %get3A_41 = arith.constant 0 : index
    %get3A_42 = vector.load %arg3[%get3A_38, %get3A_39, %get3A_40, %get3A_41] : memref<1x3x1000x16xf32, #tpu.memory_space<vmem>>, vector<1x3x1000x16xf32>
    %get3A_43 = vector.shape_cast %get3A_42 : vector<1x3x1000x16xf32> to vector<3x1000x16xf32>
    %slice3A_44 = vector.extract_strided_slice %get3A_43 {offsets = [0, 0, 0], sizes = [3, 1000, 1], strides = [1, 1, 1]} : vector<3x1000x16xf32> to vector<3x1000x1xf32>
    %max3A_45 = arith.constant 1.000000e+00 : f32
    %max3A_46 = vector.broadcast %max3A_45 : f32 to vector<3x1000x1xf32>
    %max3A_47 = arith.maximumf %slice3A_44, %max3A_46 : vector<3x1000x1xf32>
    %div3A_48 = arith.constant 1.000000e+00 : f32
    %div3A_49 = vector.broadcast %div3A_48 : f32 to vector<3x1000x1xf32>
    %div3A_50 = arith.divf %div3A_49, %max3A_47 : vector<3x1000x1xf32>
    %mul3A_51 = vector.broadcast %div3A_50 : vector<3x1000x1xf32> to vector<3x1000x64xf32>
    %mul3A_52 = arith.mulf %get3A_37, %mul3A_51 : vector<3x1000x64xf32>
    %slice3A_53 = vector.extract_strided_slice %mul3A_52 {offsets = [0, 0, 0], sizes = [1, 1000, 64], strides = [1, 1, 1]} : vector<3x1000x64xf32> to vector<1x1000x64xf32>
    %squeeze3A_54 = vector.shape_cast %slice3A_53 : vector<1x1000x64xf32> to vector<1000x64xf32>
    %add3A_55 = arith.addf %get3A_31, %squeeze3A_54 : vector<1000x64xf32>
    %slice3A_56 = vector.extract_strided_slice %mul3A_52 {offsets = [1, 0, 0], sizes = [1, 1000, 64], strides = [1, 1, 1]} : vector<3x1000x64xf32> to vector<1x1000x64xf32>
    %squeeze3A_57 = vector.shape_cast %slice3A_56 : vector<1x1000x64xf32> to vector<1000x64xf32>
    %add3A_58 = arith.addf %add3A_55, %squeeze3A_57 : vector<1000x64xf32>
    %slice3A_59 = vector.extract_strided_slice %mul3A_52 {offsets = [2, 0, 0], sizes = [1, 1000, 64], strides = [1, 1, 1]} : vector<3x1000x64xf32> to vector<1x1000x64xf32>
    %squeeze3A_60 = vector.shape_cast %slice3A_59 : vector<1x1000x64xf32> to vector<1000x64xf32>
    %add3A_61 = arith.addf %add3A_58, %squeeze3A_60 : vector<1000x64xf32>
    %max3A_62 = arith.constant 0.000000e+00 : f32
    %max3A_63 = vector.broadcast %max3A_62 : f32 to vector<1000x64xf32>
    %max3A_64 = arith.maximumf %add3A_61, %max3A_63 : vector<1000x64xf32>
    %get3A_65 = arith.constant 0 : index
    %get3A_66 = arith.constant 0 : index
    %get3A_67 = vector.load %arg5[%get3A_65, %get3A_66] : memref<64x256xf32, #tpu.memory_space<vmem>>, vector<64x256xf32>
    %dot_general3A = arith.constant dense<0.000000e+00> : vector<1000x256xf32>
    %dot_general3A_68 = tpu.matmul %max3A_28, %get3A_67, %dot_general3A {dimension_numbers = #tpu.dot_dimension_numbers<[1], [0], [0], [1], [0, 0, 1, 1], [], []>, transpose_lhs_hint = false} : vector<1000x64xf32>, vector<64x256xf32>, vector<1000x256xf32> -> vector<1000x256xf32>
    %get3A_69 = arith.constant 0 : index
    %get3A_70 = arith.constant 0 : index
    %get3A_71 = vector.load %arg6[%get3A_69, %get3A_70] : memref<64x256xf32, #tpu.memory_space<vmem>>, vector<64x256xf32>
    %dot_general3A_72 = arith.constant dense<0.000000e+00> : vector<1000x256xf32>
    %dot_general3A_73 = tpu.matmul %max3A_64, %get3A_71, %dot_general3A_72 {dimension_numbers = #tpu.dot_dimension_numbers<[1], [0], [0], [1], [0, 0, 1, 1], [], []>, transpose_lhs_hint = false} : vector<1000x64xf32>, vector<64x256xf32>, vector<1000x256xf32> -> vector<1000x256xf32>
    %slice3A_74 = vector.extract_strided_slice %dot_general3A_68 {offsets = [0, 0], sizes = [1000, 64], strides = [1, 1]} : vector<1000x256xf32> to vector<1000x64xf32>
    %swap3A = arith.constant 0 : index
    %swap3A_75 = arith.constant 0 : index
    %swap3A_76 = arith.constant 0 : index
    %swap3A_77 = vector.load %arg8[%swap3A, %swap3A_75, %swap3A_76] : memref<3x1000x64xf32, #tpu.memory_space<vmem>>, vector<1x1000x64xf32>
    %swap3A_78 = vector.shape_cast %swap3A_77 : vector<1x1000x64xf32> to vector<1000x64xf32>
    %swap3A_79 = vector.shape_cast %slice3A_74 : vector<1000x64xf32> to vector<1x1000x64xf32>
    tpu.vector_store %arg8[%swap3A, %swap3A_75, %swap3A_76], %swap3A_79 {strides = array<i32>} : memref<3x1000x64xf32, #tpu.memory_space<vmem>>, vector<1x1000x64xf32>,
    %slice3A_80 = vector.extract_strided_slice %dot_general3A_73 {offsets = [0, 0], sizes = [1000, 64], strides = [1, 1]} : vector<1000x256xf32> to vector<1000x64xf32>
    %swap3A_81 = arith.constant 0 : index
    %swap3A_82 = arith.constant 0 : index
    %swap3A_83 = arith.constant 0 : index
    %swap3A_84 = vector.load %arg9[%swap3A_81, %swap3A_82, %swap3A_83] : memref<3x1000x64xf32, #tpu.memory_space<vmem>>, vector<1x1000x64xf32>
    %swap3A_85 = vector.shape_cast %swap3A_84 : vector<1x1000x64xf32> to vector<1000x64xf32>
    %swap3A_86 = vector.shape_cast %slice3A_80 : vector<1000x64xf32> to vector<1x1000x64xf32>
    tpu.vector_store %arg9[%swap3A_81, %swap3A_82, %swap3A_83], %swap3A_86 {strides = array<i32>} : memref<3x1000x64xf32, #tpu.memory_space<vmem>>, vector<1x1000x64xf32>,
    %slice3A_87 = vector.extract_strided_slice %dot_general3A_68 {offsets = [0, 64], sizes = [1000, 64], strides = [1, 1]} : vector<1000x256xf32> to vector<1000x64xf32>
    %swap3A_88 = arith.constant 1 : index
    %swap3A_89 = arith.constant 0 : index
    %swap3A_90 = arith.constant 0 : index
    %swap3A_91 = vector.load %arg8[%swap3A_88, %swap3A_89, %swap3A_90] : memref<3x1000x64xf32, #tpu.memory_space<vmem>>, vector<1x1000x64xf32>
    %swap3A_92 = vector.shape_cast %swap3A_91 : vector<1x1000x64xf32> to vector<1000x64xf32>
    %swap3A_93 = vector.shape_cast %slice3A_87 : vector<1000x64xf32> to vector<1x1000x64xf32>
    tpu.vector_store %arg8[%swap3A_88, %swap3A_89, %swap3A_90], %swap3A_93 {strides = array<i32>} : memref<3x1000x64xf32, #tpu.memory_space<vmem>>, vector<1x1000x64xf32>,
    %slice3A_94 = vector.extract_strided_slice %dot_general3A_73 {offsets = [0, 64], sizes = [1000, 64], strides = [1, 1]} : vector<1000x256xf32> to vector<1000x64xf32>
    %swap3A_95 = arith.constant 1 : index
    %swap3A_96 = arith.constant 0 : index
    %swap3A_97 = arith.constant 0 : index
    %swap3A_98 = vector.load %arg9[%swap3A_95, %swap3A_96, %swap3A_97] : memref<3x1000x64xf32, #tpu.memory_space<vmem>>, vector<1x1000x64xf32>
    %swap3A_99 = vector.shape_cast %swap3A_98 : vector<1x1000x64xf32> to vector<1000x64xf32>
    %swap3A_100 = vector.shape_cast %slice3A_94 : vector<1000x64xf32> to vector<1x1000x64xf32>
    tpu.vector_store %arg9[%swap3A_95, %swap3A_96, %swap3A_97], %swap3A_100 {strides = array<i32>} : memref<3x1000x64xf32, #tpu.memory_space<vmem>>, vector<1x1000x64xf32>,
    %slice3A_101 = vector.extract_strided_slice %dot_general3A_68 {offsets = [0, 128], sizes = [1000, 64], strides = [1, 1]} : vector<1000x256xf32> to vector<1000x64xf32>
    %swap3A_102 = arith.constant 2 : index
    %swap3A_103 = arith.constant 0 : index
    %swap3A_104 = arith.constant 0 : index
    %swap3A_105 = vector.load %arg8[%swap3A_102, %swap3A_103, %swap3A_104] : memref<3x1000x64xf32, #tpu.memory_space<vmem>>, vector<1x1000x64xf32>
    %swap3A_106 = vector.shape_cast %swap3A_105 : vector<1x1000x64xf32> to vector<1000x64xf32>
    %swap3A_107 = vector.shape_cast %slice3A_101 : vector<1000x64xf32> to vector<1x1000x64xf32>
    tpu.vector_store %arg8[%swap3A_102, %swap3A_103, %swap3A_104], %swap3A_107 {strides = array<i32>} : memref<3x1000x64xf32, #tpu.memory_space<vmem>>, vector<1x1000x64xf32>,
    %slice3A_108 = vector.extract_strided_slice %dot_general3A_73 {offsets = [0, 128], sizes = [1000, 64], strides = [1, 1]} : vector<1000x256xf32> to vector<1000x64xf32>
    %swap3A_109 = arith.constant 2 : index
    %swap3A_110 = arith.constant 0 : index
    %swap3A_111 = arith.constant 0 : index
    %swap3A_112 = vector.load %arg9[%swap3A_109, %swap3A_110, %swap3A_111] : memref<3x1000x64xf32, #tpu.memory_space<vmem>>, vector<1x1000x64xf32>
    %swap3A_113 = vector.shape_cast %swap3A_112 : vector<1x1000x64xf32> to vector<1000x64xf32>
    %swap3A_114 = vector.shape_cast %slice3A_108 : vector<1000x64xf32> to vector<1x1000x64xf32>
    tpu.vector_store %arg9[%swap3A_109, %swap3A_110, %swap3A_111], %swap3A_114 {strides = array<i32>} : memref<3x1000x64xf32, #tpu.memory_space<vmem>>, vector<1x1000x64xf32>,
    %slice3A_115 = vector.extract_strided_slice %dot_general3A_68 {offsets = [0, 192], sizes = [1000, 64], strides = [1, 1]} : vector<1000x256xf32> to vector<1000x64xf32>
    %slice3A_116 = vector.extract_strided_slice %dot_general3A_73 {offsets = [0, 192], sizes = [1000, 64], strides = [1, 1]} : vector<1000x256xf32> to vector<1000x64xf32>
    %concatenate3A = tpu.concatenate %slice3A_115, %slice3A_116 in 1 : vector<1000x64xf32>, vector<1000x64xf32> -> vector<1000x128xf32>
    %get3A_117 = arith.constant 0 : index
    %get3A_118 = arith.constant 0 : index
    %get3A_119 = vector.load %arg7[%get3A_117, %get3A_118] : memref<1x128xf32, #tpu.memory_space<vmem>>, vector<1x128xf32>
    %add3A_120 = vector.broadcast %get3A_119 : vector<1x128xf32> to vector<1000x128xf32>
    %add3A_121 = arith.addf %concatenate3A, %add3A_120 : vector<1000x128xf32>
    %swap3A_122 = arith.constant 0 : index
    %swap3A_123 = arith.constant 0 : index
    %swap3A_124 = vector.load %arg10[%swap3A_122, %swap3A_123] : memref<1000x128xf32, #tpu.memory_space<vmem>>, vector<1000x128xf32>
    tpu.vector_store %arg10[%swap3A_122, %swap3A_123], %add3A_121 {strides = array<i32>} : memref<1000x128xf32, #tpu.memory_space<vmem>>, vector<1000x128xf32>,
    return
  }
  func.func @transform_0(%arg0: i32) -> (i32, i32, i32, i32) {
    %jit3A = arith.constant 5 : i32
    %div3A = arith.divsi %arg0, %jit3A : i32
    %sign3A = arith.constant 0 : i32
    %sign3A_0 = arith.cmpi sgt, %arg0, %sign3A : i32
    %sign3A_1 = arith.extui %sign3A_0 : i1 to i32
    %sign3A_2 = arith.constant 0 : i32
    %sign3A_3 = arith.cmpi slt, %arg0, %sign3A_2 : i32
    %sign3A_4 = arith.extui %sign3A_3 : i1 to i32
    %sign3A_5 = arith.subi %sign3A_1, %sign3A_4 : i32
    %sign3A_6 = arith.constant 0 : i32
    %sign3A_7 = arith.cmpi sgt, %jit3A, %sign3A_6 : i32
    %sign3A_8 = arith.extui %sign3A_7 : i1 to i32
    %sign3A_9 = arith.constant 0 : i32
    %sign3A_10 = arith.cmpi slt, %jit3A, %sign3A_9 : i32
    %sign3A_11 = arith.extui %sign3A_10 : i1 to i32
    %sign3A_12 = arith.subi %sign3A_8, %sign3A_11 : i32
    %ne3A = arith.cmpi ne, %sign3A_5, %sign3A_12 : i32
    %rem3A = arith.remsi %arg0, %jit3A : i32
    %ne3A_13 = arith.constant 0 : i32
    %ne3A_14 = arith.cmpi ne, %rem3A, %ne3A_13 : i32
    %and3A = arith.andi %ne3A, %ne3A_14 : i1
    %sub3A = arith.constant 1 : i32
    %sub3A_15 = arith.subi %div3A, %sub3A : i32
    %select_n3A = arith.select %and3A, %sub3A_15, %div3A : i32
    %jit3A_16 = arith.constant 5 : i32
    %eq3A = arith.constant 0 : i32
    %eq3A_17 = arith.cmpi eq, %jit3A_16, %eq3A : i32
    %jit3A_18 = arith.constant 1 : i32
    %select_n3A_19 = arith.select %eq3A_17, %jit3A_18, %jit3A_16 : i32
    %rem3A_20 = arith.remsi %arg0, %select_n3A_19 : i32
    %ne3A_21 = arith.constant 0 : i32
    %ne3A_22 = arith.cmpi ne, %rem3A_20, %ne3A_21 : i32
    %lt3A = arith.constant 0 : i32
    %lt3A_23 = arith.cmpi slt, %rem3A_20, %lt3A : i32
    %lt3A_24 = arith.constant 0 : i32
    %lt3A_25 = arith.cmpi slt, %select_n3A_19, %lt3A_24 : i32
    %ne3A_26 = arith.xori %lt3A_23, %lt3A_25 : i1
    %and3A_27 = arith.andi %ne3A_26, %ne3A_22 : i1
    %add3A = arith.addi %rem3A_20, %select_n3A_19 : i32
    %select_n3A_28 = arith.select %and3A_27, %add3A, %rem3A_20 : i32
    %c0_i32 = arith.constant 0 : i32
    %c0_i32_29 = arith.constant 0 : i32
    %c0_i32_30 = arith.constant 0 : i32
    return %select_n3A, %c0_i32, %select_n3A_28, %c0_i32_29 : i32, i32, i32, i32
  }
  func.func @transform_1(%arg0: i32) -> (i32, i32, i32, i32) {
    %jit3A = arith.constant 5 : i32
    %div3A = arith.divsi %arg0, %jit3A : i32
    %sign3A = arith.constant 0 : i32
    %sign3A_0 = arith.cmpi sgt, %arg0, %sign3A : i32
    %sign3A_1 = arith.extui %sign3A_0 : i1 to i32
    %sign3A_2 = arith.constant 0 : i32
    %sign3A_3 = arith.cmpi slt, %arg0, %sign3A_2 : i32
    %sign3A_4 = arith.extui %sign3A_3 : i1 to i32
    %sign3A_5 = arith.subi %sign3A_1, %sign3A_4 : i32
    %sign3A_6 = arith.constant 0 : i32
    %sign3A_7 = arith.cmpi sgt, %jit3A, %sign3A_6 : i32
    %sign3A_8 = arith.extui %sign3A_7 : i1 to i32
    %sign3A_9 = arith.constant 0 : i32
    %sign3A_10 = arith.cmpi slt, %jit3A, %sign3A_9 : i32
    %sign3A_11 = arith.extui %sign3A_10 : i1 to i32
    %sign3A_12 = arith.subi %sign3A_8, %sign3A_11 : i32
    %ne3A = arith.cmpi ne, %sign3A_5, %sign3A_12 : i32
    %rem3A = arith.remsi %arg0, %jit3A : i32
    %ne3A_13 = arith.constant 0 : i32
    %ne3A_14 = arith.cmpi ne, %rem3A, %ne3A_13 : i32
    %and3A = arith.andi %ne3A, %ne3A_14 : i1
    %sub3A = arith.constant 1 : i32
    %sub3A_15 = arith.subi %div3A, %sub3A : i32
    %select_n3A = arith.select %and3A, %sub3A_15, %div3A : i32
    %jit3A_16 = arith.constant 5 : i32
    %eq3A = arith.constant 0 : i32
    %eq3A_17 = arith.cmpi eq, %jit3A_16, %eq3A : i32
    %jit3A_18 = arith.constant 1 : i32
    %select_n3A_19 = arith.select %eq3A_17, %jit3A_18, %jit3A_16 : i32
    %rem3A_20 = arith.remsi %arg0, %select_n3A_19 : i32
    %ne3A_21 = arith.constant 0 : i32
    %ne3A_22 = arith.cmpi ne, %rem3A_20, %ne3A_21 : i32
    %lt3A = arith.constant 0 : i32
    %lt3A_23 = arith.cmpi slt, %rem3A_20, %lt3A : i32
    %lt3A_24 = arith.constant 0 : i32
    %lt3A_25 = arith.cmpi slt, %select_n3A_19, %lt3A_24 : i32
    %ne3A_26 = arith.xori %lt3A_23, %lt3A_25 : i1
    %and3A_27 = arith.andi %ne3A_26, %ne3A_22 : i1
    %add3A = arith.addi %rem3A_20, %select_n3A_19 : i32
    %select_n3A_28 = arith.select %and3A_27, %add3A, %rem3A_20 : i32
    %c0_i32 = arith.constant 0 : i32
    %c0_i32_29 = arith.constant 0 : i32
    %c0_i32_30 = arith.constant 0 : i32
    return %select_n3A, %c0_i32, %select_n3A_28, %c0_i32_29 : i32, i32, i32, i32
  }
  func.func @transform_2(%arg0: i32) -> (i32, i32, i32, i32) {
    %jit3A = arith.constant 5 : i32
    %div3A = arith.divsi %arg0, %jit3A : i32
    %sign3A = arith.constant 0 : i32
    %sign3A_0 = arith.cmpi sgt, %arg0, %sign3A : i32
    %sign3A_1 = arith.extui %sign3A_0 : i1 to i32
    %sign3A_2 = arith.constant 0 : i32
    %sign3A_3 = arith.cmpi slt, %arg0, %sign3A_2 : i32
    %sign3A_4 = arith.extui %sign3A_3 : i1 to i32
    %sign3A_5 = arith.subi %sign3A_1, %sign3A_4 : i32
    %sign3A_6 = arith.constant 0 : i32
    %sign3A_7 = arith.cmpi sgt, %jit3A, %sign3A_6 : i32
    %sign3A_8 = arith.extui %sign3A_7 : i1 to i32
    %sign3A_9 = arith.constant 0 : i32
    %sign3A_10 = arith.cmpi slt, %jit3A, %sign3A_9 : i32
    %sign3A_11 = arith.extui %sign3A_10 : i1 to i32
    %sign3A_12 = arith.subi %sign3A_8, %sign3A_11 : i32
    %ne3A = arith.cmpi ne, %sign3A_5, %sign3A_12 : i32
    %rem3A = arith.remsi %arg0, %jit3A : i32
    %ne3A_13 = arith.constant 0 : i32
    %ne3A_14 = arith.cmpi ne, %rem3A, %ne3A_13 : i32
    %and3A = arith.andi %ne3A, %ne3A_14 : i1
    %sub3A = arith.constant 1 : i32
    %sub3A_15 = arith.subi %div3A, %sub3A : i32
    %select_n3A = arith.select %and3A, %sub3A_15, %div3A : i32
    %jit3A_16 = arith.constant 5 : i32
    %eq3A = arith.constant 0 : i32
    %eq3A_17 = arith.cmpi eq, %jit3A_16, %eq3A : i32
    %jit3A_18 = arith.constant 1 : i32
    %select_n3A_19 = arith.select %eq3A_17, %jit3A_18, %jit3A_16 : i32
    %rem3A_20 = arith.remsi %arg0, %select_n3A_19 : i32
    %ne3A_21 = arith.constant 0 : i32
    %ne3A_22 = arith.cmpi ne, %rem3A_20, %ne3A_21 : i32
    %lt3A = arith.constant 0 : i32
    %lt3A_23 = arith.cmpi slt, %rem3A_20, %lt3A : i32
    %lt3A_24 = arith.constant 0 : i32
    %lt3A_25 = arith.cmpi slt, %select_n3A_19, %lt3A_24 : i32
    %ne3A_26 = arith.xori %lt3A_23, %lt3A_25 : i1
    %and3A_27 = arith.andi %ne3A_26, %ne3A_22 : i1
    %add3A = arith.addi %rem3A_20, %select_n3A_19 : i32
    %select_n3A_28 = arith.select %and3A_27, %add3A, %rem3A_20 : i32
    %c0_i32 = arith.constant 0 : i32
    %c0_i32_29 = arith.constant 0 : i32
    %c0_i32_30 = arith.constant 0 : i32
    return %select_n3A, %c0_i32, %select_n3A_28, %c0_i32_29 : i32, i32, i32, i32
  }
  func.func @transform_3(%arg0: i32) -> (i32, i32) {
    %c0_i32 = arith.constant 0 : i32
    %c0_i32_0 = arith.constant 0 : i32
    return %arg0, %c0_i32 : i32, i32
  }
  func.func @transform_4(%arg0: i32) -> (i32, i32) {
    %c0_i32 = arith.constant 0 : i32
    %c0_i32_0 = arith.constant 0 : i32
    %c0_i32_1 = arith.constant 0 : i32
    return %c0_i32, %c0_i32_0 : i32, i32
  }
  func.func @transform_5(%arg0: i32) -> (i32, i32) {
    %c0_i32 = arith.constant 0 : i32
    %c0_i32_0 = arith.constant 0 : i32
    %c0_i32_1 = arith.constant 0 : i32
    return %c0_i32, %c0_i32_0 : i32, i32
  }
  func.func @transform_6(%arg0: i32) -> (i32, i32) {
    %c0_i32 = arith.constant 0 : i32
    %c0_i32_0 = arith.constant 0 : i32
    %c0_i32_1 = arith.constant 0 : i32
    return %c0_i32, %c0_i32_0 : i32, i32
  }
  func.func @transform_7(%arg0: i32) -> (i32, i32, i32) {
    %c0_i32 = arith.constant 0 : i32
    %c0_i32_0 = arith.constant 0 : i32
    %c0_i32_1 = arith.constant 0 : i32
    return %c0_i32, %arg0, %c0_i32_0 : i32, i32, i32
  }
  func.func @transform_8(%arg0: i32) -> (i32, i32, i32) {
    %c0_i32 = arith.constant 0 : i32
    %c0_i32_0 = arith.constant 0 : i32
    %c0_i32_1 = arith.constant 0 : i32
    return %c0_i32, %arg0, %c0_i32_0 : i32, i32, i32
  }
  func.func @transform_9(%arg0: i32) -> (i32, i32) {
    %c0_i32 = arith.constant 0 : i32
    %c0_i32_0 = arith.constant 0 : i32
    return %arg0, %c0_i32 : i32, i32
  }
}

module attributes {stable_mosaic.version = 14 : i64} {
  func.func @_tc_c_body(%arg0: i32, %arg1: memref<1x3x1000x64xf32, #tpu.memory_space<vmem>>, %arg2: memref<1x3x1000x64xf32, #tpu.memory_space<vmem>>, %arg3: memref<1x3x1000x16xf32, #tpu.memory_space<vmem>>, %arg4: memref<1000x128xf32, #tpu.memory_space<vmem>>, %arg5: memref<128x2xf32, #tpu.memory_space<vmem>>, %arg6: memref<1x2xf32, #tpu.memory_space<vmem>>, %arg7: memref<1000x2xf32, #tpu.memory_space<vmem>>) attributes {dimension_semantics = [#tpu.dimension_semantics<arbitrary>], iteration_bounds = array<i64: 10>, scalar_prefetch = 0 : i64, scratch_operands = 0 : i64, tpu.core_type = #tpu.core_type<tc>, window_params = [{transform_indices = @transform_0, window_bounds = array<i64: 1, 3, 1000, 64>}, {transform_indices = @transform_1, window_bounds = array<i64: 1, 3, 1000, 64>}, {transform_indices = @transform_2, window_bounds = array<i64: 1, 3, 1000, 16>}, {transform_indices = @transform_3, window_bounds = array<i64: 1000, 128>}, {pipeline_mode = #tpu.pipeline_mode<synchronous>, transform_indices = @transform_4, window_bounds = array<i64: 128, 2>}, {pipeline_mode = #tpu.pipeline_mode<synchronous>, transform_indices = @transform_5, window_bounds = array<i64: 1, 2>}, {transform_indices = @transform_6, window_bounds = array<i64: 1000, 2>}]} {
    %get3A = arith.constant 0 : index
    %get3A_0 = arith.constant 0 : index
    %get3A_1 = vector.load %arg4[%get3A, %get3A_0] : memref<1000x128xf32, #tpu.memory_space<vmem>>, vector<1000x64xf32>
    %get3A_2 = arith.constant 0 : index
    %get3A_3 = arith.constant 0 : index
    %get3A_4 = arith.constant 0 : index
    %get3A_5 = arith.constant 0 : index
    %get3A_6 = vector.load %arg1[%get3A_2, %get3A_3, %get3A_4, %get3A_5] : memref<1x3x1000x64xf32, #tpu.memory_space<vmem>>, vector<1x3x1000x64xf32>
    %get3A_7 = vector.shape_cast %get3A_6 : vector<1x3x1000x64xf32> to vector<3x1000x64xf32>
    %get3A_8 = arith.constant 0 : index
    %get3A_9 = arith.constant 0 : index
    %get3A_10 = arith.constant 0 : index
    %get3A_11 = arith.constant 0 : index
    %get3A_12 = vector.load %arg3[%get3A_8, %get3A_9, %get3A_10, %get3A_11] : memref<1x3x1000x16xf32, #tpu.memory_space<vmem>>, vector<1x3x1000x16xf32>
    %get3A_13 = vector.shape_cast %get3A_12 : vector<1x3x1000x16xf32> to vector<3x1000x16xf32>
    %slice3A = vector.extract_strided_slice %get3A_13 {offsets = [0, 0, 0], sizes = [3, 1000, 1], strides = [1, 1, 1]} : vector<3x1000x16xf32> to vector<3x1000x1xf32>
    %max3A = arith.constant 1.000000e+00 : f32
    %max3A_14 = vector.broadcast %max3A : f32 to vector<3x1000x1xf32>
    %max3A_15 = arith.maximumf %slice3A, %max3A_14 : vector<3x1000x1xf32>
    %div3A = arith.constant 1.000000e+00 : f32
    %div3A_16 = vector.broadcast %div3A : f32 to vector<3x1000x1xf32>
    %div3A_17 = arith.divf %div3A_16, %max3A_15 : vector<3x1000x1xf32>
    %mul3A = vector.broadcast %div3A_17 : vector<3x1000x1xf32> to vector<3x1000x64xf32>
    %mul3A_18 = arith.mulf %get3A_7, %mul3A : vector<3x1000x64xf32>
    %slice3A_19 = vector.extract_strided_slice %mul3A_18 {offsets = [0, 0, 0], sizes = [1, 1000, 64], strides = [1, 1, 1]} : vector<3x1000x64xf32> to vector<1x1000x64xf32>
    %squeeze3A = vector.shape_cast %slice3A_19 : vector<1x1000x64xf32> to vector<1000x64xf32>
    %add3A = arith.addf %get3A_1, %squeeze3A : vector<1000x64xf32>
    %slice3A_20 = vector.extract_strided_slice %mul3A_18 {offsets = [1, 0, 0], sizes = [1, 1000, 64], strides = [1, 1, 1]} : vector<3x1000x64xf32> to vector<1x1000x64xf32>
    %squeeze3A_21 = vector.shape_cast %slice3A_20 : vector<1x1000x64xf32> to vector<1000x64xf32>
    %add3A_22 = arith.addf %add3A, %squeeze3A_21 : vector<1000x64xf32>
    %slice3A_23 = vector.extract_strided_slice %mul3A_18 {offsets = [2, 0, 0], sizes = [1, 1000, 64], strides = [1, 1, 1]} : vector<3x1000x64xf32> to vector<1x1000x64xf32>
    %squeeze3A_24 = vector.shape_cast %slice3A_23 : vector<1x1000x64xf32> to vector<1000x64xf32>
    %add3A_25 = arith.addf %add3A_22, %squeeze3A_24 : vector<1000x64xf32>
    %max3A_26 = arith.constant 0.000000e+00 : f32
    %max3A_27 = vector.broadcast %max3A_26 : f32 to vector<1000x64xf32>
    %max3A_28 = arith.maximumf %add3A_25, %max3A_27 : vector<1000x64xf32>
    %get3A_29 = arith.constant 0 : index
    %get3A_30 = arith.constant 64 : index
    %get3A_31 = vector.load %arg4[%get3A_29, %get3A_30] : memref<1000x128xf32, #tpu.memory_space<vmem>>, vector<1000x64xf32>
    %get3A_32 = arith.constant 0 : index
    %get3A_33 = arith.constant 0 : index
    %get3A_34 = arith.constant 0 : index
    %get3A_35 = arith.constant 0 : index
    %get3A_36 = vector.load %arg2[%get3A_32, %get3A_33, %get3A_34, %get3A_35] : memref<1x3x1000x64xf32, #tpu.memory_space<vmem>>, vector<1x3x1000x64xf32>
    %get3A_37 = vector.shape_cast %get3A_36 : vector<1x3x1000x64xf32> to vector<3x1000x64xf32>
    %get3A_38 = arith.constant 0 : index
    %get3A_39 = arith.constant 0 : index
    %get3A_40 = arith.constant 0 : index
    %get3A_41 = arith.constant 0 : index
    %get3A_42 = vector.load %arg3[%get3A_38, %get3A_39, %get3A_40, %get3A_41] : memref<1x3x1000x16xf32, #tpu.memory_space<vmem>>, vector<1x3x1000x16xf32>
    %get3A_43 = vector.shape_cast %get3A_42 : vector<1x3x1000x16xf32> to vector<3x1000x16xf32>
    %slice3A_44 = vector.extract_strided_slice %get3A_43 {offsets = [0, 0, 0], sizes = [3, 1000, 1], strides = [1, 1, 1]} : vector<3x1000x16xf32> to vector<3x1000x1xf32>
    %max3A_45 = arith.constant 1.000000e+00 : f32
    %max3A_46 = vector.broadcast %max3A_45 : f32 to vector<3x1000x1xf32>
    %max3A_47 = arith.maximumf %slice3A_44, %max3A_46 : vector<3x1000x1xf32>
    %div3A_48 = arith.constant 1.000000e+00 : f32
    %div3A_49 = vector.broadcast %div3A_48 : f32 to vector<3x1000x1xf32>
    %div3A_50 = arith.divf %div3A_49, %max3A_47 : vector<3x1000x1xf32>
    %mul3A_51 = vector.broadcast %div3A_50 : vector<3x1000x1xf32> to vector<3x1000x64xf32>
    %mul3A_52 = arith.mulf %get3A_37, %mul3A_51 : vector<3x1000x64xf32>
    %slice3A_53 = vector.extract_strided_slice %mul3A_52 {offsets = [0, 0, 0], sizes = [1, 1000, 64], strides = [1, 1, 1]} : vector<3x1000x64xf32> to vector<1x1000x64xf32>
    %squeeze3A_54 = vector.shape_cast %slice3A_53 : vector<1x1000x64xf32> to vector<1000x64xf32>
    %add3A_55 = arith.addf %get3A_31, %squeeze3A_54 : vector<1000x64xf32>
    %slice3A_56 = vector.extract_strided_slice %mul3A_52 {offsets = [1, 0, 0], sizes = [1, 1000, 64], strides = [1, 1, 1]} : vector<3x1000x64xf32> to vector<1x1000x64xf32>
    %squeeze3A_57 = vector.shape_cast %slice3A_56 : vector<1x1000x64xf32> to vector<1000x64xf32>
    %add3A_58 = arith.addf %add3A_55, %squeeze3A_57 : vector<1000x64xf32>
    %slice3A_59 = vector.extract_strided_slice %mul3A_52 {offsets = [2, 0, 0], sizes = [1, 1000, 64], strides = [1, 1, 1]} : vector<3x1000x64xf32> to vector<1x1000x64xf32>
    %squeeze3A_60 = vector.shape_cast %slice3A_59 : vector<1x1000x64xf32> to vector<1000x64xf32>
    %add3A_61 = arith.addf %add3A_58, %squeeze3A_60 : vector<1000x64xf32>
    %max3A_62 = arith.constant 0.000000e+00 : f32
    %max3A_63 = vector.broadcast %max3A_62 : f32 to vector<1000x64xf32>
    %max3A_64 = arith.maximumf %add3A_61, %max3A_63 : vector<1000x64xf32>
    %concatenate3A = tpu.concatenate %max3A_28, %max3A_64 in 1 : vector<1000x64xf32>, vector<1000x64xf32> -> vector<1000x128xf32>
    %get3A_65 = arith.constant 0 : index
    %get3A_66 = arith.constant 0 : index
    %get3A_67 = vector.load %arg5[%get3A_65, %get3A_66] : memref<128x2xf32, #tpu.memory_space<vmem>>, vector<128x2xf32>
    %dot_general3A = arith.constant dense<0.000000e+00> : vector<1000x2xf32>
    %dot_general3A_68 = tpu.matmul %concatenate3A, %get3A_67, %dot_general3A {dimension_numbers = #tpu.dot_dimension_numbers<[1], [0], [0], [1], [0, 0, 1, 1], [], []>, transpose_lhs_hint = false} : vector<1000x128xf32>, vector<128x2xf32>, vector<1000x2xf32> -> vector<1000x2xf32>
    %get3A_69 = arith.constant 0 : index
    %get3A_70 = arith.constant 0 : index
    %get3A_71 = vector.load %arg6[%get3A_69, %get3A_70] : memref<1x2xf32, #tpu.memory_space<vmem>>, vector<1x2xf32>
    %add3A_72 = vector.broadcast %get3A_71 : vector<1x2xf32> to vector<1000x2xf32>
    %add3A_73 = arith.addf %dot_general3A_68, %add3A_72 : vector<1000x2xf32>
    %swap3A = arith.constant 0 : index
    %swap3A_74 = arith.constant 0 : index
    %swap3A_75 = vector.load %arg7[%swap3A, %swap3A_74] : memref<1000x2xf32, #tpu.memory_space<vmem>>, vector<1000x2xf32>
    tpu.vector_store %arg7[%swap3A, %swap3A_74], %add3A_73 {strides = array<i32>} : memref<1000x2xf32, #tpu.memory_space<vmem>>, vector<1000x2xf32>,
    return
  }
  func.func @transform_0(%arg0: i32) -> (i32, i32, i32, i32) {
    %jit3A = arith.constant 5 : i32
    %div3A = arith.divsi %arg0, %jit3A : i32
    %sign3A = arith.constant 0 : i32
    %sign3A_0 = arith.cmpi sgt, %arg0, %sign3A : i32
    %sign3A_1 = arith.extui %sign3A_0 : i1 to i32
    %sign3A_2 = arith.constant 0 : i32
    %sign3A_3 = arith.cmpi slt, %arg0, %sign3A_2 : i32
    %sign3A_4 = arith.extui %sign3A_3 : i1 to i32
    %sign3A_5 = arith.subi %sign3A_1, %sign3A_4 : i32
    %sign3A_6 = arith.constant 0 : i32
    %sign3A_7 = arith.cmpi sgt, %jit3A, %sign3A_6 : i32
    %sign3A_8 = arith.extui %sign3A_7 : i1 to i32
    %sign3A_9 = arith.constant 0 : i32
    %sign3A_10 = arith.cmpi slt, %jit3A, %sign3A_9 : i32
    %sign3A_11 = arith.extui %sign3A_10 : i1 to i32
    %sign3A_12 = arith.subi %sign3A_8, %sign3A_11 : i32
    %ne3A = arith.cmpi ne, %sign3A_5, %sign3A_12 : i32
    %rem3A = arith.remsi %arg0, %jit3A : i32
    %ne3A_13 = arith.constant 0 : i32
    %ne3A_14 = arith.cmpi ne, %rem3A, %ne3A_13 : i32
    %and3A = arith.andi %ne3A, %ne3A_14 : i1
    %sub3A = arith.constant 1 : i32
    %sub3A_15 = arith.subi %div3A, %sub3A : i32
    %select_n3A = arith.select %and3A, %sub3A_15, %div3A : i32
    %jit3A_16 = arith.constant 5 : i32
    %eq3A = arith.constant 0 : i32
    %eq3A_17 = arith.cmpi eq, %jit3A_16, %eq3A : i32
    %jit3A_18 = arith.constant 1 : i32
    %select_n3A_19 = arith.select %eq3A_17, %jit3A_18, %jit3A_16 : i32
    %rem3A_20 = arith.remsi %arg0, %select_n3A_19 : i32
    %ne3A_21 = arith.constant 0 : i32
    %ne3A_22 = arith.cmpi ne, %rem3A_20, %ne3A_21 : i32
    %lt3A = arith.constant 0 : i32
    %lt3A_23 = arith.cmpi slt, %rem3A_20, %lt3A : i32
    %lt3A_24 = arith.constant 0 : i32
    %lt3A_25 = arith.cmpi slt, %select_n3A_19, %lt3A_24 : i32
    %ne3A_26 = arith.xori %lt3A_23, %lt3A_25 : i1
    %and3A_27 = arith.andi %ne3A_26, %ne3A_22 : i1
    %add3A = arith.addi %rem3A_20, %select_n3A_19 : i32
    %select_n3A_28 = arith.select %and3A_27, %add3A, %rem3A_20 : i32
    %c0_i32 = arith.constant 0 : i32
    %c0_i32_29 = arith.constant 0 : i32
    %c0_i32_30 = arith.constant 0 : i32
    return %select_n3A, %c0_i32, %select_n3A_28, %c0_i32_29 : i32, i32, i32, i32
  }
  func.func @transform_1(%arg0: i32) -> (i32, i32, i32, i32) {
    %jit3A = arith.constant 5 : i32
    %div3A = arith.divsi %arg0, %jit3A : i32
    %sign3A = arith.constant 0 : i32
    %sign3A_0 = arith.cmpi sgt, %arg0, %sign3A : i32
    %sign3A_1 = arith.extui %sign3A_0 : i1 to i32
    %sign3A_2 = arith.constant 0 : i32
    %sign3A_3 = arith.cmpi slt, %arg0, %sign3A_2 : i32
    %sign3A_4 = arith.extui %sign3A_3 : i1 to i32
    %sign3A_5 = arith.subi %sign3A_1, %sign3A_4 : i32
    %sign3A_6 = arith.constant 0 : i32
    %sign3A_7 = arith.cmpi sgt, %jit3A, %sign3A_6 : i32
    %sign3A_8 = arith.extui %sign3A_7 : i1 to i32
    %sign3A_9 = arith.constant 0 : i32
    %sign3A_10 = arith.cmpi slt, %jit3A, %sign3A_9 : i32
    %sign3A_11 = arith.extui %sign3A_10 : i1 to i32
    %sign3A_12 = arith.subi %sign3A_8, %sign3A_11 : i32
    %ne3A = arith.cmpi ne, %sign3A_5, %sign3A_12 : i32
    %rem3A = arith.remsi %arg0, %jit3A : i32
    %ne3A_13 = arith.constant 0 : i32
    %ne3A_14 = arith.cmpi ne, %rem3A, %ne3A_13 : i32
    %and3A = arith.andi %ne3A, %ne3A_14 : i1
    %sub3A = arith.constant 1 : i32
    %sub3A_15 = arith.subi %div3A, %sub3A : i32
    %select_n3A = arith.select %and3A, %sub3A_15, %div3A : i32
    %jit3A_16 = arith.constant 5 : i32
    %eq3A = arith.constant 0 : i32
    %eq3A_17 = arith.cmpi eq, %jit3A_16, %eq3A : i32
    %jit3A_18 = arith.constant 1 : i32
    %select_n3A_19 = arith.select %eq3A_17, %jit3A_18, %jit3A_16 : i32
    %rem3A_20 = arith.remsi %arg0, %select_n3A_19 : i32
    %ne3A_21 = arith.constant 0 : i32
    %ne3A_22 = arith.cmpi ne, %rem3A_20, %ne3A_21 : i32
    %lt3A = arith.constant 0 : i32
    %lt3A_23 = arith.cmpi slt, %rem3A_20, %lt3A : i32
    %lt3A_24 = arith.constant 0 : i32
    %lt3A_25 = arith.cmpi slt, %select_n3A_19, %lt3A_24 : i32
    %ne3A_26 = arith.xori %lt3A_23, %lt3A_25 : i1
    %and3A_27 = arith.andi %ne3A_26, %ne3A_22 : i1
    %add3A = arith.addi %rem3A_20, %select_n3A_19 : i32
    %select_n3A_28 = arith.select %and3A_27, %add3A, %rem3A_20 : i32
    %c0_i32 = arith.constant 0 : i32
    %c0_i32_29 = arith.constant 0 : i32
    %c0_i32_30 = arith.constant 0 : i32
    return %select_n3A, %c0_i32, %select_n3A_28, %c0_i32_29 : i32, i32, i32, i32
  }
  func.func @transform_2(%arg0: i32) -> (i32, i32, i32, i32) {
    %jit3A = arith.constant 5 : i32
    %div3A = arith.divsi %arg0, %jit3A : i32
    %sign3A = arith.constant 0 : i32
    %sign3A_0 = arith.cmpi sgt, %arg0, %sign3A : i32
    %sign3A_1 = arith.extui %sign3A_0 : i1 to i32
    %sign3A_2 = arith.constant 0 : i32
    %sign3A_3 = arith.cmpi slt, %arg0, %sign3A_2 : i32
    %sign3A_4 = arith.extui %sign3A_3 : i1 to i32
    %sign3A_5 = arith.subi %sign3A_1, %sign3A_4 : i32
    %sign3A_6 = arith.constant 0 : i32
    %sign3A_7 = arith.cmpi sgt, %jit3A, %sign3A_6 : i32
    %sign3A_8 = arith.extui %sign3A_7 : i1 to i32
    %sign3A_9 = arith.constant 0 : i32
    %sign3A_10 = arith.cmpi slt, %jit3A, %sign3A_9 : i32
    %sign3A_11 = arith.extui %sign3A_10 : i1 to i32
    %sign3A_12 = arith.subi %sign3A_8, %sign3A_11 : i32
    %ne3A = arith.cmpi ne, %sign3A_5, %sign3A_12 : i32
    %rem3A = arith.remsi %arg0, %jit3A : i32
    %ne3A_13 = arith.constant 0 : i32
    %ne3A_14 = arith.cmpi ne, %rem3A, %ne3A_13 : i32
    %and3A = arith.andi %ne3A, %ne3A_14 : i1
    %sub3A = arith.constant 1 : i32
    %sub3A_15 = arith.subi %div3A, %sub3A : i32
    %select_n3A = arith.select %and3A, %sub3A_15, %div3A : i32
    %jit3A_16 = arith.constant 5 : i32
    %eq3A = arith.constant 0 : i32
    %eq3A_17 = arith.cmpi eq, %jit3A_16, %eq3A : i32
    %jit3A_18 = arith.constant 1 : i32
    %select_n3A_19 = arith.select %eq3A_17, %jit3A_18, %jit3A_16 : i32
    %rem3A_20 = arith.remsi %arg0, %select_n3A_19 : i32
    %ne3A_21 = arith.constant 0 : i32
    %ne3A_22 = arith.cmpi ne, %rem3A_20, %ne3A_21 : i32
    %lt3A = arith.constant 0 : i32
    %lt3A_23 = arith.cmpi slt, %rem3A_20, %lt3A : i32
    %lt3A_24 = arith.constant 0 : i32
    %lt3A_25 = arith.cmpi slt, %select_n3A_19, %lt3A_24 : i32
    %ne3A_26 = arith.xori %lt3A_23, %lt3A_25 : i1
    %and3A_27 = arith.andi %ne3A_26, %ne3A_22 : i1
    %add3A = arith.addi %rem3A_20, %select_n3A_19 : i32
    %select_n3A_28 = arith.select %and3A_27, %add3A, %rem3A_20 : i32
    %c0_i32 = arith.constant 0 : i32
    %c0_i32_29 = arith.constant 0 : i32
    %c0_i32_30 = arith.constant 0 : i32
    return %select_n3A, %c0_i32, %select_n3A_28, %c0_i32_29 : i32, i32, i32, i32
  }
  func.func @transform_3(%arg0: i32) -> (i32, i32) {
    %c0_i32 = arith.constant 0 : i32
    %c0_i32_0 = arith.constant 0 : i32
    return %arg0, %c0_i32 : i32, i32
  }
  func.func @transform_4(%arg0: i32) -> (i32, i32) {
    %c0_i32 = arith.constant 0 : i32
    %c0_i32_0 = arith.constant 0 : i32
    %c0_i32_1 = arith.constant 0 : i32
    return %c0_i32, %c0_i32_0 : i32, i32
  }
  func.func @transform_5(%arg0: i32) -> (i32, i32) {
    %c0_i32 = arith.constant 0 : i32
    %c0_i32_0 = arith.constant 0 : i32
    %c0_i32_1 = arith.constant 0 : i32
    return %c0_i32, %c0_i32_0 : i32, i32
  }
  func.func @transform_6(%arg0: i32) -> (i32, i32) {
    %c0_i32 = arith.constant 0 : i32
    %c0_i32_0 = arith.constant 0 : i32
    return %arg0, %c0_i32 : i32, i32
  }
}

</mosaic_0001>

<sc_bundles>
// kernel: _run.11.cloned.1.call-start
scs
__scs_entry_jumppad:
0x0: {  	(pc) =	sbr.rel $0x88, $3  }
0x1: {  	(tag) =	ssettag $0x0;
	lr =	simm.s32 $0x1  }
0x2: {  	[smem:$0x3F8F] =	sst lr;
	_ =	strace $0xD0000000  }
0x3: {  	_ = 	snop  }
0x4: {  	_ = 	snop  }
0x5: {  	_ = 	snop  }
0x6: {  	_ = 	snop  }
0x7: {  	_ = 	snop  }
__scs_overlays_trampoline_lowered:
0x8: {  	[smem:$0x3F9E] =	sst s0  }
0x9: {  	[smem:$0x3F9F] =	sst s1  }
0xa: {  	[smem:$0x3FA0] =	sst s2  }
0xb: {  	[smem:$0x3FA1] =	sst s3  }
0xc: {  	[smem:$0x3FA2] =	sst s4  }
0xd: {  	[smem:$0x3FA3] =	sst s5  }
0xe: {  	[smem:$0x3FA4] =	sst s6  }
0xf: {  	[smem:$0x3FA5] =	sst s7  }
0x10: {  	[smem:$0x3FA6] =	sst s8  }
0x11: {  	[smem:$0x3FA7] =	sst s9;
	s0 =	simm.s32 @!p0 $0x0  }
0x12: {  	s1 =	sld [smem:$0x3F8D];
	s0 =	simm.s32 @p0 $0x1  }
0x13: {  	[smem:$0x3FA8] =	sst s0;
	s0 =	simm.s32 @!p1 $0x0  }
0x14: {  	s2 =	sld [smem:$0x3F8C];
	s0 =	simm.s32 @p1 $0x1  }
0x15: {  	[smem:$0x3FA9] =	sst s0;
	s0 =	simm.s32 @!p2 $0x0  }
0x16: {  	s3 =	sld [smem:$0x3FDB];
	s0 =	simm.s32 @p2 $0x1  }
0x17: {  	s4 =	simm.s32 $0x1BF5;
	[smem:$0x3FAB] =	sst s0  }
0x18: {  	s0 =	sld [smem:$0x3F8E];
	_ =	swait.ge [sflag:s4], $0x0  }
0x19: {  	s7 =	sld [smem:$0x3F8F]  }
0x1a: {  	s8 =	sadd.s32 $0xFFFFE003, lr  }
0x1b: {  	s9 =	sadd.s32 $0xFFFFFEF7, lr;
	s5 =	simm.s32 $0xFFFFFFFF;
	p2 =	slt.u32 s8, $0xFFFFF086  }
0x1c: {  	p1 =	slt.u32 s9, $0xF7A;
	s5 =	simm.s32 @!p2 $0x0  }
0x1d: {  	s5 =	simm.s32 @p1 $0x1;
	p0 =	seq.s32 s7, s2  }
0x1e: {  	s7 =	smul.u32 @!p0 $0xF7A, s2;
	p2 =	seq.s32 @!p0 s5, $0x0  }
0x1f: {  	s9 =	smul.u32 $0xF7A, s1;
	s8 =	simm.s32 @!p0 $0x1BF5;
	p2 =	por !p2, p0  }
0x20: {  	[sflag:s8] =	ssyncset.s32 @!p0 $0xFFFFF086;
	s6 =	sadd.s32 @!p0 s3, s7;
	s7 =	simm.s32 @!p0 $0x108  }
0x21: {  	s3 =	sadd.s32 s3, s9;
	s6 =	sadd.s32 @!p0 $0x88, s6;
	s7 =	simm.s32 @p2 $0x1082  }
0x22: {  	[simem:s7], [sflag:s8] =	dma.local @!p0 [hbm:s6], $0xF7A  }
0x23: {  	s9 =	sor.u32 $0xD0000000, s2;
	s6 =	simm.s32 $0x108;
	_ =	swait.ge @!p0 [sflag:s8], $0x0  }
0x24: {  	s3 =	sadd.s32 $0x88, s3;
	s6 =	simm.s32 @!p1 $0x1082;
	[sflag:s4] =	ssyncset.s32 $0xFFFFF086  }
0x25: {  	[simem:s6], [sflag:s4] =	dma.local [hbm:s3], $0xF7A  }
0x26: {  	[smem:$0x3F8F] =	sst s1;
	(tag) =	ssettag s2;
	_ =	strace s9  }
0x27: {  	s1 =	sld [smem:$0x3F9F]  }
0x28: {  	s2 =	sld [smem:$0x3FA0]  }
0x29: {  	s4 =	sld [smem:$0x3FA2]  }
0x2a: {  	p0 =	seq.s32 s5, $0x0;
	s5 =	sld [smem:$0x3FA3]  }
0x2b: {  	s6 =	sld [smem:$0x3FA4]  }
0x2c: {  	s7 =	sld [smem:$0x3FA5]  }
0x2d: {  	s3 =	simm.s32 $0x108;
	s8 =	sld [smem:$0x3FA6]  }
0x2e: {  	s3 =	simm.s32 @!p0 $0x1082;
	s9 =	sld [smem:$0x3FA7]  }
0x2f: {  	lr =	sadd.s32 s0, s3;
	s0 =	sld [smem:$0x3F9E]  }
0x30: {  	s3 =	sld [smem:$0x3FA1]  }
0x31: {  	[smem:$0x3FAA] =	sst s10  }
0x32: {  	s10 =	sld [smem:$0x3FA8];
	_ =	sdelay $0x3  }
0x33: {  	p0 =	seq.s32 s10, $0x1;
	s10 =	sld [smem:$0x3FAA];
	_ =	sdelay $0x3  }
0x34: {  	[smem:$0x3FAA] =	sst s10  }
0x35: {  	s10 =	sld [smem:$0x3FA9];
	_ =	sdelay $0x3  }
0x36: {  	p1 =	seq.s32 s10, $0x1;
	s10 =	sld [smem:$0x3FAA];
	_ =	sdelay $0x3  }
0x37: {  	[smem:$0x3FAA] =	sst s10  }
0x38: {  	s10 =	sld [smem:$0x3FAB]  }
0x39: {  	_ = 	snop;
	(pc) =	sbr.ind lr, $3  }
0x3a: {  	_ = 	snop  }
0x3b: {  	_ = 	snop  }
0x3c: {  	p2 =	seq.s32 s10, $0x1;
	s10 =	sld [smem:$0x3FAA]  }
0x3d: {  	_ =	shalt  }
0x3e: {  	_ =	shalt  }
0x3f: {  	_ =	shalt  }
0x40: {  	_ =	shalt  }
0x41: {  	_ =	shalt  }
0x42: {  	_ =	shalt  }
0x43: {  	_ =	shalt  }
0x44: {  	_ =	shalt  }
0x45: {  	_ =	shalt  }
0x46: {  	_ =	shalt  }
0x47: {  	_ =	shalt  }
0x48: {  	_ =	shalt  }
0x49: {  	_ =	shalt  }
0x4a: {  	_ =	shalt  }
0x4b: {  	_ =	shalt  }
0x4c: {  	_ =	shalt  }
0x4d: {  	_ =	shalt  }
0x4e: {  	_ =	shalt  }
0x4f: {  	_ =	shalt  }
0x50: {  	_ =	shalt  }
0x51: {  	_ =	shalt  }
0x52: {  	_ =	shalt  }
0x53: {  	_ =	shalt  }
0x54: {  	_ =	shalt  }
0x55: {  	_ =	shalt  }
0x56: {  	_ =	shalt  }
0x57: {  	_ =	shalt  }
0x58: {  	_ =	shalt  }
0x59: {  	_ =	shalt  }
0x5a: {  	_ =	shalt  }
0x5b: {  	_ =	shalt  }
0x5c: {  	_ =	shalt  }
0x5d: {  	_ =	shalt  }
0x5e: {  	_ =	shalt  }
0x5f: {  	_ =	shalt  }
0x60: {  	_ =	shalt  }
0x61: {  	_ =	shalt  }
0x62: {  	_ =	shalt  }
0x63: {  	_ =	shalt  }
0x64: {  	_ =	shalt  }
0x65: {  	_ =	shalt  }
0x66: {  	_ =	shalt  }
0x67: {  	_ =	shalt  }
0x68: {  	_ =	shalt  }
0x69: {  	_ =	shalt  }
0x6a: {  	_ =	shalt  }
0x6b: {  	_ =	shalt  }
0x6c: {  	_ =	shalt  }
0x6d: {  	_ =	shalt  }
0x6e: {  	_ =	shalt  }
0x6f: {  	_ =	shalt  }
0x70: {  	_ =	shalt  }
0x71: {  	_ =	shalt  }
0x72: {  	_ =	shalt  }
0x73: {  	_ =	shalt  }
0x74: {  	_ =	shalt  }
0x75: {  	_ =	shalt  }
0x76: {  	_ =	shalt  }
0x77: {  	_ =	shalt  }
0x78: {  	_ =	shalt  }
0x79: {  	_ =	shalt  }
0x7a: {  	_ =	shalt  }
0x7b: {  	_ =	shalt  }
0x7c: {  	_ =	shalt  }
0x7d: {  	_ =	shalt  }
0x7e: {  	_ =	shalt  }
0x7f: {  	_ =	shalt  }
0x80: {  	_ =	shalt  }
0x81: {  	_ =	shalt  }
0x82: {  	_ =	shalt  }
0x83: {  	_ =	shalt  }
0x84: {  	_ =	shalt  }
0x85: {  	_ =	shalt  }
0x86: {  	_ =	shalt  }
0x87: {  	_ =	shalt  }
.Lfunc_end0:
.L_simem_size_0:
called_computation.1_lowered:
.L_overlay_start_0:
0x88: {  	s2 =	sld [smem:$0x3FD9]  }
0x89: {  	s3 =	sld [smem:$0x3FFE];
	_ =	sdelay $0x1  }
0x8a: {  	s1 =	srdreg.scid  }
0x8b: {  	s0 =	sand.u32 $0x1, s1  }
0x8c: {  	s17 =	sshll.u32 s0, $0xA;
	s2 =	sadd.s32 s3, s2  }
0x8d: {  	s2 =	sadd.s32 s2, s17  }
0x8e: {  	[smem:$0x3FB6] =	sst s2  }
0x8f: {  	_ = 	snop  }
0x90: {  	s2 =	sld [smem:$0x3FD0];
	(tm) =	ssettm $0x1  }
0x91: {  	s18 =	sld [smem:$0x3FFB];
	_ =	sdelay $0x3  }
0x92: {  	_ =	strace s18  }
0x93: {  	s3 =	sld [smem:$0x3FFC];
	_ =	sdelay $0x3  }
0x94: {  	_ =	strace s3  }
0x95: {  	s3 =	sld [smem:$0x3FFD];
	_ =	sdelay $0x3  }
0x96: {  	_ =	strace s3  }
0x97: {  	_ =	strace $0x8FFFFFFF  }
0x98: {  	s19 =	sld [smem:$0x3FDB];
	_ =	sdelay $0x1  }
0x99: {  	s4 =	simm.s32 $_scs_section_size  }
0x9a: {  	s5 =	simm.s32 $_size__tile_overlayer_lowered;
	s6 =	simm.s32 $_tile_overlayer_lowered  }
0x9b: {  	s22 =	simm.s32 $0x1BFF;
	s21 =	sshll.u32 s6, $0x1;
	s3 =	sadd.s32 s4, s19  }
0x9c: {  	s7 =	simm.s32 $0x0;
	s20 =	sshll.u32 s5, $0x1;
	s5 =	sadd.s32 s21, s3  }
0x9d: {  	[timem:s7], [sflag:s22] =	dma.local [hbm:s5], s20  }
0x9e: {  	_ =	swait.ge [sflag:s22], s20  }
0x9f: {  	s4 =	ssub.s32 $0x0, s20;
	[sflag:s22] =	ssyncset.done $0x0  }
0xa0: {  	[sflag:s22] =	ssyncadd.s32 s4;
	_ =	sdelay $0x1  }
0xa1: {  	s23 =	simm.s32 $0x1B8B  }
0xa2: {  	_ =	swait.ge [sflag:s23], $0x1  }
0xa3: {  	[sflag:s23] =	ssyncset.done $0x0  }
0xa4: {  	s25 =	simm.s32 $0x1B8E;
	s24 =	sld [smem:$0x3FFE];
	[sflag:s23] =	ssyncadd.s32 $0xFFFFFFFF  }
0xa5: {  	s26 =	simm.s32 $execute0_lowered;
	[smem:$0x3FD2] =	sst s25  }
0xa6: {  	s5 =	sshll.u32 s26, $0x1;
	_ =	strace $0x80000049;
	[dreg:$0x1] =	wrdreg $0xFFFFFFFF  }
0xa7: {  	s28 =	simm.s32 $_size_execute0_lowered;
	s3 =	sadd.s32 s3, s5;
	[dreg:$0x0] =	wrdreg $0x0  }
0xa8: {  	s5 =	sshll.u32 s28, $0x1;
	[dreg:$0x2] =	wrdreg s3  }
0xa9: {  	[dreg:$0x3] =	wrdreg s5  }
0xaa: {  	[dreg:$0x4] =	wrdreg $0xC0  }
0xab: {  	_ =	task [dreg:s7], $0x5FFFF  }
0xac: {  	[dreg:$0x1] =	wrdreg $0xFFFFFFFF  }
0xad: {  	[dreg:$0x0] =	wrdreg $0x60  }
0xae: {  	[dreg:$0x2] =	wrdreg s24  }
0xaf: {  	[dreg:$0x3] =	wrdreg s2  }
0xb0: {  	[dreg:$0x4] =	wrdreg $0x188100  }
0xb1: {  	[dreg:$0x5] =	wrdreg $0x98100  }
0xb2: {  	[dreg:$0x6] =	wrdreg $0x9  }
0xb3: {  	_ =	task.clear_ibuf [dreg:s7], $0x7FFFF;
	_ =	strace $0x90000049  }
0xb4: {  	s29 =	simm.s32 $0x9;
	_ =	strace $0x8000004B  }
0xb5: {  	_ =	swait.ge [sflag:s29], $0x1  }
0xb6: {  	[sflag:s29] =	ssyncadd.s32 $0xFFFFFFFF  }
0xb7: {  	_ =	strace $0x9000004B  }
0xb8: {  	_ =	sfence  }
0xb9: {  	s30 =	sld [smem:$0x0];
	_ =	sdelay $0x2  }
0xba: {  	s31 =	sshll.u32 s1, $0xD;
	s1 =	sshrl.u32 s1, $0x2  }
0xbb: {  	s3 =	sand.u32 $0x4000, s31;
	s1 =	sadd.s32 s1, s30  }
0xbc: {  	s0 =	sor.u32 s3, s0;
	s1 =	sshll.u32 s1, $0x11  }
0xbd: {  	s0 =	sor.u32 s1, s0  }
0xbe: {  	s0 =	sadd.s32 $0x8F2B, s0  }
0xbf: {  	[sflag:s0] =	ssyncadd.remote.s32 $0x1  }
0xc0: {  	_ =	sfence.sel $0xFFFF  }
0xc1: {  	[dreg:$0x0] =	wrdreg $0xFFFFFFFF;
	(pc) =	sbr.abs _section_cstart, $3  }
0xc2: {  	[dreg:$0x1] =	wrdreg $0xFFFFFFFF  }
0xc3: {  	_ =	task.clear_ibuf [dreg:s7], $0x2FFFF;
	_ =	strace $0x9FFFFFFF  }
0xc4: {  	(tm) =	ssettm $0x7FFFFFFF  }
0xc5: {  	_ =	shalt  }
tec
execute0_lowered:
.L_overlay_start_1:
0x0: {  	(tag) =	ssettag $0x1  }
0x1: {  	s0 =	rddreg [dreg:$0x0]  }
0x2: {  	s2 =	rddreg [dreg:$0x2]  }
0x3: {  	s3 =	rddreg [dreg:$0x3]  }
0x4: {  	s1 =	srdreg.scid;
	s5 =	simm.s32 $0x0;
	s21 =	stileid.u32  }
0x5: {  	s19 =	simm.s32 $0x3;
	s20 =	simm.s32 $0x2800;
	s22 =	simm.s32 $0x9010  }
0x6: {  	s24 =	simm.s32 $0x80;
	s28 =	simm.s32 $0x1;
	s7 =	smul.u32 $0x2800, s21  }
0x7: {  	s29 =	simm.s32 $0x2;
	s30 =	simm.s32 $0x0;
	s9 =	smul.u32 $0xF000, s21  }
0x8: {  	s1 =	sand.u32 $0x1, s1;
	[smem:$0x7FF] =	sst s5;
	s13 =	smul.u32 $0x3C00, s21  }
0x9: {  	s6 =	sadd.s32 $0x1FA00, s0;
	s8 =	sadd.s32 $0x5C00, s0;
	s4 =	smul.u32 $0x28000, s1  }
0xa: {  	s11 =	sshll.u32 s21, $0x1;
	s14 =	sadd.s32 $0x7A00, s0;
	s10 =	smul.u32 $0xF0000, s1  }
0xb: {  	s31 =	sshll.u32 s21, $0x6;
	_ =	strace $0x8000004A;
	s12 =	smul.u32 $0x3C000, s1  }
0xc: {  	s11 =	sadd.s32 s11, s0;
	[dreg:$0x5] =	wrdreg s14;
	s25 =	ssub.s32 $0x2, s1  }
0xd: {  	s1 =	sshll.u32 s1, $0x5;
	s23 =	sor.u32 $0x1C03, s31;
	s15 =	sshrl.u32 s25, $0x1  }
0xe: {  	s1 =	sadd.s32 s1, s11;
	s4 =	sadd.s32 s7, s4;
	s7 =	sadd.s32 $0x10FA00, s0  }
0xf: {  	s10 =	sadd.s32 s9, s10;
	s12 =	sadd.s32 s13, s12;
	s18 =	ssub.s32 s25, s15  }
0x10: {  	s1 =	sadd.s32 $0x1F800, s1;
	s13 =	sadd.s32 s13, s2;
	s15 =	sadd.s32 s9, s3  }
0x11: {  	s25 =	simm.s32 $0x5000;
	s4 =	sshrl.u32 s4, $0x3;
	s10 =	sshrl.u32 s10, $0x3  }
.Ltmp0:
0x12: {  	s12 =	sshrl.u32 s12, $0x3;
	[dreg:$0x8] =	wrdreg s1;
	(pc) =	sbr.rel .LBB2_1-.Ltmp0, $4  }
0x13: {  	s18 =	smax.u32 s18, $0x1;
	s4 =	sadd.s32 s4, s0;
	s10 =	sadd.s32 s10, s0  }
0x14: {  	s0 =	sadd.s32 s12, s0;
	s26 =	sadd.s32 $0xB800, s4;
	s4 =	sadd.s32 $0x15800, s4  }
0x15: {  	s14 =	sadd.s32 $0x5BA00, s0;
	s16 =	sadd.s32 $0x6AA00, s10;
	[dreg:$0x6] =	wrdreg s26  }
0x16: {  	s17 =	sadd.s32 $0xA6A00, s10;
	[dreg:$0x7] =	wrdreg s4;
	s26 =	simm.s32 $0x7000  }
.LBB2_13:
0x17: {  	s1 =	simm.s32 $0x0  }
.LBB2_16:
0x18: {  	s10 =	sadd.s32 $0xFFFFFF80, s21;
	[sflag:s19] =	ssyncadd.s32 @p0 $0xFFFFE000  }
0x19: {  	[tilespmem:s26], [sflag:$0x2] =	stream.indirect.gather [hbm4b:s7+s24], $0x40, s10, s24, $0xb8;
	[tilespmem:$0x1C410] =	vst v63  }
0x1a: {  	_ =	swait.ge [sflag:s28], $0x2000  }
0x1b: {  	[sflag:s28] =	ssyncset.done $0x0  }
0x1c: {  	[sflag:s28] =	ssyncadd.s32 $0xFFFFE000  }
0x1d: {  	[spmem:s3] =	stream.indirect.scatter.add.f32 [tilespmem:s25], [sflag:$0x3], $0x40, s9, s24, $0xb8;
	[tilespmem:$0x1C410] =	vst v63  }
0x1e: {  	_ =	swait.ge [sflag:s19], $0x2000  }
0x1f: {  	p0 =	sge.s32 s1, s4;
	[sflag:s19] =	ssyncset.done $0x0  }
0x20: {  	s1 =	simm.s32 @!p0 $0x80;
	s4 =	simm.s32 @!p0 $0x5000;
	[sflag:s19] =	ssyncadd.s32 $0xFFFFE000  }
0x21: {  	[tilespmem:s4], [sflag:$0x1] =	stream.indirect.gather @!p0 [hbm4b:s7+s1], $0x40, s21, s1, $0xb8;
	[tilespmem:$0x1C410] =	vst v63  }
0x22: {  	_ =	swait.ge [sflag:s29], $0x2000  }
0x23: {  	[sflag:s29] =	ssyncset.done $0x0  }
0x24: {  	s31 =	sadd.s32 $0x80, s9;
	[sflag:s29] =	ssyncadd.s32 $0xFFFFE000  }
0x25: {  	[spmem:s3] =	stream.indirect.scatter.add.f32 [tilespmem:s26], [sflag:$0x3], $0x40, s31, s24, $0xb8;
	[tilespmem:$0x1C410] =	vst v63  }
0x26: {  	_ =	swait.ge [sflag:s19], $0x2000  }
0x27: {  	[sflag:s19] =	ssyncset.done $0x0  }
0x28: {  	[sflag:s19] =	ssyncadd.s32 $0xFFFFE000  }
.LBB2_17:
0x29: {  	[bflag:$0x0] =	sbarrier.arrive $0xFFFF;
	s30 =	sadd.s32 $0x1, s30  }
0x2a: {  	[hbm:s17], [sflag:s23] =	dma.local [spmem:s0], $0x1E00  }
0x2b: {  	p0 =	sne.s32 s30, s18  }
.Ltmp1:
0x2c: {  	_ =	swait.ge [sflag:s19], $0x1E00;
	(pc) =	sbr.rel @!p0 .LBB2_18-.Ltmp1, $3  }
0x2d: {  	[sflag:s19] =	ssyncset.done $0x0  }
0x2e: {  	[sflag:s19] =	ssyncadd.s32 $0xFFFFE200  }
0x2f: {  	[bflag:$0x0] =	sbarrier.arrive $0xFFFF;
	_ =	sdelay $0x1  }
.LBB2_1:
0x30: {  	s0 =	rddreg [dreg:$0x6]  }
0x31: {  	[tilespmem:s5], [sflag:$0x3] =	stream.linear.gather [hbm4b:s0+s5], $0x2800, $0x38;
	[tilespmem:$0x1C410] =	vst v63  }
0x32: {  	_ =	swait.ge [sflag:s19], $0x2800  }
0x33: {  	[sflag:s19] =	ssyncset.done $0x0  }
0x34: {  	s10 =	rddreg [dreg:$0x7];
	[sflag:s19] =	ssyncadd.s32 $0xFFFFD800  }
0x35: {  	[tilespmem:s20], [sflag:$0x3] =	stream.linear.gather [hbm4b:s10+s5], $0x2800, $0x38;
	[tilespmem:$0x1C410] =	vst v63  }
0x36: {  	_ =	swait.ge [sflag:s19], $0x2800  }
0x37: {  	[sflag:s19] =	ssyncset.done $0x0  }
0x38: {  	s1 =	simm.s32 $0x9000;
	s11 =	rddreg [dreg:$0x8];
	[sflag:s19] =	ssyncadd.s32 $0xFFFFD800  }
0x39: {  	[tilespmem:s1], [sflag:$0x3] =	stream.linear.gather [hbm4b:s11+s5], $0x10, $0x38;
	[tilespmem:$0x1C410] =	vst v63  }
0x3a: {  	_ =	swait.ge [sflag:s19], $0x10  }
0x3b: {  	[sflag:s19] =	ssyncset.done $0x0  }
0x3c: {  	s12 =	rddreg [dreg:$0x5];
	[sflag:s19] =	ssyncadd.s32 $0xFFFFFFF0  }
0x3d: {  	[tilespmem:s22], [sflag:$0x3] =	stream.linear.gather [hbm4b:s12+s5], $0x800, $0x38;
	[tilespmem:$0x1C410] =	vst v63  }
0x3e: {  	_ =	swait.ge [sflag:s19], $0x800  }
0x3f: {  	[sflag:s19] =	ssyncset.done $0x0  }
0x40: {  	[sflag:s19] =	ssyncadd.s32 $0xFFFFF800  }
0x41: {  	v0 =	vld [tilespmem:$0x9000];
	_ =	sdelay $0x4  }
0x42: {  	v0 =	vxor.u32 $0x80000000, v0  }
0x43: {  	(xrf0) =	vmax.scan.msk.u32 $0xffff, v0;
	_ =	sdelay $0x5  }
0x44: {  	v0, _, _ =	vpop (xrf0)  }
0x45: {  	(v2sf) =	vpush v0, $0xF;
	_ =	sdelay $0xe  }
0x46: {  	s0 =	sshrl.u32 s13, $0x3;
	s4 =	rddreg [dreg:$0x1];
	s21 =	spop (v2sf)  }
0x47: {  	[spmem:s0], [sflag:s23] =	dma.local [hbm:s4], $0x780  }
0x48: {  	s1 =	sadd.s32 $0x800000FF, s21  }
0x49: {  	s31 =	sshra.s32 s1, $0x8  }
0x4a: {  	p0 =	slt.s32 s31, $0x1  }
.Ltmp2:
0x4b: {  	_ =	swait.ge [sflag:s19], $0x780;
	(pc) =	sbr.rel @p0 .LBB2_5-.Ltmp2, $3  }
0x4c: {  	[sflag:s19] =	ssyncset.done $0x0  }
0x4d: {  	[sflag:s19] =	ssyncadd.s32 $0xFFFFF880  }
0x4e: {  	[bflag:$0x0] =	sbarrier.arrive $0xFFFF;
	_ =	sdelay $0x1  }
0x4f: {  	s1 =	sshll.u32 s31, $0x1  }
0x50: {  	p1 =	sne.s32 s1, $0x1  }
.Ltmp3:
0x51: {  	_ = 	snop;
	(pc) =	sbr.rel @!p1 .LBB2_4-.Ltmp3, $4  }
0x52: {  	_ = 	snop  }
0x53: {  	[spmem:s2] =	stream.indirect.scatter.add.f32 [tilespmem:s22], [sflag:$0x3], $0x10, s5, s24, $0xb8;
	[tilespmem:$0x1C410] =	vst v63  }
0x54: {  	_ =	swait.ge [sflag:s19], $0x800  }
0x55: {  	s4 =	simm.s32 $0x0;
	s1 =	sadd.s32 $0xFFFFFFFF, s1;
	[sflag:s19] =	ssyncset.done $0x0  }
.LBB2_3:
0x56: {  	p1 =	sne.s32 s1, $0x1;
	[sflag:s19] =	ssyncadd.s32 $0xFFFFF800;
	s4 =	sadd.s32 $0x80, s4  }
.Ltmp4:
0x57: {  	s1 =	sadd.s32 $0xFFFFFFFF, s1;
	(pc) =	sbr.rel @p1 .LBB2_3-.Ltmp4, $4  }
0x58: {  	_ = 	snop  }
0x59: {  	[spmem:s2] =	stream.indirect.scatter.add.f32 [tilespmem:s22], [sflag:$0x3], $0x10, s4, s24, $0xb8;
	[tilespmem:$0x1C410] =	vst v63  }
0x5a: {  	_ =	swait.ge [sflag:s19], $0x800  }
0x5b: {  	[sflag:s19] =	ssyncset.done $0x0  }
.LBB2_4:
0x5c: {  	[sflag:s19] =	ssyncadd.s32 $0xFFFFF800  }
.LBB2_5:
0x5d: {  	[bflag:$0x0] =	sbarrier.arrive $0xFFFF  }
0x5e: {  	[hbm:s14], [sflag:s23] =	dma.local [spmem:s0], $0x780  }
0x5f: {  	_ =	swait.ge [sflag:s19], $0x780  }
0x60: {  	[sflag:s19] =	ssyncset.done $0x0  }
0x61: {  	s0 =	sshrl.u32 s15, $0x3;
	[sflag:s19] =	ssyncadd.s32 $0xFFFFF880  }
0x62: {  	[spmem:s0], [sflag:s23] =	dma.local [hbm:s8], $0x1E00  }
.Ltmp5:
0x63: {  	_ =	swait.ge [sflag:s19], $0x1E00;
	(pc) =	sbr.rel @p0 .LBB2_11-.Ltmp5, $4  }
0x64: {  	[sflag:s19] =	ssyncset.done $0x0  }
0x65: {  	[sflag:s19] =	ssyncadd.s32 $0xFFFFE200  }
0x66: {  	[bflag:$0x0] =	sbarrier.arrive $0xFFFF  }
0x67: {  	s4 =	sadd.s32 $0xFFFFFFFF, s31  }
0x68: {  	p2 =	sne.s32 s31, $0x1  }
.Ltmp6:
0x69: {  	_ = 	snop;
	(pc) =	sbr.rel @!p2 .LBB2_7-.Ltmp6, $4  }
0x6a: {  	_ = 	snop  }
0x6b: {  	[tilespmem:s25], [sflag:$0x1] =	stream.indirect.gather [hbm4b:s6+s24], $0x40, s20, s24, $0xb8;
	[tilespmem:$0x1C410] =	vst v63  }
0x6c: {  	s9 =	simm.s32 $0x0  }
0x6d: {  	s21 =	simm.s32 $0x2900;
	s1 =	simm.s32 $0x1;
	p1 =	por $0x0, $0x0  }
0x6e: {  	s10 =	simm.s32 $0x2880  }
0x6f: {  	[tilespmem:s26], [sflag:$0x2] =	stream.indirect.gather [hbm4b:s6+s24], $0x40, s10, s24, $0xb8;
	[tilespmem:$0x1C410] =	vst v63  }
0x70: {  	_ =	swait.ge [sflag:s28], $0x2000  }
0x71: {  	[sflag:s28] =	ssyncset.done $0x0  }
0x72: {  	[sflag:s28] =	ssyncadd.s32 $0xFFFFE000  }
0x73: {  	[spmem:s3] =	stream.indirect.scatter.add.f32 [tilespmem:s25], [sflag:$0x3], $0x40, s9, s24, $0xb8;
	[tilespmem:$0x1C410] =	vst v63  }
0x74: {  	_ =	swait.ge [sflag:s19], $0x2000  }
0x75: {  	p1 =	sle.s32 s4, $0x0;
	[sflag:s19] =	ssyncset.done $0x0  }
0x76: {  	s10 =	simm.s32 @!p1 $0x5000;
	s9 =	simm.s32 @!p1 $0x80;
	[sflag:s19] =	ssyncadd.s32 $0xFFFFE000  }
0x77: {  	[tilespmem:s10], [sflag:$0x1] =	stream.indirect.gather @!p1 [hbm4b:s6+s9], $0x40, s21, s9, $0xb8;
	[tilespmem:$0x1C410] =	vst v63  }
0x78: {  	p2 =	sne.s32 s31, $0x2;
	_ =	swait.ge [sflag:s29], $0x2000  }
.Ltmp7:
0x79: {  	[sflag:s29] =	ssyncset.done $0x0;
	(pc) =	sbr.rel @!p2 .LBB2_10-.Ltmp7, $4  }
0x7a: {  	s21 =	simm.s32 $0x80;
	[sflag:s29] =	ssyncadd.s32 $0xFFFFE000  }
0x7b: {  	[spmem:s3] =	stream.indirect.scatter.add.f32 [tilespmem:s26], [sflag:$0x3], $0x40, s21, s24, $0xb8;
	[tilespmem:$0x1C410] =	vst v63  }
0x7c: {  	s10 =	simm.s32 $0x2;
	s9 =	simm.s32 $0x100;
	_ =	swait.ge [sflag:s19], $0x2000  }
0x7d: {  	p1 =	por $0x1, $0x1;
	s21 =	simm.s32 $0x2A00;
	[sflag:s19] =	ssyncset.done $0x0  }
.LBB2_9:
0x7e: {  	s11 =	sadd.s32 $0xFFFFFF80, s21  }
0x7f: {  	[sflag:s19] =	ssyncadd.s32 $0xFFFFE000;
	s12 =	smov.u32 s10;
	s10 =	sadd.s32 $0x1, s10  }
0x80: {  	[tilespmem:s26], [sflag:$0x2] =	stream.indirect.gather [hbm4b:s6+s24], $0x40, s11, s24, $0xb8;
	[tilespmem:$0x1C410] =	vst v63  }
0x81: {  	p2 =	sne.s32 s31, s10;
	_ =	swait.ge [sflag:s28], $0x2000  }
0x82: {  	[sflag:s28] =	ssyncset.done $0x0  }
0x83: {  	[sflag:s28] =	ssyncadd.s32 $0xFFFFE000  }
0x84: {  	[spmem:s3] =	stream.indirect.scatter.add.f32 [tilespmem:s25], [sflag:$0x3], $0x40, s9, s24, $0xb8;
	[tilespmem:$0x1C410] =	vst v63  }
0x85: {  	_ =	swait.ge [sflag:s19], $0x2000  }
0x86: {  	p3 =	sge.s32 s1, s4;
	s1 =	smov.u32 s12;
	[sflag:s19] =	ssyncset.done $0x0  }
0x87: {  	s11 =	simm.s32 @!p3 $0x80;
	s12 =	simm.s32 @!p3 $0x5000;
	[sflag:s19] =	ssyncadd.s32 $0xFFFFE000  }
0x88: {  	[tilespmem:s12], [sflag:$0x1] =	stream.indirect.gather @!p3 [hbm4b:s6+s11], $0x40, s21, s11, $0xb8;
	[tilespmem:$0x1C410] =	vst v63  }
0x89: {  	_ =	swait.ge [sflag:s29], $0x2000  }
.Ltmp8:
0x8a: {  	[sflag:s29] =	ssyncset.done $0x0;
	(pc) =	sbr.rel @p2 .LBB2_9-.Ltmp8, $4  }
0x8b: {  	s11 =	sadd.s32 $0x80, s9;
	[sflag:s29] =	ssyncadd.s32 $0xFFFFE000  }
0x8c: {  	[spmem:s3] =	stream.indirect.scatter.add.f32 [tilespmem:s26], [sflag:$0x3], $0x40, s11, s24, $0xb8;
	[tilespmem:$0x1C410] =	vst v63  }
0x8d: {  	_ =	swait.ge [sflag:s19], $0x2000  }
0x8e: {  	s21 =	sadd.s32 $0x100, s21;
	s9 =	sadd.s32 $0x100, s9;
	[sflag:s19] =	ssyncset.done $0x0  }
.LBB2_10:
0x8f: {  	s10 =	sadd.s32 $0xFFFFFF80, s21;
	[sflag:s19] =	ssyncadd.s32 @p1 $0xFFFFE000  }
0x90: {  	[tilespmem:s26], [sflag:$0x2] =	stream.indirect.gather [hbm4b:s6+s24], $0x40, s10, s24, $0xb8;
	[tilespmem:$0x1C410] =	vst v63  }
0x91: {  	_ =	swait.ge [sflag:s28], $0x2000  }
0x92: {  	[sflag:s28] =	ssyncset.done $0x0  }
0x93: {  	[sflag:s28] =	ssyncadd.s32 $0xFFFFE000  }
0x94: {  	[spmem:s3] =	stream.indirect.scatter.add.f32 [tilespmem:s25], [sflag:$0x3], $0x40, s9, s24, $0xb8;
	[tilespmem:$0x1C410] =	vst v63  }
0x95: {  	_ =	swait.ge [sflag:s19], $0x2000  }
0x96: {  	p1 =	sge.s32 s1, s4;
	[sflag:s19] =	ssyncset.done $0x0  }
0x97: {  	s1 =	simm.s32 @!p1 $0x80;
	s10 =	simm.s32 @!p1 $0x5000;
	[sflag:s19] =	ssyncadd.s32 $0xFFFFE000  }
0x98: {  	[tilespmem:s10], [sflag:$0x1] =	stream.indirect.gather @!p1 [hbm4b:s6+s1], $0x40, s21, s1, $0xb8;
	[tilespmem:$0x1C410] =	vst v63  }
0x99: {  	_ =	swait.ge [sflag:s29], $0x2000  }
0x9a: {  	[sflag:s29] =	ssyncset.done $0x0  }
0x9b: {  	s21 =	sadd.s32 $0x80, s9;
	[sflag:s29] =	ssyncadd.s32 $0xFFFFE000  }
0x9c: {  	[spmem:s3] =	stream.indirect.scatter.add.f32 [tilespmem:s26], [sflag:$0x3], $0x40, s21, s24, $0xb8;
	[tilespmem:$0x1C410] =	vst v63  }
0x9d: {  	_ =	swait.ge [sflag:s19], $0x2000  }
0x9e: {  	[sflag:s19] =	ssyncset.done $0x0  }
0x9f: {  	[sflag:s19] =	ssyncadd.s32 $0xFFFFE000  }
.LBB2_11:
0xa0: {  	[bflag:$0x0] =	sbarrier.arrive $0xFFFF  }
0xa1: {  	[hbm:s16], [sflag:s23] =	dma.local [spmem:s0], $0x1E00  }
0xa2: {  	_ =	swait.ge [sflag:s19], $0x1E00  }
0xa3: {  	[sflag:s19] =	ssyncset.done $0x0  }
0xa4: {  	[sflag:s19] =	ssyncadd.s32 $0xFFFFE200  }
0xa5: {  	[bflag:$0x0] =	sbarrier.arrive $0xFFFF  }
0xa6: {  	[spmem:s0], [sflag:s23] =	dma.local [hbm:s8], $0x1E00  }
.Ltmp9:
0xa7: {  	_ =	swait.ge [sflag:s19], $0x1E00;
	(pc) =	sbr.rel @p0 .LBB2_17-.Ltmp9, $3  }
0xa8: {  	[sflag:s19] =	ssyncset.done $0x0  }
0xa9: {  	[sflag:s19] =	ssyncadd.s32 $0xFFFFE200  }
0xaa: {  	[bflag:$0x0] =	sbarrier.arrive $0xFFFF;
	_ =	sdelay $0x1  }
0xab: {  	p1 =	sne.s32 s31, $0x1  }
.Ltmp10:
0xac: {  	_ = 	snop;
	(pc) =	sbr.rel @!p1 .LBB2_13-.Ltmp10, $4  }
0xad: {  	_ = 	snop  }
0xae: {  	[tilespmem:s25], [sflag:$0x1] =	stream.indirect.gather [hbm4b:s7+s24], $0x40, s20, s24, $0xb8;
	[tilespmem:$0x1C410] =	vst v63  }
0xaf: {  	s9 =	simm.s32 $0x0  }
0xb0: {  	s21 =	simm.s32 $0x2900;
	s1 =	simm.s32 $0x1;
	p0 =	por $0x0, $0x0  }
0xb1: {  	s10 =	simm.s32 $0x2880  }
0xb2: {  	[tilespmem:s26], [sflag:$0x2] =	stream.indirect.gather [hbm4b:s7+s24], $0x40, s10, s24, $0xb8;
	[tilespmem:$0x1C410] =	vst v63  }
0xb3: {  	_ =	swait.ge [sflag:s28], $0x2000  }
0xb4: {  	[sflag:s28] =	ssyncset.done $0x0  }
0xb5: {  	[sflag:s28] =	ssyncadd.s32 $0xFFFFE000  }
0xb6: {  	[spmem:s3] =	stream.indirect.scatter.add.f32 [tilespmem:s25], [sflag:$0x3], $0x40, s9, s24, $0xb8;
	[tilespmem:$0x1C410] =	vst v63  }
0xb7: {  	_ =	swait.ge [sflag:s19], $0x2000  }
0xb8: {  	p0 =	sle.s32 s4, $0x0;
	[sflag:s19] =	ssyncset.done $0x0  }
0xb9: {  	s10 =	simm.s32 @!p0 $0x5000;
	s9 =	simm.s32 @!p0 $0x80;
	[sflag:s19] =	ssyncadd.s32 $0xFFFFE000  }
0xba: {  	[tilespmem:s10], [sflag:$0x1] =	stream.indirect.gather @!p0 [hbm4b:s7+s9], $0x40, s21, s9, $0xb8;
	[tilespmem:$0x1C410] =	vst v63  }
0xbb: {  	p1 =	sne.s32 s31, $0x2;
	_ =	swait.ge [sflag:s29], $0x2000  }
.Ltmp11:
0xbc: {  	[sflag:s29] =	ssyncset.done $0x0;
	(pc) =	sbr.rel @!p1 .LBB2_16-.Ltmp11, $4  }
0xbd: {  	s21 =	simm.s32 $0x80;
	[sflag:s29] =	ssyncadd.s32 $0xFFFFE000  }
0xbe: {  	[spmem:s3] =	stream.indirect.scatter.add.f32 [tilespmem:s26], [sflag:$0x3], $0x40, s21, s24, $0xb8;
	[tilespmem:$0x1C410] =	vst v63  }
0xbf: {  	s10 =	simm.s32 $0x2;
	s9 =	simm.s32 $0x100;
	_ =	swait.ge [sflag:s19], $0x2000  }
0xc0: {  	p0 =	por $0x1, $0x1;
	s21 =	simm.s32 $0x2A00;
	[sflag:s19] =	ssyncset.done $0x0  }
.LBB2_15:
0xc1: {  	s11 =	sadd.s32 $0xFFFFFF80, s21  }
0xc2: {  	[sflag:s19] =	ssyncadd.s32 $0xFFFFE000;
	s12 =	smov.u32 s10;
	s10 =	sadd.s32 $0x1, s10  }
0xc3: {  	[tilespmem:s26], [sflag:$0x2] =	stream.indirect.gather [hbm4b:s7+s24], $0x40, s11, s24, $0xb8;
	[tilespmem:$0x1C410] =	vst v63  }
0xc4: {  	p1 =	sne.s32 s31, s10;
	_ =	swait.ge [sflag:s28], $0x2000  }
0xc5: {  	[sflag:s28] =	ssyncset.done $0x0  }
0xc6: {  	[sflag:s28] =	ssyncadd.s32 $0xFFFFE000  }
0xc7: {  	[spmem:s3] =	stream.indirect.scatter.add.f32 [tilespmem:s25], [sflag:$0x3], $0x40, s9, s24, $0xb8;
	[tilespmem:$0x1C410] =	vst v63  }
0xc8: {  	_ =	swait.ge [sflag:s19], $0x2000  }
0xc9: {  	p2 =	sge.s32 s1, s4;
	s1 =	smov.u32 s12;
	[sflag:s19] =	ssyncset.done $0x0  }
0xca: {  	s11 =	simm.s32 @!p2 $0x80;
	s12 =	simm.s32 @!p2 $0x5000;
	[sflag:s19] =	ssyncadd.s32 $0xFFFFE000  }
0xcb: {  	[tilespmem:s12], [sflag:$0x1] =	stream.indirect.gather @!p2 [hbm4b:s7+s11], $0x40, s21, s11, $0xb8;
	[tilespmem:$0x1C410] =	vst v63  }
0xcc: {  	_ =	swait.ge [sflag:s29], $0x2000  }
.Ltmp12:
0xcd: {  	[sflag:s29] =	ssyncset.done $0x0;
	(pc) =	sbr.rel @p1 .LBB2_15-.Ltmp12, $4  }
0xce: {  	s11 =	sadd.s32 $0x80, s9;
	[sflag:s29] =	ssyncadd.s32 $0xFFFFE000  }
0xcf: {  	[spmem:s3] =	stream.indirect.scatter.add.f32 [tilespmem:s26], [sflag:$0x3], $0x40, s11, s24, $0xb8;
	[tilespmem:$0x1C410] =	vst v63  }
0xd0: {  	_ =	swait.ge [sflag:s19], $0x2000  }
0xd1: {  	s21 =	sadd.s32 $0x100, s21;
	s9 =	sadd.s32 $0x100, s9;
	[sflag:s19] =	ssyncset.done $0x0  }
.Ltmp13:
0xd2: {  	_ = 	snop;
	(pc) =	sbr.rel .LBB2_16-.Ltmp13, $1  }
0xd3: {  	_ =	sdelay $0x3  }
.LBB2_7:
.Ltmp14:
0xd4: {  	(pc) =	sbr.rel .LBB2_10-.Ltmp14, $2  }
0xd5: {  	_ =	sdelay $0x2  }
0xd6: {  	s1 =	simm.s32 $0x0  }
.LBB2_18:
0xd7: {  	_ =	sfence.sel $0x180000  }
0xd8: {  	[bflag:$0x0] =	sbarrier.arrive $0xFFFF  }
0xd9: {  	_ =	strace $0x9000004A  }
0xda: {  	s0 =	stileid.u32;
	[bflag:$0x2] =	sbarrier.arrive $0xFFFF  }
0xdb: {  	p0 =	sne.s32 s0, $0x0;
	s0 =	rddreg [dreg:$0x4]  }
0xdc: {  	s0 =	sadd.s32 @!p0 $0x100000, s0  }
0xdd: {  	[sflag:s0] =	ssyncadd.tile.s32 @!p0 $0x1;
	_ =	shalt  }
.Lfunc_end2:
_tile_overlayer_lowered:
.L_overlay_start_2:
0xde: {  	(tag) =	ssettag $0x2  }
0xdf: {  	s0 =	rddreg [dreg:$0x0];
	s2 =	stileid.u32  }
0xe0: {  	s1 =	rddreg [dreg:$0x1];
	p0 =	sne.s32 s2, $0x0  }
0xe1: {  	s3 =	rddreg [dreg:$0x2];
	[bflag:$0x3] =	sbarrier.arrive $0xFFFF;
	s2 =	simm.s32 @!p0 $0x1C03  }
0xe2: {  	[timem:s3], [sflag:s2] =	dma.local @!p0 [hbm:s0], s1  }
0xe3: {  	s0 =	simm.s32 @!p0 $0x3  }
0xe4: {  	_ =	swait.ge @!p0 [sflag:s0], s1  }
0xe5: {  	s1 =	ssub.s32 @!p0 $0x0, s1;
	[sflag:s0] =	ssyncset.done @!p0 $0x0  }
0xe6: {  	[sflag:s0] =	ssyncadd.s32 @!p0 s1  }
0xe7: {  	[bflag:$0x3] =	sbarrier.arrive $0xFFFF  }
0xe8: {  	_ =	shalt  }

// kernel: _run.14.cloned.1.call-start
scs
__scs_entry_jumppad:
0x0: {  	(pc) =	sbr.rel $0x88, $3  }
0x1: {  	(tag) =	ssettag $0x0;
	lr =	simm.s32 $0x1  }
0x2: {  	[smem:$0x3F8F] =	sst lr;
	_ =	strace $0xD0000000  }
0x3: {  	_ = 	snop  }
0x4: {  	_ = 	snop  }
0x5: {  	_ = 	snop  }
0x6: {  	_ = 	snop  }
0x7: {  	_ = 	snop  }
__scs_overlays_trampoline_lowered:
0x8: {  	[smem:$0x3F9E] =	sst s0  }
0x9: {  	[smem:$0x3F9F] =	sst s1  }
0xa: {  	[smem:$0x3FA0] =	sst s2  }
0xb: {  	[smem:$0x3FA1] =	sst s3  }
0xc: {  	[smem:$0x3FA2] =	sst s4  }
0xd: {  	[smem:$0x3FA3] =	sst s5  }
0xe: {  	[smem:$0x3FA4] =	sst s6  }
0xf: {  	[smem:$0x3FA5] =	sst s7  }
0x10: {  	[smem:$0x3FA6] =	sst s8  }
0x11: {  	[smem:$0x3FA7] =	sst s9;
	s0 =	simm.s32 @!p0 $0x0  }
0x12: {  	s1 =	sld [smem:$0x3F8D];
	s0 =	simm.s32 @p0 $0x1  }
0x13: {  	[smem:$0x3FA8] =	sst s0;
	s0 =	simm.s32 @!p1 $0x0  }
0x14: {  	s2 =	sld [smem:$0x3F8C];
	s0 =	simm.s32 @p1 $0x1  }
0x15: {  	[smem:$0x3FA9] =	sst s0;
	s0 =	simm.s32 @!p2 $0x0  }
0x16: {  	s3 =	sld [smem:$0x3FDB];
	s0 =	simm.s32 @p2 $0x1  }
0x17: {  	s4 =	simm.s32 $0x1BF5;
	[smem:$0x3FAB] =	sst s0  }
0x18: {  	s0 =	sld [smem:$0x3F8E];
	_ =	swait.ge [sflag:s4], $0x0  }
0x19: {  	s7 =	sld [smem:$0x3F8F]  }
0x1a: {  	s8 =	sadd.s32 $0xFFFFE003, lr  }
0x1b: {  	s9 =	sadd.s32 $0xFFFFFEF7, lr;
	s5 =	simm.s32 $0xFFFFFFFF;
	p2 =	slt.u32 s8, $0xFFFFF086  }
0x1c: {  	p1 =	slt.u32 s9, $0xF7A;
	s5 =	simm.s32 @!p2 $0x0  }
0x1d: {  	s5 =	simm.s32 @p1 $0x1;
	p0 =	seq.s32 s7, s2  }
0x1e: {  	s7 =	smul.u32 @!p0 $0xF7A, s2;
	p2 =	seq.s32 @!p0 s5, $0x0  }
0x1f: {  	s9 =	smul.u32 $0xF7A, s1;
	s8 =	simm.s32 @!p0 $0x1BF5;
	p2 =	por !p2, p0  }
0x20: {  	[sflag:s8] =	ssyncset.s32 @!p0 $0xFFFFF086;
	s6 =	sadd.s32 @!p0 s3, s7;
	s7 =	simm.s32 @!p0 $0x108  }
0x21: {  	s3 =	sadd.s32 s3, s9;
	s6 =	sadd.s32 @!p0 $0x88, s6;
	s7 =	simm.s32 @p2 $0x1082  }
0x22: {  	[simem:s7], [sflag:s8] =	dma.local @!p0 [hbm:s6], $0xF7A  }
0x23: {  	s9 =	sor.u32 $0xD0000000, s2;
	s6 =	simm.s32 $0x108;
	_ =	swait.ge @!p0 [sflag:s8], $0x0  }
0x24: {  	s3 =	sadd.s32 $0x88, s3;
	s6 =	simm.s32 @!p1 $0x1082;
	[sflag:s4] =	ssyncset.s32 $0xFFFFF086  }
0x25: {  	[simem:s6], [sflag:s4] =	dma.local [hbm:s3], $0xF7A  }
0x26: {  	[smem:$0x3F8F] =	sst s1;
	(tag) =	ssettag s2;
	_ =	strace s9  }
0x27: {  	s1 =	sld [smem:$0x3F9F]  }
0x28: {  	s2 =	sld [smem:$0x3FA0]  }
0x29: {  	s4 =	sld [smem:$0x3FA2]  }
0x2a: {  	p0 =	seq.s32 s5, $0x0;
	s5 =	sld [smem:$0x3FA3]  }
0x2b: {  	s6 =	sld [smem:$0x3FA4]  }
0x2c: {  	s7 =	sld [smem:$0x3FA5]  }
0x2d: {  	s3 =	simm.s32 $0x108;
	s8 =	sld [smem:$0x3FA6]  }
0x2e: {  	s3 =	simm.s32 @!p0 $0x1082;
	s9 =	sld [smem:$0x3FA7]  }
0x2f: {  	lr =	sadd.s32 s0, s3;
	s0 =	sld [smem:$0x3F9E]  }
0x30: {  	s3 =	sld [smem:$0x3FA1]  }
0x31: {  	[smem:$0x3FAA] =	sst s10  }
0x32: {  	s10 =	sld [smem:$0x3FA8];
	_ =	sdelay $0x3  }
0x33: {  	p0 =	seq.s32 s10, $0x1;
	s10 =	sld [smem:$0x3FAA];
	_ =	sdelay $0x3  }
0x34: {  	[smem:$0x3FAA] =	sst s10  }
0x35: {  	s10 =	sld [smem:$0x3FA9];
	_ =	sdelay $0x3  }
0x36: {  	p1 =	seq.s32 s10, $0x1;
	s10 =	sld [smem:$0x3FAA];
	_ =	sdelay $0x3  }
0x37: {  	[smem:$0x3FAA] =	sst s10  }
0x38: {  	s10 =	sld [smem:$0x3FAB]  }
0x39: {  	_ = 	snop;
	(pc) =	sbr.ind lr, $3  }
0x3a: {  	_ = 	snop  }
0x3b: {  	_ = 	snop  }
0x3c: {  	p2 =	seq.s32 s10, $0x1;
	s10 =	sld [smem:$0x3FAA]  }
0x3d: {  	_ =	shalt  }
0x3e: {  	_ =	shalt  }
0x3f: {  	_ =	shalt  }
0x40: {  	_ =	shalt  }
0x41: {  	_ =	shalt  }
0x42: {  	_ =	shalt  }
0x43: {  	_ =	shalt  }
0x44: {  	_ =	shalt  }
0x45: {  	_ =	shalt  }
0x46: {  	_ =	shalt  }
0x47: {  	_ =	shalt  }
0x48: {  	_ =	shalt  }
0x49: {  	_ =	shalt  }
0x4a: {  	_ =	shalt  }
0x4b: {  	_ =	shalt  }
0x4c: {  	_ =	shalt  }
0x4d: {  	_ =	shalt  }
0x4e: {  	_ =	shalt  }
0x4f: {  	_ =	shalt  }
0x50: {  	_ =	shalt  }
0x51: {  	_ =	shalt  }
0x52: {  	_ =	shalt  }
0x53: {  	_ =	shalt  }
0x54: {  	_ =	shalt  }
0x55: {  	_ =	shalt  }
0x56: {  	_ =	shalt  }
0x57: {  	_ =	shalt  }
0x58: {  	_ =	shalt  }
0x59: {  	_ =	shalt  }
0x5a: {  	_ =	shalt  }
0x5b: {  	_ =	shalt  }
0x5c: {  	_ =	shalt  }
0x5d: {  	_ =	shalt  }
0x5e: {  	_ =	shalt  }
0x5f: {  	_ =	shalt  }
0x60: {  	_ =	shalt  }
0x61: {  	_ =	shalt  }
0x62: {  	_ =	shalt  }
0x63: {  	_ =	shalt  }
0x64: {  	_ =	shalt  }
0x65: {  	_ =	shalt  }
0x66: {  	_ =	shalt  }
0x67: {  	_ =	shalt  }
0x68: {  	_ =	shalt  }
0x69: {  	_ =	shalt  }
0x6a: {  	_ =	shalt  }
0x6b: {  	_ =	shalt  }
0x6c: {  	_ =	shalt  }
0x6d: {  	_ =	shalt  }
0x6e: {  	_ =	shalt  }
0x6f: {  	_ =	shalt  }
0x70: {  	_ =	shalt  }
0x71: {  	_ =	shalt  }
0x72: {  	_ =	shalt  }
0x73: {  	_ =	shalt  }
0x74: {  	_ =	shalt  }
0x75: {  	_ =	shalt  }
0x76: {  	_ =	shalt  }
0x77: {  	_ =	shalt  }
0x78: {  	_ =	shalt  }
0x79: {  	_ =	shalt  }
0x7a: {  	_ =	shalt  }
0x7b: {  	_ =	shalt  }
0x7c: {  	_ =	shalt  }
0x7d: {  	_ =	shalt  }
0x7e: {  	_ =	shalt  }
0x7f: {  	_ =	shalt  }
0x80: {  	_ =	shalt  }
0x81: {  	_ =	shalt  }
0x82: {  	_ =	shalt  }
0x83: {  	_ =	shalt  }
0x84: {  	_ =	shalt  }
0x85: {  	_ =	shalt  }
0x86: {  	_ =	shalt  }
0x87: {  	_ =	shalt  }
.Lfunc_end0:
.L_simem_size_0:
called_computation.2_lowered:
.L_overlay_start_0:
0x88: {  	s2 =	sld [smem:$0x3FD9]  }
0x89: {  	s3 =	sld [smem:$0x3FFE];
	_ =	sdelay $0x1  }
0x8a: {  	s1 =	srdreg.scid  }
0x8b: {  	s0 =	sand.u32 $0x1, s1  }
0x8c: {  	s16 =	sshll.u32 s0, $0xA;
	s2 =	sadd.s32 s3, s2  }
0x8d: {  	s2 =	sadd.s32 s2, s16  }
0x8e: {  	[smem:$0x3FB6] =	sst s2  }
0x8f: {  	_ = 	snop  }
0x90: {  	(tm) =	ssettm $0x1  }
0x91: {  	s17 =	sld [smem:$0x3FFB];
	_ =	sdelay $0x3  }
0x92: {  	_ =	strace s17  }
0x93: {  	s2 =	sld [smem:$0x3FFC];
	_ =	sdelay $0x3  }
0x94: {  	_ =	strace s2  }
0x95: {  	s2 =	sld [smem:$0x3FFD];
	_ =	sdelay $0x3  }
0x96: {  	_ =	strace s2  }
0x97: {  	_ =	strace $0x8FFFFFFF  }
0x98: {  	s18 =	sld [smem:$0x3FDB];
	_ =	sdelay $0x1  }
0x99: {  	s19 =	simm.s32 $_scs_section_size  }
0x9a: {  	s4 =	simm.s32 $_size__tile_overlayer_lowered;
	s5 =	simm.s32 $_tile_overlayer_lowered  }
0x9b: {  	s22 =	simm.s32 $0x1BFF;
	s21 =	sshll.u32 s5, $0x1;
	s2 =	sadd.s32 s19, s18  }
0x9c: {  	s6 =	simm.s32 $0x0;
	s20 =	sshll.u32 s4, $0x1;
	s4 =	sadd.s32 s21, s2  }
0x9d: {  	[timem:s6], [sflag:s22] =	dma.local [hbm:s4], s20  }
0x9e: {  	_ =	swait.ge [sflag:s22], s20  }
0x9f: {  	s3 =	ssub.s32 $0x0, s20;
	[sflag:s22] =	ssyncset.done $0x0  }
0xa0: {  	[sflag:s22] =	ssyncadd.s32 s3;
	_ =	sdelay $0x1  }
0xa1: {  	s23 =	simm.s32 $0x1B8B  }
0xa2: {  	_ =	swait.ge [sflag:s23], $0x1  }
0xa3: {  	[sflag:s23] =	ssyncset.done $0x0  }
0xa4: {  	s25 =	simm.s32 $0x1B8E;
	s24 =	sld [smem:$0x3FFE];
	[sflag:s23] =	ssyncadd.s32 $0xFFFFFFFF  }
0xa5: {  	s26 =	simm.s32 $execute0_lowered;
	[smem:$0x3FD2] =	sst s25  }
0xa6: {  	s4 =	sshll.u32 s26, $0x1;
	_ =	strace $0x8000004C;
	[dreg:$0x1] =	wrdreg $0xFFFFFFFF  }
0xa7: {  	s28 =	simm.s32 $_size_execute0_lowered;
	s2 =	sadd.s32 s2, s4;
	[dreg:$0x0] =	wrdreg $0x0  }
0xa8: {  	s4 =	sshll.u32 s28, $0x1;
	[dreg:$0x2] =	wrdreg s2  }
0xa9: {  	[dreg:$0x3] =	wrdreg s4  }
0xaa: {  	[dreg:$0x4] =	wrdreg $0xC0  }
0xab: {  	_ =	task [dreg:s6], $0x5FFFF  }
0xac: {  	[dreg:$0x1] =	wrdreg $0xFFFFFFFF  }
0xad: {  	[dreg:$0x0] =	wrdreg $0x60  }
0xae: {  	[dreg:$0x2] =	wrdreg s24  }
0xaf: {  	[dreg:$0x3] =	wrdreg $0x90100  }
0xb0: {  	[dreg:$0x4] =	wrdreg $0x9  }
0xb1: {  	_ =	task.clear_ibuf [dreg:s6], $0x5FFFF;
	_ =	strace $0x9000004C  }
0xb2: {  	s29 =	simm.s32 $0x9;
	_ =	strace $0x8000004E  }
0xb3: {  	_ =	swait.ge [sflag:s29], $0x1  }
0xb4: {  	[sflag:s29] =	ssyncadd.s32 $0xFFFFFFFF  }
0xb5: {  	_ =	strace $0x9000004E  }
0xb6: {  	_ =	sfence  }
0xb7: {  	s30 =	sld [smem:$0x0];
	_ =	sdelay $0x2  }
0xb8: {  	s31 =	sshll.u32 s1, $0xD;
	s1 =	sshrl.u32 s1, $0x2  }
0xb9: {  	s3 =	sand.u32 $0x4000, s31;
	s1 =	sadd.s32 s1, s30  }
0xba: {  	s0 =	sor.u32 s3, s0;
	s1 =	sshll.u32 s1, $0x11  }
0xbb: {  	s0 =	sor.u32 s1, s0  }
0xbc: {  	s0 =	sadd.s32 $0x8F2B, s0  }
0xbd: {  	[sflag:s0] =	ssyncadd.remote.s32 $0x1  }
0xbe: {  	_ =	sfence.sel $0xFFFF  }
0xbf: {  	[dreg:$0x0] =	wrdreg $0xFFFFFFFF;
	(pc) =	sbr.abs _section_cstart, $3  }
0xc0: {  	[dreg:$0x1] =	wrdreg $0xFFFFFFFF  }
0xc1: {  	_ =	task.clear_ibuf [dreg:s6], $0x2FFFF;
	_ =	strace $0x9FFFFFFF  }
0xc2: {  	(tm) =	ssettm $0x7FFFFFFF  }
0xc3: {  	_ =	shalt  }
tec
execute0_lowered:
.L_overlay_start_1:
0x0: {  	(tag) =	ssettag $0x1  }
0x1: {  	s7 =	rddreg [dreg:$0x0]  }
0x2: {  	s0 =	srdreg.scid;
	s2 =	rddreg [dreg:$0x1]  }
0x3: {  	s3 =	simm.s32 $0x0;
	s15 =	simm.s32 $0x9000;
	s18 =	simm.s32 $0x80  }
0x4: {  	s19 =	simm.s32 $0x5000;
	s20 =	simm.s32 $0x7000;
	s8 =	sand.u32 $0x1, s0  }
0x5: {  	s21 =	simm.s32 $0x1;
	s0 =	stileid.u32;
	s4 =	smul.u32 $0x28000, s8  }
0x6: {  	s22 =	simm.s32 $0x2;
	[smem:$0x7FF] =	sst s3;
	s5 =	smul.u32 $0x2800, s0  }
0x7: {  	s23 =	simm.s32 $0x0;
	s10 =	smul.u32 $0xF000, s0;
	_ =	strace $0x8000004D  }
0x8: {  	s9 =	smul.u32 $0xF0000, s8;
	s12 =	sshll.u32 s0, $0x1;
	s13 =	ssub.s32 $0x2, s8  }
0x9: {  	s8 =	sshll.u32 s8, $0x5;
	s16 =	sshll.u32 s0, $0x6;
	s12 =	sadd.s32 s12, s7  }
0xa: {  	s30 =	sshrl.u32 s13, $0x1;
	s16 =	sor.u32 $0x1C03, s16;
	s4 =	sadd.s32 s5, s4  }
0xb: {  	s5 =	sadd.s32 $0x15AA00, s7;
	s9 =	sadd.s32 s10, s9;
	s13 =	ssub.s32 s13, s30  }
0xc: {  	s31 =	sadd.s32 s8, s12;
	s17 =	sadd.s32 s10, s2;
	s6 =	sshrl.u32 s4, $0x3  }
.Ltmp0:
0xd: {  	s4 =	sadd.s32 $0x1FA00, s7;
	s9 =	sshrl.u32 s9, $0x3;
	(pc) =	sbr.rel .LBB2_1-.Ltmp0, $4  }
0xe: {  	s12 =	smax.u32 s13, $0x1;
	s13 =	simm.s32 $0x3;
	s17 =	sshrl.u32 s17, $0x3  }
0xf: {  	s11 =	sadd.s32 s6, s7;
	s6 =	sadd.s32 $0x5C00, s7;
	s14 =	sadd.s32 s9, s7  }
0x10: {  	s9 =	sadd.s32 $0x1F800, s31;
	s7 =	sadd.s32 $0xB800, s11;
	s8 =	sadd.s32 $0x15800, s11  }
0x11: {  	s10 =	sadd.s32 $0x5BA00, s14;
	s11 =	sadd.s32 $0x97A00, s14;
	s14 =	simm.s32 $0x2800  }
.LBB2_9:
0x12: {  	s26 =	simm.s32 $0x0  }
.LBB2_12:
0x13: {  	s1 =	sadd.s32 $0xFFFFFF80, s28;
	[sflag:s13] =	ssyncadd.s32 @p0 $0xFFFFE000  }
0x14: {  	[tilespmem:s20], [sflag:$0x2] =	stream.indirect.gather [hbm4b:s5+s18], $0x40, s1, s18, $0xb8;
	[tilespmem:$0x18010] =	vst v63  }
0x15: {  	_ =	swait.ge [sflag:s21], $0x2000  }
0x16: {  	[sflag:s21] =	ssyncset.done $0x0  }
0x17: {  	[sflag:s21] =	ssyncadd.s32 $0xFFFFE000  }
0x18: {  	[spmem:s2] =	stream.indirect.scatter.add.f32 [tilespmem:s19], [sflag:$0x3], $0x40, s29, s18, $0xb8;
	[tilespmem:$0x18010] =	vst v63  }
0x19: {  	_ =	swait.ge [sflag:s13], $0x2000  }
0x1a: {  	p0 =	sge.s32 s26, s24;
	[sflag:s13] =	ssyncset.done $0x0  }
0x1b: {  	s1 =	simm.s32 @!p0 $0x80;
	s24 =	simm.s32 @!p0 $0x5000;
	[sflag:s13] =	ssyncadd.s32 $0xFFFFE000  }
0x1c: {  	[tilespmem:s24], [sflag:$0x1] =	stream.indirect.gather @!p0 [hbm4b:s5+s1], $0x40, s28, s1, $0xb8;
	[tilespmem:$0x18010] =	vst v63  }
0x1d: {  	_ =	swait.ge [sflag:s22], $0x2000  }
0x1e: {  	[sflag:s22] =	ssyncset.done $0x0  }
0x1f: {  	s31 =	sadd.s32 $0x80, s29;
	[sflag:s22] =	ssyncadd.s32 $0xFFFFE000  }
0x20: {  	[spmem:s2] =	stream.indirect.scatter.add.f32 [tilespmem:s20], [sflag:$0x3], $0x40, s31, s18, $0xb8;
	[tilespmem:$0x18010] =	vst v63  }
0x21: {  	_ =	swait.ge [sflag:s13], $0x2000  }
0x22: {  	[sflag:s13] =	ssyncset.done $0x0  }
0x23: {  	[sflag:s13] =	ssyncadd.s32 $0xFFFFE000  }
.LBB2_13:
0x24: {  	[bflag:$0x0] =	sbarrier.arrive $0xFFFF;
	s23 =	sadd.s32 $0x1, s23  }
0x25: {  	[hbm:s11], [sflag:s16] =	dma.local [spmem:s17], $0x1E00  }
0x26: {  	p0 =	sne.s32 s23, s12  }
.Ltmp1:
0x27: {  	_ =	swait.ge [sflag:s13], $0x1E00;
	(pc) =	sbr.rel @!p0 .LBB2_14-.Ltmp1, $3  }
0x28: {  	[sflag:s13] =	ssyncset.done $0x0  }
0x29: {  	[sflag:s13] =	ssyncadd.s32 $0xFFFFE200  }
0x2a: {  	[bflag:$0x0] =	sbarrier.arrive $0xFFFF;
	_ =	sdelay $0x1  }
.LBB2_1:
0x2b: {  	[tilespmem:s3], [sflag:$0x3] =	stream.linear.gather [hbm4b:s7+s3], $0x2800, $0x38;
	[tilespmem:$0x18010] =	vst v63  }
0x2c: {  	_ =	swait.ge [sflag:s13], $0x2800  }
0x2d: {  	[sflag:s13] =	ssyncset.done $0x0  }
0x2e: {  	[sflag:s13] =	ssyncadd.s32 $0xFFFFD800  }
0x2f: {  	[tilespmem:s14], [sflag:$0x3] =	stream.linear.gather [hbm4b:s8+s3], $0x2800, $0x38;
	[tilespmem:$0x18010] =	vst v63  }
0x30: {  	_ =	swait.ge [sflag:s13], $0x2800  }
0x31: {  	[sflag:s13] =	ssyncset.done $0x0  }
0x32: {  	[sflag:s13] =	ssyncadd.s32 $0xFFFFD800  }
0x33: {  	[tilespmem:s15], [sflag:$0x3] =	stream.linear.gather [hbm4b:s9+s3], $0x10, $0x38;
	[tilespmem:$0x18010] =	vst v63  }
0x34: {  	_ =	swait.ge [sflag:s13], $0x10  }
0x35: {  	[sflag:s13] =	ssyncset.done $0x0  }
0x36: {  	[sflag:s13] =	ssyncadd.s32 $0xFFFFFFF0  }
0x37: {  	v0 =	vld [tilespmem:$0x9000];
	_ =	sdelay $0x4  }
0x38: {  	v0 =	vxor.u32 $0x80000000, v0  }
0x39: {  	(xrf0) =	vmax.scan.msk.u32 $0xffff, v0;
	_ =	sdelay $0x5  }
0x3a: {  	v0, _, _ =	vpop (xrf0)  }
0x3b: {  	(v2sf) =	vpush v0, $0xF;
	_ =	sdelay $0xe  }
0x3c: {  	s24 =	spop (v2sf)  }
0x3d: {  	[spmem:s17], [sflag:s16] =	dma.local [hbm:s6], $0x1E00  }
0x3e: {  	s24 =	sadd.s32 $0x800000FF, s24  }
0x3f: {  	s25 =	sshra.s32 s24, $0x8  }
0x40: {  	p0 =	slt.s32 s25, $0x1  }
.Ltmp2:
0x41: {  	_ =	swait.ge [sflag:s13], $0x1E00;
	(pc) =	sbr.rel @p0 .LBB2_7-.Ltmp2, $4  }
0x42: {  	[sflag:s13] =	ssyncset.done $0x0  }
0x43: {  	[sflag:s13] =	ssyncadd.s32 $0xFFFFE200  }
0x44: {  	[bflag:$0x0] =	sbarrier.arrive $0xFFFF  }
0x45: {  	s24 =	sadd.s32 $0xFFFFFFFF, s25  }
0x46: {  	p2 =	sne.s32 s25, $0x1  }
.Ltmp3:
0x47: {  	_ = 	snop;
	(pc) =	sbr.rel @!p2 .LBB2_3-.Ltmp3, $4  }
0x48: {  	_ = 	snop  }
0x49: {  	[tilespmem:s19], [sflag:$0x1] =	stream.indirect.gather [hbm4b:s4+s18], $0x40, s14, s18, $0xb8;
	[tilespmem:$0x18010] =	vst v63  }
0x4a: {  	s29 =	simm.s32 $0x0  }
0x4b: {  	s28 =	simm.s32 $0x2900;
	s26 =	simm.s32 $0x1;
	p1 =	por $0x0, $0x0  }
0x4c: {  	s30 =	simm.s32 $0x2880  }
0x4d: {  	[tilespmem:s20], [sflag:$0x2] =	stream.indirect.gather [hbm4b:s4+s18], $0x40, s30, s18, $0xb8;
	[tilespmem:$0x18010] =	vst v63  }
0x4e: {  	_ =	swait.ge [sflag:s21], $0x2000  }
0x4f: {  	[sflag:s21] =	ssyncset.done $0x0  }
0x50: {  	[sflag:s21] =	ssyncadd.s32 $0xFFFFE000  }
0x51: {  	[spmem:s2] =	stream.indirect.scatter.add.f32 [tilespmem:s19], [sflag:$0x3], $0x40, s29, s18, $0xb8;
	[tilespmem:$0x18010] =	vst v63  }
0x52: {  	_ =	swait.ge [sflag:s13], $0x2000  }
0x53: {  	p1 =	sle.s32 s24, $0x0;
	[sflag:s13] =	ssyncset.done $0x0  }
0x54: {  	s30 =	simm.s32 @!p1 $0x5000;
	s29 =	simm.s32 @!p1 $0x80;
	[sflag:s13] =	ssyncadd.s32 $0xFFFFE000  }
0x55: {  	[tilespmem:s30], [sflag:$0x1] =	stream.indirect.gather @!p1 [hbm4b:s4+s29], $0x40, s28, s29, $0xb8;
	[tilespmem:$0x18010] =	vst v63  }
0x56: {  	p2 =	sne.s32 s25, $0x2;
	_ =	swait.ge [sflag:s22], $0x2000  }
.Ltmp4:
0x57: {  	[sflag:s22] =	ssyncset.done $0x0;
	(pc) =	sbr.rel @!p2 .LBB2_6-.Ltmp4, $4  }
0x58: {  	s28 =	simm.s32 $0x80;
	[sflag:s22] =	ssyncadd.s32 $0xFFFFE000  }
0x59: {  	[spmem:s2] =	stream.indirect.scatter.add.f32 [tilespmem:s20], [sflag:$0x3], $0x40, s28, s18, $0xb8;
	[tilespmem:$0x18010] =	vst v63  }
0x5a: {  	s30 =	simm.s32 $0x2;
	s29 =	simm.s32 $0x100;
	_ =	swait.ge [sflag:s13], $0x2000  }
0x5b: {  	p1 =	por $0x1, $0x1;
	s28 =	simm.s32 $0x2A00;
	[sflag:s13] =	ssyncset.done $0x0  }
.LBB2_5:
0x5c: {  	s31 =	sadd.s32 $0xFFFFFF80, s28  }
0x5d: {  	[sflag:s13] =	ssyncadd.s32 $0xFFFFE000;
	s1 =	smov.u32 s30;
	s30 =	sadd.s32 $0x1, s30  }
0x5e: {  	[tilespmem:s20], [sflag:$0x2] =	stream.indirect.gather [hbm4b:s4+s18], $0x40, s31, s18, $0xb8;
	[tilespmem:$0x18010] =	vst v63  }
0x5f: {  	p2 =	sne.s32 s25, s30;
	_ =	swait.ge [sflag:s21], $0x2000  }
0x60: {  	[sflag:s21] =	ssyncset.done $0x0  }
0x61: {  	[sflag:s21] =	ssyncadd.s32 $0xFFFFE000  }
0x62: {  	[spmem:s2] =	stream.indirect.scatter.add.f32 [tilespmem:s19], [sflag:$0x3], $0x40, s29, s18, $0xb8;
	[tilespmem:$0x18010] =	vst v63  }
0x63: {  	_ =	swait.ge [sflag:s13], $0x2000  }
0x64: {  	p3 =	sge.s32 s26, s24;
	s26 =	smov.u32 s1;
	[sflag:s13] =	ssyncset.done $0x0  }
0x65: {  	s1 =	simm.s32 @!p3 $0x80;
	s31 =	simm.s32 @!p3 $0x5000;
	[sflag:s13] =	ssyncadd.s32 $0xFFFFE000  }
0x66: {  	[tilespmem:s31], [sflag:$0x1] =	stream.indirect.gather @!p3 [hbm4b:s4+s1], $0x40, s28, s1, $0xb8;
	[tilespmem:$0x18010] =	vst v63  }
0x67: {  	_ =	swait.ge [sflag:s22], $0x2000  }
.Ltmp5:
0x68: {  	[sflag:s22] =	ssyncset.done $0x0;
	(pc) =	sbr.rel @p2 .LBB2_5-.Ltmp5, $4  }
0x69: {  	s1 =	sadd.s32 $0x80, s29;
	[sflag:s22] =	ssyncadd.s32 $0xFFFFE000  }
0x6a: {  	[spmem:s2] =	stream.indirect.scatter.add.f32 [tilespmem:s20], [sflag:$0x3], $0x40, s1, s18, $0xb8;
	[tilespmem:$0x18010] =	vst v63  }
0x6b: {  	_ =	swait.ge [sflag:s13], $0x2000  }
0x6c: {  	s28 =	sadd.s32 $0x100, s28;
	s29 =	sadd.s32 $0x100, s29;
	[sflag:s13] =	ssyncset.done $0x0  }
.LBB2_6:
0x6d: {  	s1 =	sadd.s32 $0xFFFFFF80, s28;
	[sflag:s13] =	ssyncadd.s32 @p1 $0xFFFFE000  }
0x6e: {  	[tilespmem:s20], [sflag:$0x2] =	stream.indirect.gather [hbm4b:s4+s18], $0x40, s1, s18, $0xb8;
	[tilespmem:$0x18010] =	vst v63  }
0x6f: {  	_ =	swait.ge [sflag:s21], $0x2000  }
0x70: {  	[sflag:s21] =	ssyncset.done $0x0  }
0x71: {  	[sflag:s21] =	ssyncadd.s32 $0xFFFFE000  }
0x72: {  	[spmem:s2] =	stream.indirect.scatter.add.f32 [tilespmem:s19], [sflag:$0x3], $0x40, s29, s18, $0xb8;
	[tilespmem:$0x18010] =	vst v63  }
0x73: {  	_ =	swait.ge [sflag:s13], $0x2000  }
0x74: {  	p1 =	sge.s32 s26, s24;
	[sflag:s13] =	ssyncset.done $0x0  }
0x75: {  	s1 =	simm.s32 @!p1 $0x80;
	s26 =	simm.s32 @!p1 $0x5000;
	[sflag:s13] =	ssyncadd.s32 $0xFFFFE000  }
0x76: {  	[tilespmem:s26], [sflag:$0x1] =	stream.indirect.gather @!p1 [hbm4b:s4+s1], $0x40, s28, s1, $0xb8;
	[tilespmem:$0x18010] =	vst v63  }
0x77: {  	_ =	swait.ge [sflag:s22], $0x2000  }
0x78: {  	[sflag:s22] =	ssyncset.done $0x0  }
0x79: {  	s31 =	sadd.s32 $0x80, s29;
	[sflag:s22] =	ssyncadd.s32 $0xFFFFE000  }
0x7a: {  	[spmem:s2] =	stream.indirect.scatter.add.f32 [tilespmem:s20], [sflag:$0x3], $0x40, s31, s18, $0xb8;
	[tilespmem:$0x18010] =	vst v63  }
0x7b: {  	_ =	swait.ge [sflag:s13], $0x2000  }
0x7c: {  	[sflag:s13] =	ssyncset.done $0x0  }
0x7d: {  	[sflag:s13] =	ssyncadd.s32 $0xFFFFE000  }
.LBB2_7:
0x7e: {  	[bflag:$0x0] =	sbarrier.arrive $0xFFFF  }
0x7f: {  	[hbm:s10], [sflag:s16] =	dma.local [spmem:s17], $0x1E00  }
0x80: {  	_ =	swait.ge [sflag:s13], $0x1E00  }
0x81: {  	[sflag:s13] =	ssyncset.done $0x0  }
0x82: {  	[sflag:s13] =	ssyncadd.s32 $0xFFFFE200  }
0x83: {  	[bflag:$0x0] =	sbarrier.arrive $0xFFFF  }
0x84: {  	[spmem:s17], [sflag:s16] =	dma.local [hbm:s6], $0x1E00  }
.Ltmp6:
0x85: {  	_ =	swait.ge [sflag:s13], $0x1E00;
	(pc) =	sbr.rel @p0 .LBB2_13-.Ltmp6, $3  }
0x86: {  	[sflag:s13] =	ssyncset.done $0x0  }
0x87: {  	[sflag:s13] =	ssyncadd.s32 $0xFFFFE200  }
0x88: {  	[bflag:$0x0] =	sbarrier.arrive $0xFFFF;
	_ =	sdelay $0x1  }
0x89: {  	p1 =	sne.s32 s25, $0x1  }
.Ltmp7:
0x8a: {  	_ = 	snop;
	(pc) =	sbr.rel @!p1 .LBB2_9-.Ltmp7, $4  }
0x8b: {  	_ = 	snop  }
0x8c: {  	[tilespmem:s19], [sflag:$0x1] =	stream.indirect.gather [hbm4b:s5+s18], $0x40, s14, s18, $0xb8;
	[tilespmem:$0x18010] =	vst v63  }
0x8d: {  	s29 =	simm.s32 $0x0  }
0x8e: {  	s28 =	simm.s32 $0x2900;
	s26 =	simm.s32 $0x1;
	p0 =	por $0x0, $0x0  }
0x8f: {  	s1 =	simm.s32 $0x2880  }
0x90: {  	[tilespmem:s20], [sflag:$0x2] =	stream.indirect.gather [hbm4b:s5+s18], $0x40, s1, s18, $0xb8;
	[tilespmem:$0x18010] =	vst v63  }
0x91: {  	_ =	swait.ge [sflag:s21], $0x2000  }
0x92: {  	[sflag:s21] =	ssyncset.done $0x0  }
0x93: {  	[sflag:s21] =	ssyncadd.s32 $0xFFFFE000  }
0x94: {  	[spmem:s2] =	stream.indirect.scatter.add.f32 [tilespmem:s19], [sflag:$0x3], $0x40, s29, s18, $0xb8;
	[tilespmem:$0x18010] =	vst v63  }
0x95: {  	_ =	swait.ge [sflag:s13], $0x2000  }
0x96: {  	p0 =	sle.s32 s24, $0x0;
	[sflag:s13] =	ssyncset.done $0x0  }
0x97: {  	s1 =	simm.s32 @!p0 $0x80;
	s29 =	simm.s32 @!p0 $0x5000;
	[sflag:s13] =	ssyncadd.s32 $0xFFFFE000  }
0x98: {  	[tilespmem:s29], [sflag:$0x1] =	stream.indirect.gather @!p0 [hbm4b:s5+s1], $0x40, s28, s1, $0xb8;
	[tilespmem:$0x18010] =	vst v63  }
0x99: {  	p1 =	sne.s32 s25, $0x2;
	_ =	swait.ge [sflag:s22], $0x2000  }
.Ltmp8:
0x9a: {  	[sflag:s22] =	ssyncset.done $0x0;
	(pc) =	sbr.rel @!p1 .LBB2_12-.Ltmp8, $4  }
0x9b: {  	s31 =	simm.s32 $0x80;
	[sflag:s22] =	ssyncadd.s32 $0xFFFFE000  }
0x9c: {  	[spmem:s2] =	stream.indirect.scatter.add.f32 [tilespmem:s20], [sflag:$0x3], $0x40, s31, s18, $0xb8;
	[tilespmem:$0x18010] =	vst v63  }
0x9d: {  	s30 =	simm.s32 $0x2;
	s28 =	simm.s32 $0x2A00;
	_ =	swait.ge [sflag:s13], $0x2000  }
0x9e: {  	s29 =	simm.s32 $0x100;
	p0 =	por $0x1, $0x1;
	[sflag:s13] =	ssyncset.done $0x0  }
.LBB2_11:
0x9f: {  	s1 =	sadd.s32 $0xFFFFFF80, s28  }
0xa0: {  	[sflag:s13] =	ssyncadd.s32 $0xFFFFE000;
	s31 =	smov.u32 s30;
	s30 =	sadd.s32 $0x1, s30  }
0xa1: {  	[tilespmem:s20], [sflag:$0x2] =	stream.indirect.gather [hbm4b:s5+s18], $0x40, s1, s18, $0xb8;
	[tilespmem:$0x18010] =	vst v63  }
0xa2: {  	p1 =	sne.s32 s25, s30;
	_ =	swait.ge [sflag:s21], $0x2000  }
0xa3: {  	[sflag:s21] =	ssyncset.done $0x0  }
0xa4: {  	[sflag:s21] =	ssyncadd.s32 $0xFFFFE000  }
0xa5: {  	[spmem:s2] =	stream.indirect.scatter.add.f32 [tilespmem:s19], [sflag:$0x3], $0x40, s29, s18, $0xb8;
	[tilespmem:$0x18010] =	vst v63  }
0xa6: {  	_ =	swait.ge [sflag:s13], $0x2000  }
0xa7: {  	p2 =	sge.s32 s26, s24;
	s26 =	smov.u32 s31;
	[sflag:s13] =	ssyncset.done $0x0  }
0xa8: {  	s1 =	simm.s32 @!p2 $0x80;
	s31 =	simm.s32 @!p2 $0x5000;
	[sflag:s13] =	ssyncadd.s32 $0xFFFFE000  }
0xa9: {  	[tilespmem:s31], [sflag:$0x1] =	stream.indirect.gather @!p2 [hbm4b:s5+s1], $0x40, s28, s1, $0xb8;
	[tilespmem:$0x18010] =	vst v63  }
0xaa: {  	_ =	swait.ge [sflag:s22], $0x2000  }
.Ltmp9:
0xab: {  	[sflag:s22] =	ssyncset.done $0x0;
	(pc) =	sbr.rel @p1 .LBB2_11-.Ltmp9, $4  }
0xac: {  	s1 =	sadd.s32 $0x80, s29;
	[sflag:s22] =	ssyncadd.s32 $0xFFFFE000  }
0xad: {  	[spmem:s2] =	stream.indirect.scatter.add.f32 [tilespmem:s20], [sflag:$0x3], $0x40, s1, s18, $0xb8;
	[tilespmem:$0x18010] =	vst v63  }
0xae: {  	_ =	swait.ge [sflag:s13], $0x2000  }
0xaf: {  	s28 =	sadd.s32 $0x100, s28;
	s29 =	sadd.s32 $0x100, s29;
	[sflag:s13] =	ssyncset.done $0x0  }
.Ltmp10:
0xb0: {  	_ = 	snop;
	(pc) =	sbr.rel .LBB2_12-.Ltmp10, $1  }
0xb1: {  	_ =	sdelay $0x3  }
.LBB2_3:
.Ltmp11:
0xb2: {  	(pc) =	sbr.rel .LBB2_6-.Ltmp11, $2  }
0xb3: {  	_ =	sdelay $0x2  }
0xb4: {  	s26 =	simm.s32 $0x0  }
.LBB2_14:
0xb5: {  	_ =	sfence.sel $0x180000  }
0xb6: {  	[bflag:$0x0] =	sbarrier.arrive $0xFFFF  }
0xb7: {  	_ =	strace $0x9000004D  }
0xb8: {  	[bflag:$0x2] =	sbarrier.arrive $0xFFFF  }
0xb9: {  	p0 =	sne.s32 s0, $0x0;
	s0 =	rddreg [dreg:$0x2]  }
0xba: {  	s0 =	sadd.s32 @!p0 $0x100000, s0  }
0xbb: {  	[sflag:s0] =	ssyncadd.tile.s32 @!p0 $0x1;
	_ =	shalt  }
.Lfunc_end2:
_tile_overlayer_lowered:
.L_overlay_start_2:
0xbc: {  	(tag) =	ssettag $0x2  }
0xbd: {  	s0 =	rddreg [dreg:$0x0];
	s2 =	stileid.u32  }
0xbe: {  	s1 =	rddreg [dreg:$0x1];
	p0 =	sne.s32 s2, $0x0  }
0xbf: {  	s3 =	rddreg [dreg:$0x2];
	[bflag:$0x3] =	sbarrier.arrive $0xFFFF;
	s2 =	simm.s32 @!p0 $0x1C03  }
0xc0: {  	[timem:s3], [sflag:s2] =	dma.local @!p0 [hbm:s0], s1  }
0xc1: {  	s0 =	simm.s32 @!p0 $0x3  }
0xc2: {  	_ =	swait.ge @!p0 [sflag:s0], s1  }
0xc3: {  	s1 =	ssub.s32 @!p0 $0x0, s1;
	[sflag:s0] =	ssyncset.done @!p0 $0x0  }
0xc4: {  	[sflag:s0] =	ssyncadd.s32 @!p0 s1  }
0xc5: {  	[bflag:$0x3] =	sbarrier.arrive $0xFFFF  }
0xc6: {  	_ =	shalt  }

// kernel: _run.8.cloned.1.call-start
scs
__scs_entry_jumppad:
0x0: {  	(pc) =	sbr.rel $0x88, $3  }
0x1: {  	(tag) =	ssettag $0x0;
	lr =	simm.s32 $0x1  }
0x2: {  	[smem:$0x3F8F] =	sst lr;
	_ =	strace $0xD0000000  }
0x3: {  	_ = 	snop  }
0x4: {  	_ = 	snop  }
0x5: {  	_ = 	snop  }
0x6: {  	_ = 	snop  }
0x7: {  	_ = 	snop  }
__scs_overlays_trampoline_lowered:
0x8: {  	[smem:$0x3F9E] =	sst s0  }
0x9: {  	[smem:$0x3F9F] =	sst s1  }
0xa: {  	[smem:$0x3FA0] =	sst s2  }
0xb: {  	[smem:$0x3FA1] =	sst s3  }
0xc: {  	[smem:$0x3FA2] =	sst s4  }
0xd: {  	[smem:$0x3FA3] =	sst s5  }
0xe: {  	[smem:$0x3FA4] =	sst s6  }
0xf: {  	[smem:$0x3FA5] =	sst s7  }
0x10: {  	[smem:$0x3FA6] =	sst s8  }
0x11: {  	[smem:$0x3FA7] =	sst s9;
	s0 =	simm.s32 @!p0 $0x0  }
0x12: {  	s1 =	sld [smem:$0x3F8D];
	s0 =	simm.s32 @p0 $0x1  }
0x13: {  	[smem:$0x3FA8] =	sst s0;
	s0 =	simm.s32 @!p1 $0x0  }
0x14: {  	s2 =	sld [smem:$0x3F8C];
	s0 =	simm.s32 @p1 $0x1  }
0x15: {  	[smem:$0x3FA9] =	sst s0;
	s0 =	simm.s32 @!p2 $0x0  }
0x16: {  	s3 =	sld [smem:$0x3FDB];
	s0 =	simm.s32 @p2 $0x1  }
0x17: {  	s4 =	simm.s32 $0x1BF5;
	[smem:$0x3FAB] =	sst s0  }
0x18: {  	s0 =	sld [smem:$0x3F8E];
	_ =	swait.ge [sflag:s4], $0x0  }
0x19: {  	s7 =	sld [smem:$0x3F8F]  }
0x1a: {  	s8 =	sadd.s32 $0xFFFFE003, lr  }
0x1b: {  	s9 =	sadd.s32 $0xFFFFFEF7, lr;
	s5 =	simm.s32 $0xFFFFFFFF;
	p2 =	slt.u32 s8, $0xFFFFF086  }
0x1c: {  	p1 =	slt.u32 s9, $0xF7A;
	s5 =	simm.s32 @!p2 $0x0  }
0x1d: {  	s5 =	simm.s32 @p1 $0x1;
	p0 =	seq.s32 s7, s2  }
0x1e: {  	s7 =	smul.u32 @!p0 $0xF7A, s2;
	p2 =	seq.s32 @!p0 s5, $0x0  }
0x1f: {  	s9 =	smul.u32 $0xF7A, s1;
	s8 =	simm.s32 @!p0 $0x1BF5;
	p2 =	por !p2, p0  }
0x20: {  	[sflag:s8] =	ssyncset.s32 @!p0 $0xFFFFF086;
	s6 =	sadd.s32 @!p0 s3, s7;
	s7 =	simm.s32 @!p0 $0x108  }
0x21: {  	s3 =	sadd.s32 s3, s9;
	s6 =	sadd.s32 @!p0 $0x88, s6;
	s7 =	simm.s32 @p2 $0x1082  }
0x22: {  	[simem:s7], [sflag:s8] =	dma.local @!p0 [hbm:s6], $0xF7A  }
0x23: {  	s9 =	sor.u32 $0xD0000000, s2;
	s6 =	simm.s32 $0x108;
	_ =	swait.ge @!p0 [sflag:s8], $0x0  }
0x24: {  	s3 =	sadd.s32 $0x88, s3;
	s6 =	simm.s32 @!p1 $0x1082;
	[sflag:s4] =	ssyncset.s32 $0xFFFFF086  }
0x25: {  	[simem:s6], [sflag:s4] =	dma.local [hbm:s3], $0xF7A  }
0x26: {  	[smem:$0x3F8F] =	sst s1;
	(tag) =	ssettag s2;
	_ =	strace s9  }
0x27: {  	s1 =	sld [smem:$0x3F9F]  }
0x28: {  	s2 =	sld [smem:$0x3FA0]  }
0x29: {  	s4 =	sld [smem:$0x3FA2]  }
0x2a: {  	p0 =	seq.s32 s5, $0x0;
	s5 =	sld [smem:$0x3FA3]  }
0x2b: {  	s6 =	sld [smem:$0x3FA4]  }
0x2c: {  	s7 =	sld [smem:$0x3FA5]  }
0x2d: {  	s3 =	simm.s32 $0x108;
	s8 =	sld [smem:$0x3FA6]  }
0x2e: {  	s3 =	simm.s32 @!p0 $0x1082;
	s9 =	sld [smem:$0x3FA7]  }
0x2f: {  	lr =	sadd.s32 s0, s3;
	s0 =	sld [smem:$0x3F9E]  }
0x30: {  	s3 =	sld [smem:$0x3FA1]  }
0x31: {  	[smem:$0x3FAA] =	sst s10  }
0x32: {  	s10 =	sld [smem:$0x3FA8];
	_ =	sdelay $0x3  }
0x33: {  	p0 =	seq.s32 s10, $0x1;
	s10 =	sld [smem:$0x3FAA];
	_ =	sdelay $0x3  }
0x34: {  	[smem:$0x3FAA] =	sst s10  }
0x35: {  	s10 =	sld [smem:$0x3FA9];
	_ =	sdelay $0x3  }
0x36: {  	p1 =	seq.s32 s10, $0x1;
	s10 =	sld [smem:$0x3FAA];
	_ =	sdelay $0x3  }
0x37: {  	[smem:$0x3FAA] =	sst s10  }
0x38: {  	s10 =	sld [smem:$0x3FAB]  }
0x39: {  	_ = 	snop;
	(pc) =	sbr.ind lr, $3  }
0x3a: {  	_ = 	snop  }
0x3b: {  	_ = 	snop  }
0x3c: {  	p2 =	seq.s32 s10, $0x1;
	s10 =	sld [smem:$0x3FAA]  }
0x3d: {  	_ =	shalt  }
0x3e: {  	_ =	shalt  }
0x3f: {  	_ =	shalt  }
0x40: {  	_ =	shalt  }
0x41: {  	_ =	shalt  }
0x42: {  	_ =	shalt  }
0x43: {  	_ =	shalt  }
0x44: {  	_ =	shalt  }
0x45: {  	_ =	shalt  }
0x46: {  	_ =	shalt  }
0x47: {  	_ =	shalt  }
0x48: {  	_ =	shalt  }
0x49: {  	_ =	shalt  }
0x4a: {  	_ =	shalt  }
0x4b: {  	_ =	shalt  }
0x4c: {  	_ =	shalt  }
0x4d: {  	_ =	shalt  }
0x4e: {  	_ =	shalt  }
0x4f: {  	_ =	shalt  }
0x50: {  	_ =	shalt  }
0x51: {  	_ =	shalt  }
0x52: {  	_ =	shalt  }
0x53: {  	_ =	shalt  }
0x54: {  	_ =	shalt  }
0x55: {  	_ =	shalt  }
0x56: {  	_ =	shalt  }
0x57: {  	_ =	shalt  }
0x58: {  	_ =	shalt  }
0x59: {  	_ =	shalt  }
0x5a: {  	_ =	shalt  }
0x5b: {  	_ =	shalt  }
0x5c: {  	_ =	shalt  }
0x5d: {  	_ =	shalt  }
0x5e: {  	_ =	shalt  }
0x5f: {  	_ =	shalt  }
0x60: {  	_ =	shalt  }
0x61: {  	_ =	shalt  }
0x62: {  	_ =	shalt  }
0x63: {  	_ =	shalt  }
0x64: {  	_ =	shalt  }
0x65: {  	_ =	shalt  }
0x66: {  	_ =	shalt  }
0x67: {  	_ =	shalt  }
0x68: {  	_ =	shalt  }
0x69: {  	_ =	shalt  }
0x6a: {  	_ =	shalt  }
0x6b: {  	_ =	shalt  }
0x6c: {  	_ =	shalt  }
0x6d: {  	_ =	shalt  }
0x6e: {  	_ =	shalt  }
0x6f: {  	_ =	shalt  }
0x70: {  	_ =	shalt  }
0x71: {  	_ =	shalt  }
0x72: {  	_ =	shalt  }
0x73: {  	_ =	shalt  }
0x74: {  	_ =	shalt  }
0x75: {  	_ =	shalt  }
0x76: {  	_ =	shalt  }
0x77: {  	_ =	shalt  }
0x78: {  	_ =	shalt  }
0x79: {  	_ =	shalt  }
0x7a: {  	_ =	shalt  }
0x7b: {  	_ =	shalt  }
0x7c: {  	_ =	shalt  }
0x7d: {  	_ =	shalt  }
0x7e: {  	_ =	shalt  }
0x7f: {  	_ =	shalt  }
0x80: {  	_ =	shalt  }
0x81: {  	_ =	shalt  }
0x82: {  	_ =	shalt  }
0x83: {  	_ =	shalt  }
0x84: {  	_ =	shalt  }
0x85: {  	_ =	shalt  }
0x86: {  	_ =	shalt  }
0x87: {  	_ =	shalt  }
.Lfunc_end0:
.L_simem_size_0:
called_computation_lowered:
.L_overlay_start_0:
0x88: {  	s2 =	sld [smem:$0x3FD9]  }
0x89: {  	s3 =	sld [smem:$0x3FFE];
	_ =	sdelay $0x1  }
0x8a: {  	s1 =	srdreg.scid  }
0x8b: {  	s0 =	sand.u32 $0x1, s1  }
0x8c: {  	s17 =	sshll.u32 s0, $0xA;
	s2 =	sadd.s32 s3, s2  }
0x8d: {  	s2 =	sadd.s32 s2, s17  }
0x8e: {  	[smem:$0x3FB6] =	sst s2  }
0x8f: {  	_ = 	snop  }
0x90: {  	s2 =	sld [smem:$0x3FD0];
	(tm) =	ssettm $0x1  }
0x91: {  	s18 =	sld [smem:$0x3FFB];
	_ =	sdelay $0x3  }
0x92: {  	_ =	strace s18  }
0x93: {  	s3 =	sld [smem:$0x3FFC];
	_ =	sdelay $0x3  }
0x94: {  	_ =	strace s3  }
0x95: {  	s3 =	sld [smem:$0x3FFD];
	_ =	sdelay $0x3  }
0x96: {  	_ =	strace s3  }
0x97: {  	_ =	strace $0x8FFFFFFF  }
0x98: {  	s19 =	sld [smem:$0x3FDB];
	_ =	sdelay $0x1  }
0x99: {  	s4 =	simm.s32 $_scs_section_size  }
0x9a: {  	s5 =	simm.s32 $_size__tile_overlayer_lowered;
	s6 =	simm.s32 $_tile_overlayer_lowered  }
0x9b: {  	s22 =	simm.s32 $0x1BFF;
	s21 =	sshll.u32 s6, $0x1;
	s3 =	sadd.s32 s4, s19  }
0x9c: {  	s7 =	simm.s32 $0x0;
	s20 =	sshll.u32 s5, $0x1;
	s5 =	sadd.s32 s21, s3  }
0x9d: {  	[timem:s7], [sflag:s22] =	dma.local [hbm:s5], s20  }
0x9e: {  	_ =	swait.ge [sflag:s22], s20  }
0x9f: {  	s4 =	ssub.s32 $0x0, s20;
	[sflag:s22] =	ssyncset.done $0x0  }
0xa0: {  	[sflag:s22] =	ssyncadd.s32 s4;
	_ =	sdelay $0x1  }
0xa1: {  	s23 =	simm.s32 $0x1B8B  }
0xa2: {  	_ =	swait.ge [sflag:s23], $0x1  }
0xa3: {  	[sflag:s23] =	ssyncset.done $0x0  }
0xa4: {  	s25 =	simm.s32 $0x1B8E;
	s24 =	sld [smem:$0x3FFE];
	[sflag:s23] =	ssyncadd.s32 $0xFFFFFFFF  }
0xa5: {  	s26 =	simm.s32 $execute0_lowered;
	[smem:$0x3FD2] =	sst s25  }
0xa6: {  	s5 =	sshll.u32 s26, $0x1;
	_ =	strace $0x80000046;
	[dreg:$0x1] =	wrdreg $0xFFFFFFFF  }
0xa7: {  	s28 =	simm.s32 $_size_execute0_lowered;
	s3 =	sadd.s32 s3, s5;
	[dreg:$0x0] =	wrdreg $0x0  }
0xa8: {  	s5 =	sshll.u32 s28, $0x1;
	[dreg:$0x2] =	wrdreg s3  }
0xa9: {  	[dreg:$0x3] =	wrdreg s5  }
0xaa: {  	[dreg:$0x4] =	wrdreg $0xC0  }
0xab: {  	_ =	task [dreg:s7], $0x5FFFF  }
0xac: {  	[dreg:$0x1] =	wrdreg $0xFFFFFFFF  }
0xad: {  	[dreg:$0x0] =	wrdreg $0x60  }
0xae: {  	[dreg:$0x2] =	wrdreg s2  }
0xaf: {  	[dreg:$0x3] =	wrdreg s24  }
0xb0: {  	[dreg:$0x4] =	wrdreg $0x9  }
0xb1: {  	_ =	task.clear_ibuf [dreg:s7], $0x5FFFF;
	_ =	strace $0x90000046  }
0xb2: {  	s29 =	simm.s32 $0x9;
	_ =	strace $0x80000048  }
0xb3: {  	_ =	swait.ge [sflag:s29], $0x1  }
0xb4: {  	[sflag:s29] =	ssyncadd.s32 $0xFFFFFFFF  }
0xb5: {  	_ =	strace $0x90000048  }
0xb6: {  	_ =	sfence  }
0xb7: {  	s30 =	sld [smem:$0x0];
	_ =	sdelay $0x2  }
0xb8: {  	s31 =	sshll.u32 s1, $0xD;
	s1 =	sshrl.u32 s1, $0x2  }
0xb9: {  	s3 =	sand.u32 $0x4000, s31;
	s1 =	sadd.s32 s1, s30  }
0xba: {  	s0 =	sor.u32 s3, s0;
	s1 =	sshll.u32 s1, $0x11  }
0xbb: {  	s0 =	sor.u32 s1, s0  }
0xbc: {  	s0 =	sadd.s32 $0x8F2B, s0  }
0xbd: {  	[sflag:s0] =	ssyncadd.remote.s32 $0x1  }
0xbe: {  	_ =	sfence.sel $0xFFFF  }
0xbf: {  	[dreg:$0x0] =	wrdreg $0xFFFFFFFF;
	(pc) =	sbr.abs _section_cstart, $3  }
0xc0: {  	[dreg:$0x1] =	wrdreg $0xFFFFFFFF  }
0xc1: {  	_ =	task.clear_ibuf [dreg:s7], $0x2FFFF;
	_ =	strace $0x9FFFFFFF  }
0xc2: {  	(tm) =	ssettm $0x7FFFFFFF  }
0xc3: {  	_ =	shalt  }
tec
execute0_lowered:
.L_overlay_start_1:
0x0: {  	(tag) =	ssettag $0x1  }
0x1: {  	s2 =	rddreg [dreg:$0x0];
	s0 =	stileid.u32  }
0x2: {  	s1 =	srdreg.scid;
	s6 =	rddreg [dreg:$0x1];
	s3 =	simm.s32 $0x0  }
0x3: {  	s15 =	simm.s32 $0xA100;
	s7 =	sand.u32 $0x1, s1;
	s1 =	rddreg [dreg:$0x2]  }
0x4: {  	s16 =	simm.s32 $0x0;
	s8 =	smul.u32 $0x2800, s0;
	[smem:$0x7FF] =	sst s3  }
0x5: {  	s11 =	sshll.u32 s0, $0x1;
	s4 =	smul.u32 $0x28000, s7;
	_ =	strace $0x80000047  }
0x6: {  	s12 =	ssub.s32 $0x2, s7;
	s11 =	sadd.s32 s11, s6;
	s13 =	smul.u32 $0x1388, s7  }
0x7: {  	s31 =	sshll.u32 s7, $0x5;
	s5 =	sshrl.u32 s8, $0x3;
	s30 =	sshrl.u32 s12, $0x1  }
0x8: {  	s9 =	sadd.s32 s5, s6;
	s10 =	sadd.s32 s8, s4;
	s4 =	sadd.s32 $0xB200, s6  }
0x9: {  	s5 =	sadd.s32 $0xAC00, s6;
	s12 =	ssub.s32 s12, s30;
	s14 =	sadd.s32 $0x1388, s13  }
0xa: {  	v1 =	vmov s13;
	s13 =	simm.s32 $0x5000;
	s10 =	sshrl.u32 s10, $0x3;
	v2 =	vmov s14;
	s14 =	simm.s32 $0x7880  }
0xb: {  	s10 =	sadd.s32 s10, s6;
	s6 =	sadd.s32 $0x5C00, s9;
	s9 =	sadd.s32 s31, s11  }
0xc: {  	v3 =	vlaneseq.u32;
	v0 =	vmov s8;
	s11 =	simm.s32 $0x1;
	s7 =	sadd.s32 $0xB800, s10;
	s8 =	sadd.s32 $0x15800, s10  }
0xd: {  	v4 =	vimm.s32 $0x1;
	v5 =	vimm.s32 $0x13FF;
	v6 =	vimm.s32 $0x0;
	s9 =	sadd.s32 $0x1F800, s9;
	s10 =	smax.u32 s12, $0x1;
	s12 =	simm.s32 $0x2800  }
.LBB2_1:
0xe: {  	[tilespmem:s3], [sflag:$0x1] =	stream.linear.gather [hbm4b:s2+s3], $0x2800, $0x38;
	[tilespmem:$0xA110] =	vst v63  }
0xf: {  	_ =	swait.ge [sflag:s11], $0x2800  }
0x10: {  	[sflag:s11] =	ssyncset.done $0x0  }
0x11: {  	[sflag:s11] =	ssyncadd.s32 $0xFFFFD800  }
0x12: {  	[tilespmem:s12], [sflag:$0x1] =	stream.linear.gather [hbm4b:s6+s3], $0x2800, $0x38;
	[tilespmem:$0xA110] =	vst v63  }
0x13: {  	_ =	swait.ge [sflag:s11], $0x2800  }
0x14: {  	[sflag:s11] =	ssyncset.done $0x0  }
0x15: {  	[sflag:s11] =	ssyncadd.s32 $0xFFFFD800  }
0x16: {  	[tilespmem:s13], [sflag:$0x1] =	stream.linear.gather [hbm4b:s4+s3], $0x2800, $0x38;
	[tilespmem:$0xA110] =	vst v63  }
0x17: {  	_ =	swait.ge [sflag:s11], $0x2800  }
0x18: {  	[sflag:s11] =	ssyncset.done $0x0  }
0x19: {  	[sflag:s11] =	ssyncadd.s32 $0xFFFFD800  }
0x1a: {  	[tilespmem:s14], [sflag:$0x1] =	stream.linear.gather [hbm4b:s5+s3], $0x2800, $0x38;
	[tilespmem:$0xA110] =	vst v63  }
0x1b: {  	_ =	swait.ge [sflag:s11], $0x2800  }
0x1c: {  	s17 =	simm.s32 $0x70;
	[sflag:s11] =	ssyncset.done $0x0  }
0x1d: {  	s18 =	simm.s32 $0x2840;
	s19 =	simm.s32 $0x0;
	[sflag:s11] =	ssyncadd.s32 $0xFFFFD800  }
.LBB2_2:
0x1e: {  	v7 =	vld [tilespmem:s18+$0xFFFFFFC0]  }
0x1f: {  	s20 =	sadd.s32 $0xFFFFFF90, s17  }
0x20: {  	v8 =	vadd.s32 s20, v0  }
0x21: {  	v8 =	vadd.s32 v3, v8  }
0x22: {  	v9 =	vshrl.u32 v8, $0x4;
	_ =	sdelay $0x3  }
0x23: {  	v10 =	vld.idx.msk [tilespmem:v7+s3+$0x0], $0xffff  }
0x24: {  	v11 =	vld.idx.msk [tilespmem:v9+s3+$0x0], $0xffff;
	_ =	sdelay $0x4  }
0x25: {  	vm0 =	veq.s32 v11, $0x1;
	vm1 =	veq.s32 v10, $0x1  }
0x26: {  	v10 =	vor.u32 v10, v11;
	vm0 =	vmand vm1, vm0  }
0x27: {  	vm6 =	veq.s32 v10, $0x0;
	v27 =	vsel vm0, $0x2, v4  }
0x28: {  	vm7 =	vlt.u32 v8, $0x27100;
	v10 =	vsel vm6, $0x0, v27  }
0x29: {  	vm8 =	vge.s32 v7, v1;
	vm9 =	vlt.s32 v7, v2;
	v8 =	vmul.u32 $0x1400, v10  }
0x2a: {  	v7 =	vsub.s32 v7, v1;
	vm0 =	vmand vm7, vm8;
	v10 =	vmul.u32 $0x2800, v10  }
0x2b: {  	vm0 =	vmand vm9, vm0;
	v7 =	vadd.s32 v8, v7  }
0x2c: {  	[tilespmem:s19+$0x5000] =	vst.msk vm0, v7;
	v7 =	vadd.s32 v9, v10  }
0x2d: {  	s26 =	sadd.s32 $0xFFFFFFA0, s17;
	[tilespmem:s19+$0x7880] =	vst.msk vm0, v7  }
0x2e: {  	v28 =	vadd.s32 s26, v0;
	v8 =	vmpcnt.ones.xlane vm0;
	v7 =	vld [tilespmem:s18+$0xFFFFFFD0]  }
0x2f: {  	v9 =	vadd.s32 v3, v28  }
0x30: {  	(v2sf) =	vpush v8, $0x0;
	v8 =	vshrl.u32 v9, $0x4;
	_ =	sdelay $0x4  }
0x31: {  	v30 =	vld.idx.msk [tilespmem:v8+s3+$0x0], $0xffff  }
0x32: {  	v29 =	vld.idx.msk [tilespmem:v7+s3+$0x0], $0xffff;
	_ =	sdelay $0x4  }
0x33: {  	vm10 =	veq.s32 v30, $0x1;
	vm11 =	veq.s32 v29, $0x1  }
0x34: {  	v10 =	vor.u32 v29, v30;
	vm0 =	vmand vm11, vm10  }
0x35: {  	vm12 =	veq.s32 v10, $0x0;
	v31 =	vsel vm0, $0x2, v4  }
0x36: {  	vm13 =	vlt.u32 v9, $0x27100;
	v10 =	vsel vm12, $0x0, v31  }
0x37: {  	vm14 =	vge.s32 v7, v1;
	vm15 =	vlt.s32 v7, v2;
	v32 =	vmul.u32 $0x1400, v10  }
0x38: {  	v7 =	vsub.s32 v7, v1;
	s28 =	spop (v2sf);
	vm0 =	vmand vm13, vm14;
	v10 =	vmul.u32 $0x2800, v10  }
0x39: {  	s29 =	sadd.s32 s19, s28;
	vm0 =	vmand vm15, vm0;
	v7 =	vadd.s32 v32, v7  }
0x3a: {  	[tilespmem:s29+$0x5000] =	vst.msk vm0, v7;
	v7 =	vadd.s32 v8, v10  }
0x3b: {  	s30 =	sadd.s32 $0xFFFFFFB0, s17;
	[tilespmem:s29+$0x7880] =	vst.msk vm0, v7  }
0x3c: {  	v33 =	vadd.s32 s30, v0;
	v8 =	vmpcnt.ones.xlane vm0;
	v7 =	vld [tilespmem:s18+$0xFFFFFFE0]  }
0x3d: {  	v9 =	vadd.s32 v3, v33  }
0x3e: {  	(v2sf) =	vpush v8, $0x0;
	v8 =	vshrl.u32 v9, $0x4;
	_ =	sdelay $0x4  }
0x3f: {  	v35 =	vld.idx.msk [tilespmem:v8+s3+$0x0], $0xffff  }
0x40: {  	v34 =	vld.idx.msk [tilespmem:v7+s3+$0x0], $0xffff;
	_ =	sdelay $0x4  }
0x41: {  	vm4 =	veq.s32 v35, $0x1;
	vm5 =	veq.s32 v34, $0x1  }
0x42: {  	v10 =	vor.u32 v34, v35;
	vm0 =	vmand vm5, vm4  }
0x43: {  	vm6 =	veq.s32 v10, $0x0;
	v36 =	vsel vm0, $0x2, v4  }
0x44: {  	vm7 =	vlt.u32 v9, $0x27100;
	v10 =	vsel vm6, $0x0, v36  }
0x45: {  	vm8 =	vge.s32 v7, v1;
	vm9 =	vlt.s32 v7, v2;
	v37 =	vmul.u32 $0x1400, v10  }
0x46: {  	v7 =	vsub.s32 v7, v1;
	vm0 =	vmand vm7, vm8;
	s31 =	spop (v2sf);
	v10 =	vmul.u32 $0x2800, v10  }
0x47: {  	s19 =	sadd.s32 s29, s31;
	vm0 =	vmand vm9, vm0;
	v7 =	vadd.s32 v37, v7  }
0x48: {  	[tilespmem:s19+$0x5000] =	vst.msk vm0, v7;
	v7 =	vadd.s32 v8, v10  }
0x49: {  	s21 =	sadd.s32 $0xFFFFFFC0, s17;
	[tilespmem:s19+$0x7880] =	vst.msk vm0, v7  }
0x4a: {  	v38 =	vadd.s32 s21, v0;
	v8 =	vmpcnt.ones.xlane vm0;
	v7 =	vld [tilespmem:s18+$0xFFFFFFF0]  }
0x4b: {  	v9 =	vadd.s32 v3, v38  }
0x4c: {  	(v2sf) =	vpush v8, $0x0;
	v8 =	vshrl.u32 v9, $0x4;
	_ =	sdelay $0x4  }
0x4d: {  	v40 =	vld.idx.msk [tilespmem:v8+s3+$0x0], $0xffff  }
0x4e: {  	v39 =	vld.idx.msk [tilespmem:v7+s3+$0x0], $0xffff;
	_ =	sdelay $0x4  }
0x4f: {  	vm10 =	veq.s32 v40, $0x1;
	vm11 =	veq.s32 v39, $0x1  }
0x50: {  	v10 =	vor.u32 v39, v40;
	vm0 =	vmand vm11, vm10  }
0x51: {  	vm12 =	veq.s32 v10, $0x0;
	v41 =	vsel vm0, $0x2, v4  }
0x52: {  	vm13 =	vlt.u32 v9, $0x27100;
	v10 =	vsel vm12, $0x0, v41  }
0x53: {  	vm14 =	vge.s32 v7, v1;
	vm15 =	vlt.s32 v7, v2;
	v42 =	vmul.u32 $0x1400, v10  }
0x54: {  	v7 =	vsub.s32 v7, v1;
	vm0 =	vmand vm13, vm14;
	s22 =	spop (v2sf);
	v10 =	vmul.u32 $0x2800, v10  }
0x55: {  	s19 =	sadd.s32 s19, s22;
	vm0 =	vmand vm15, vm0;
	v7 =	vadd.s32 v42, v7  }
0x56: {  	[tilespmem:s19+$0x5000] =	vst.msk vm0, v7;
	v7 =	vadd.s32 v8, v10  }
0x57: {  	s23 =	sadd.s32 $0xFFFFFFD0, s17;
	[tilespmem:s19+$0x7880] =	vst.msk vm0, v7  }
0x58: {  	v43 =	vadd.s32 s23, v0;
	v8 =	vmpcnt.ones.xlane vm0;
	v7 =	vld [tilespmem:s18+$0x0]  }
0x59: {  	v9 =	vadd.s32 v3, v43  }
0x5a: {  	(v2sf) =	vpush v8, $0x0;
	v8 =	vshrl.u32 v9, $0x4;
	_ =	sdelay $0x4  }
0x5b: {  	v45 =	vld.idx.msk [tilespmem:v8+s3+$0x0], $0xffff  }
0x5c: {  	v44 =	vld.idx.msk [tilespmem:v7+s3+$0x0], $0xffff;
	_ =	sdelay $0x4  }
0x5d: {  	vm4 =	veq.s32 v45, $0x1;
	vm5 =	veq.s32 v44, $0x1  }
0x5e: {  	v10 =	vor.u32 v44, v45;
	vm0 =	vmand vm5, vm4  }
0x5f: {  	vm6 =	veq.s32 v10, $0x0;
	v46 =	vsel vm0, $0x2, v4  }
0x60: {  	vm7 =	vlt.u32 v9, $0x27100;
	v10 =	vsel vm6, $0x0, v46  }
0x61: {  	vm8 =	vge.s32 v7, v1;
	vm9 =	vlt.s32 v7, v2;
	v47 =	vmul.u32 $0x1400, v10  }
0x62: {  	v7 =	vsub.s32 v7, v1;
	vm0 =	vmand vm7, vm8;
	s24 =	spop (v2sf);
	v10 =	vmul.u32 $0x2800, v10  }
0x63: {  	s19 =	sadd.s32 s19, s24;
	vm0 =	vmand vm9, vm0;
	v7 =	vadd.s32 v47, v7  }
0x64: {  	[tilespmem:s19+$0x5000] =	vst.msk vm0, v7;
	v7 =	vadd.s32 v8, v10  }
0x65: {  	s25 =	sadd.s32 $0xFFFFFFE0, s17;
	[tilespmem:s19+$0x7880] =	vst.msk vm0, v7  }
0x66: {  	v48 =	vadd.s32 s25, v0;
	v8 =	vmpcnt.ones.xlane vm0;
	v7 =	vld [tilespmem:s18+$0x10]  }
0x67: {  	v9 =	vadd.s32 v3, v48  }
0x68: {  	(v2sf) =	vpush v8, $0x0;
	v8 =	vshrl.u32 v9, $0x4;
	_ =	sdelay $0x4  }
0x69: {  	v50 =	vld.idx.msk [tilespmem:v8+s3+$0x0], $0xffff  }
0x6a: {  	v49 =	vld.idx.msk [tilespmem:v7+s3+$0x0], $0xffff;
	_ =	sdelay $0x4  }
0x6b: {  	vm10 =	veq.s32 v50, $0x1;
	vm11 =	veq.s32 v49, $0x1  }
0x6c: {  	v10 =	vor.u32 v49, v50;
	vm0 =	vmand vm11, vm10  }
0x6d: {  	vm12 =	veq.s32 v10, $0x0;
	v51 =	vsel vm0, $0x2, v4  }
0x6e: {  	vm13 =	vlt.u32 v9, $0x27100;
	v10 =	vsel vm12, $0x0, v51  }
0x6f: {  	vm14 =	vge.s32 v7, v1;
	vm15 =	vlt.s32 v7, v2;
	v52 =	vmul.u32 $0x1400, v10  }
0x70: {  	v7 =	vsub.s32 v7, v1;
	vm0 =	vmand vm13, vm14;
	s26 =	spop (v2sf);
	v10 =	vmul.u32 $0x2800, v10  }
0x71: {  	s19 =	sadd.s32 s19, s26;
	vm0 =	vmand vm15, vm0;
	v7 =	vadd.s32 v52, v7  }
0x72: {  	[tilespmem:s19+$0x5000] =	vst.msk vm0, v7;
	v7 =	vadd.s32 v8, v10  }
0x73: {  	s28 =	sadd.s32 $0xFFFFFFF0, s17;
	[tilespmem:s19+$0x7880] =	vst.msk vm0, v7  }
0x74: {  	v53 =	vadd.s32 s28, v0;
	v8 =	vmpcnt.ones.xlane vm0;
	v7 =	vld [tilespmem:s18+$0x20]  }
0x75: {  	v9 =	vadd.s32 v3, v53  }
0x76: {  	(v2sf) =	vpush v8, $0x0;
	v8 =	vshrl.u32 v9, $0x4;
	_ =	sdelay $0x4  }
0x77: {  	v55 =	vld.idx.msk [tilespmem:v8+s3+$0x0], $0xffff  }
0x78: {  	v54 =	vld.idx.msk [tilespmem:v7+s3+$0x0], $0xffff;
	_ =	sdelay $0x4  }
0x79: {  	vm4 =	veq.s32 v55, $0x1;
	vm5 =	veq.s32 v54, $0x1  }
0x7a: {  	v10 =	vor.u32 v54, v55;
	vm0 =	vmand vm5, vm4  }
0x7b: {  	vm6 =	veq.s32 v10, $0x0;
	v56 =	vsel vm0, $0x2, v4  }
0x7c: {  	vm7 =	vlt.u32 v9, $0x27100;
	v10 =	vsel vm6, $0x0, v56  }
0x7d: {  	vm8 =	vge.s32 v7, v1;
	vm9 =	vlt.s32 v7, v2;
	v57 =	vmul.u32 $0x1400, v10  }
0x7e: {  	v7 =	vsub.s32 v7, v1;
	vm0 =	vmand vm7, vm8;
	s29 =	spop (v2sf);
	v10 =	vmul.u32 $0x2800, v10  }
0x7f: {  	s19 =	sadd.s32 s19, s29;
	vm0 =	vmand vm9, vm0;
	v7 =	vadd.s32 v57, v7  }
0x80: {  	[tilespmem:s19+$0x5000] =	vst.msk vm0, v7;
	v7 =	vadd.s32 v8, v10  }
0x81: {  	[tilespmem:s19+$0x7880] =	vst.msk vm0, v7  }
0x82: {  	v7 =	vld [tilespmem:s18+$0x30];
	_ =	sdelay $0x2  }
0x83: {  	v8 =	vadd.s32 s17, v0  }
0x84: {  	v8 =	vadd.s32 v3, v8  }
0x85: {  	vm10 =	vlt.u32 v8, $0x27100;
	vm2 =	vge.s32 v7, v1  }
0x86: {  	v58 =	vmpcnt.ones.xlane vm0;
	vm12 =	vlt.s32 v7, v2;
	vm11 =	vmand vm10, vm2  }
0x87: {  	v8 =	vshrl.u32 v8, $0x4;
	vm0 =	vmand vm12, vm11  }
0x88: {  	(v2sf) =	vpush v58, $0x0;
	v59 =	vmpcnt.ones.xlane vm0;
	_ =	sdelay $0x1  }
0x89: {  	(v2sf) =	vpush v59, $0x0;
	_ =	sdelay $0x1  }
0x8a: {  	v61 =	vld.idx.msk [tilespmem:v8+s3+$0x0], $0xffff  }
0x8b: {  	v60 =	vld.idx.msk [tilespmem:v7+s3+$0x0], $0xffff;
	_ =	sdelay $0x4  }
0x8c: {  	vm13 =	veq.s32 v61, $0x1;
	vm14 =	veq.s32 v60, $0x1  }
0x8d: {  	v9 =	vor.u32 v60, v61;
	vm1 =	vmand vm14, vm13  }
0x8e: {  	vm15 =	veq.s32 v9, $0x0;
	v62 =	vsel vm1, $0x2, v4  }
0x8f: {  	p0 =	sne.s32 s17, $0x27F0;
	v9 =	vsel vm15, $0x0, v62  }
.Ltmp0:
0x90: {  	v63 =	vmul.u32 $0x1400, v9;
	(pc) =	sbr.rel @p0 .LBB2_2-.Ltmp0, $4  }
0x91: {  	v7 =	vsub.s32 v7, v1;
	s30 =	spop (v2sf);
	v9 =	vmul.u32 $0x2800, v9  }
0x92: {  	s19 =	sadd.s32 s19, s30;
	v7 =	vadd.s32 v63, v7  }
0x93: {  	[tilespmem:s19+$0x5000] =	vst.msk vm0, v7;
	v7 =	vadd.s32 v8, v9;
	s31 =	spop (v2sf)  }
0x94: {  	s17 =	sadd.s32 $0x80, s17;
	s18 =	sadd.s32 $0x80, s18;
	[tilespmem:s19+$0x7880] =	vst.msk vm0, v7;
	s19 =	sadd.s32 s19, s31  }
0x95: {  	[tilespmem:s19+$0x5000] =	vst v5  }
0x96: {  	[tilespmem:s19+$0x7880] =	vst v6  }
0x97: {  	[tilespmem:s19+$0x5010] =	vst v5  }
0x98: {  	[tilespmem:s19+$0x7890] =	vst v6  }
0x99: {  	[hbm4b:s7+s3] =	stream.linear.scatter [tilespmem:s13], [sflag:$0x1], $0x2800, $0x38;
	[tilespmem:$0xA110] =	vst v63  }
0x9a: {  	_ =	swait.ge [sflag:s11], $0x2800  }
0x9b: {  	[sflag:s11] =	ssyncset.done $0x0  }
0x9c: {  	[sflag:s11] =	ssyncadd.s32 $0xFFFFD800  }
0x9d: {  	[hbm4b:s8+s3] =	stream.linear.scatter [tilespmem:s14], [sflag:$0x1], $0x2800, $0x38;
	[tilespmem:$0xA110] =	vst v63  }
0x9e: {  	_ =	swait.ge [sflag:s11], $0x2800  }
0x9f: {  	s16 =	sadd.s32 $0x1, s16;
	[sflag:s11] =	ssyncset.done $0x0  }
0xa0: {  	v7 =	vmov s19;
	p0 =	sne.s32 s16, s10;
	[sflag:s11] =	ssyncadd.s32 $0xFFFFD800  }
.Ltmp1:
0xa1: {  	[tilespmem:$0xA100] =	vst v7;
	(pc) =	sbr.rel @p0 .LBB2_1-.Ltmp1, $4  }
0xa2: {  	[hbm4b:s9+s3] =	stream.linear.scatter [tilespmem:s15], [sflag:$0x1], $0x10, $0x38;
	[tilespmem:$0xA110] =	vst v63  }
0xa3: {  	_ =	swait.ge [sflag:s11], $0x10  }
0xa4: {  	[sflag:s11] =	ssyncset.done $0x0  }
0xa5: {  	[sflag:s11] =	ssyncadd.s32 $0xFFFFFFF0  }
0xa6: {  	_ =	sfence.sel $0x180000  }
0xa7: {  	[bflag:$0x0] =	sbarrier.arrive $0xFFFF  }
0xa8: {  	p0 =	sne.s32 s0, $0x0;
	_ =	strace $0x90000047  }
0xa9: {  	s0 =	sadd.s32 @!p0 $0x100000, s1;
	[bflag:$0x2] =	sbarrier.arrive $0xFFFF  }
0xaa: {  	[sflag:s0] =	ssyncadd.tile.s32 @!p0 $0x1;
	_ =	shalt  }
.Lfunc_end2:
_tile_overlayer_lowered:
.L_overlay_start_2:
0xab: {  	(tag) =	ssettag $0x2  }
0xac: {  	s0 =	rddreg [dreg:$0x0];
	s2 =	stileid.u32  }
0xad: {  	s1 =	rddreg [dreg:$0x1];
	p0 =	sne.s32 s2, $0x0  }
0xae: {  	s3 =	rddreg [dreg:$0x2];
	[bflag:$0x3] =	sbarrier.arrive $0xFFFF;
	s2 =	simm.s32 @!p0 $0x1C01  }
0xaf: {  	[timem:s3], [sflag:s2] =	dma.local @!p0 [hbm:s0], s1  }
0xb0: {  	s0 =	simm.s32 @!p0 $0x1  }
0xb1: {  	_ =	swait.ge @!p0 [sflag:s0], s1  }
0xb2: {  	s1 =	ssub.s32 @!p0 $0x0, s1;
	[sflag:s0] =	ssyncset.done @!p0 $0x0  }
0xb3: {  	[sflag:s0] =	ssyncadd.s32 @!p0 s1  }
0xb4: {  	[bflag:$0x3] =	sbarrier.arrive $0xFFFF  }
0xb5: {  	_ =	shalt  }

</sc_bundles>
